<compile_context>
chip_gen: v7x
topology: tpu7x:2x2x1
jax: 0.10.2.dev20260603
libtpu: 0.0.44.dev20260713+nightly
codegen_flags: <defaults>
</compile_context>

<pallas_src>
import functools

import jax
import jax.numpy as jnp
from jax import lax
from jax.experimental import pallas as pl
from jax.experimental.pallas import tpu as pltpu
from jax.experimental.pallas import tpu_sc as plsc

N = 10000
E = 320000
H = 128
B = 32

NC = 2
NS = 16
NW = NC * NS
ET = E // NW
DCHUNK = 80
DNCHUNK = ET // DCHUNK
CHUNK = 128
ETP = 10240
NCHUNK = ETP // CHUNK
EPAD = ETP * NW
NPAD = 10240
RPT = NPAD // NS
ZR = 128

_mesh = plsc.VectorSubcoreMesh(core_axis_name="c", subcore_axis_name="s",
                               num_cores=NC, num_subcores=NS)


def _lrelu(x):
    return jnp.where(x >= 0, x, 0.01 * x)



@functools.partial(
    pl.kernel,
    out_type=jax.ShapeDtypeStruct((NC, NPAD, H), jnp.float32),
    mesh=_mesh,
    scratch_types=[
        pltpu.VMEM((4, CHUNK), jnp.int32),
        pltpu.VMEM((CHUNK, H), jnp.float32),
        pltpu.VMEM_SHARED((NPAD, H), jnp.float32),
        pltpu.SemaphoreType.DMA,
        pltpu.SemaphoreType.DMA,
        pltpu.SemaphoreType.DMA,
        pltpu.SemaphoreType.DMA,
    ],
)
def _deg_call(dst_hbm, out_hbm, dst_v, ones_v, acc_sh, isem0, isem1,
              ssem0, ssem1):
    cid = lax.axis_index("c")
    sid = lax.axis_index("s")
    wid = cid * NS + sid

    def fill(i, val):
        def body(j, carry):
            ones_v[j, pl.ds(i * 16, 16)] = jnp.full((16,), val, jnp.float32)
            return carry
        return body

    for i in range(H // 16):
        lax.fori_loop(0, CHUNK, fill(i, 0.0), 0)
    base = sid * RPT
    for j in range(RPT // CHUNK):
        pltpu.sync_copy(ones_v, acc_sh.at[pl.ds(base + j * CHUNK, CHUNK)])
    for i in range(H // 16):
        lax.fori_loop(0, CHUNK, fill(i, 1.0), 0)
    plsc.subcore_barrier()

    isems = (isem0, isem1)
    ssems = (ssem0, ssem1)

    def idx_issue(k, isem):
        pltpu.async_copy(dst_hbm.at[wid, k], dst_v.at[lax.rem(k, 4)], isem)

    def idx_drain(isem):
        pltpu.make_async_copy(dst_hbm.at[0, 0], dst_v.at[0], isem).wait()

    def scat_issue(k, ssem):
        pltpu.async_copy(ones_v, acc_sh.at[dst_v.at[lax.rem(k, 4)]], ssem,
                         add=True)

    def scat_drain(ssem):
        pltpu.make_async_copy(dst_hbm.at[0], ones_v, ssem).wait()

    idx_issue(0, isems[0])
    idx_issue(1, isems[1])

    def body(k, carry):
        even = lax.rem(k, 2) == 0

        def stage(par):
            @pl.when(k + 2 < NCHUNK)
            def _():
                idx_issue(k + 2, isems[par])

            idx_drain(isems[par])

            @pl.when(k >= 2)
            def _():
                scat_drain(ssems[par])

            scat_issue(k, ssems[par])

        @pl.when(even)
        def _():
            stage(0)

        @pl.when(jnp.logical_not(even))
        def _():
            stage(1)

        return carry

    lax.fori_loop(0, NCHUNK, body, 0)
    scat_drain(ssems[0])
    scat_drain(ssems[1])
    plsc.subcore_barrier()
    pltpu.sync_copy(acc_sh.at[pl.ds(base, RPT)],
                    out_hbm.at[cid, pl.ds(base, RPT)])



@functools.partial(
    pl.kernel,
    out_type=jax.ShapeDtypeStruct((NC, NPAD, H), jnp.float32),
    mesh=_mesh,
    scratch_types=[
        pltpu.VMEM((4, CHUNK), jnp.int32),
        pltpu.VMEM((4, CHUNK), jnp.int32),
        pltpu.VMEM((2, CHUNK, H), jnp.float32),
        pltpu.VMEM_SHARED((NPAD, H), jnp.float32),
        pltpu.SemaphoreType.DMA,
        pltpu.SemaphoreType.DMA,
        pltpu.SemaphoreType.DMA,
        pltpu.SemaphoreType.DMA,
        pltpu.SemaphoreType.DMA,
        pltpu.SemaphoreType.DMA,
    ],
)
def _seg_call(h_hbm, src_hbm, dst_hbm, out_hbm, src_v, dst_v, msgs_v,
              acc_sh, gsem0, gsem1, isem0, isem1, ssem0, ssem1):
    cid = lax.axis_index("c")
    sid = lax.axis_index("s")
    wid = cid * NS + sid

    def fill_zero(i, carry):
        for j in range(H // 16):
            msgs_v[0, i, pl.ds(j * 16, 16)] = jnp.zeros((16,), jnp.float32)
        return carry

    lax.fori_loop(0, CHUNK, fill_zero, 0)
    base = sid * RPT
    for j in range(RPT // CHUNK):
        pltpu.sync_copy(msgs_v.at[0], acc_sh.at[pl.ds(base + j * CHUNK, CHUNK)])
    plsc.subcore_barrier()

    isems = (isem0, isem1)
    gsems = (gsem0, gsem1)

    def idx_issue(k, isem):
        pltpu.async_copy(src_hbm.at[wid, k], src_v.at[lax.rem(k, 4)], isem)
        pltpu.async_copy(dst_hbm.at[wid, k], dst_v.at[lax.rem(k, 4)], isem)

    def idx_drain(isem):
        pltpu.make_async_copy(src_hbm.at[0, 0], src_v.at[0], isem).wait()
        pltpu.make_async_copy(src_hbm.at[0, 0], src_v.at[0], isem).wait()

    def gat_issue(k, b, gsem):
        pltpu.async_copy(h_hbm.at[src_v.at[lax.rem(k, 4)]], msgs_v.at[b], gsem)

    def gat_drain(b, gsem):
        pltpu.make_async_copy(h_hbm.at[src_v.at[0]], msgs_v.at[b], gsem).wait()

    ssems = (ssem0, ssem1)

    def scat_issue(k, b, ssem):
        pltpu.async_copy(msgs_v.at[b], acc_sh.at[dst_v.at[lax.rem(k, 4)]],
                         ssem, add=True)

    def scat_drain(b, ssem):
        pltpu.make_async_copy(h_hbm.at[src_v.at[0]], msgs_v.at[b], ssem).wait()

    idx_issue(0, isems[0])
    idx_issue(1, isems[1])
    idx_drain(isems[0])
    gat_issue(0, 0, gsems[0])
    idx_issue(2, isems[0])

    def body(k, carry):
        even = lax.rem(k, 2) == 0

        def stage(par):
            @pl.when(k + 1 < NCHUNK)
            def _():
                idx_drain(isems[1 - par])
                @pl.when(k >= 1)
                def _():
                    scat_drain(1 - par, ssems[1 - par])
                gat_issue(k + 1, 1 - par, gsems[1 - par])

            @pl.when(k + 3 < NCHUNK)
            def _():
                idx_issue(k + 3, isems[1 - par])

            gat_drain(par, gsems[par])
            scat_issue(k, par, ssems[par])

        @pl.when(even)
        def _():
            stage(0)

        @pl.when(jnp.logical_not(even))
        def _():
            stage(1)

        return carry

    lax.fori_loop(0, NCHUNK, body, 0)
    scat_drain(0, ssems[0])
    scat_drain(1, ssems[1])
    plsc.subcore_barrier()
    pltpu.sync_copy(acc_sh.at[pl.ds(base, RPT)], out_hbm.at[cid, pl.ds(base, RPT)])



R = 400
GRID = N // R


def _row_spec(width):
    return pl.BlockSpec((R, width), lambda i: (i, 0))


def _full_spec(a, b):
    return pl.BlockSpec((a, b), lambda i: (0, 0))


def _enc_body(desc, tweet, nump, catp, wd, wt, wn, wc, bd, bt, bn, bc,
              wid_, wit_, win_, wic_, bin_, out):
    d = _lrelu(jnp.dot(desc[...], wd[...], preferred_element_type=jnp.float32) + bd[...])
    t = _lrelu(jnp.dot(tweet[...], wt[...], preferred_element_type=jnp.float32) + bt[...])
    n = _lrelu(jnp.dot(nump[...], wn[...], preferred_element_type=jnp.float32) + bn[...])
    c = _lrelu(jnp.dot(catp[...], wc[...], preferred_element_type=jnp.float32) + bc[...])
    acc = (jnp.dot(d, wid_[...], preferred_element_type=jnp.float32)
           + jnp.dot(t, wit_[...], preferred_element_type=jnp.float32)
           + jnp.dot(n, win_[...], preferred_element_type=jnp.float32)
           + jnp.dot(c, wic_[...], preferred_element_type=jnp.float32))
    out[...] = _lrelu(acc + bin_[...])


def _dis(deg0, deg1):
    return lax.rsqrt(1.0 + deg0[:, 0:1] + deg1[:, 0:1])


def _h1_body(x0, deg0, deg1, w1t, h1):
    dis = _dis(deg0[...], deg1[...])
    h1[...] = jnp.dot(x0[...], w1t[...], preferred_element_type=jnp.float32) * dis


def _mid_body(p0, p1, hprev, deg0, deg1, bprev, w2t, hnext):
    dis = _dis(deg0[...], deg1[...])
    x1 = dis * (p0[...] + p1[...] + hprev[...]) + bprev[...]
    hnext[...] = jnp.dot(x1, w2t[...], preferred_element_type=jnp.float32) * dis


def _tail_body(p0, p1, hprev, deg0, deg1, bprev, wot, bo, wht, bh, out):
    dis = _dis(deg0[...], deg1[...])
    x2 = dis * (p0[...] + p1[...] + hprev[...]) + bprev[...]
    y = _lrelu(jnp.dot(x2, wot[...], preferred_element_type=jnp.float32) + bo[...])
    out[...] = jnp.dot(y, wht[...], preferred_element_type=jnp.float32) + bh[...]


def kernel(description, tweet, num_prop, cat_prop, edge_index, W_desc, b_desc,
           W_tweet, b_tweet, W_num, b_num, W_cat, b_cat, W_in, b_in, gcn1_W,
           gcn1_b, gcn2_W, gcn2_b, W_out, b_out, W_head, b_head):
    f32 = jnp.float32
    src = edge_index[0].astype(jnp.int32)
    dst = edge_index[1].astype(jnp.int32)

    npad_e = EPAD - E
    spread = jnp.arange(npad_e, dtype=jnp.int32) % (NPAD - N)
    src3 = jnp.concatenate([src, spread]).reshape(NW, NCHUNK, CHUNK)
    dst3 = jnp.concatenate([dst, N + spread]).reshape(NW, NCHUNK, CHUNK)

    deg_parts = _deg_call(dst3)
    deg0, deg1 = deg_parts[0, :N, :16], deg_parts[1, :N, :16]

    enc = pl.pallas_call(
        _enc_body,
        grid=(GRID,),
        in_specs=[
            _row_spec(768), _row_spec(768), _row_spec(5), _row_spec(3),
            _full_spec(768, B), _full_spec(768, B), _full_spec(5, B), _full_spec(3, B),
            _full_spec(1, B), _full_spec(1, B), _full_spec(1, B), _full_spec(1, B),
            _full_spec(B, H), _full_spec(B, H), _full_spec(B, H), _full_spec(B, H),
            _full_spec(1, H),
        ],
        out_specs=_row_spec(H),
        out_shape=jax.ShapeDtypeStruct((N, H), f32),
    )
    x0 = enc(description, tweet, num_prop, cat_prop,
             W_desc.T, W_tweet.T, W_num.T, W_cat.T,
             b_desc.reshape(1, B), b_tweet.reshape(1, B),
             b_num.reshape(1, B), b_cat.reshape(1, B),
             W_in[:, 0:B].T, W_in[:, B:2 * B].T, W_in[:, 2 * B:3 * B].T,
             W_in[:, 3 * B:4 * B].T, b_in.reshape(1, H))

    h1 = pl.pallas_call(
        _h1_body,
        grid=(GRID,),
        in_specs=[_row_spec(H), _row_spec(16), _row_spec(16), _full_spec(H, H)],
        out_specs=_row_spec(H),
        out_shape=jax.ShapeDtypeStruct((N, H), f32),
    )(x0, deg0, deg1, gcn1_W.T)

    s1 = _seg_call(h1, src3, dst3)

    h2 = pl.pallas_call(
        _mid_body,
        grid=(GRID,),
        in_specs=[_row_spec(H), _row_spec(H), _row_spec(H), _row_spec(16),
                  _row_spec(16), _full_spec(1, H), _full_spec(H, H)],
        out_specs=_row_spec(H),
        out_shape=jax.ShapeDtypeStruct((N, H), f32),
    )(s1[0, :N], s1[1, :N], h1, deg0, deg1, gcn1_b.reshape(1, H), gcn2_W.T)

    s2 = _seg_call(h2, src3, dst3)

    out = pl.pallas_call(
        _tail_body,
        grid=(GRID,),
        in_specs=[_row_spec(H), _row_spec(H), _row_spec(H), _row_spec(16),
                  _row_spec(16), _full_spec(1, H), _full_spec(H, H),
                  _full_spec(1, H), _full_spec(H, 2), _full_spec(1, 2)],
        out_specs=_row_spec(2),
        out_shape=jax.ShapeDtypeStruct((N, 2), f32),
    )(s2[0, :N], s2[1, :N], h2, deg0, deg1, gcn2_b.reshape(1, H), W_out.T,
      b_out.reshape(1, H), W_head.T, b_head.reshape(1, 2))

    return out

# --- scband reference (transcript-rebuilt; emitter-appended) ---
"""Pipeline reference for scband-feature-text-graph-gcn-9474697855191 (READ-ONLY COPY).

The authoritative reference and input builder live on the scoring server;
editing this copy changes nothing except your own understanding.
"""

import jax, jax.numpy as jnp
import numpy as np

N = 10000
E = 320000
H = 128
B = 32  # block_dim = hidden_dim // 4
DESC = 768
TWEET = 768
NUMP = 5
CATP = 3


def _glorot(k, shape):
    fan_in = shape[-1]
    return jax.random.normal(k, shape, dtype=jnp.float32) * (1.0 / np.sqrt(fan_in))


def setup_inputs(seed: int = 0) -> dict:
    key = jax.random.key(seed)
    ks = jax.random.split(key, 32)
    inp = {}
    inp['description'] = jax.random.normal(ks[0], (N, DESC), dtype=jnp.float32)
    inp['tweet'] = jax.random.normal(ks[1], (N, TWEET), dtype=jnp.float32)
    inp['num_prop'] = jax.random.normal(ks[2], (N, NUMP), dtype=jnp.float32)
    inp['cat_prop'] = jax.random.normal(ks[3], (N, CATP), dtype=jnp.float32)
    inp['edge_index'] = jax.random.randint(ks[4], (2, E), 0, N, dtype=jnp.int64)
    inp['W_desc'] = _glorot(ks[5], (B, DESC)); inp['b_desc'] = jnp.zeros((B,), jnp.float32)
    inp['W_tweet'] = _glorot(ks[6], (B, TWEET)); inp['b_tweet'] = jnp.zeros((B,), jnp.float32)
    inp['W_num'] = _glorot(ks[7], (B, NUMP)); inp['b_num'] = jnp.zeros((B,), jnp.float32)
    inp['W_cat'] = _glorot(ks[8], (B, CATP)); inp['b_cat'] = jnp.zeros((B,), jnp.float32)
    inp['W_in'] = _glorot(ks[9], (H, 4 * B)); inp['b_in'] = jnp.zeros((H,), jnp.float32)
    inp['gcn1_W'] = _glorot(ks[10], (H, H)); inp['gcn1_b'] = jnp.zeros((H,), jnp.float32)
    inp['gcn2_W'] = _glorot(ks[11], (H, H)); inp['gcn2_b'] = jnp.zeros((H,), jnp.float32)
    inp['W_out'] = _glorot(ks[12], (H, H)); inp['b_out'] = jnp.zeros((H,), jnp.float32)
    inp['W_head'] = _glorot(ks[13], (2, H)); inp['b_head'] = jnp.zeros((2,), jnp.float32)
    return inp


def _leaky_relu(x):
    return jnp.where(x >= 0, x, 0.01 * x)


def _gcn_conv(x, edge_index, W, b):
    # PyG GCNConv: add self-loops, symmetric normalization, linear, scatter-add
    loop = jnp.arange(N, dtype=edge_index.dtype)
    src = jnp.concatenate([edge_index[0], loop])
    dst = jnp.concatenate([edge_index[1], loop])
    h = x @ W.T
    deg = jax.ops.segment_sum(jnp.ones_like(dst, dtype=h.dtype), dst, num_segments=N)
    dis = jnp.where(deg > 0, 1.0 / jnp.sqrt(deg), 0.0)
    norm = dis[src] * dis[dst]
    msgs = h[src] * norm[:, None]
    out = jax.ops.segment_sum(msgs, dst, num_segments=N)
    return out + b


def reference(description, tweet, num_prop, cat_prop, edge_index,
              W_desc, b_desc, W_tweet, b_tweet, W_num, b_num, W_cat, b_cat,
              W_in, b_in, gcn1_W, gcn1_b, gcn2_W, gcn2_b,
              W_out, b_out, W_head, b_head):
    d = _leaky_relu(description @ W_desc.T + b_desc)
    t = _leaky_relu(tweet @ W_tweet.T + b_tweet)
    n = _leaky_relu(num_prop @ W_num.T + b_num)
    c = _leaky_relu(cat_prop @ W_cat.T + b_cat)
    x = jnp.concatenate((d, t, n, c), axis=1)
    # dropout is identity in eval mode
    x = _leaky_relu(x @ W_in.T + b_in)
    x = _gcn_conv(x, edge_index, gcn1_W, gcn1_b)
    x = _gcn_conv(x, edge_index, gcn2_W, gcn2_b)
    x = _leaky_relu(x @ W_out.T + b_out)
    return x @ W_head.T + b_head

if __name__ == "__main__":
    import jax
    _d = setup_inputs()
    print(jax.jit(kernel)(*tuple(_d.values())))

</pallas_src>

<mosaic_0001>
#map = affine_map<(d0, d1) -> (0, 0)>
#map1 = affine_map<(d0, d1) -> (0, 0, 0)>
module attributes {stable_mosaic.version = 14 : i64} {
  func.func @_seg_call(%arg0: i32, %arg1: i32, %arg2: memref<10000x128xf32, #tpu.memory_space<hbm>>, %arg3: memref<32x80x128xi32, #tpu.memory_space<hbm>>, %arg4: memref<32x80x128xi32, #tpu.memory_space<hbm>>, %arg5: memref<2x10240x128xf32, #tpu.memory_space<hbm>>, %arg6: memref<4x128xi32, #tpu.memory_space<vmem>>, %arg7: memref<4x128xi32, #tpu.memory_space<vmem>>, %arg8: memref<2x128x128xf32, #tpu.memory_space<vmem>>, %arg9: memref<10240x128xf32, #tpu.memory_space<vmem_shared>>, %arg10: memref<!tpu.dma_semaphore, #tpu.memory_space<semaphore_mem>>, %arg11: memref<!tpu.dma_semaphore, #tpu.memory_space<semaphore_mem>>, %arg12: memref<!tpu.dma_semaphore, #tpu.memory_space<semaphore_mem>>, %arg13: memref<!tpu.dma_semaphore, #tpu.memory_space<semaphore_mem>>, %arg14: memref<!tpu.dma_semaphore, #tpu.memory_space<semaphore_mem>>, %arg15: memref<!tpu.dma_semaphore, #tpu.memory_space<semaphore_mem>>) attributes {dimension_semantics = [#tpu.dimension_semantics<core_parallel>, #tpu.dimension_semantics<subcore_parallel>], iteration_bounds = array<i64: 2, 16>, scalar_prefetch = 0 : i64, scratch_operands = 10 : i64, tpu.core_type = #tpu.core_type<sc_vector_subcore>, window_params = [{transform_indices = #map}, {transform_indices = #map1}, {transform_indices = #map1}, {transform_indices = #map1}]} {
    %mul3A = arith.constant 16 : i32
    %mul3A_0 = arith.muli %arg0, %mul3A : i32
    %add3A = arith.addi %mul3A_0, %arg1 : i32
    %scan3A = arith.constant 0 : i32
    %scan3A_1 = arith.constant 0 : i32
    %scan3A_2 = arith.constant 128 : i32
    %scan3A_3 = arith.addi %scan3A_1, %scan3A_2 : i32
    %scan3A_4 = arith.constant 1 : i32
    scf.for %scan3A_190 = %scan3A_1 to %scan3A_3 step %scan3A_4  : i32 {
      %broadcast_in_dim3A = arith.constant 0.000000e+00 : f32
      %broadcast_in_dim3A_191 = vector.broadcast %broadcast_in_dim3A : f32 to vector<16xf32>
      %swap3A = arith.constant 0 : i32
      %swap3A_192 = arith.index_cast %swap3A : i32 to index
      %swap3A_193 = arith.index_cast %scan3A_190 : i32 to index
      %swap3A_194 = arith.constant 0 : index
      %swap3A_195 = tpu.vector_load %arg8[%swap3A_192, %swap3A_193, %swap3A_194] {strides = array<i32>} : memref<2x128x128xf32, #tpu.memory_space<vmem>>, vector<1x1x16xf32>,
      %swap3A_196 = vector.shape_cast %swap3A_195 : vector<1x1x16xf32> to vector<16xf32>
      %swap3A_197 = vector.shape_cast %broadcast_in_dim3A_191 : vector<16xf32> to vector<1x1x16xf32>
      tpu.vector_store %arg8[%swap3A_192, %swap3A_193, %swap3A_194], %swap3A_197 {strides = array<i32>} : memref<2x128x128xf32, #tpu.memory_space<vmem>>, vector<1x1x16xf32>,
      %broadcast_in_dim3A_198 = arith.constant 0.000000e+00 : f32
      %broadcast_in_dim3A_199 = vector.broadcast %broadcast_in_dim3A_198 : f32 to vector<16xf32>
      %swap3A_200 = arith.constant 0 : i32
      %swap3A_201 = arith.index_cast %swap3A_200 : i32 to index
      %swap3A_202 = arith.index_cast %scan3A_190 : i32 to index
      %swap3A_203 = arith.constant 16 : index
      %swap3A_204 = tpu.vector_load %arg8[%swap3A_201, %swap3A_202, %swap3A_203] {strides = array<i32>} : memref<2x128x128xf32, #tpu.memory_space<vmem>>, vector<1x1x16xf32>,
      %swap3A_205 = vector.shape_cast %swap3A_204 : vector<1x1x16xf32> to vector<16xf32>
      %swap3A_206 = vector.shape_cast %broadcast_in_dim3A_199 : vector<16xf32> to vector<1x1x16xf32>
      tpu.vector_store %arg8[%swap3A_201, %swap3A_202, %swap3A_203], %swap3A_206 {strides = array<i32>} : memref<2x128x128xf32, #tpu.memory_space<vmem>>, vector<1x1x16xf32>,
      %broadcast_in_dim3A_207 = arith.constant 0.000000e+00 : f32
      %broadcast_in_dim3A_208 = vector.broadcast %broadcast_in_dim3A_207 : f32 to vector<16xf32>
      %swap3A_209 = arith.constant 0 : i32
      %swap3A_210 = arith.index_cast %swap3A_209 : i32 to index
      %swap3A_211 = arith.index_cast %scan3A_190 : i32 to index
      %swap3A_212 = arith.constant 32 : index
      %swap3A_213 = tpu.vector_load %arg8[%swap3A_210, %swap3A_211, %swap3A_212] {strides = array<i32>} : memref<2x128x128xf32, #tpu.memory_space<vmem>>, vector<1x1x16xf32>,
      %swap3A_214 = vector.shape_cast %swap3A_213 : vector<1x1x16xf32> to vector<16xf32>
      %swap3A_215 = vector.shape_cast %broadcast_in_dim3A_208 : vector<16xf32> to vector<1x1x16xf32>
      tpu.vector_store %arg8[%swap3A_210, %swap3A_211, %swap3A_212], %swap3A_215 {strides = array<i32>} : memref<2x128x128xf32, #tpu.memory_space<vmem>>, vector<1x1x16xf32>,
      %broadcast_in_dim3A_216 = arith.constant 0.000000e+00 : f32
      %broadcast_in_dim3A_217 = vector.broadcast %broadcast_in_dim3A_216 : f32 to vector<16xf32>
      %swap3A_218 = arith.constant 0 : i32
      %swap3A_219 = arith.index_cast %swap3A_218 : i32 to index
      %swap3A_220 = arith.index_cast %scan3A_190 : i32 to index
      %swap3A_221 = arith.constant 48 : index
      %swap3A_222 = tpu.vector_load %arg8[%swap3A_219, %swap3A_220, %swap3A_221] {strides = array<i32>} : memref<2x128x128xf32, #tpu.memory_space<vmem>>, vector<1x1x16xf32>,
      %swap3A_223 = vector.shape_cast %swap3A_222 : vector<1x1x16xf32> to vector<16xf32>
      %swap3A_224 = vector.shape_cast %broadcast_in_dim3A_217 : vector<16xf32> to vector<1x1x16xf32>
      tpu.vector_store %arg8[%swap3A_219, %swap3A_220, %swap3A_221], %swap3A_224 {strides = array<i32>} : memref<2x128x128xf32, #tpu.memory_space<vmem>>, vector<1x1x16xf32>,
      %broadcast_in_dim3A_225 = arith.constant 0.000000e+00 : f32
      %broadcast_in_dim3A_226 = vector.broadcast %broadcast_in_dim3A_225 : f32 to vector<16xf32>
      %swap3A_227 = arith.constant 0 : i32
      %swap3A_228 = arith.index_cast %swap3A_227 : i32 to index
      %swap3A_229 = arith.index_cast %scan3A_190 : i32 to index
      %swap3A_230 = arith.constant 64 : index
      %swap3A_231 = tpu.vector_load %arg8[%swap3A_228, %swap3A_229, %swap3A_230] {strides = array<i32>} : memref<2x128x128xf32, #tpu.memory_space<vmem>>, vector<1x1x16xf32>,
      %swap3A_232 = vector.shape_cast %swap3A_231 : vector<1x1x16xf32> to vector<16xf32>
      %swap3A_233 = vector.shape_cast %broadcast_in_dim3A_226 : vector<16xf32> to vector<1x1x16xf32>
      tpu.vector_store %arg8[%swap3A_228, %swap3A_229, %swap3A_230], %swap3A_233 {strides = array<i32>} : memref<2x128x128xf32, #tpu.memory_space<vmem>>, vector<1x1x16xf32>,
      %broadcast_in_dim3A_234 = arith.constant 0.000000e+00 : f32
      %broadcast_in_dim3A_235 = vector.broadcast %broadcast_in_dim3A_234 : f32 to vector<16xf32>
      %swap3A_236 = arith.constant 0 : i32
      %swap3A_237 = arith.index_cast %swap3A_236 : i32 to index
      %swap3A_238 = arith.index_cast %scan3A_190 : i32 to index
      %swap3A_239 = arith.constant 80 : index
      %swap3A_240 = tpu.vector_load %arg8[%swap3A_237, %swap3A_238, %swap3A_239] {strides = array<i32>} : memref<2x128x128xf32, #tpu.memory_space<vmem>>, vector<1x1x16xf32>,
      %swap3A_241 = vector.shape_cast %swap3A_240 : vector<1x1x16xf32> to vector<16xf32>
      %swap3A_242 = vector.shape_cast %broadcast_in_dim3A_235 : vector<16xf32> to vector<1x1x16xf32>
      tpu.vector_store %arg8[%swap3A_237, %swap3A_238, %swap3A_239], %swap3A_242 {strides = array<i32>} : memref<2x128x128xf32, #tpu.memory_space<vmem>>, vector<1x1x16xf32>,
      %broadcast_in_dim3A_243 = arith.constant 0.000000e+00 : f32
      %broadcast_in_dim3A_244 = vector.broadcast %broadcast_in_dim3A_243 : f32 to vector<16xf32>
      %swap3A_245 = arith.constant 0 : i32
      %swap3A_246 = arith.index_cast %swap3A_245 : i32 to index
      %swap3A_247 = arith.index_cast %scan3A_190 : i32 to index
      %swap3A_248 = arith.constant 96 : index
      %swap3A_249 = tpu.vector_load %arg8[%swap3A_246, %swap3A_247, %swap3A_248] {strides = array<i32>} : memref<2x128x128xf32, #tpu.memory_space<vmem>>, vector<1x1x16xf32>,
      %swap3A_250 = vector.shape_cast %swap3A_249 : vector<1x1x16xf32> to vector<16xf32>
      %swap3A_251 = vector.shape_cast %broadcast_in_dim3A_244 : vector<16xf32> to vector<1x1x16xf32>
      tpu.vector_store %arg8[%swap3A_246, %swap3A_247, %swap3A_248], %swap3A_251 {strides = array<i32>} : memref<2x128x128xf32, #tpu.memory_space<vmem>>, vector<1x1x16xf32>,
      %broadcast_in_dim3A_252 = arith.constant 0.000000e+00 : f32
      %broadcast_in_dim3A_253 = vector.broadcast %broadcast_in_dim3A_252 : f32 to vector<16xf32>
      %swap3A_254 = arith.constant 0 : i32
      %swap3A_255 = arith.index_cast %swap3A_254 : i32 to index
      %swap3A_256 = arith.index_cast %scan3A_190 : i32 to index
      %swap3A_257 = arith.constant 112 : index
      %swap3A_258 = tpu.vector_load %arg8[%swap3A_255, %swap3A_256, %swap3A_257] {strides = array<i32>} : memref<2x128x128xf32, #tpu.memory_space<vmem>>, vector<1x1x16xf32>,
      %swap3A_259 = vector.shape_cast %swap3A_258 : vector<1x1x16xf32> to vector<16xf32>
      %swap3A_260 = vector.shape_cast %broadcast_in_dim3A_253 : vector<16xf32> to vector<1x1x16xf32>
      tpu.vector_store %arg8[%swap3A_255, %swap3A_256, %swap3A_257], %swap3A_260 {strides = array<i32>} : memref<2x128x128xf32, #tpu.memory_space<vmem>>, vector<1x1x16xf32>,
    }
    %scan3A_5 = arith.constant 128 : i32
    %mul3A_6 = arith.constant 640 : i32
    %mul3A_7 = arith.muli %arg1, %mul3A_6 : i32
    %add3A_8 = arith.constant 0 : i32
    %add3A_9 = arith.addi %mul3A_7, %add3A_8 : i32
    %run_scoped3A = arith.constant 0 : i32
    "tpu.region"() ({
      %run_scoped3A_190 = tpu.sem_alloc : memref<!tpu.dma_semaphore, #tpu.memory_space<semaphore_mem>>
      %dma_start3A_191 = arith.constant 0 : i32
      %dma_start3A_192 = arith.constant 0 : i32
      %dma_start3A_193 = tpu.memref_slice %arg8[%run_scoped3A, %dma_start3A_191, %dma_start3A_192] : memref<2x128x128xf32, #tpu.memory_space<vmem>> -> memref<1x128x128xf32, #tpu.memory_space<vmem>>
      %dma_start3A_194 = tpu.memref_squeeze %dma_start3A_193 : memref<1x128x128xf32, #tpu.memory_space<vmem>> -> memref<128x128xf32, #tpu.memory_space<vmem>>
      %dma_start3A_195 = arith.constant 0 : i32
      %dma_start3A_196 = tpu.memref_slice %arg9[%add3A_9, %dma_start3A_195] : memref<10240x128xf32, #tpu.memory_space<vmem_shared>> -> memref<128x128xf32, #tpu.memory_space<vmem_shared>>
      %dma_start3A_197 = arith.constant 0 : i32
      %dma_start3A_198 = tpu.memref_slice %arg9[%add3A_9, %dma_start3A_197] : memref<10240x128xf32, #tpu.memory_space<vmem_shared>> -> memref<128x128xf32, #tpu.memory_space<vmem_shared>>
      %dma_start3A_199 = arith.constant 0 : i32
      %dma_start3A_200 = arith.constant 0 : i32
      %dma_start3A_201 = tpu.memref_slice %arg8[%run_scoped3A, %dma_start3A_199, %dma_start3A_200] : memref<2x128x128xf32, #tpu.memory_space<vmem>> -> memref<1x128x128xf32, #tpu.memory_space<vmem>>
      %dma_start3A_202 = tpu.memref_squeeze %dma_start3A_201 : memref<1x128x128xf32, #tpu.memory_space<vmem>> -> memref<128x128xf32, #tpu.memory_space<vmem>>
      tpu.enqueue_dma source(%dma_start3A_202 : memref<128x128xf32, #tpu.memory_space<vmem>>) target(%dma_start3A_198 : memref<128x128xf32, #tpu.memory_space<vmem_shared>>) target_semaphore(%run_scoped3A_190 : memref<!tpu.dma_semaphore, #tpu.memory_space<semaphore_mem>>)
      %dma_wait3A_203 = arith.constant 0 : i32
      %dma_wait3A_204 = arith.constant 0 : i32
      %dma_wait3A_205 = tpu.memref_slice %arg8[%run_scoped3A, %dma_wait3A_203, %dma_wait3A_204] : memref<2x128x128xf32, #tpu.memory_space<vmem>> -> memref<1x128x128xf32, #tpu.memory_space<vmem>>
      %dma_wait3A_206 = tpu.memref_squeeze %dma_wait3A_205 : memref<1x128x128xf32, #tpu.memory_space<vmem>> -> memref<128x128xf32, #tpu.memory_space<vmem>>
      %dma_wait3A_207 = arith.constant 0 : i32
      %dma_wait3A_208 = tpu.memref_slice %arg9[%add3A_9, %dma_wait3A_207] : memref<10240x128xf32, #tpu.memory_space<vmem_shared>> -> memref<128x128xf32, #tpu.memory_space<vmem_shared>>
      %dma_wait3A_209 = arith.constant 0 : i32
      %dma_wait3A_210 = tpu.memref_slice %arg9[%add3A_9, %dma_wait3A_209] : memref<10240x128xf32, #tpu.memory_space<vmem_shared>> -> memref<128x128xf32, #tpu.memory_space<vmem_shared>>
      %dma_wait3A_211 = arith.constant 0 : i32
      %dma_wait3A_212 = arith.constant 0 : i32
      %dma_wait3A_213 = tpu.memref_slice %arg8[%run_scoped3A, %dma_wait3A_211, %dma_wait3A_212] : memref<2x128x128xf32, #tpu.memory_space<vmem>> -> memref<1x128x128xf32, #tpu.memory_space<vmem>>
      %dma_wait3A_214 = tpu.memref_squeeze %dma_wait3A_213 : memref<1x128x128xf32, #tpu.memory_space<vmem>> -> memref<128x128xf32, #tpu.memory_space<vmem>>
      tpu.wait_dma2 semaphore(%run_scoped3A_190 : memref<!tpu.dma_semaphore, #tpu.memory_space<semaphore_mem>>) src(%dma_wait3A_214 : memref<128x128xf32, #tpu.memory_space<vmem>>) dst(%dma_wait3A_210 : memref<128x128xf32, #tpu.memory_space<vmem_shared>>)
      tpu.yield
    }) : () -> ()
    %add3A_10 = arith.constant 128 : i32
    %add3A_11 = arith.addi %mul3A_7, %add3A_10 : i32
    %run_scoped3A_12 = arith.constant 0 : i32
    "tpu.region"() ({
      %run_scoped3A_190 = tpu.sem_alloc : memref<!tpu.dma_semaphore, #tpu.memory_space<semaphore_mem>>
      %dma_start3A_191 = arith.constant 0 : i32
      %dma_start3A_192 = arith.constant 0 : i32
      %dma_start3A_193 = tpu.memref_slice %arg8[%run_scoped3A_12, %dma_start3A_191, %dma_start3A_192] : memref<2x128x128xf32, #tpu.memory_space<vmem>> -> memref<1x128x128xf32, #tpu.memory_space<vmem>>
      %dma_start3A_194 = tpu.memref_squeeze %dma_start3A_193 : memref<1x128x128xf32, #tpu.memory_space<vmem>> -> memref<128x128xf32, #tpu.memory_space<vmem>>
      %dma_start3A_195 = arith.constant 0 : i32
      %dma_start3A_196 = tpu.memref_slice %arg9[%add3A_11, %dma_start3A_195] : memref<10240x128xf32, #tpu.memory_space<vmem_shared>> -> memref<128x128xf32, #tpu.memory_space<vmem_shared>>
      %dma_start3A_197 = arith.constant 0 : i32
      %dma_start3A_198 = tpu.memref_slice %arg9[%add3A_11, %dma_start3A_197] : memref<10240x128xf32, #tpu.memory_space<vmem_shared>> -> memref<128x128xf32, #tpu.memory_space<vmem_shared>>
      %dma_start3A_199 = arith.constant 0 : i32
      %dma_start3A_200 = arith.constant 0 : i32
      %dma_start3A_201 = tpu.memref_slice %arg8[%run_scoped3A_12, %dma_start3A_199, %dma_start3A_200] : memref<2x128x128xf32, #tpu.memory_space<vmem>> -> memref<1x128x128xf32, #tpu.memory_space<vmem>>
      %dma_start3A_202 = tpu.memref_squeeze %dma_start3A_201 : memref<1x128x128xf32, #tpu.memory_space<vmem>> -> memref<128x128xf32, #tpu.memory_space<vmem>>
      tpu.enqueue_dma source(%dma_start3A_202 : memref<128x128xf32, #tpu.memory_space<vmem>>) target(%dma_start3A_198 : memref<128x128xf32, #tpu.memory_space<vmem_shared>>) target_semaphore(%run_scoped3A_190 : memref<!tpu.dma_semaphore, #tpu.memory_space<semaphore_mem>>)
      %dma_wait3A_203 = arith.constant 0 : i32
      %dma_wait3A_204 = arith.constant 0 : i32
      %dma_wait3A_205 = tpu.memref_slice %arg8[%run_scoped3A_12, %dma_wait3A_203, %dma_wait3A_204] : memref<2x128x128xf32, #tpu.memory_space<vmem>> -> memref<1x128x128xf32, #tpu.memory_space<vmem>>
      %dma_wait3A_206 = tpu.memref_squeeze %dma_wait3A_205 : memref<1x128x128xf32, #tpu.memory_space<vmem>> -> memref<128x128xf32, #tpu.memory_space<vmem>>
      %dma_wait3A_207 = arith.constant 0 : i32
      %dma_wait3A_208 = tpu.memref_slice %arg9[%add3A_11, %dma_wait3A_207] : memref<10240x128xf32, #tpu.memory_space<vmem_shared>> -> memref<128x128xf32, #tpu.memory_space<vmem_shared>>
      %dma_wait3A_209 = arith.constant 0 : i32
      %dma_wait3A_210 = tpu.memref_slice %arg9[%add3A_11, %dma_wait3A_209] : memref<10240x128xf32, #tpu.memory_space<vmem_shared>> -> memref<128x128xf32, #tpu.memory_space<vmem_shared>>
      %dma_wait3A_211 = arith.constant 0 : i32
      %dma_wait3A_212 = arith.constant 0 : i32
      %dma_wait3A_213 = tpu.memref_slice %arg8[%run_scoped3A_12, %dma_wait3A_211, %dma_wait3A_212] : memref<2x128x128xf32, #tpu.memory_space<vmem>> -> memref<1x128x128xf32, #tpu.memory_space<vmem>>
      %dma_wait3A_214 = tpu.memref_squeeze %dma_wait3A_213 : memref<1x128x128xf32, #tpu.memory_space<vmem>> -> memref<128x128xf32, #tpu.memory_space<vmem>>
      tpu.wait_dma2 semaphore(%run_scoped3A_190 : memref<!tpu.dma_semaphore, #tpu.memory_space<semaphore_mem>>) src(%dma_wait3A_214 : memref<128x128xf32, #tpu.memory_space<vmem>>) dst(%dma_wait3A_210 : memref<128x128xf32, #tpu.memory_space<vmem_shared>>)
      tpu.yield
    }) : () -> ()
    %add3A_13 = arith.constant 256 : i32
    %add3A_14 = arith.addi %mul3A_7, %add3A_13 : i32
    %run_scoped3A_15 = arith.constant 0 : i32
    "tpu.region"() ({
      %run_scoped3A_190 = tpu.sem_alloc : memref<!tpu.dma_semaphore, #tpu.memory_space<semaphore_mem>>
      %dma_start3A_191 = arith.constant 0 : i32
      %dma_start3A_192 = arith.constant 0 : i32
      %dma_start3A_193 = tpu.memref_slice %arg8[%run_scoped3A_15, %dma_start3A_191, %dma_start3A_192] : memref<2x128x128xf32, #tpu.memory_space<vmem>> -> memref<1x128x128xf32, #tpu.memory_space<vmem>>
      %dma_start3A_194 = tpu.memref_squeeze %dma_start3A_193 : memref<1x128x128xf32, #tpu.memory_space<vmem>> -> memref<128x128xf32, #tpu.memory_space<vmem>>
      %dma_start3A_195 = arith.constant 0 : i32
      %dma_start3A_196 = tpu.memref_slice %arg9[%add3A_14, %dma_start3A_195] : memref<10240x128xf32, #tpu.memory_space<vmem_shared>> -> memref<128x128xf32, #tpu.memory_space<vmem_shared>>
      %dma_start3A_197 = arith.constant 0 : i32
      %dma_start3A_198 = tpu.memref_slice %arg9[%add3A_14, %dma_start3A_197] : memref<10240x128xf32, #tpu.memory_space<vmem_shared>> -> memref<128x128xf32, #tpu.memory_space<vmem_shared>>
      %dma_start3A_199 = arith.constant 0 : i32
      %dma_start3A_200 = arith.constant 0 : i32
      %dma_start3A_201 = tpu.memref_slice %arg8[%run_scoped3A_15, %dma_start3A_199, %dma_start3A_200] : memref<2x128x128xf32, #tpu.memory_space<vmem>> -> memref<1x128x128xf32, #tpu.memory_space<vmem>>
      %dma_start3A_202 = tpu.memref_squeeze %dma_start3A_201 : memref<1x128x128xf32, #tpu.memory_space<vmem>> -> memref<128x128xf32, #tpu.memory_space<vmem>>
      tpu.enqueue_dma source(%dma_start3A_202 : memref<128x128xf32, #tpu.memory_space<vmem>>) target(%dma_start3A_198 : memref<128x128xf32, #tpu.memory_space<vmem_shared>>) target_semaphore(%run_scoped3A_190 : memref<!tpu.dma_semaphore, #tpu.memory_space<semaphore_mem>>)
      %dma_wait3A_203 = arith.constant 0 : i32
      %dma_wait3A_204 = arith.constant 0 : i32
      %dma_wait3A_205 = tpu.memref_slice %arg8[%run_scoped3A_15, %dma_wait3A_203, %dma_wait3A_204] : memref<2x128x128xf32, #tpu.memory_space<vmem>> -> memref<1x128x128xf32, #tpu.memory_space<vmem>>
      %dma_wait3A_206 = tpu.memref_squeeze %dma_wait3A_205 : memref<1x128x128xf32, #tpu.memory_space<vmem>> -> memref<128x128xf32, #tpu.memory_space<vmem>>
      %dma_wait3A_207 = arith.constant 0 : i32
      %dma_wait3A_208 = tpu.memref_slice %arg9[%add3A_14, %dma_wait3A_207] : memref<10240x128xf32, #tpu.memory_space<vmem_shared>> -> memref<128x128xf32, #tpu.memory_space<vmem_shared>>
      %dma_wait3A_209 = arith.constant 0 : i32
      %dma_wait3A_210 = tpu.memref_slice %arg9[%add3A_14, %dma_wait3A_209] : memref<10240x128xf32, #tpu.memory_space<vmem_shared>> -> memref<128x128xf32, #tpu.memory_space<vmem_shared>>
      %dma_wait3A_211 = arith.constant 0 : i32
      %dma_wait3A_212 = arith.constant 0 : i32
      %dma_wait3A_213 = tpu.memref_slice %arg8[%run_scoped3A_15, %dma_wait3A_211, %dma_wait3A_212] : memref<2x128x128xf32, #tpu.memory_space<vmem>> -> memref<1x128x128xf32, #tpu.memory_space<vmem>>
      %dma_wait3A_214 = tpu.memref_squeeze %dma_wait3A_213 : memref<1x128x128xf32, #tpu.memory_space<vmem>> -> memref<128x128xf32, #tpu.memory_space<vmem>>
      tpu.wait_dma2 semaphore(%run_scoped3A_190 : memref<!tpu.dma_semaphore, #tpu.memory_space<semaphore_mem>>) src(%dma_wait3A_214 : memref<128x128xf32, #tpu.memory_space<vmem>>) dst(%dma_wait3A_210 : memref<128x128xf32, #tpu.memory_space<vmem_shared>>)
      tpu.yield
    }) : () -> ()
    %add3A_16 = arith.constant 384 : i32
    %add3A_17 = arith.addi %mul3A_7, %add3A_16 : i32
    %run_scoped3A_18 = arith.constant 0 : i32
    "tpu.region"() ({
      %run_scoped3A_190 = tpu.sem_alloc : memref<!tpu.dma_semaphore, #tpu.memory_space<semaphore_mem>>
      %dma_start3A_191 = arith.constant 0 : i32
      %dma_start3A_192 = arith.constant 0 : i32
      %dma_start3A_193 = tpu.memref_slice %arg8[%run_scoped3A_18, %dma_start3A_191, %dma_start3A_192] : memref<2x128x128xf32, #tpu.memory_space<vmem>> -> memref<1x128x128xf32, #tpu.memory_space<vmem>>
      %dma_start3A_194 = tpu.memref_squeeze %dma_start3A_193 : memref<1x128x128xf32, #tpu.memory_space<vmem>> -> memref<128x128xf32, #tpu.memory_space<vmem>>
      %dma_start3A_195 = arith.constant 0 : i32
      %dma_start3A_196 = tpu.memref_slice %arg9[%add3A_17, %dma_start3A_195] : memref<10240x128xf32, #tpu.memory_space<vmem_shared>> -> memref<128x128xf32, #tpu.memory_space<vmem_shared>>
      %dma_start3A_197 = arith.constant 0 : i32
      %dma_start3A_198 = tpu.memref_slice %arg9[%add3A_17, %dma_start3A_197] : memref<10240x128xf32, #tpu.memory_space<vmem_shared>> -> memref<128x128xf32, #tpu.memory_space<vmem_shared>>
      %dma_start3A_199 = arith.constant 0 : i32
      %dma_start3A_200 = arith.constant 0 : i32
      %dma_start3A_201 = tpu.memref_slice %arg8[%run_scoped3A_18, %dma_start3A_199, %dma_start3A_200] : memref<2x128x128xf32, #tpu.memory_space<vmem>> -> memref<1x128x128xf32, #tpu.memory_space<vmem>>
      %dma_start3A_202 = tpu.memref_squeeze %dma_start3A_201 : memref<1x128x128xf32, #tpu.memory_space<vmem>> -> memref<128x128xf32, #tpu.memory_space<vmem>>
      tpu.enqueue_dma source(%dma_start3A_202 : memref<128x128xf32, #tpu.memory_space<vmem>>) target(%dma_start3A_198 : memref<128x128xf32, #tpu.memory_space<vmem_shared>>) target_semaphore(%run_scoped3A_190 : memref<!tpu.dma_semaphore, #tpu.memory_space<semaphore_mem>>)
      %dma_wait3A_203 = arith.constant 0 : i32
      %dma_wait3A_204 = arith.constant 0 : i32
      %dma_wait3A_205 = tpu.memref_slice %arg8[%run_scoped3A_18, %dma_wait3A_203, %dma_wait3A_204] : memref<2x128x128xf32, #tpu.memory_space<vmem>> -> memref<1x128x128xf32, #tpu.memory_space<vmem>>
      %dma_wait3A_206 = tpu.memref_squeeze %dma_wait3A_205 : memref<1x128x128xf32, #tpu.memory_space<vmem>> -> memref<128x128xf32, #tpu.memory_space<vmem>>
      %dma_wait3A_207 = arith.constant 0 : i32
      %dma_wait3A_208 = tpu.memref_slice %arg9[%add3A_17, %dma_wait3A_207] : memref<10240x128xf32, #tpu.memory_space<vmem_shared>> -> memref<128x128xf32, #tpu.memory_space<vmem_shared>>
      %dma_wait3A_209 = arith.constant 0 : i32
      %dma_wait3A_210 = tpu.memref_slice %arg9[%add3A_17, %dma_wait3A_209] : memref<10240x128xf32, #tpu.memory_space<vmem_shared>> -> memref<128x128xf32, #tpu.memory_space<vmem_shared>>
      %dma_wait3A_211 = arith.constant 0 : i32
      %dma_wait3A_212 = arith.constant 0 : i32
      %dma_wait3A_213 = tpu.memref_slice %arg8[%run_scoped3A_18, %dma_wait3A_211, %dma_wait3A_212] : memref<2x128x128xf32, #tpu.memory_space<vmem>> -> memref<1x128x128xf32, #tpu.memory_space<vmem>>
      %dma_wait3A_214 = tpu.memref_squeeze %dma_wait3A_213 : memref<1x128x128xf32, #tpu.memory_space<vmem>> -> memref<128x128xf32, #tpu.memory_space<vmem>>
      tpu.wait_dma2 semaphore(%run_scoped3A_190 : memref<!tpu.dma_semaphore, #tpu.memory_space<semaphore_mem>>) src(%dma_wait3A_214 : memref<128x128xf32, #tpu.memory_space<vmem>>) dst(%dma_wait3A_210 : memref<128x128xf32, #tpu.memory_space<vmem_shared>>)
      tpu.yield
    }) : () -> ()
    %add3A_19 = arith.constant 512 : i32
    %add3A_20 = arith.addi %mul3A_7, %add3A_19 : i32
    %run_scoped3A_21 = arith.constant 0 : i32
    "tpu.region"() ({
      %run_scoped3A_190 = tpu.sem_alloc : memref<!tpu.dma_semaphore, #tpu.memory_space<semaphore_mem>>
      %dma_start3A_191 = arith.constant 0 : i32
      %dma_start3A_192 = arith.constant 0 : i32
      %dma_start3A_193 = tpu.memref_slice %arg8[%run_scoped3A_21, %dma_start3A_191, %dma_start3A_192] : memref<2x128x128xf32, #tpu.memory_space<vmem>> -> memref<1x128x128xf32, #tpu.memory_space<vmem>>
      %dma_start3A_194 = tpu.memref_squeeze %dma_start3A_193 : memref<1x128x128xf32, #tpu.memory_space<vmem>> -> memref<128x128xf32, #tpu.memory_space<vmem>>
      %dma_start3A_195 = arith.constant 0 : i32
      %dma_start3A_196 = tpu.memref_slice %arg9[%add3A_20, %dma_start3A_195] : memref<10240x128xf32, #tpu.memory_space<vmem_shared>> -> memref<128x128xf32, #tpu.memory_space<vmem_shared>>
      %dma_start3A_197 = arith.constant 0 : i32
      %dma_start3A_198 = tpu.memref_slice %arg9[%add3A_20, %dma_start3A_197] : memref<10240x128xf32, #tpu.memory_space<vmem_shared>> -> memref<128x128xf32, #tpu.memory_space<vmem_shared>>
      %dma_start3A_199 = arith.constant 0 : i32
      %dma_start3A_200 = arith.constant 0 : i32
      %dma_start3A_201 = tpu.memref_slice %arg8[%run_scoped3A_21, %dma_start3A_199, %dma_start3A_200] : memref<2x128x128xf32, #tpu.memory_space<vmem>> -> memref<1x128x128xf32, #tpu.memory_space<vmem>>
      %dma_start3A_202 = tpu.memref_squeeze %dma_start3A_201 : memref<1x128x128xf32, #tpu.memory_space<vmem>> -> memref<128x128xf32, #tpu.memory_space<vmem>>
      tpu.enqueue_dma source(%dma_start3A_202 : memref<128x128xf32, #tpu.memory_space<vmem>>) target(%dma_start3A_198 : memref<128x128xf32, #tpu.memory_space<vmem_shared>>) target_semaphore(%run_scoped3A_190 : memref<!tpu.dma_semaphore, #tpu.memory_space<semaphore_mem>>)
      %dma_wait3A_203 = arith.constant 0 : i32
      %dma_wait3A_204 = arith.constant 0 : i32
      %dma_wait3A_205 = tpu.memref_slice %arg8[%run_scoped3A_21, %dma_wait3A_203, %dma_wait3A_204] : memref<2x128x128xf32, #tpu.memory_space<vmem>> -> memref<1x128x128xf32, #tpu.memory_space<vmem>>
      %dma_wait3A_206 = tpu.memref_squeeze %dma_wait3A_205 : memref<1x128x128xf32, #tpu.memory_space<vmem>> -> memref<128x128xf32, #tpu.memory_space<vmem>>
      %dma_wait3A_207 = arith.constant 0 : i32
      %dma_wait3A_208 = tpu.memref_slice %arg9[%add3A_20, %dma_wait3A_207] : memref<10240x128xf32, #tpu.memory_space<vmem_shared>> -> memref<128x128xf32, #tpu.memory_space<vmem_shared>>
      %dma_wait3A_209 = arith.constant 0 : i32
      %dma_wait3A_210 = tpu.memref_slice %arg9[%add3A_20, %dma_wait3A_209] : memref<10240x128xf32, #tpu.memory_space<vmem_shared>> -> memref<128x128xf32, #tpu.memory_space<vmem_shared>>
      %dma_wait3A_211 = arith.constant 0 : i32
      %dma_wait3A_212 = arith.constant 0 : i32
      %dma_wait3A_213 = tpu.memref_slice %arg8[%run_scoped3A_21, %dma_wait3A_211, %dma_wait3A_212] : memref<2x128x128xf32, #tpu.memory_space<vmem>> -> memref<1x128x128xf32, #tpu.memory_space<vmem>>
      %dma_wait3A_214 = tpu.memref_squeeze %dma_wait3A_213 : memref<1x128x128xf32, #tpu.memory_space<vmem>> -> memref<128x128xf32, #tpu.memory_space<vmem>>
      tpu.wait_dma2 semaphore(%run_scoped3A_190 : memref<!tpu.dma_semaphore, #tpu.memory_space<semaphore_mem>>) src(%dma_wait3A_214 : memref<128x128xf32, #tpu.memory_space<vmem>>) dst(%dma_wait3A_210 : memref<128x128xf32, #tpu.memory_space<vmem_shared>>)
      tpu.yield
    }) : () -> ()
    %barrier3A = arith.constant 0 : index
    tpu.barrier barrier_id(%barrier3A)
    %rem3A = arith.constant 0 : i32
    %rem3A_22 = arith.constant 4 : i32
    %rem3A_23 = arith.remsi %rem3A, %rem3A_22 : i32
    %dma_start3A = arith.constant 0 : i32
    %dma_start3A_24 = arith.constant 0 : i32
    %dma_start3A_25 = tpu.memref_slice %arg6[%rem3A_23, %dma_start3A_24] : memref<4x128xi32, #tpu.memory_space<vmem>> -> memref<1x128xi32, #tpu.memory_space<vmem>>
    %dma_start3A_26 = tpu.memref_squeeze %dma_start3A_25 : memref<1x128xi32, #tpu.memory_space<vmem>> -> memref<128xi32, #tpu.memory_space<vmem>>
    %dma_start3A_27 = arith.constant 0 : i32
    %dma_start3A_28 = tpu.memref_slice %arg3[%add3A, %dma_start3A, %dma_start3A_27] : memref<32x80x128xi32, #tpu.memory_space<hbm>> -> memref<1x1x128xi32, #tpu.memory_space<hbm>>
    %dma_start3A_29 = tpu.memref_squeeze %dma_start3A_28 : memref<1x1x128xi32, #tpu.memory_space<hbm>> -> memref<128xi32, #tpu.memory_space<hbm>>
    %dma_start3A_30 = arith.constant 0 : i32
    %dma_start3A_31 = tpu.memref_slice %arg6[%rem3A_23, %dma_start3A_30] : memref<4x128xi32, #tpu.memory_space<vmem>> -> memref<1x128xi32, #tpu.memory_space<vmem>>
    %dma_start3A_32 = tpu.memref_squeeze %dma_start3A_31 : memref<1x128xi32, #tpu.memory_space<vmem>> -> memref<128xi32, #tpu.memory_space<vmem>>
    %dma_start3A_33 = arith.constant 0 : i32
    %dma_start3A_34 = tpu.memref_slice %arg3[%add3A, %dma_start3A, %dma_start3A_33] : memref<32x80x128xi32, #tpu.memory_space<hbm>> -> memref<1x1x128xi32, #tpu.memory_space<hbm>>
    %dma_start3A_35 = tpu.memref_squeeze %dma_start3A_34 : memref<1x1x128xi32, #tpu.memory_space<hbm>> -> memref<128xi32, #tpu.memory_space<hbm>>
    tpu.enqueue_dma source(%dma_start3A_35 : memref<128xi32, #tpu.memory_space<hbm>>) target(%dma_start3A_32 : memref<128xi32, #tpu.memory_space<vmem>>) target_semaphore(%arg12 : memref<!tpu.dma_semaphore, #tpu.memory_space<semaphore_mem>>)
    %rem3A_36 = arith.constant 0 : i32
    %rem3A_37 = arith.constant 4 : i32
    %rem3A_38 = arith.remsi %rem3A_36, %rem3A_37 : i32
    %dma_start3A_39 = arith.constant 0 : i32
    %dma_start3A_40 = arith.constant 0 : i32
    %dma_start3A_41 = tpu.memref_slice %arg7[%rem3A_38, %dma_start3A_40] : memref<4x128xi32, #tpu.memory_space<vmem>> -> memref<1x128xi32, #tpu.memory_space<vmem>>
    %dma_start3A_42 = tpu.memref_squeeze %dma_start3A_41 : memref<1x128xi32, #tpu.memory_space<vmem>> -> memref<128xi32, #tpu.memory_space<vmem>>
    %dma_start3A_43 = arith.constant 0 : i32
    %dma_start3A_44 = tpu.memref_slice %arg4[%add3A, %dma_start3A_39, %dma_start3A_43] : memref<32x80x128xi32, #tpu.memory_space<hbm>> -> memref<1x1x128xi32, #tpu.memory_space<hbm>>
    %dma_start3A_45 = tpu.memref_squeeze %dma_start3A_44 : memref<1x1x128xi32, #tpu.memory_space<hbm>> -> memref<128xi32, #tpu.memory_space<hbm>>
    %dma_start3A_46 = arith.constant 0 : i32
    %dma_start3A_47 = tpu.memref_slice %arg7[%rem3A_38, %dma_start3A_46] : memref<4x128xi32, #tpu.memory_space<vmem>> -> memref<1x128xi32, #tpu.memory_space<vmem>>
    %dma_start3A_48 = tpu.memref_squeeze %dma_start3A_47 : memref<1x128xi32, #tpu.memory_space<vmem>> -> memref<128xi32, #tpu.memory_space<vmem>>
    %dma_start3A_49 = arith.constant 0 : i32
    %dma_start3A_50 = tpu.memref_slice %arg4[%add3A, %dma_start3A_39, %dma_start3A_49] : memref<32x80x128xi32, #tpu.memory_space<hbm>> -> memref<1x1x128xi32, #tpu.memory_space<hbm>>
    %dma_start3A_51 = tpu.memref_squeeze %dma_start3A_50 : memref<1x1x128xi32, #tpu.memory_space<hbm>> -> memref<128xi32, #tpu.memory_space<hbm>>
    tpu.enqueue_dma source(%dma_start3A_51 : memref<128xi32, #tpu.memory_space<hbm>>) target(%dma_start3A_48 : memref<128xi32, #tpu.memory_space<vmem>>) target_semaphore(%arg12 : memref<!tpu.dma_semaphore, #tpu.memory_space<semaphore_mem>>)
    %rem3A_52 = arith.constant 1 : i32
    %rem3A_53 = arith.constant 4 : i32
    %rem3A_54 = arith.remsi %rem3A_52, %rem3A_53 : i32
    %dma_start3A_55 = arith.constant 1 : i32
    %dma_start3A_56 = arith.constant 0 : i32
    %dma_start3A_57 = tpu.memref_slice %arg6[%rem3A_54, %dma_start3A_56] : memref<4x128xi32, #tpu.memory_space<vmem>> -> memref<1x128xi32, #tpu.memory_space<vmem>>
    %dma_start3A_58 = tpu.memref_squeeze %dma_start3A_57 : memref<1x128xi32, #tpu.memory_space<vmem>> -> memref<128xi32, #tpu.memory_space<vmem>>
    %dma_start3A_59 = arith.constant 0 : i32
    %dma_start3A_60 = tpu.memref_slice %arg3[%add3A, %dma_start3A_55, %dma_start3A_59] : memref<32x80x128xi32, #tpu.memory_space<hbm>> -> memref<1x1x128xi32, #tpu.memory_space<hbm>>
    %dma_start3A_61 = tpu.memref_squeeze %dma_start3A_60 : memref<1x1x128xi32, #tpu.memory_space<hbm>> -> memref<128xi32, #tpu.memory_space<hbm>>
    %dma_start3A_62 = arith.constant 0 : i32
    %dma_start3A_63 = tpu.memref_slice %arg6[%rem3A_54, %dma_start3A_62] : memref<4x128xi32, #tpu.memory_space<vmem>> -> memref<1x128xi32, #tpu.memory_space<vmem>>
    %dma_start3A_64 = tpu.memref_squeeze %dma_start3A_63 : memref<1x128xi32, #tpu.memory_space<vmem>> -> memref<128xi32, #tpu.memory_space<vmem>>
    %dma_start3A_65 = arith.constant 0 : i32
    %dma_start3A_66 = tpu.memref_slice %arg3[%add3A, %dma_start3A_55, %dma_start3A_65] : memref<32x80x128xi32, #tpu.memory_space<hbm>> -> memref<1x1x128xi32, #tpu.memory_space<hbm>>
    %dma_start3A_67 = tpu.memref_squeeze %dma_start3A_66 : memref<1x1x128xi32, #tpu.memory_space<hbm>> -> memref<128xi32, #tpu.memory_space<hbm>>
    tpu.enqueue_dma source(%dma_start3A_67 : memref<128xi32, #tpu.memory_space<hbm>>) target(%dma_start3A_64 : memref<128xi32, #tpu.memory_space<vmem>>) target_semaphore(%arg13 : memref<!tpu.dma_semaphore, #tpu.memory_space<semaphore_mem>>)
    %rem3A_68 = arith.constant 1 : i32
    %rem3A_69 = arith.constant 4 : i32
    %rem3A_70 = arith.remsi %rem3A_68, %rem3A_69 : i32
    %dma_start3A_71 = arith.constant 1 : i32
    %dma_start3A_72 = arith.constant 0 : i32
    %dma_start3A_73 = tpu.memref_slice %arg7[%rem3A_70, %dma_start3A_72] : memref<4x128xi32, #tpu.memory_space<vmem>> -> memref<1x128xi32, #tpu.memory_space<vmem>>
    %dma_start3A_74 = tpu.memref_squeeze %dma_start3A_73 : memref<1x128xi32, #tpu.memory_space<vmem>> -> memref<128xi32, #tpu.memory_space<vmem>>
    %dma_start3A_75 = arith.constant 0 : i32
    %dma_start3A_76 = tpu.memref_slice %arg4[%add3A, %dma_start3A_71, %dma_start3A_75] : memref<32x80x128xi32, #tpu.memory_space<hbm>> -> memref<1x1x128xi32, #tpu.memory_space<hbm>>
    %dma_start3A_77 = tpu.memref_squeeze %dma_start3A_76 : memref<1x1x128xi32, #tpu.memory_space<hbm>> -> memref<128xi32, #tpu.memory_space<hbm>>
    %dma_start3A_78 = arith.constant 0 : i32
    %dma_start3A_79 = tpu.memref_slice %arg7[%rem3A_70, %dma_start3A_78] : memref<4x128xi32, #tpu.memory_space<vmem>> -> memref<1x128xi32, #tpu.memory_space<vmem>>
    %dma_start3A_80 = tpu.memref_squeeze %dma_start3A_79 : memref<1x128xi32, #tpu.memory_space<vmem>> -> memref<128xi32, #tpu.memory_space<vmem>>
    %dma_start3A_81 = arith.constant 0 : i32
    %dma_start3A_82 = tpu.memref_slice %arg4[%add3A, %dma_start3A_71, %dma_start3A_81] : memref<32x80x128xi32, #tpu.memory_space<hbm>> -> memref<1x1x128xi32, #tpu.memory_space<hbm>>
    %dma_start3A_83 = tpu.memref_squeeze %dma_start3A_82 : memref<1x1x128xi32, #tpu.memory_space<hbm>> -> memref<128xi32, #tpu.memory_space<hbm>>
    tpu.enqueue_dma source(%dma_start3A_83 : memref<128xi32, #tpu.memory_space<hbm>>) target(%dma_start3A_80 : memref<128xi32, #tpu.memory_space<vmem>>) target_semaphore(%arg13 : memref<!tpu.dma_semaphore, #tpu.memory_space<semaphore_mem>>)
    %dma_wait3A = arith.constant 0 : i32
    %dma_wait3A_84 = arith.constant 0 : i32
    %dma_wait3A_85 = arith.constant 0 : i32
    %dma_wait3A_86 = arith.constant 0 : i32
    %dma_wait3A_87 = tpu.memref_slice %arg6[%dma_wait3A_85, %dma_wait3A_86] : memref<4x128xi32, #tpu.memory_space<vmem>> -> memref<1x128xi32, #tpu.memory_space<vmem>>
    %dma_wait3A_88 = tpu.memref_squeeze %dma_wait3A_87 : memref<1x128xi32, #tpu.memory_space<vmem>> -> memref<128xi32, #tpu.memory_space<vmem>>
    %dma_wait3A_89 = arith.constant 0 : i32
    %dma_wait3A_90 = tpu.memref_slice %arg3[%dma_wait3A, %dma_wait3A_84, %dma_wait3A_89] : memref<32x80x128xi32, #tpu.memory_space<hbm>> -> memref<1x1x128xi32, #tpu.memory_space<hbm>>
    %dma_wait3A_91 = tpu.memref_squeeze %dma_wait3A_90 : memref<1x1x128xi32, #tpu.memory_space<hbm>> -> memref<128xi32, #tpu.memory_space<hbm>>
    %dma_wait3A_92 = arith.constant 0 : i32
    %dma_wait3A_93 = tpu.memref_slice %arg6[%dma_wait3A_85, %dma_wait3A_92] : memref<4x128xi32, #tpu.memory_space<vmem>> -> memref<1x128xi32, #tpu.memory_space<vmem>>
    %dma_wait3A_94 = tpu.memref_squeeze %dma_wait3A_93 : memref<1x128xi32, #tpu.memory_space<vmem>> -> memref<128xi32, #tpu.memory_space<vmem>>
    %dma_wait3A_95 = arith.constant 0 : i32
    %dma_wait3A_96 = tpu.memref_slice %arg3[%dma_wait3A, %dma_wait3A_84, %dma_wait3A_95] : memref<32x80x128xi32, #tpu.memory_space<hbm>> -> memref<1x1x128xi32, #tpu.memory_space<hbm>>
    %dma_wait3A_97 = tpu.memref_squeeze %dma_wait3A_96 : memref<1x1x128xi32, #tpu.memory_space<hbm>> -> memref<128xi32, #tpu.memory_space<hbm>>
    tpu.wait_dma2 semaphore(%arg12 : memref<!tpu.dma_semaphore, #tpu.memory_space<semaphore_mem>>) src(%dma_wait3A_97 : memref<128xi32, #tpu.memory_space<hbm>>) dst(%dma_wait3A_94 : memref<128xi32, #tpu.memory_space<vmem>>)
    %dma_wait3A_98 = arith.constant 0 : i32
    %dma_wait3A_99 = arith.constant 0 : i32
    %dma_wait3A_100 = arith.constant 0 : i32
    %dma_wait3A_101 = arith.constant 0 : i32
    %dma_wait3A_102 = tpu.memref_slice %arg6[%dma_wait3A_100, %dma_wait3A_101] : memref<4x128xi32, #tpu.memory_space<vmem>> -> memref<1x128xi32, #tpu.memory_space<vmem>>
    %dma_wait3A_103 = tpu.memref_squeeze %dma_wait3A_102 : memref<1x128xi32, #tpu.memory_space<vmem>> -> memref<128xi32, #tpu.memory_space<vmem>>
    %dma_wait3A_104 = arith.constant 0 : i32
    %dma_wait3A_105 = tpu.memref_slice %arg3[%dma_wait3A_98, %dma_wait3A_99, %dma_wait3A_104] : memref<32x80x128xi32, #tpu.memory_space<hbm>> -> memref<1x1x128xi32, #tpu.memory_space<hbm>>
    %dma_wait3A_106 = tpu.memref_squeeze %dma_wait3A_105 : memref<1x1x128xi32, #tpu.memory_space<hbm>> -> memref<128xi32, #tpu.memory_space<hbm>>
    %dma_wait3A_107 = arith.constant 0 : i32
    %dma_wait3A_108 = tpu.memref_slice %arg6[%dma_wait3A_100, %dma_wait3A_107] : memref<4x128xi32, #tpu.memory_space<vmem>> -> memref<1x128xi32, #tpu.memory_space<vmem>>
    %dma_wait3A_109 = tpu.memref_squeeze %dma_wait3A_108 : memref<1x128xi32, #tpu.memory_space<vmem>> -> memref<128xi32, #tpu.memory_space<vmem>>
    %dma_wait3A_110 = arith.constant 0 : i32
    %dma_wait3A_111 = tpu.memref_slice %arg3[%dma_wait3A_98, %dma_wait3A_99, %dma_wait3A_110] : memref<32x80x128xi32, #tpu.memory_space<hbm>> -> memref<1x1x128xi32, #tpu.memory_space<hbm>>
    %dma_wait3A_112 = tpu.memref_squeeze %dma_wait3A_111 : memref<1x1x128xi32, #tpu.memory_space<hbm>> -> memref<128xi32, #tpu.memory_space<hbm>>
    tpu.wait_dma2 semaphore(%arg12 : memref<!tpu.dma_semaphore, #tpu.memory_space<semaphore_mem>>) src(%dma_wait3A_112 : memref<128xi32, #tpu.memory_space<hbm>>) dst(%dma_wait3A_109 : memref<128xi32, #tpu.memory_space<vmem>>)
    %rem3A_113 = arith.constant 0 : i32
    %rem3A_114 = arith.constant 4 : i32
    %rem3A_115 = arith.remsi %rem3A_113, %rem3A_114 : i32
    %dma_start3A_116 = arith.constant 0 : i32
    %dma_start3A_117 = arith.constant 0 : i32
    %dma_start3A_118 = arith.constant 0 : i32
    %dma_start3A_119 = tpu.memref_slice %arg8[%dma_start3A_116, %dma_start3A_117, %dma_start3A_118] : memref<2x128x128xf32, #tpu.memory_space<vmem>> -> memref<1x128x128xf32, #tpu.memory_space<vmem>>
    %dma_start3A_120 = tpu.memref_squeeze %dma_start3A_119 : memref<1x128x128xf32, #tpu.memory_space<vmem>> -> memref<128x128xf32, #tpu.memory_space<vmem>>
    %dma_start3A_121 = arith.constant 0 : i32
    %dma_start3A_122 = tpu.memref_slice %arg6[%rem3A_115, %dma_start3A_121] : memref<4x128xi32, #tpu.memory_space<vmem>> -> memref<1x128xi32, #tpu.memory_space<vmem>>
    %dma_start3A_123 = tpu.memref_squeeze %dma_start3A_122 : memref<1x128xi32, #tpu.memory_space<vmem>> -> memref<128xi32, #tpu.memory_space<vmem>>
    %dma_start3A_124 = arith.constant 0 : i32
    %dma_start3A_125 = arith.constant 0 : i32
    %dma_start3A_126 = tpu.memref_slice %arg2[%dma_start3A_124, %dma_start3A_125] : memref<10000x128xf32, #tpu.memory_space<hbm>> -> memref<10000x128xf32, #tpu.memory_space<hbm>>
    tpu.enqueue_indirect_dma source(%dma_start3A_126 : memref<10000x128xf32, #tpu.memory_space<hbm>>) target(%dma_start3A_120 : memref<128x128xf32, #tpu.memory_space<vmem>>) offsets(%dma_start3A_123 : memref<128xi32, #tpu.memory_space<vmem>>) semaphore(%arg10 : memref<!tpu.dma_semaphore, #tpu.memory_space<semaphore_mem>>)
    %rem3A_127 = arith.constant 2 : i32
    %rem3A_128 = arith.constant 4 : i32
    %rem3A_129 = arith.remsi %rem3A_127, %rem3A_128 : i32
    %dma_start3A_130 = arith.constant 2 : i32
    %dma_start3A_131 = arith.constant 0 : i32
    %dma_start3A_132 = tpu.memref_slice %arg6[%rem3A_129, %dma_start3A_131] : memref<4x128xi32, #tpu.memory_space<vmem>> -> memref<1x128xi32, #tpu.memory_space<vmem>>
    %dma_start3A_133 = tpu.memref_squeeze %dma_start3A_132 : memref<1x128xi32, #tpu.memory_space<vmem>> -> memref<128xi32, #tpu.memory_space<vmem>>
    %dma_start3A_134 = arith.constant 0 : i32
    %dma_start3A_135 = tpu.memref_slice %arg3[%add3A, %dma_start3A_130, %dma_start3A_134] : memref<32x80x128xi32, #tpu.memory_space<hbm>> -> memref<1x1x128xi32, #tpu.memory_space<hbm>>
    %dma_start3A_136 = tpu.memref_squeeze %dma_start3A_135 : memref<1x1x128xi32, #tpu.memory_space<hbm>> -> memref<128xi32, #tpu.memory_space<hbm>>
    %dma_start3A_137 = arith.constant 0 : i32
    %dma_start3A_138 = tpu.memref_slice %arg6[%rem3A_129, %dma_start3A_137] : memref<4x128xi32, #tpu.memory_space<vmem>> -> memref<1x128xi32, #tpu.memory_space<vmem>>
    %dma_start3A_139 = tpu.memref_squeeze %dma_start3A_138 : memref<1x128xi32, #tpu.memory_space<vmem>> -> memref<128xi32, #tpu.memory_space<vmem>>
    %dma_start3A_140 = arith.constant 0 : i32
    %dma_start3A_141 = tpu.memref_slice %arg3[%add3A, %dma_start3A_130, %dma_start3A_140] : memref<32x80x128xi32, #tpu.memory_space<hbm>> -> memref<1x1x128xi32, #tpu.memory_space<hbm>>
    %dma_start3A_142 = tpu.memref_squeeze %dma_start3A_141 : memref<1x1x128xi32, #tpu.memory_space<hbm>> -> memref<128xi32, #tpu.memory_space<hbm>>
    tpu.enqueue_dma source(%dma_start3A_142 : memref<128xi32, #tpu.memory_space<hbm>>) target(%dma_start3A_139 : memref<128xi32, #tpu.memory_space<vmem>>) target_semaphore(%arg12 : memref<!tpu.dma_semaphore, #tpu.memory_space<semaphore_mem>>)
    %rem3A_143 = arith.constant 2 : i32
    %rem3A_144 = arith.constant 4 : i32
    %rem3A_145 = arith.remsi %rem3A_143, %rem3A_144 : i32
    %dma_start3A_146 = arith.constant 2 : i32
    %dma_start3A_147 = arith.constant 0 : i32
    %dma_start3A_148 = tpu.memref_slice %arg7[%rem3A_145, %dma_start3A_147] : memref<4x128xi32, #tpu.memory_space<vmem>> -> memref<1x128xi32, #tpu.memory_space<vmem>>
    %dma_start3A_149 = tpu.memref_squeeze %dma_start3A_148 : memref<1x128xi32, #tpu.memory_space<vmem>> -> memref<128xi32, #tpu.memory_space<vmem>>
    %dma_start3A_150 = arith.constant 0 : i32
    %dma_start3A_151 = tpu.memref_slice %arg4[%add3A, %dma_start3A_146, %dma_start3A_150] : memref<32x80x128xi32, #tpu.memory_space<hbm>> -> memref<1x1x128xi32, #tpu.memory_space<hbm>>
    %dma_start3A_152 = tpu.memref_squeeze %dma_start3A_151 : memref<1x1x128xi32, #tpu.memory_space<hbm>> -> memref<128xi32, #tpu.memory_space<hbm>>
    %dma_start3A_153 = arith.constant 0 : i32
    %dma_start3A_154 = tpu.memref_slice %arg7[%rem3A_145, %dma_start3A_153] : memref<4x128xi32, #tpu.memory_space<vmem>> -> memref<1x128xi32, #tpu.memory_space<vmem>>
    %dma_start3A_155 = tpu.memref_squeeze %dma_start3A_154 : memref<1x128xi32, #tpu.memory_space<vmem>> -> memref<128xi32, #tpu.memory_space<vmem>>
    %dma_start3A_156 = arith.constant 0 : i32
    %dma_start3A_157 = tpu.memref_slice %arg4[%add3A, %dma_start3A_146, %dma_start3A_156] : memref<32x80x128xi32, #tpu.memory_space<hbm>> -> memref<1x1x128xi32, #tpu.memory_space<hbm>>
    %dma_start3A_158 = tpu.memref_squeeze %dma_start3A_157 : memref<1x1x128xi32, #tpu.memory_space<hbm>> -> memref<128xi32, #tpu.memory_space<hbm>>
    tpu.enqueue_dma source(%dma_start3A_158 : memref<128xi32, #tpu.memory_space<hbm>>) target(%dma_start3A_155 : memref<128xi32, #tpu.memory_space<vmem>>) target_semaphore(%arg12 : memref<!tpu.dma_semaphore, #tpu.memory_space<semaphore_mem>>)
    %scan3A_159 = arith.constant 0 : i32
    %scan3A_160 = arith.constant 0 : i32
    %scan3A_161 = arith.constant 80 : i32
    %scan3A_162 = arith.addi %scan3A_160, %scan3A_161 : i32
    %scan3A_163 = arith.constant 1 : i32
    scf.for %scan3A_190 = %scan3A_160 to %scan3A_162 step %scan3A_163  : i32 {
      %rem3A_191 = arith.constant 2 : i32
      %rem3A_192 = arith.remsi %scan3A_190, %rem3A_191 : i32
      %eq3A = arith.constant 0 : i32
      %eq3A_193 = arith.cmpi eq, %rem3A_192, %eq3A : i32
      %convert_element_type3A = arith.extui %eq3A_193 : i1 to i32
      %cond3A = arith.constant 0 : i32
      %cond3A_194 = arith.cmpi ne, %convert_element_type3A, %cond3A : i32
      scf.if %cond3A_194 {
        %add3A_199 = arith.constant 1 : i32
        %add3A_200 = arith.addi %scan3A_190, %add3A_199 : i32
        %lt3A = arith.constant 80 : i32
        %lt3A_201 = arith.cmpi slt, %add3A_200, %lt3A : i32
        %convert_element_type3A_202 = arith.extui %lt3A_201 : i1 to i32
        %cond3A_203 = arith.constant 0 : i32
        %cond3A_204 = arith.cmpi ne, %convert_element_type3A_202, %cond3A_203 : i32
        scf.if %cond3A_204 {
          %dma_wait3A_237 = arith.constant 0 : i32
          %dma_wait3A_238 = arith.constant 0 : i32
          %dma_wait3A_239 = arith.constant 0 : i32
          %dma_wait3A_240 = arith.constant 0 : i32
          %dma_wait3A_241 = tpu.memref_slice %arg6[%dma_wait3A_239, %dma_wait3A_240] : memref<4x128xi32, #tpu.memory_space<vmem>> -> memref<1x128xi32, #tpu.memory_space<vmem>>
          %dma_wait3A_242 = tpu.memref_squeeze %dma_wait3A_241 : memref<1x128xi32, #tpu.memory_space<vmem>> -> memref<128xi32, #tpu.memory_space<vmem>>
          %dma_wait3A_243 = arith.constant 0 : i32
          %dma_wait3A_244 = tpu.memref_slice %arg3[%dma_wait3A_237, %dma_wait3A_238, %dma_wait3A_243] : memref<32x80x128xi32, #tpu.memory_space<hbm>> -> memref<1x1x128xi32, #tpu.memory_space<hbm>>
          %dma_wait3A_245 = tpu.memref_squeeze %dma_wait3A_244 : memref<1x1x128xi32, #tpu.memory_space<hbm>> -> memref<128xi32, #tpu.memory_space<hbm>>
          %dma_wait3A_246 = arith.constant 0 : i32
          %dma_wait3A_247 = tpu.memref_slice %arg6[%dma_wait3A_239, %dma_wait3A_246] : memref<4x128xi32, #tpu.memory_space<vmem>> -> memref<1x128xi32, #tpu.memory_space<vmem>>
          %dma_wait3A_248 = tpu.memref_squeeze %dma_wait3A_247 : memref<1x128xi32, #tpu.memory_space<vmem>> -> memref<128xi32, #tpu.memory_space<vmem>>
          %dma_wait3A_249 = arith.constant 0 : i32
          %dma_wait3A_250 = tpu.memref_slice %arg3[%dma_wait3A_237, %dma_wait3A_238, %dma_wait3A_249] : memref<32x80x128xi32, #tpu.memory_space<hbm>> -> memref<1x1x128xi32, #tpu.memory_space<hbm>>
          %dma_wait3A_251 = tpu.memref_squeeze %dma_wait3A_250 : memref<1x1x128xi32, #tpu.memory_space<hbm>> -> memref<128xi32, #tpu.memory_space<hbm>>
          tpu.wait_dma2 semaphore(%arg13 : memref<!tpu.dma_semaphore, #tpu.memory_space<semaphore_mem>>) src(%dma_wait3A_251 : memref<128xi32, #tpu.memory_space<hbm>>) dst(%dma_wait3A_248 : memref<128xi32, #tpu.memory_space<vmem>>)
          %dma_wait3A_252 = arith.constant 0 : i32
          %dma_wait3A_253 = arith.constant 0 : i32
          %dma_wait3A_254 = arith.constant 0 : i32
          %dma_wait3A_255 = arith.constant 0 : i32
          %dma_wait3A_256 = tpu.memref_slice %arg6[%dma_wait3A_254, %dma_wait3A_255] : memref<4x128xi32, #tpu.memory_space<vmem>> -> memref<1x128xi32, #tpu.memory_space<vmem>>
          %dma_wait3A_257 = tpu.memref_squeeze %dma_wait3A_256 : memref<1x128xi32, #tpu.memory_space<vmem>> -> memref<128xi32, #tpu.memory_space<vmem>>
          %dma_wait3A_258 = arith.constant 0 : i32
          %dma_wait3A_259 = tpu.memref_slice %arg3[%dma_wait3A_252, %dma_wait3A_253, %dma_wait3A_258] : memref<32x80x128xi32, #tpu.memory_space<hbm>> -> memref<1x1x128xi32, #tpu.memory_space<hbm>>
          %dma_wait3A_260 = tpu.memref_squeeze %dma_wait3A_259 : memref<1x1x128xi32, #tpu.memory_space<hbm>> -> memref<128xi32, #tpu.memory_space<hbm>>
          %dma_wait3A_261 = arith.constant 0 : i32
          %dma_wait3A_262 = tpu.memref_slice %arg6[%dma_wait3A_254, %dma_wait3A_261] : memref<4x128xi32, #tpu.memory_space<vmem>> -> memref<1x128xi32, #tpu.memory_space<vmem>>
          %dma_wait3A_263 = tpu.memref_squeeze %dma_wait3A_262 : memref<1x128xi32, #tpu.memory_space<vmem>> -> memref<128xi32, #tpu.memory_space<vmem>>
          %dma_wait3A_264 = arith.constant 0 : i32
          %dma_wait3A_265 = tpu.memref_slice %arg3[%dma_wait3A_252, %dma_wait3A_253, %dma_wait3A_264] : memref<32x80x128xi32, #tpu.memory_space<hbm>> -> memref<1x1x128xi32, #tpu.memory_space<hbm>>
          %dma_wait3A_266 = tpu.memref_squeeze %dma_wait3A_265 : memref<1x1x128xi32, #tpu.memory_space<hbm>> -> memref<128xi32, #tpu.memory_space<hbm>>
          tpu.wait_dma2 semaphore(%arg13 : memref<!tpu.dma_semaphore, #tpu.memory_space<semaphore_mem>>) src(%dma_wait3A_266 : memref<128xi32, #tpu.memory_space<hbm>>) dst(%dma_wait3A_263 : memref<128xi32, #tpu.memory_space<vmem>>)
          %ge3A = arith.constant 1 : i32
          %ge3A_267 = arith.cmpi sge, %scan3A_190, %ge3A : i32
          %convert_element_type3A_268 = arith.extui %ge3A_267 : i1 to i32
          %cond3A_269 = arith.constant 0 : i32
          %cond3A_270 = arith.cmpi ne, %convert_element_type3A_268, %cond3A_269 : i32
          scf.if %cond3A_270 {
            %dma_wait3A_286 = arith.constant 0 : i32
            %dma_wait3A_287 = arith.constant 1 : i32
            %dma_wait3A_288 = arith.constant 0 : i32
            %dma_wait3A_289 = arith.constant 0 : i32
            %dma_wait3A_290 = tpu.memref_slice %arg8[%dma_wait3A_287, %dma_wait3A_288, %dma_wait3A_289] : memref<2x128x128xf32, #tpu.memory_space<vmem>> -> memref<1x128x128xf32, #tpu.memory_space<vmem>>
            %dma_wait3A_291 = tpu.memref_squeeze %dma_wait3A_290 : memref<1x128x128xf32, #tpu.memory_space<vmem>> -> memref<128x128xf32, #tpu.memory_space<vmem>>
            %dma_wait3A_292 = arith.constant 0 : i32
            %dma_wait3A_293 = tpu.memref_slice %arg6[%dma_wait3A_286, %dma_wait3A_292] : memref<4x128xi32, #tpu.memory_space<vmem>> -> memref<1x128xi32, #tpu.memory_space<vmem>>
            %dma_wait3A_294 = tpu.memref_squeeze %dma_wait3A_293 : memref<1x128xi32, #tpu.memory_space<vmem>> -> memref<128xi32, #tpu.memory_space<vmem>>
            %dma_wait3A_295 = arith.constant 0 : i32
            %dma_wait3A_296 = arith.constant 0 : i32
            %dma_wait3A_297 = tpu.memref_slice %arg2[%dma_wait3A_295, %dma_wait3A_296] : memref<10000x128xf32, #tpu.memory_space<hbm>> -> memref<10000x128xf32, #tpu.memory_space<hbm>>
            tpu.wait_indirect_dma semaphore(%arg15 : memref<!tpu.dma_semaphore, #tpu.memory_space<semaphore_mem>>) src(%dma_wait3A_297 : memref<10000x128xf32, #tpu.memory_space<hbm>>) dst(%dma_wait3A_291 : memref<128x128xf32, #tpu.memory_space<vmem>>)
          } else {
          }
          %add3A_271 = arith.constant 1 : i32
          %add3A_272 = arith.addi %scan3A_190, %add3A_271 : i32
          %rem3A_273 = arith.constant 4 : i32
          %rem3A_274 = arith.remsi %add3A_272, %rem3A_273 : i32
          %dma_start3A_275 = arith.constant 1 : i32
          %dma_start3A_276 = arith.constant 0 : i32
          %dma_start3A_277 = arith.constant 0 : i32
          %dma_start3A_278 = tpu.memref_slice %arg8[%dma_start3A_275, %dma_start3A_276, %dma_start3A_277] : memref<2x128x128xf32, #tpu.memory_space<vmem>> -> memref<1x128x128xf32, #tpu.memory_space<vmem>>
          %dma_start3A_279 = tpu.memref_squeeze %dma_start3A_278 : memref<1x128x128xf32, #tpu.memory_space<vmem>> -> memref<128x128xf32, #tpu.memory_space<vmem>>
          %dma_start3A_280 = arith.constant 0 : i32
          %dma_start3A_281 = tpu.memref_slice %arg6[%rem3A_274, %dma_start3A_280] : memref<4x128xi32, #tpu.memory_space<vmem>> -> memref<1x128xi32, #tpu.memory_space<vmem>>
          %dma_start3A_282 = tpu.memref_squeeze %dma_start3A_281 : memref<1x128xi32, #tpu.memory_space<vmem>> -> memref<128xi32, #tpu.memory_space<vmem>>
          %dma_start3A_283 = arith.constant 0 : i32
          %dma_start3A_284 = arith.constant 0 : i32
          %dma_start3A_285 = tpu.memref_slice %arg2[%dma_start3A_283, %dma_start3A_284] : memref<10000x128xf32, #tpu.memory_space<hbm>> -> memref<10000x128xf32, #tpu.memory_space<hbm>>
          tpu.enqueue_indirect_dma source(%dma_start3A_285 : memref<10000x128xf32, #tpu.memory_space<hbm>>) target(%dma_start3A_279 : memref<128x128xf32, #tpu.memory_space<vmem>>) offsets(%dma_start3A_282 : memref<128xi32, #tpu.memory_space<vmem>>) semaphore(%arg11 : memref<!tpu.dma_semaphore, #tpu.memory_space<semaphore_mem>>)
        } else {
        }
        %add3A_205 = arith.constant 3 : i32
        %add3A_206 = arith.addi %scan3A_190, %add3A_205 : i32
        %lt3A_207 = arith.constant 80 : i32
        %lt3A_208 = arith.cmpi slt, %add3A_206, %lt3A_207 : i32
        %convert_element_type3A_209 = arith.extui %lt3A_208 : i1 to i32
        %cond3A_210 = arith.constant 0 : i32
        %cond3A_211 = arith.cmpi ne, %convert_element_type3A_209, %cond3A_210 : i32
        scf.if %cond3A_211 {
          %add3A_237 = arith.constant 3 : i32
          %add3A_238 = arith.addi %scan3A_190, %add3A_237 : i32
          %rem3A_239 = arith.constant 4 : i32
          %rem3A_240 = arith.remsi %add3A_238, %rem3A_239 : i32
          %dma_start3A_241 = arith.constant 0 : i32
          %dma_start3A_242 = tpu.memref_slice %arg6[%rem3A_240, %dma_start3A_241] : memref<4x128xi32, #tpu.memory_space<vmem>> -> memref<1x128xi32, #tpu.memory_space<vmem>>
          %dma_start3A_243 = tpu.memref_squeeze %dma_start3A_242 : memref<1x128xi32, #tpu.memory_space<vmem>> -> memref<128xi32, #tpu.memory_space<vmem>>
          %dma_start3A_244 = arith.constant 0 : i32
          %dma_start3A_245 = tpu.memref_slice %arg3[%add3A, %add3A_238, %dma_start3A_244] : memref<32x80x128xi32, #tpu.memory_space<hbm>> -> memref<1x1x128xi32, #tpu.memory_space<hbm>>
          %dma_start3A_246 = tpu.memref_squeeze %dma_start3A_245 : memref<1x1x128xi32, #tpu.memory_space<hbm>> -> memref<128xi32, #tpu.memory_space<hbm>>
          %dma_start3A_247 = arith.constant 0 : i32
          %dma_start3A_248 = tpu.memref_slice %arg6[%rem3A_240, %dma_start3A_247] : memref<4x128xi32, #tpu.memory_space<vmem>> -> memref<1x128xi32, #tpu.memory_space<vmem>>
          %dma_start3A_249 = tpu.memref_squeeze %dma_start3A_248 : memref<1x128xi32, #tpu.memory_space<vmem>> -> memref<128xi32, #tpu.memory_space<vmem>>
          %dma_start3A_250 = arith.constant 0 : i32
          %dma_start3A_251 = tpu.memref_slice %arg3[%add3A, %add3A_238, %dma_start3A_250] : memref<32x80x128xi32, #tpu.memory_space<hbm>> -> memref<1x1x128xi32, #tpu.memory_space<hbm>>
          %dma_start3A_252 = tpu.memref_squeeze %dma_start3A_251 : memref<1x1x128xi32, #tpu.memory_space<hbm>> -> memref<128xi32, #tpu.memory_space<hbm>>
          tpu.enqueue_dma source(%dma_start3A_252 : memref<128xi32, #tpu.memory_space<hbm>>) target(%dma_start3A_249 : memref<128xi32, #tpu.memory_space<vmem>>) target_semaphore(%arg13 : memref<!tpu.dma_semaphore, #tpu.memory_space<semaphore_mem>>)
          %rem3A_253 = arith.constant 4 : i32
          %rem3A_254 = arith.remsi %add3A_238, %rem3A_253 : i32
          %dma_start3A_255 = arith.constant 0 : i32
          %dma_start3A_256 = tpu.memref_slice %arg7[%rem3A_254, %dma_start3A_255] : memref<4x128xi32, #tpu.memory_space<vmem>> -> memref<1x128xi32, #tpu.memory_space<vmem>>
          %dma_start3A_257 = tpu.memref_squeeze %dma_start3A_256 : memref<1x128xi32, #tpu.memory_space<vmem>> -> memref<128xi32, #tpu.memory_space<vmem>>
          %dma_start3A_258 = arith.constant 0 : i32
          %dma_start3A_259 = tpu.memref_slice %arg4[%add3A, %add3A_238, %dma_start3A_258] : memref<32x80x128xi32, #tpu.memory_space<hbm>> -> memref<1x1x128xi32, #tpu.memory_space<hbm>>
          %dma_start3A_260 = tpu.memref_squeeze %dma_start3A_259 : memref<1x1x128xi32, #tpu.memory_space<hbm>> -> memref<128xi32, #tpu.memory_space<hbm>>
          %dma_start3A_261 = arith.constant 0 : i32
          %dma_start3A_262 = tpu.memref_slice %arg7[%rem3A_254, %dma_start3A_261] : memref<4x128xi32, #tpu.memory_space<vmem>> -> memref<1x128xi32, #tpu.memory_space<vmem>>
          %dma_start3A_263 = tpu.memref_squeeze %dma_start3A_262 : memref<1x128xi32, #tpu.memory_space<vmem>> -> memref<128xi32, #tpu.memory_space<vmem>>
          %dma_start3A_264 = arith.constant 0 : i32
          %dma_start3A_265 = tpu.memref_slice %arg4[%add3A, %add3A_238, %dma_start3A_264] : memref<32x80x128xi32, #tpu.memory_space<hbm>> -> memref<1x1x128xi32, #tpu.memory_space<hbm>>
          %dma_start3A_266 = tpu.memref_squeeze %dma_start3A_265 : memref<1x1x128xi32, #tpu.memory_space<hbm>> -> memref<128xi32, #tpu.memory_space<hbm>>
          tpu.enqueue_dma source(%dma_start3A_266 : memref<128xi32, #tpu.memory_space<hbm>>) target(%dma_start3A_263 : memref<128xi32, #tpu.memory_space<vmem>>) target_semaphore(%arg13 : memref<!tpu.dma_semaphore, #tpu.memory_space<semaphore_mem>>)
        } else {
        }
        %dma_wait3A_212 = arith.constant 0 : i32
        %dma_wait3A_213 = arith.constant 0 : i32
        %dma_wait3A_214 = arith.constant 0 : i32
        %dma_wait3A_215 = arith.constant 0 : i32
        %dma_wait3A_216 = tpu.memref_slice %arg8[%dma_wait3A_213, %dma_wait3A_214, %dma_wait3A_215] : memref<2x128x128xf32, #tpu.memory_space<vmem>> -> memref<1x128x128xf32, #tpu.memory_space<vmem>>
        %dma_wait3A_217 = tpu.memref_squeeze %dma_wait3A_216 : memref<1x128x128xf32, #tpu.memory_space<vmem>> -> memref<128x128xf32, #tpu.memory_space<vmem>>
        %dma_wait3A_218 = arith.constant 0 : i32
        %dma_wait3A_219 = tpu.memref_slice %arg6[%dma_wait3A_212, %dma_wait3A_218] : memref<4x128xi32, #tpu.memory_space<vmem>> -> memref<1x128xi32, #tpu.memory_space<vmem>>
        %dma_wait3A_220 = tpu.memref_squeeze %dma_wait3A_219 : memref<1x128xi32, #tpu.memory_space<vmem>> -> memref<128xi32, #tpu.memory_space<vmem>>
        %dma_wait3A_221 = arith.constant 0 : i32
        %dma_wait3A_222 = arith.constant 0 : i32
        %dma_wait3A_223 = tpu.memref_slice %arg2[%dma_wait3A_221, %dma_wait3A_222] : memref<10000x128xf32, #tpu.memory_space<hbm>> -> memref<10000x128xf32, #tpu.memory_space<hbm>>
        tpu.wait_indirect_dma semaphore(%arg10 : memref<!tpu.dma_semaphore, #tpu.memory_space<semaphore_mem>>) src(%dma_wait3A_223 : memref<10000x128xf32, #tpu.memory_space<hbm>>) dst(%dma_wait3A_217 : memref<128x128xf32, #tpu.memory_space<vmem>>)
        %rem3A_224 = arith.constant 4 : i32
        %rem3A_225 = arith.remsi %scan3A_190, %rem3A_224 : i32
        %dma_start3A_226 = arith.constant 0 : i32
        %dma_start3A_227 = arith.constant 0 : i32
        %dma_start3A_228 = arith.constant 0 : i32
        %dma_start3A_229 = tpu.memref_slice %arg8[%dma_start3A_226, %dma_start3A_227, %dma_start3A_228] : memref<2x128x128xf32, #tpu.memory_space<vmem>> -> memref<1x128x128xf32, #tpu.memory_space<vmem>>
        %dma_start3A_230 = tpu.memref_squeeze %dma_start3A_229 : memref<1x128x128xf32, #tpu.memory_space<vmem>> -> memref<128x128xf32, #tpu.memory_space<vmem>>
        %dma_start3A_231 = arith.constant 0 : i32
        %dma_start3A_232 = tpu.memref_slice %arg7[%rem3A_225, %dma_start3A_231] : memref<4x128xi32, #tpu.memory_space<vmem>> -> memref<1x128xi32, #tpu.memory_space<vmem>>
        %dma_start3A_233 = tpu.memref_squeeze %dma_start3A_232 : memref<1x128xi32, #tpu.memory_space<vmem>> -> memref<128xi32, #tpu.memory_space<vmem>>
        %dma_start3A_234 = arith.constant 0 : i32
        %dma_start3A_235 = arith.constant 0 : i32
        %dma_start3A_236 = tpu.memref_slice %arg9[%dma_start3A_234, %dma_start3A_235] : memref<10240x128xf32, #tpu.memory_space<vmem_shared>> -> memref<10240x128xf32, #tpu.memory_space<vmem_shared>>
        tpu.enqueue_indirect_dma source(%dma_start3A_230 : memref<128x128xf32, #tpu.memory_space<vmem>>) target(%dma_start3A_236 : memref<10240x128xf32, #tpu.memory_space<vmem_shared>>) offsets(%dma_start3A_233 : memref<128xi32, #tpu.memory_space<vmem>>) semaphore(%arg14 : memref<!tpu.dma_semaphore, #tpu.memory_space<semaphore_mem>>) {add = true}
      } else {
      }
      %not3A = arith.constant true
      %not3A_195 = arith.xori %eq3A_193, %not3A : i1
      %convert_element_type3A_196 = arith.extui %not3A_195 : i1 to i32
      %cond3A_197 = arith.constant 0 : i32
      %cond3A_198 = arith.cmpi ne, %convert_element_type3A_196, %cond3A_197 : i32
      scf.if %cond3A_198 {
        %add3A_199 = arith.constant 1 : i32
        %add3A_200 = arith.addi %scan3A_190, %add3A_199 : i32
        %lt3A = arith.constant 80 : i32
        %lt3A_201 = arith.cmpi slt, %add3A_200, %lt3A : i32
        %convert_element_type3A_202 = arith.extui %lt3A_201 : i1 to i32
        %cond3A_203 = arith.constant 0 : i32
        %cond3A_204 = arith.cmpi ne, %convert_element_type3A_202, %cond3A_203 : i32
        scf.if %cond3A_204 {
          %dma_wait3A_237 = arith.constant 0 : i32
          %dma_wait3A_238 = arith.constant 0 : i32
          %dma_wait3A_239 = arith.constant 0 : i32
          %dma_wait3A_240 = arith.constant 0 : i32
          %dma_wait3A_241 = tpu.memref_slice %arg6[%dma_wait3A_239, %dma_wait3A_240] : memref<4x128xi32, #tpu.memory_space<vmem>> -> memref<1x128xi32, #tpu.memory_space<vmem>>
          %dma_wait3A_242 = tpu.memref_squeeze %dma_wait3A_241 : memref<1x128xi32, #tpu.memory_space<vmem>> -> memref<128xi32, #tpu.memory_space<vmem>>
          %dma_wait3A_243 = arith.constant 0 : i32
          %dma_wait3A_244 = tpu.memref_slice %arg3[%dma_wait3A_237, %dma_wait3A_238, %dma_wait3A_243] : memref<32x80x128xi32, #tpu.memory_space<hbm>> -> memref<1x1x128xi32, #tpu.memory_space<hbm>>
          %dma_wait3A_245 = tpu.memref_squeeze %dma_wait3A_244 : memref<1x1x128xi32, #tpu.memory_space<hbm>> -> memref<128xi32, #tpu.memory_space<hbm>>
          %dma_wait3A_246 = arith.constant 0 : i32
          %dma_wait3A_247 = tpu.memref_slice %arg6[%dma_wait3A_239, %dma_wait3A_246] : memref<4x128xi32, #tpu.memory_space<vmem>> -> memref<1x128xi32, #tpu.memory_space<vmem>>
          %dma_wait3A_248 = tpu.memref_squeeze %dma_wait3A_247 : memref<1x128xi32, #tpu.memory_space<vmem>> -> memref<128xi32, #tpu.memory_space<vmem>>
          %dma_wait3A_249 = arith.constant 0 : i32
          %dma_wait3A_250 = tpu.memref_slice %arg3[%dma_wait3A_237, %dma_wait3A_238, %dma_wait3A_249] : memref<32x80x128xi32, #tpu.memory_space<hbm>> -> memref<1x1x128xi32, #tpu.memory_space<hbm>>
          %dma_wait3A_251 = tpu.memref_squeeze %dma_wait3A_250 : memref<1x1x128xi32, #tpu.memory_space<hbm>> -> memref<128xi32, #tpu.memory_space<hbm>>
          tpu.wait_dma2 semaphore(%arg12 : memref<!tpu.dma_semaphore, #tpu.memory_space<semaphore_mem>>) src(%dma_wait3A_251 : memref<128xi32, #tpu.memory_space<hbm>>) dst(%dma_wait3A_248 : memref<128xi32, #tpu.memory_space<vmem>>)
          %dma_wait3A_252 = arith.constant 0 : i32
          %dma_wait3A_253 = arith.constant 0 : i32
          %dma_wait3A_254 = arith.constant 0 : i32
          %dma_wait3A_255 = arith.constant 0 : i32
          %dma_wait3A_256 = tpu.memref_slice %arg6[%dma_wait3A_254, %dma_wait3A_255] : memref<4x128xi32, #tpu.memory_space<vmem>> -> memref<1x128xi32, #tpu.memory_space<vmem>>
          %dma_wait3A_257 = tpu.memref_squeeze %dma_wait3A_256 : memref<1x128xi32, #tpu.memory_space<vmem>> -> memref<128xi32, #tpu.memory_space<vmem>>
          %dma_wait3A_258 = arith.constant 0 : i32
          %dma_wait3A_259 = tpu.memref_slice %arg3[%dma_wait3A_252, %dma_wait3A_253, %dma_wait3A_258] : memref<32x80x128xi32, #tpu.memory_space<hbm>> -> memref<1x1x128xi32, #tpu.memory_space<hbm>>
          %dma_wait3A_260 = tpu.memref_squeeze %dma_wait3A_259 : memref<1x1x128xi32, #tpu.memory_space<hbm>> -> memref<128xi32, #tpu.memory_space<hbm>>
          %dma_wait3A_261 = arith.constant 0 : i32
          %dma_wait3A_262 = tpu.memref_slice %arg6[%dma_wait3A_254, %dma_wait3A_261] : memref<4x128xi32, #tpu.memory_space<vmem>> -> memref<1x128xi32, #tpu.memory_space<vmem>>
          %dma_wait3A_263 = tpu.memref_squeeze %dma_wait3A_262 : memref<1x128xi32, #tpu.memory_space<vmem>> -> memref<128xi32, #tpu.memory_space<vmem>>
          %dma_wait3A_264 = arith.constant 0 : i32
          %dma_wait3A_265 = tpu.memref_slice %arg3[%dma_wait3A_252, %dma_wait3A_253, %dma_wait3A_264] : memref<32x80x128xi32, #tpu.memory_space<hbm>> -> memref<1x1x128xi32, #tpu.memory_space<hbm>>
          %dma_wait3A_266 = tpu.memref_squeeze %dma_wait3A_265 : memref<1x1x128xi32, #tpu.memory_space<hbm>> -> memref<128xi32, #tpu.memory_space<hbm>>
          tpu.wait_dma2 semaphore(%arg12 : memref<!tpu.dma_semaphore, #tpu.memory_space<semaphore_mem>>) src(%dma_wait3A_266 : memref<128xi32, #tpu.memory_space<hbm>>) dst(%dma_wait3A_263 : memref<128xi32, #tpu.memory_space<vmem>>)
          %ge3A = arith.constant 1 : i32
          %ge3A_267 = arith.cmpi sge, %scan3A_190, %ge3A : i32
          %convert_element_type3A_268 = arith.extui %ge3A_267 : i1 to i32
          %cond3A_269 = arith.constant 0 : i32
          %cond3A_270 = arith.cmpi ne, %convert_element_type3A_268, %cond3A_269 : i32
          scf.if %cond3A_270 {
            %dma_wait3A_286 = arith.constant 0 : i32
            %dma_wait3A_287 = arith.constant 0 : i32
            %dma_wait3A_288 = arith.constant 0 : i32
            %dma_wait3A_289 = arith.constant 0 : i32
            %dma_wait3A_290 = tpu.memref_slice %arg8[%dma_wait3A_287, %dma_wait3A_288, %dma_wait3A_289] : memref<2x128x128xf32, #tpu.memory_space<vmem>> -> memref<1x128x128xf32, #tpu.memory_space<vmem>>
            %dma_wait3A_291 = tpu.memref_squeeze %dma_wait3A_290 : memref<1x128x128xf32, #tpu.memory_space<vmem>> -> memref<128x128xf32, #tpu.memory_space<vmem>>
            %dma_wait3A_292 = arith.constant 0 : i32
            %dma_wait3A_293 = tpu.memref_slice %arg6[%dma_wait3A_286, %dma_wait3A_292] : memref<4x128xi32, #tpu.memory_space<vmem>> -> memref<1x128xi32, #tpu.memory_space<vmem>>
            %dma_wait3A_294 = tpu.memref_squeeze %dma_wait3A_293 : memref<1x128xi32, #tpu.memory_space<vmem>> -> memref<128xi32, #tpu.memory_space<vmem>>
            %dma_wait3A_295 = arith.constant 0 : i32
            %dma_wait3A_296 = arith.constant 0 : i32
            %dma_wait3A_297 = tpu.memref_slice %arg2[%dma_wait3A_295, %dma_wait3A_296] : memref<10000x128xf32, #tpu.memory_space<hbm>> -> memref<10000x128xf32, #tpu.memory_space<hbm>>
            tpu.wait_indirect_dma semaphore(%arg14 : memref<!tpu.dma_semaphore, #tpu.memory_space<semaphore_mem>>) src(%dma_wait3A_297 : memref<10000x128xf32, #tpu.memory_space<hbm>>) dst(%dma_wait3A_291 : memref<128x128xf32, #tpu.memory_space<vmem>>)
          } else {
          }
          %add3A_271 = arith.constant 1 : i32
          %add3A_272 = arith.addi %scan3A_190, %add3A_271 : i32
          %rem3A_273 = arith.constant 4 : i32
          %rem3A_274 = arith.remsi %add3A_272, %rem3A_273 : i32
          %dma_start3A_275 = arith.constant 0 : i32
          %dma_start3A_276 = arith.constant 0 : i32
          %dma_start3A_277 = arith.constant 0 : i32
          %dma_start3A_278 = tpu.memref_slice %arg8[%dma_start3A_275, %dma_start3A_276, %dma_start3A_277] : memref<2x128x128xf32, #tpu.memory_space<vmem>> -> memref<1x128x128xf32, #tpu.memory_space<vmem>>
          %dma_start3A_279 = tpu.memref_squeeze %dma_start3A_278 : memref<1x128x128xf32, #tpu.memory_space<vmem>> -> memref<128x128xf32, #tpu.memory_space<vmem>>
          %dma_start3A_280 = arith.constant 0 : i32
          %dma_start3A_281 = tpu.memref_slice %arg6[%rem3A_274, %dma_start3A_280] : memref<4x128xi32, #tpu.memory_space<vmem>> -> memref<1x128xi32, #tpu.memory_space<vmem>>
          %dma_start3A_282 = tpu.memref_squeeze %dma_start3A_281 : memref<1x128xi32, #tpu.memory_space<vmem>> -> memref<128xi32, #tpu.memory_space<vmem>>
          %dma_start3A_283 = arith.constant 0 : i32
          %dma_start3A_284 = arith.constant 0 : i32
          %dma_start3A_285 = tpu.memref_slice %arg2[%dma_start3A_283, %dma_start3A_284] : memref<10000x128xf32, #tpu.memory_space<hbm>> -> memref<10000x128xf32, #tpu.memory_space<hbm>>
          tpu.enqueue_indirect_dma source(%dma_start3A_285 : memref<10000x128xf32, #tpu.memory_space<hbm>>) target(%dma_start3A_279 : memref<128x128xf32, #tpu.memory_space<vmem>>) offsets(%dma_start3A_282 : memref<128xi32, #tpu.memory_space<vmem>>) semaphore(%arg10 : memref<!tpu.dma_semaphore, #tpu.memory_space<semaphore_mem>>)
        } else {
        }
        %add3A_205 = arith.constant 3 : i32
        %add3A_206 = arith.addi %scan3A_190, %add3A_205 : i32
        %lt3A_207 = arith.constant 80 : i32
        %lt3A_208 = arith.cmpi slt, %add3A_206, %lt3A_207 : i32
        %convert_element_type3A_209 = arith.extui %lt3A_208 : i1 to i32
        %cond3A_210 = arith.constant 0 : i32
        %cond3A_211 = arith.cmpi ne, %convert_element_type3A_209, %cond3A_210 : i32
        scf.if %cond3A_211 {
          %add3A_237 = arith.constant 3 : i32
          %add3A_238 = arith.addi %scan3A_190, %add3A_237 : i32
          %rem3A_239 = arith.constant 4 : i32
          %rem3A_240 = arith.remsi %add3A_238, %rem3A_239 : i32
          %dma_start3A_241 = arith.constant 0 : i32
          %dma_start3A_242 = tpu.memref_slice %arg6[%rem3A_240, %dma_start3A_241] : memref<4x128xi32, #tpu.memory_space<vmem>> -> memref<1x128xi32, #tpu.memory_space<vmem>>
          %dma_start3A_243 = tpu.memref_squeeze %dma_start3A_242 : memref<1x128xi32, #tpu.memory_space<vmem>> -> memref<128xi32, #tpu.memory_space<vmem>>
          %dma_start3A_244 = arith.constant 0 : i32
          %dma_start3A_245 = tpu.memref_slice %arg3[%add3A, %add3A_238, %dma_start3A_244] : memref<32x80x128xi32, #tpu.memory_space<hbm>> -> memref<1x1x128xi32, #tpu.memory_space<hbm>>
          %dma_start3A_246 = tpu.memref_squeeze %dma_start3A_245 : memref<1x1x128xi32, #tpu.memory_space<hbm>> -> memref<128xi32, #tpu.memory_space<hbm>>
          %dma_start3A_247 = arith.constant 0 : i32
          %dma_start3A_248 = tpu.memref_slice %arg6[%rem3A_240, %dma_start3A_247] : memref<4x128xi32, #tpu.memory_space<vmem>> -> memref<1x128xi32, #tpu.memory_space<vmem>>
          %dma_start3A_249 = tpu.memref_squeeze %dma_start3A_248 : memref<1x128xi32, #tpu.memory_space<vmem>> -> memref<128xi32, #tpu.memory_space<vmem>>
          %dma_start3A_250 = arith.constant 0 : i32
          %dma_start3A_251 = tpu.memref_slice %arg3[%add3A, %add3A_238, %dma_start3A_250] : memref<32x80x128xi32, #tpu.memory_space<hbm>> -> memref<1x1x128xi32, #tpu.memory_space<hbm>>
          %dma_start3A_252 = tpu.memref_squeeze %dma_start3A_251 : memref<1x1x128xi32, #tpu.memory_space<hbm>> -> memref<128xi32, #tpu.memory_space<hbm>>
          tpu.enqueue_dma source(%dma_start3A_252 : memref<128xi32, #tpu.memory_space<hbm>>) target(%dma_start3A_249 : memref<128xi32, #tpu.memory_space<vmem>>) target_semaphore(%arg12 : memref<!tpu.dma_semaphore, #tpu.memory_space<semaphore_mem>>)
          %rem3A_253 = arith.constant 4 : i32
          %rem3A_254 = arith.remsi %add3A_238, %rem3A_253 : i32
          %dma_start3A_255 = arith.constant 0 : i32
          %dma_start3A_256 = tpu.memref_slice %arg7[%rem3A_254, %dma_start3A_255] : memref<4x128xi32, #tpu.memory_space<vmem>> -> memref<1x128xi32, #tpu.memory_space<vmem>>
          %dma_start3A_257 = tpu.memref_squeeze %dma_start3A_256 : memref<1x128xi32, #tpu.memory_space<vmem>> -> memref<128xi32, #tpu.memory_space<vmem>>
          %dma_start3A_258 = arith.constant 0 : i32
          %dma_start3A_259 = tpu.memref_slice %arg4[%add3A, %add3A_238, %dma_start3A_258] : memref<32x80x128xi32, #tpu.memory_space<hbm>> -> memref<1x1x128xi32, #tpu.memory_space<hbm>>
          %dma_start3A_260 = tpu.memref_squeeze %dma_start3A_259 : memref<1x1x128xi32, #tpu.memory_space<hbm>> -> memref<128xi32, #tpu.memory_space<hbm>>
          %dma_start3A_261 = arith.constant 0 : i32
          %dma_start3A_262 = tpu.memref_slice %arg7[%rem3A_254, %dma_start3A_261] : memref<4x128xi32, #tpu.memory_space<vmem>> -> memref<1x128xi32, #tpu.memory_space<vmem>>
          %dma_start3A_263 = tpu.memref_squeeze %dma_start3A_262 : memref<1x128xi32, #tpu.memory_space<vmem>> -> memref<128xi32, #tpu.memory_space<vmem>>
          %dma_start3A_264 = arith.constant 0 : i32
          %dma_start3A_265 = tpu.memref_slice %arg4[%add3A, %add3A_238, %dma_start3A_264] : memref<32x80x128xi32, #tpu.memory_space<hbm>> -> memref<1x1x128xi32, #tpu.memory_space<hbm>>
          %dma_start3A_266 = tpu.memref_squeeze %dma_start3A_265 : memref<1x1x128xi32, #tpu.memory_space<hbm>> -> memref<128xi32, #tpu.memory_space<hbm>>
          tpu.enqueue_dma source(%dma_start3A_266 : memref<128xi32, #tpu.memory_space<hbm>>) target(%dma_start3A_263 : memref<128xi32, #tpu.memory_space<vmem>>) target_semaphore(%arg12 : memref<!tpu.dma_semaphore, #tpu.memory_space<semaphore_mem>>)
        } else {
        }
        %dma_wait3A_212 = arith.constant 0 : i32
        %dma_wait3A_213 = arith.constant 1 : i32
        %dma_wait3A_214 = arith.constant 0 : i32
        %dma_wait3A_215 = arith.constant 0 : i32
        %dma_wait3A_216 = tpu.memref_slice %arg8[%dma_wait3A_213, %dma_wait3A_214, %dma_wait3A_215] : memref<2x128x128xf32, #tpu.memory_space<vmem>> -> memref<1x128x128xf32, #tpu.memory_space<vmem>>
        %dma_wait3A_217 = tpu.memref_squeeze %dma_wait3A_216 : memref<1x128x128xf32, #tpu.memory_space<vmem>> -> memref<128x128xf32, #tpu.memory_space<vmem>>
        %dma_wait3A_218 = arith.constant 0 : i32
        %dma_wait3A_219 = tpu.memref_slice %arg6[%dma_wait3A_212, %dma_wait3A_218] : memref<4x128xi32, #tpu.memory_space<vmem>> -> memref<1x128xi32, #tpu.memory_space<vmem>>
        %dma_wait3A_220 = tpu.memref_squeeze %dma_wait3A_219 : memref<1x128xi32, #tpu.memory_space<vmem>> -> memref<128xi32, #tpu.memory_space<vmem>>
        %dma_wait3A_221 = arith.constant 0 : i32
        %dma_wait3A_222 = arith.constant 0 : i32
        %dma_wait3A_223 = tpu.memref_slice %arg2[%dma_wait3A_221, %dma_wait3A_222] : memref<10000x128xf32, #tpu.memory_space<hbm>> -> memref<10000x128xf32, #tpu.memory_space<hbm>>
        tpu.wait_indirect_dma semaphore(%arg11 : memref<!tpu.dma_semaphore, #tpu.memory_space<semaphore_mem>>) src(%dma_wait3A_223 : memref<10000x128xf32, #tpu.memory_space<hbm>>) dst(%dma_wait3A_217 : memref<128x128xf32, #tpu.memory_space<vmem>>)
        %rem3A_224 = arith.constant 4 : i32
        %rem3A_225 = arith.remsi %scan3A_190, %rem3A_224 : i32
        %dma_start3A_226 = arith.constant 1 : i32
        %dma_start3A_227 = arith.constant 0 : i32
        %dma_start3A_228 = arith.constant 0 : i32
        %dma_start3A_229 = tpu.memref_slice %arg8[%dma_start3A_226, %dma_start3A_227, %dma_start3A_228] : memref<2x128x128xf32, #tpu.memory_space<vmem>> -> memref<1x128x128xf32, #tpu.memory_space<vmem>>
        %dma_start3A_230 = tpu.memref_squeeze %dma_start3A_229 : memref<1x128x128xf32, #tpu.memory_space<vmem>> -> memref<128x128xf32, #tpu.memory_space<vmem>>
        %dma_start3A_231 = arith.constant 0 : i32
        %dma_start3A_232 = tpu.memref_slice %arg7[%rem3A_225, %dma_start3A_231] : memref<4x128xi32, #tpu.memory_space<vmem>> -> memref<1x128xi32, #tpu.memory_space<vmem>>
        %dma_start3A_233 = tpu.memref_squeeze %dma_start3A_232 : memref<1x128xi32, #tpu.memory_space<vmem>> -> memref<128xi32, #tpu.memory_space<vmem>>
        %dma_start3A_234 = arith.constant 0 : i32
        %dma_start3A_235 = arith.constant 0 : i32
        %dma_start3A_236 = tpu.memref_slice %arg9[%dma_start3A_234, %dma_start3A_235] : memref<10240x128xf32, #tpu.memory_space<vmem_shared>> -> memref<10240x128xf32, #tpu.memory_space<vmem_shared>>
        tpu.enqueue_indirect_dma source(%dma_start3A_230 : memref<128x128xf32, #tpu.memory_space<vmem>>) target(%dma_start3A_236 : memref<10240x128xf32, #tpu.memory_space<vmem_shared>>) offsets(%dma_start3A_233 : memref<128xi32, #tpu.memory_space<vmem>>) semaphore(%arg15 : memref<!tpu.dma_semaphore, #tpu.memory_space<semaphore_mem>>) {add = true}
      } else {
      }
    }
    %scan3A_164 = arith.constant 80 : i32
    %dma_wait3A_165 = arith.constant 0 : i32
    %dma_wait3A_166 = arith.constant 0 : i32
    %dma_wait3A_167 = arith.constant 0 : i32
    %dma_wait3A_168 = arith.constant 0 : i32
    %dma_wait3A_169 = tpu.memref_slice %arg8[%dma_wait3A_166, %dma_wait3A_167, %dma_wait3A_168] : memref<2x128x128xf32, #tpu.memory_space<vmem>> -> memref<1x128x128xf32, #tpu.memory_space<vmem>>
    %dma_wait3A_170 = tpu.memref_squeeze %dma_wait3A_169 : memref<1x128x128xf32, #tpu.memory_space<vmem>> -> memref<128x128xf32, #tpu.memory_space<vmem>>
    %dma_wait3A_171 = arith.constant 0 : i32
    %dma_wait3A_172 = tpu.memref_slice %arg6[%dma_wait3A_165, %dma_wait3A_171] : memref<4x128xi32, #tpu.memory_space<vmem>> -> memref<1x128xi32, #tpu.memory_space<vmem>>
    %dma_wait3A_173 = tpu.memref_squeeze %dma_wait3A_172 : memref<1x128xi32, #tpu.memory_space<vmem>> -> memref<128xi32, #tpu.memory_space<vmem>>
    %dma_wait3A_174 = arith.constant 0 : i32
    %dma_wait3A_175 = arith.constant 0 : i32
    %dma_wait3A_176 = tpu.memref_slice %arg2[%dma_wait3A_174, %dma_wait3A_175] : memref<10000x128xf32, #tpu.memory_space<hbm>> -> memref<10000x128xf32, #tpu.memory_space<hbm>>
    tpu.wait_indirect_dma semaphore(%arg14 : memref<!tpu.dma_semaphore, #tpu.memory_space<semaphore_mem>>) src(%dma_wait3A_176 : memref<10000x128xf32, #tpu.memory_space<hbm>>) dst(%dma_wait3A_170 : memref<128x128xf32, #tpu.memory_space<vmem>>)
    %dma_wait3A_177 = arith.constant 0 : i32
    %dma_wait3A_178 = arith.constant 1 : i32
    %dma_wait3A_179 = arith.constant 0 : i32
    %dma_wait3A_180 = arith.constant 0 : i32
    %dma_wait3A_181 = tpu.memref_slice %arg8[%dma_wait3A_178, %dma_wait3A_179, %dma_wait3A_180] : memref<2x128x128xf32, #tpu.memory_space<vmem>> -> memref<1x128x128xf32, #tpu.memory_space<vmem>>
    %dma_wait3A_182 = tpu.memref_squeeze %dma_wait3A_181 : memref<1x128x128xf32, #tpu.memory_space<vmem>> -> memref<128x128xf32, #tpu.memory_space<vmem>>
    %dma_wait3A_183 = arith.constant 0 : i32
    %dma_wait3A_184 = tpu.memref_slice %arg6[%dma_wait3A_177, %dma_wait3A_183] : memref<4x128xi32, #tpu.memory_space<vmem>> -> memref<1x128xi32, #tpu.memory_space<vmem>>
    %dma_wait3A_185 = tpu.memref_squeeze %dma_wait3A_184 : memref<1x128xi32, #tpu.memory_space<vmem>> -> memref<128xi32, #tpu.memory_space<vmem>>
    %dma_wait3A_186 = arith.constant 0 : i32
    %dma_wait3A_187 = arith.constant 0 : i32
    %dma_wait3A_188 = tpu.memref_slice %arg2[%dma_wait3A_186, %dma_wait3A_187] : memref<10000x128xf32, #tpu.memory_space<hbm>> -> memref<10000x128xf32, #tpu.memory_space<hbm>>
    tpu.wait_indirect_dma semaphore(%arg15 : memref<!tpu.dma_semaphore, #tpu.memory_space<semaphore_mem>>) src(%dma_wait3A_188 : memref<10000x128xf32, #tpu.memory_space<hbm>>) dst(%dma_wait3A_182 : memref<128x128xf32, #tpu.memory_space<vmem>>)
    %barrier3A_189 = arith.constant 0 : index
    tpu.barrier barrier_id(%barrier3A_189)
    "tpu.region"() ({
      %run_scoped3A_190 = tpu.sem_alloc : memref<!tpu.dma_semaphore, #tpu.memory_space<semaphore_mem>>
      %dma_start3A_191 = arith.constant 0 : i32
      %dma_start3A_192 = tpu.memref_slice %arg5[%arg0, %mul3A_7, %dma_start3A_191] : memref<2x10240x128xf32, #tpu.memory_space<hbm>> -> memref<1x640x128xf32, #tpu.memory_space<hbm>>
      %dma_start3A_193 = tpu.memref_squeeze %dma_start3A_192 : memref<1x640x128xf32, #tpu.memory_space<hbm>> -> memref<640x128xf32, #tpu.memory_space<hbm>>
      %dma_start3A_194 = arith.constant 0 : i32
      %dma_start3A_195 = tpu.memref_slice %arg9[%mul3A_7, %dma_start3A_194] : memref<10240x128xf32, #tpu.memory_space<vmem_shared>> -> memref<640x128xf32, #tpu.memory_space<vmem_shared>>
      tpu.enqueue_dma source(%dma_start3A_195 : memref<640x128xf32, #tpu.memory_space<vmem_shared>>) target(%dma_start3A_193 : memref<640x128xf32, #tpu.memory_space<hbm>>) target_semaphore(%run_scoped3A_190 : memref<!tpu.dma_semaphore, #tpu.memory_space<semaphore_mem>>)
      %dma_wait3A_196 = arith.constant 0 : i32
      %dma_wait3A_197 = tpu.memref_slice %arg5[%arg0, %mul3A_7, %dma_wait3A_196] : memref<2x10240x128xf32, #tpu.memory_space<hbm>> -> memref<1x640x128xf32, #tpu.memory_space<hbm>>
      %dma_wait3A_198 = tpu.memref_squeeze %dma_wait3A_197 : memref<1x640x128xf32, #tpu.memory_space<hbm>> -> memref<640x128xf32, #tpu.memory_space<hbm>>
      %dma_wait3A_199 = arith.constant 0 : i32
      %dma_wait3A_200 = tpu.memref_slice %arg9[%mul3A_7, %dma_wait3A_199] : memref<10240x128xf32, #tpu.memory_space<vmem_shared>> -> memref<640x128xf32, #tpu.memory_space<vmem_shared>>
      tpu.wait_dma2 semaphore(%run_scoped3A_190 : memref<!tpu.dma_semaphore, #tpu.memory_space<semaphore_mem>>) src(%dma_wait3A_200 : memref<640x128xf32, #tpu.memory_space<vmem_shared>>) dst(%dma_wait3A_198 : memref<640x128xf32, #tpu.memory_space<hbm>>)
      tpu.yield
    }) : () -> ()
    return
  }
}

#map = affine_map<(d0, d1) -> (0, 0)>
#map1 = affine_map<(d0, d1) -> (0, 0, 0)>
module attributes {stable_mosaic.version = 14 : i64} {
  func.func @_seg_call(%arg0: i32, %arg1: i32, %arg2: memref<10000x128xf32, #tpu.memory_space<hbm>>, %arg3: memref<32x80x128xi32, #tpu.memory_space<hbm>>, %arg4: memref<32x80x128xi32, #tpu.memory_space<hbm>>, %arg5: memref<2x10240x128xf32, #tpu.memory_space<hbm>>, %arg6: memref<4x128xi32, #tpu.memory_space<vmem>>, %arg7: memref<4x128xi32, #tpu.memory_space<vmem>>, %arg8: memref<2x128x128xf32, #tpu.memory_space<vmem>>, %arg9: memref<10240x128xf32, #tpu.memory_space<vmem_shared>>, %arg10: memref<!tpu.dma_semaphore, #tpu.memory_space<semaphore_mem>>, %arg11: memref<!tpu.dma_semaphore, #tpu.memory_space<semaphore_mem>>, %arg12: memref<!tpu.dma_semaphore, #tpu.memory_space<semaphore_mem>>, %arg13: memref<!tpu.dma_semaphore, #tpu.memory_space<semaphore_mem>>, %arg14: memref<!tpu.dma_semaphore, #tpu.memory_space<semaphore_mem>>, %arg15: memref<!tpu.dma_semaphore, #tpu.memory_space<semaphore_mem>>) attributes {dimension_semantics = [#tpu.dimension_semantics<core_parallel>, #tpu.dimension_semantics<subcore_parallel>], iteration_bounds = array<i64: 2, 16>, scalar_prefetch = 0 : i64, scratch_operands = 10 : i64, tpu.core_type = #tpu.core_type<sc_vector_subcore>, window_params = [{transform_indices = #map}, {transform_indices = #map1}, {transform_indices = #map1}, {transform_indices = #map1}]} {
    %mul3A = arith.constant 16 : i32
    %mul3A_0 = arith.muli %arg0, %mul3A : i32
    %add3A = arith.addi %mul3A_0, %arg1 : i32
    %scan3A = arith.constant 0 : i32
    %scan3A_1 = arith.constant 0 : i32
    %scan3A_2 = arith.constant 128 : i32
    %scan3A_3 = arith.addi %scan3A_1, %scan3A_2 : i32
    %scan3A_4 = arith.constant 1 : i32
    scf.for %scan3A_190 = %scan3A_1 to %scan3A_3 step %scan3A_4  : i32 {
      %broadcast_in_dim3A = arith.constant 0.000000e+00 : f32
      %broadcast_in_dim3A_191 = vector.broadcast %broadcast_in_dim3A : f32 to vector<16xf32>
      %swap3A = arith.constant 0 : i32
      %swap3A_192 = arith.index_cast %swap3A : i32 to index
      %swap3A_193 = arith.index_cast %scan3A_190 : i32 to index
      %swap3A_194 = arith.constant 0 : index
      %swap3A_195 = tpu.vector_load %arg8[%swap3A_192, %swap3A_193, %swap3A_194] {strides = array<i32>} : memref<2x128x128xf32, #tpu.memory_space<vmem>>, vector<1x1x16xf32>,
      %swap3A_196 = vector.shape_cast %swap3A_195 : vector<1x1x16xf32> to vector<16xf32>
      %swap3A_197 = vector.shape_cast %broadcast_in_dim3A_191 : vector<16xf32> to vector<1x1x16xf32>
      tpu.vector_store %arg8[%swap3A_192, %swap3A_193, %swap3A_194], %swap3A_197 {strides = array<i32>} : memref<2x128x128xf32, #tpu.memory_space<vmem>>, vector<1x1x16xf32>,
      %broadcast_in_dim3A_198 = arith.constant 0.000000e+00 : f32
      %broadcast_in_dim3A_199 = vector.broadcast %broadcast_in_dim3A_198 : f32 to vector<16xf32>
      %swap3A_200 = arith.constant 0 : i32
      %swap3A_201 = arith.index_cast %swap3A_200 : i32 to index
      %swap3A_202 = arith.index_cast %scan3A_190 : i32 to index
      %swap3A_203 = arith.constant 16 : index
      %swap3A_204 = tpu.vector_load %arg8[%swap3A_201, %swap3A_202, %swap3A_203] {strides = array<i32>} : memref<2x128x128xf32, #tpu.memory_space<vmem>>, vector<1x1x16xf32>,
      %swap3A_205 = vector.shape_cast %swap3A_204 : vector<1x1x16xf32> to vector<16xf32>
      %swap3A_206 = vector.shape_cast %broadcast_in_dim3A_199 : vector<16xf32> to vector<1x1x16xf32>
      tpu.vector_store %arg8[%swap3A_201, %swap3A_202, %swap3A_203], %swap3A_206 {strides = array<i32>} : memref<2x128x128xf32, #tpu.memory_space<vmem>>, vector<1x1x16xf32>,
      %broadcast_in_dim3A_207 = arith.constant 0.000000e+00 : f32
      %broadcast_in_dim3A_208 = vector.broadcast %broadcast_in_dim3A_207 : f32 to vector<16xf32>
      %swap3A_209 = arith.constant 0 : i32
      %swap3A_210 = arith.index_cast %swap3A_209 : i32 to index
      %swap3A_211 = arith.index_cast %scan3A_190 : i32 to index
      %swap3A_212 = arith.constant 32 : index
      %swap3A_213 = tpu.vector_load %arg8[%swap3A_210, %swap3A_211, %swap3A_212] {strides = array<i32>} : memref<2x128x128xf32, #tpu.memory_space<vmem>>, vector<1x1x16xf32>,
      %swap3A_214 = vector.shape_cast %swap3A_213 : vector<1x1x16xf32> to vector<16xf32>
      %swap3A_215 = vector.shape_cast %broadcast_in_dim3A_208 : vector<16xf32> to vector<1x1x16xf32>
      tpu.vector_store %arg8[%swap3A_210, %swap3A_211, %swap3A_212], %swap3A_215 {strides = array<i32>} : memref<2x128x128xf32, #tpu.memory_space<vmem>>, vector<1x1x16xf32>,
      %broadcast_in_dim3A_216 = arith.constant 0.000000e+00 : f32
      %broadcast_in_dim3A_217 = vector.broadcast %broadcast_in_dim3A_216 : f32 to vector<16xf32>
      %swap3A_218 = arith.constant 0 : i32
      %swap3A_219 = arith.index_cast %swap3A_218 : i32 to index
      %swap3A_220 = arith.index_cast %scan3A_190 : i32 to index
      %swap3A_221 = arith.constant 48 : index
      %swap3A_222 = tpu.vector_load %arg8[%swap3A_219, %swap3A_220, %swap3A_221] {strides = array<i32>} : memref<2x128x128xf32, #tpu.memory_space<vmem>>, vector<1x1x16xf32>,
      %swap3A_223 = vector.shape_cast %swap3A_222 : vector<1x1x16xf32> to vector<16xf32>
      %swap3A_224 = vector.shape_cast %broadcast_in_dim3A_217 : vector<16xf32> to vector<1x1x16xf32>
      tpu.vector_store %arg8[%swap3A_219, %swap3A_220, %swap3A_221], %swap3A_224 {strides = array<i32>} : memref<2x128x128xf32, #tpu.memory_space<vmem>>, vector<1x1x16xf32>,
      %broadcast_in_dim3A_225 = arith.constant 0.000000e+00 : f32
      %broadcast_in_dim3A_226 = vector.broadcast %broadcast_in_dim3A_225 : f32 to vector<16xf32>
      %swap3A_227 = arith.constant 0 : i32
      %swap3A_228 = arith.index_cast %swap3A_227 : i32 to index
      %swap3A_229 = arith.index_cast %scan3A_190 : i32 to index
      %swap3A_230 = arith.constant 64 : index
      %swap3A_231 = tpu.vector_load %arg8[%swap3A_228, %swap3A_229, %swap3A_230] {strides = array<i32>} : memref<2x128x128xf32, #tpu.memory_space<vmem>>, vector<1x1x16xf32>,
      %swap3A_232 = vector.shape_cast %swap3A_231 : vector<1x1x16xf32> to vector<16xf32>
      %swap3A_233 = vector.shape_cast %broadcast_in_dim3A_226 : vector<16xf32> to vector<1x1x16xf32>
      tpu.vector_store %arg8[%swap3A_228, %swap3A_229, %swap3A_230], %swap3A_233 {strides = array<i32>} : memref<2x128x128xf32, #tpu.memory_space<vmem>>, vector<1x1x16xf32>,
      %broadcast_in_dim3A_234 = arith.constant 0.000000e+00 : f32
      %broadcast_in_dim3A_235 = vector.broadcast %broadcast_in_dim3A_234 : f32 to vector<16xf32>
      %swap3A_236 = arith.constant 0 : i32
      %swap3A_237 = arith.index_cast %swap3A_236 : i32 to index
      %swap3A_238 = arith.index_cast %scan3A_190 : i32 to index
      %swap3A_239 = arith.constant 80 : index
      %swap3A_240 = tpu.vector_load %arg8[%swap3A_237, %swap3A_238, %swap3A_239] {strides = array<i32>} : memref<2x128x128xf32, #tpu.memory_space<vmem>>, vector<1x1x16xf32>,
      %swap3A_241 = vector.shape_cast %swap3A_240 : vector<1x1x16xf32> to vector<16xf32>
      %swap3A_242 = vector.shape_cast %broadcast_in_dim3A_235 : vector<16xf32> to vector<1x1x16xf32>
      tpu.vector_store %arg8[%swap3A_237, %swap3A_238, %swap3A_239], %swap3A_242 {strides = array<i32>} : memref<2x128x128xf32, #tpu.memory_space<vmem>>, vector<1x1x16xf32>,
      %broadcast_in_dim3A_243 = arith.constant 0.000000e+00 : f32
      %broadcast_in_dim3A_244 = vector.broadcast %broadcast_in_dim3A_243 : f32 to vector<16xf32>
      %swap3A_245 = arith.constant 0 : i32
      %swap3A_246 = arith.index_cast %swap3A_245 : i32 to index
      %swap3A_247 = arith.index_cast %scan3A_190 : i32 to index
      %swap3A_248 = arith.constant 96 : index
      %swap3A_249 = tpu.vector_load %arg8[%swap3A_246, %swap3A_247, %swap3A_248] {strides = array<i32>} : memref<2x128x128xf32, #tpu.memory_space<vmem>>, vector<1x1x16xf32>,
      %swap3A_250 = vector.shape_cast %swap3A_249 : vector<1x1x16xf32> to vector<16xf32>
      %swap3A_251 = vector.shape_cast %broadcast_in_dim3A_244 : vector<16xf32> to vector<1x1x16xf32>
      tpu.vector_store %arg8[%swap3A_246, %swap3A_247, %swap3A_248], %swap3A_251 {strides = array<i32>} : memref<2x128x128xf32, #tpu.memory_space<vmem>>, vector<1x1x16xf32>,
      %broadcast_in_dim3A_252 = arith.constant 0.000000e+00 : f32
      %broadcast_in_dim3A_253 = vector.broadcast %broadcast_in_dim3A_252 : f32 to vector<16xf32>
      %swap3A_254 = arith.constant 0 : i32
      %swap3A_255 = arith.index_cast %swap3A_254 : i32 to index
      %swap3A_256 = arith.index_cast %scan3A_190 : i32 to index
      %swap3A_257 = arith.constant 112 : index
      %swap3A_258 = tpu.vector_load %arg8[%swap3A_255, %swap3A_256, %swap3A_257] {strides = array<i32>} : memref<2x128x128xf32, #tpu.memory_space<vmem>>, vector<1x1x16xf32>,
      %swap3A_259 = vector.shape_cast %swap3A_258 : vector<1x1x16xf32> to vector<16xf32>
      %swap3A_260 = vector.shape_cast %broadcast_in_dim3A_253 : vector<16xf32> to vector<1x1x16xf32>
      tpu.vector_store %arg8[%swap3A_255, %swap3A_256, %swap3A_257], %swap3A_260 {strides = array<i32>} : memref<2x128x128xf32, #tpu.memory_space<vmem>>, vector<1x1x16xf32>,
    }
    %scan3A_5 = arith.constant 128 : i32
    %mul3A_6 = arith.constant 640 : i32
    %mul3A_7 = arith.muli %arg1, %mul3A_6 : i32
    %add3A_8 = arith.constant 0 : i32
    %add3A_9 = arith.addi %mul3A_7, %add3A_8 : i32
    %run_scoped3A = arith.constant 0 : i32
    "tpu.region"() ({
      %run_scoped3A_190 = tpu.sem_alloc : memref<!tpu.dma_semaphore, #tpu.memory_space<semaphore_mem>>
      %dma_start3A_191 = arith.constant 0 : i32
      %dma_start3A_192 = arith.constant 0 : i32
      %dma_start3A_193 = tpu.memref_slice %arg8[%run_scoped3A, %dma_start3A_191, %dma_start3A_192] : memref<2x128x128xf32, #tpu.memory_space<vmem>> -> memref<1x128x128xf32, #tpu.memory_space<vmem>>
      %dma_start3A_194 = tpu.memref_squeeze %dma_start3A_193 : memref<1x128x128xf32, #tpu.memory_space<vmem>> -> memref<128x128xf32, #tpu.memory_space<vmem>>
      %dma_start3A_195 = arith.constant 0 : i32
      %dma_start3A_196 = tpu.memref_slice %arg9[%add3A_9, %dma_start3A_195] : memref<10240x128xf32, #tpu.memory_space<vmem_shared>> -> memref<128x128xf32, #tpu.memory_space<vmem_shared>>
      %dma_start3A_197 = arith.constant 0 : i32
      %dma_start3A_198 = tpu.memref_slice %arg9[%add3A_9, %dma_start3A_197] : memref<10240x128xf32, #tpu.memory_space<vmem_shared>> -> memref<128x128xf32, #tpu.memory_space<vmem_shared>>
      %dma_start3A_199 = arith.constant 0 : i32
      %dma_start3A_200 = arith.constant 0 : i32
      %dma_start3A_201 = tpu.memref_slice %arg8[%run_scoped3A, %dma_start3A_199, %dma_start3A_200] : memref<2x128x128xf32, #tpu.memory_space<vmem>> -> memref<1x128x128xf32, #tpu.memory_space<vmem>>
      %dma_start3A_202 = tpu.memref_squeeze %dma_start3A_201 : memref<1x128x128xf32, #tpu.memory_space<vmem>> -> memref<128x128xf32, #tpu.memory_space<vmem>>
      tpu.enqueue_dma source(%dma_start3A_202 : memref<128x128xf32, #tpu.memory_space<vmem>>) target(%dma_start3A_198 : memref<128x128xf32, #tpu.memory_space<vmem_shared>>) target_semaphore(%run_scoped3A_190 : memref<!tpu.dma_semaphore, #tpu.memory_space<semaphore_mem>>)
      %dma_wait3A_203 = arith.constant 0 : i32
      %dma_wait3A_204 = arith.constant 0 : i32
      %dma_wait3A_205 = tpu.memref_slice %arg8[%run_scoped3A, %dma_wait3A_203, %dma_wait3A_204] : memref<2x128x128xf32, #tpu.memory_space<vmem>> -> memref<1x128x128xf32, #tpu.memory_space<vmem>>
      %dma_wait3A_206 = tpu.memref_squeeze %dma_wait3A_205 : memref<1x128x128xf32, #tpu.memory_space<vmem>> -> memref<128x128xf32, #tpu.memory_space<vmem>>
      %dma_wait3A_207 = arith.constant 0 : i32
      %dma_wait3A_208 = tpu.memref_slice %arg9[%add3A_9, %dma_wait3A_207] : memref<10240x128xf32, #tpu.memory_space<vmem_shared>> -> memref<128x128xf32, #tpu.memory_space<vmem_shared>>
      %dma_wait3A_209 = arith.constant 0 : i32
      %dma_wait3A_210 = tpu.memref_slice %arg9[%add3A_9, %dma_wait3A_209] : memref<10240x128xf32, #tpu.memory_space<vmem_shared>> -> memref<128x128xf32, #tpu.memory_space<vmem_shared>>
      %dma_wait3A_211 = arith.constant 0 : i32
      %dma_wait3A_212 = arith.constant 0 : i32
      %dma_wait3A_213 = tpu.memref_slice %arg8[%run_scoped3A, %dma_wait3A_211, %dma_wait3A_212] : memref<2x128x128xf32, #tpu.memory_space<vmem>> -> memref<1x128x128xf32, #tpu.memory_space<vmem>>
      %dma_wait3A_214 = tpu.memref_squeeze %dma_wait3A_213 : memref<1x128x128xf32, #tpu.memory_space<vmem>> -> memref<128x128xf32, #tpu.memory_space<vmem>>
      tpu.wait_dma2 semaphore(%run_scoped3A_190 : memref<!tpu.dma_semaphore, #tpu.memory_space<semaphore_mem>>) src(%dma_wait3A_214 : memref<128x128xf32, #tpu.memory_space<vmem>>) dst(%dma_wait3A_210 : memref<128x128xf32, #tpu.memory_space<vmem_shared>>)
      tpu.yield
    }) : () -> ()
    %add3A_10 = arith.constant 128 : i32
    %add3A_11 = arith.addi %mul3A_7, %add3A_10 : i32
    %run_scoped3A_12 = arith.constant 0 : i32
    "tpu.region"() ({
      %run_scoped3A_190 = tpu.sem_alloc : memref<!tpu.dma_semaphore, #tpu.memory_space<semaphore_mem>>
      %dma_start3A_191 = arith.constant 0 : i32
      %dma_start3A_192 = arith.constant 0 : i32
      %dma_start3A_193 = tpu.memref_slice %arg8[%run_scoped3A_12, %dma_start3A_191, %dma_start3A_192] : memref<2x128x128xf32, #tpu.memory_space<vmem>> -> memref<1x128x128xf32, #tpu.memory_space<vmem>>
      %dma_start3A_194 = tpu.memref_squeeze %dma_start3A_193 : memref<1x128x128xf32, #tpu.memory_space<vmem>> -> memref<128x128xf32, #tpu.memory_space<vmem>>
      %dma_start3A_195 = arith.constant 0 : i32
      %dma_start3A_196 = tpu.memref_slice %arg9[%add3A_11, %dma_start3A_195] : memref<10240x128xf32, #tpu.memory_space<vmem_shared>> -> memref<128x128xf32, #tpu.memory_space<vmem_shared>>
      %dma_start3A_197 = arith.constant 0 : i32
      %dma_start3A_198 = tpu.memref_slice %arg9[%add3A_11, %dma_start3A_197] : memref<10240x128xf32, #tpu.memory_space<vmem_shared>> -> memref<128x128xf32, #tpu.memory_space<vmem_shared>>
      %dma_start3A_199 = arith.constant 0 : i32
      %dma_start3A_200 = arith.constant 0 : i32
      %dma_start3A_201 = tpu.memref_slice %arg8[%run_scoped3A_12, %dma_start3A_199, %dma_start3A_200] : memref<2x128x128xf32, #tpu.memory_space<vmem>> -> memref<1x128x128xf32, #tpu.memory_space<vmem>>
      %dma_start3A_202 = tpu.memref_squeeze %dma_start3A_201 : memref<1x128x128xf32, #tpu.memory_space<vmem>> -> memref<128x128xf32, #tpu.memory_space<vmem>>
      tpu.enqueue_dma source(%dma_start3A_202 : memref<128x128xf32, #tpu.memory_space<vmem>>) target(%dma_start3A_198 : memref<128x128xf32, #tpu.memory_space<vmem_shared>>) target_semaphore(%run_scoped3A_190 : memref<!tpu.dma_semaphore, #tpu.memory_space<semaphore_mem>>)
      %dma_wait3A_203 = arith.constant 0 : i32
      %dma_wait3A_204 = arith.constant 0 : i32
      %dma_wait3A_205 = tpu.memref_slice %arg8[%run_scoped3A_12, %dma_wait3A_203, %dma_wait3A_204] : memref<2x128x128xf32, #tpu.memory_space<vmem>> -> memref<1x128x128xf32, #tpu.memory_space<vmem>>
      %dma_wait3A_206 = tpu.memref_squeeze %dma_wait3A_205 : memref<1x128x128xf32, #tpu.memory_space<vmem>> -> memref<128x128xf32, #tpu.memory_space<vmem>>
      %dma_wait3A_207 = arith.constant 0 : i32
      %dma_wait3A_208 = tpu.memref_slice %arg9[%add3A_11, %dma_wait3A_207] : memref<10240x128xf32, #tpu.memory_space<vmem_shared>> -> memref<128x128xf32, #tpu.memory_space<vmem_shared>>
      %dma_wait3A_209 = arith.constant 0 : i32
      %dma_wait3A_210 = tpu.memref_slice %arg9[%add3A_11, %dma_wait3A_209] : memref<10240x128xf32, #tpu.memory_space<vmem_shared>> -> memref<128x128xf32, #tpu.memory_space<vmem_shared>>
      %dma_wait3A_211 = arith.constant 0 : i32
      %dma_wait3A_212 = arith.constant 0 : i32
      %dma_wait3A_213 = tpu.memref_slice %arg8[%run_scoped3A_12, %dma_wait3A_211, %dma_wait3A_212] : memref<2x128x128xf32, #tpu.memory_space<vmem>> -> memref<1x128x128xf32, #tpu.memory_space<vmem>>
      %dma_wait3A_214 = tpu.memref_squeeze %dma_wait3A_213 : memref<1x128x128xf32, #tpu.memory_space<vmem>> -> memref<128x128xf32, #tpu.memory_space<vmem>>
      tpu.wait_dma2 semaphore(%run_scoped3A_190 : memref<!tpu.dma_semaphore, #tpu.memory_space<semaphore_mem>>) src(%dma_wait3A_214 : memref<128x128xf32, #tpu.memory_space<vmem>>) dst(%dma_wait3A_210 : memref<128x128xf32, #tpu.memory_space<vmem_shared>>)
      tpu.yield
    }) : () -> ()
    %add3A_13 = arith.constant 256 : i32
    %add3A_14 = arith.addi %mul3A_7, %add3A_13 : i32
    %run_scoped3A_15 = arith.constant 0 : i32
    "tpu.region"() ({
      %run_scoped3A_190 = tpu.sem_alloc : memref<!tpu.dma_semaphore, #tpu.memory_space<semaphore_mem>>
      %dma_start3A_191 = arith.constant 0 : i32
      %dma_start3A_192 = arith.constant 0 : i32
      %dma_start3A_193 = tpu.memref_slice %arg8[%run_scoped3A_15, %dma_start3A_191, %dma_start3A_192] : memref<2x128x128xf32, #tpu.memory_space<vmem>> -> memref<1x128x128xf32, #tpu.memory_space<vmem>>
      %dma_start3A_194 = tpu.memref_squeeze %dma_start3A_193 : memref<1x128x128xf32, #tpu.memory_space<vmem>> -> memref<128x128xf32, #tpu.memory_space<vmem>>
      %dma_start3A_195 = arith.constant 0 : i32
      %dma_start3A_196 = tpu.memref_slice %arg9[%add3A_14, %dma_start3A_195] : memref<10240x128xf32, #tpu.memory_space<vmem_shared>> -> memref<128x128xf32, #tpu.memory_space<vmem_shared>>
      %dma_start3A_197 = arith.constant 0 : i32
      %dma_start3A_198 = tpu.memref_slice %arg9[%add3A_14, %dma_start3A_197] : memref<10240x128xf32, #tpu.memory_space<vmem_shared>> -> memref<128x128xf32, #tpu.memory_space<vmem_shared>>
      %dma_start3A_199 = arith.constant 0 : i32
      %dma_start3A_200 = arith.constant 0 : i32
      %dma_start3A_201 = tpu.memref_slice %arg8[%run_scoped3A_15, %dma_start3A_199, %dma_start3A_200] : memref<2x128x128xf32, #tpu.memory_space<vmem>> -> memref<1x128x128xf32, #tpu.memory_space<vmem>>
      %dma_start3A_202 = tpu.memref_squeeze %dma_start3A_201 : memref<1x128x128xf32, #tpu.memory_space<vmem>> -> memref<128x128xf32, #tpu.memory_space<vmem>>
      tpu.enqueue_dma source(%dma_start3A_202 : memref<128x128xf32, #tpu.memory_space<vmem>>) target(%dma_start3A_198 : memref<128x128xf32, #tpu.memory_space<vmem_shared>>) target_semaphore(%run_scoped3A_190 : memref<!tpu.dma_semaphore, #tpu.memory_space<semaphore_mem>>)
      %dma_wait3A_203 = arith.constant 0 : i32
      %dma_wait3A_204 = arith.constant 0 : i32
      %dma_wait3A_205 = tpu.memref_slice %arg8[%run_scoped3A_15, %dma_wait3A_203, %dma_wait3A_204] : memref<2x128x128xf32, #tpu.memory_space<vmem>> -> memref<1x128x128xf32, #tpu.memory_space<vmem>>
      %dma_wait3A_206 = tpu.memref_squeeze %dma_wait3A_205 : memref<1x128x128xf32, #tpu.memory_space<vmem>> -> memref<128x128xf32, #tpu.memory_space<vmem>>
      %dma_wait3A_207 = arith.constant 0 : i32
      %dma_wait3A_208 = tpu.memref_slice %arg9[%add3A_14, %dma_wait3A_207] : memref<10240x128xf32, #tpu.memory_space<vmem_shared>> -> memref<128x128xf32, #tpu.memory_space<vmem_shared>>
      %dma_wait3A_209 = arith.constant 0 : i32
      %dma_wait3A_210 = tpu.memref_slice %arg9[%add3A_14, %dma_wait3A_209] : memref<10240x128xf32, #tpu.memory_space<vmem_shared>> -> memref<128x128xf32, #tpu.memory_space<vmem_shared>>
      %dma_wait3A_211 = arith.constant 0 : i32
      %dma_wait3A_212 = arith.constant 0 : i32
      %dma_wait3A_213 = tpu.memref_slice %arg8[%run_scoped3A_15, %dma_wait3A_211, %dma_wait3A_212] : memref<2x128x128xf32, #tpu.memory_space<vmem>> -> memref<1x128x128xf32, #tpu.memory_space<vmem>>
      %dma_wait3A_214 = tpu.memref_squeeze %dma_wait3A_213 : memref<1x128x128xf32, #tpu.memory_space<vmem>> -> memref<128x128xf32, #tpu.memory_space<vmem>>
      tpu.wait_dma2 semaphore(%run_scoped3A_190 : memref<!tpu.dma_semaphore, #tpu.memory_space<semaphore_mem>>) src(%dma_wait3A_214 : memref<128x128xf32, #tpu.memory_space<vmem>>) dst(%dma_wait3A_210 : memref<128x128xf32, #tpu.memory_space<vmem_shared>>)
      tpu.yield
    }) : () -> ()
    %add3A_16 = arith.constant 384 : i32
    %add3A_17 = arith.addi %mul3A_7, %add3A_16 : i32
    %run_scoped3A_18 = arith.constant 0 : i32
    "tpu.region"() ({
      %run_scoped3A_190 = tpu.sem_alloc : memref<!tpu.dma_semaphore, #tpu.memory_space<semaphore_mem>>
      %dma_start3A_191 = arith.constant 0 : i32
      %dma_start3A_192 = arith.constant 0 : i32
      %dma_start3A_193 = tpu.memref_slice %arg8[%run_scoped3A_18, %dma_start3A_191, %dma_start3A_192] : memref<2x128x128xf32, #tpu.memory_space<vmem>> -> memref<1x128x128xf32, #tpu.memory_space<vmem>>
      %dma_start3A_194 = tpu.memref_squeeze %dma_start3A_193 : memref<1x128x128xf32, #tpu.memory_space<vmem>> -> memref<128x128xf32, #tpu.memory_space<vmem>>
      %dma_start3A_195 = arith.constant 0 : i32
      %dma_start3A_196 = tpu.memref_slice %arg9[%add3A_17, %dma_start3A_195] : memref<10240x128xf32, #tpu.memory_space<vmem_shared>> -> memref<128x128xf32, #tpu.memory_space<vmem_shared>>
      %dma_start3A_197 = arith.constant 0 : i32
      %dma_start3A_198 = tpu.memref_slice %arg9[%add3A_17, %dma_start3A_197] : memref<10240x128xf32, #tpu.memory_space<vmem_shared>> -> memref<128x128xf32, #tpu.memory_space<vmem_shared>>
      %dma_start3A_199 = arith.constant 0 : i32
      %dma_start3A_200 = arith.constant 0 : i32
      %dma_start3A_201 = tpu.memref_slice %arg8[%run_scoped3A_18, %dma_start3A_199, %dma_start3A_200] : memref<2x128x128xf32, #tpu.memory_space<vmem>> -> memref<1x128x128xf32, #tpu.memory_space<vmem>>
      %dma_start3A_202 = tpu.memref_squeeze %dma_start3A_201 : memref<1x128x128xf32, #tpu.memory_space<vmem>> -> memref<128x128xf32, #tpu.memory_space<vmem>>
      tpu.enqueue_dma source(%dma_start3A_202 : memref<128x128xf32, #tpu.memory_space<vmem>>) target(%dma_start3A_198 : memref<128x128xf32, #tpu.memory_space<vmem_shared>>) target_semaphore(%run_scoped3A_190 : memref<!tpu.dma_semaphore, #tpu.memory_space<semaphore_mem>>)
      %dma_wait3A_203 = arith.constant 0 : i32
      %dma_wait3A_204 = arith.constant 0 : i32
      %dma_wait3A_205 = tpu.memref_slice %arg8[%run_scoped3A_18, %dma_wait3A_203, %dma_wait3A_204] : memref<2x128x128xf32, #tpu.memory_space<vmem>> -> memref<1x128x128xf32, #tpu.memory_space<vmem>>
      %dma_wait3A_206 = tpu.memref_squeeze %dma_wait3A_205 : memref<1x128x128xf32, #tpu.memory_space<vmem>> -> memref<128x128xf32, #tpu.memory_space<vmem>>
      %dma_wait3A_207 = arith.constant 0 : i32
      %dma_wait3A_208 = tpu.memref_slice %arg9[%add3A_17, %dma_wait3A_207] : memref<10240x128xf32, #tpu.memory_space<vmem_shared>> -> memref<128x128xf32, #tpu.memory_space<vmem_shared>>
      %dma_wait3A_209 = arith.constant 0 : i32
      %dma_wait3A_210 = tpu.memref_slice %arg9[%add3A_17, %dma_wait3A_209] : memref<10240x128xf32, #tpu.memory_space<vmem_shared>> -> memref<128x128xf32, #tpu.memory_space<vmem_shared>>
      %dma_wait3A_211 = arith.constant 0 : i32
      %dma_wait3A_212 = arith.constant 0 : i32
      %dma_wait3A_213 = tpu.memref_slice %arg8[%run_scoped3A_18, %dma_wait3A_211, %dma_wait3A_212] : memref<2x128x128xf32, #tpu.memory_space<vmem>> -> memref<1x128x128xf32, #tpu.memory_space<vmem>>
      %dma_wait3A_214 = tpu.memref_squeeze %dma_wait3A_213 : memref<1x128x128xf32, #tpu.memory_space<vmem>> -> memref<128x128xf32, #tpu.memory_space<vmem>>
      tpu.wait_dma2 semaphore(%run_scoped3A_190 : memref<!tpu.dma_semaphore, #tpu.memory_space<semaphore_mem>>) src(%dma_wait3A_214 : memref<128x128xf32, #tpu.memory_space<vmem>>) dst(%dma_wait3A_210 : memref<128x128xf32, #tpu.memory_space<vmem_shared>>)
      tpu.yield
    }) : () -> ()
    %add3A_19 = arith.constant 512 : i32
    %add3A_20 = arith.addi %mul3A_7, %add3A_19 : i32
    %run_scoped3A_21 = arith.constant 0 : i32
    "tpu.region"() ({
      %run_scoped3A_190 = tpu.sem_alloc : memref<!tpu.dma_semaphore, #tpu.memory_space<semaphore_mem>>
      %dma_start3A_191 = arith.constant 0 : i32
      %dma_start3A_192 = arith.constant 0 : i32
      %dma_start3A_193 = tpu.memref_slice %arg8[%run_scoped3A_21, %dma_start3A_191, %dma_start3A_192] : memref<2x128x128xf32, #tpu.memory_space<vmem>> -> memref<1x128x128xf32, #tpu.memory_space<vmem>>
      %dma_start3A_194 = tpu.memref_squeeze %dma_start3A_193 : memref<1x128x128xf32, #tpu.memory_space<vmem>> -> memref<128x128xf32, #tpu.memory_space<vmem>>
      %dma_start3A_195 = arith.constant 0 : i32
      %dma_start3A_196 = tpu.memref_slice %arg9[%add3A_20, %dma_start3A_195] : memref<10240x128xf32, #tpu.memory_space<vmem_shared>> -> memref<128x128xf32, #tpu.memory_space<vmem_shared>>
      %dma_start3A_197 = arith.constant 0 : i32
      %dma_start3A_198 = tpu.memref_slice %arg9[%add3A_20, %dma_start3A_197] : memref<10240x128xf32, #tpu.memory_space<vmem_shared>> -> memref<128x128xf32, #tpu.memory_space<vmem_shared>>
      %dma_start3A_199 = arith.constant 0 : i32
      %dma_start3A_200 = arith.constant 0 : i32
      %dma_start3A_201 = tpu.memref_slice %arg8[%run_scoped3A_21, %dma_start3A_199, %dma_start3A_200] : memref<2x128x128xf32, #tpu.memory_space<vmem>> -> memref<1x128x128xf32, #tpu.memory_space<vmem>>
      %dma_start3A_202 = tpu.memref_squeeze %dma_start3A_201 : memref<1x128x128xf32, #tpu.memory_space<vmem>> -> memref<128x128xf32, #tpu.memory_space<vmem>>
      tpu.enqueue_dma source(%dma_start3A_202 : memref<128x128xf32, #tpu.memory_space<vmem>>) target(%dma_start3A_198 : memref<128x128xf32, #tpu.memory_space<vmem_shared>>) target_semaphore(%run_scoped3A_190 : memref<!tpu.dma_semaphore, #tpu.memory_space<semaphore_mem>>)
      %dma_wait3A_203 = arith.constant 0 : i32
      %dma_wait3A_204 = arith.constant 0 : i32
      %dma_wait3A_205 = tpu.memref_slice %arg8[%run_scoped3A_21, %dma_wait3A_203, %dma_wait3A_204] : memref<2x128x128xf32, #tpu.memory_space<vmem>> -> memref<1x128x128xf32, #tpu.memory_space<vmem>>
      %dma_wait3A_206 = tpu.memref_squeeze %dma_wait3A_205 : memref<1x128x128xf32, #tpu.memory_space<vmem>> -> memref<128x128xf32, #tpu.memory_space<vmem>>
      %dma_wait3A_207 = arith.constant 0 : i32
      %dma_wait3A_208 = tpu.memref_slice %arg9[%add3A_20, %dma_wait3A_207] : memref<10240x128xf32, #tpu.memory_space<vmem_shared>> -> memref<128x128xf32, #tpu.memory_space<vmem_shared>>
      %dma_wait3A_209 = arith.constant 0 : i32
      %dma_wait3A_210 = tpu.memref_slice %arg9[%add3A_20, %dma_wait3A_209] : memref<10240x128xf32, #tpu.memory_space<vmem_shared>> -> memref<128x128xf32, #tpu.memory_space<vmem_shared>>
      %dma_wait3A_211 = arith.constant 0 : i32
      %dma_wait3A_212 = arith.constant 0 : i32
      %dma_wait3A_213 = tpu.memref_slice %arg8[%run_scoped3A_21, %dma_wait3A_211, %dma_wait3A_212] : memref<2x128x128xf32, #tpu.memory_space<vmem>> -> memref<1x128x128xf32, #tpu.memory_space<vmem>>
      %dma_wait3A_214 = tpu.memref_squeeze %dma_wait3A_213 : memref<1x128x128xf32, #tpu.memory_space<vmem>> -> memref<128x128xf32, #tpu.memory_space<vmem>>
      tpu.wait_dma2 semaphore(%run_scoped3A_190 : memref<!tpu.dma_semaphore, #tpu.memory_space<semaphore_mem>>) src(%dma_wait3A_214 : memref<128x128xf32, #tpu.memory_space<vmem>>) dst(%dma_wait3A_210 : memref<128x128xf32, #tpu.memory_space<vmem_shared>>)
      tpu.yield
    }) : () -> ()
    %barrier3A = arith.constant 0 : index
    tpu.barrier barrier_id(%barrier3A)
    %rem3A = arith.constant 0 : i32
    %rem3A_22 = arith.constant 4 : i32
    %rem3A_23 = arith.remsi %rem3A, %rem3A_22 : i32
    %dma_start3A = arith.constant 0 : i32
    %dma_start3A_24 = arith.constant 0 : i32
    %dma_start3A_25 = tpu.memref_slice %arg6[%rem3A_23, %dma_start3A_24] : memref<4x128xi32, #tpu.memory_space<vmem>> -> memref<1x128xi32, #tpu.memory_space<vmem>>
    %dma_start3A_26 = tpu.memref_squeeze %dma_start3A_25 : memref<1x128xi32, #tpu.memory_space<vmem>> -> memref<128xi32, #tpu.memory_space<vmem>>
    %dma_start3A_27 = arith.constant 0 : i32
    %dma_start3A_28 = tpu.memref_slice %arg3[%add3A, %dma_start3A, %dma_start3A_27] : memref<32x80x128xi32, #tpu.memory_space<hbm>> -> memref<1x1x128xi32, #tpu.memory_space<hbm>>
    %dma_start3A_29 = tpu.memref_squeeze %dma_start3A_28 : memref<1x1x128xi32, #tpu.memory_space<hbm>> -> memref<128xi32, #tpu.memory_space<hbm>>
    %dma_start3A_30 = arith.constant 0 : i32
    %dma_start3A_31 = tpu.memref_slice %arg6[%rem3A_23, %dma_start3A_30] : memref<4x128xi32, #tpu.memory_space<vmem>> -> memref<1x128xi32, #tpu.memory_space<vmem>>
    %dma_start3A_32 = tpu.memref_squeeze %dma_start3A_31 : memref<1x128xi32, #tpu.memory_space<vmem>> -> memref<128xi32, #tpu.memory_space<vmem>>
    %dma_start3A_33 = arith.constant 0 : i32
    %dma_start3A_34 = tpu.memref_slice %arg3[%add3A, %dma_start3A, %dma_start3A_33] : memref<32x80x128xi32, #tpu.memory_space<hbm>> -> memref<1x1x128xi32, #tpu.memory_space<hbm>>
    %dma_start3A_35 = tpu.memref_squeeze %dma_start3A_34 : memref<1x1x128xi32, #tpu.memory_space<hbm>> -> memref<128xi32, #tpu.memory_space<hbm>>
    tpu.enqueue_dma source(%dma_start3A_35 : memref<128xi32, #tpu.memory_space<hbm>>) target(%dma_start3A_32 : memref<128xi32, #tpu.memory_space<vmem>>) target_semaphore(%arg12 : memref<!tpu.dma_semaphore, #tpu.memory_space<semaphore_mem>>)
    %rem3A_36 = arith.constant 0 : i32
    %rem3A_37 = arith.constant 4 : i32
    %rem3A_38 = arith.remsi %rem3A_36, %rem3A_37 : i32
    %dma_start3A_39 = arith.constant 0 : i32
    %dma_start3A_40 = arith.constant 0 : i32
    %dma_start3A_41 = tpu.memref_slice %arg7[%rem3A_38, %dma_start3A_40] : memref<4x128xi32, #tpu.memory_space<vmem>> -> memref<1x128xi32, #tpu.memory_space<vmem>>
    %dma_start3A_42 = tpu.memref_squeeze %dma_start3A_41 : memref<1x128xi32, #tpu.memory_space<vmem>> -> memref<128xi32, #tpu.memory_space<vmem>>
    %dma_start3A_43 = arith.constant 0 : i32
    %dma_start3A_44 = tpu.memref_slice %arg4[%add3A, %dma_start3A_39, %dma_start3A_43] : memref<32x80x128xi32, #tpu.memory_space<hbm>> -> memref<1x1x128xi32, #tpu.memory_space<hbm>>
    %dma_start3A_45 = tpu.memref_squeeze %dma_start3A_44 : memref<1x1x128xi32, #tpu.memory_space<hbm>> -> memref<128xi32, #tpu.memory_space<hbm>>
    %dma_start3A_46 = arith.constant 0 : i32
    %dma_start3A_47 = tpu.memref_slice %arg7[%rem3A_38, %dma_start3A_46] : memref<4x128xi32, #tpu.memory_space<vmem>> -> memref<1x128xi32, #tpu.memory_space<vmem>>
    %dma_start3A_48 = tpu.memref_squeeze %dma_start3A_47 : memref<1x128xi32, #tpu.memory_space<vmem>> -> memref<128xi32, #tpu.memory_space<vmem>>
    %dma_start3A_49 = arith.constant 0 : i32
    %dma_start3A_50 = tpu.memref_slice %arg4[%add3A, %dma_start3A_39, %dma_start3A_49] : memref<32x80x128xi32, #tpu.memory_space<hbm>> -> memref<1x1x128xi32, #tpu.memory_space<hbm>>
    %dma_start3A_51 = tpu.memref_squeeze %dma_start3A_50 : memref<1x1x128xi32, #tpu.memory_space<hbm>> -> memref<128xi32, #tpu.memory_space<hbm>>
    tpu.enqueue_dma source(%dma_start3A_51 : memref<128xi32, #tpu.memory_space<hbm>>) target(%dma_start3A_48 : memref<128xi32, #tpu.memory_space<vmem>>) target_semaphore(%arg12 : memref<!tpu.dma_semaphore, #tpu.memory_space<semaphore_mem>>)
    %rem3A_52 = arith.constant 1 : i32
    %rem3A_53 = arith.constant 4 : i32
    %rem3A_54 = arith.remsi %rem3A_52, %rem3A_53 : i32
    %dma_start3A_55 = arith.constant 1 : i32
    %dma_start3A_56 = arith.constant 0 : i32
    %dma_start3A_57 = tpu.memref_slice %arg6[%rem3A_54, %dma_start3A_56] : memref<4x128xi32, #tpu.memory_space<vmem>> -> memref<1x128xi32, #tpu.memory_space<vmem>>
    %dma_start3A_58 = tpu.memref_squeeze %dma_start3A_57 : memref<1x128xi32, #tpu.memory_space<vmem>> -> memref<128xi32, #tpu.memory_space<vmem>>
    %dma_start3A_59 = arith.constant 0 : i32
    %dma_start3A_60 = tpu.memref_slice %arg3[%add3A, %dma_start3A_55, %dma_start3A_59] : memref<32x80x128xi32, #tpu.memory_space<hbm>> -> memref<1x1x128xi32, #tpu.memory_space<hbm>>
    %dma_start3A_61 = tpu.memref_squeeze %dma_start3A_60 : memref<1x1x128xi32, #tpu.memory_space<hbm>> -> memref<128xi32, #tpu.memory_space<hbm>>
    %dma_start3A_62 = arith.constant 0 : i32
    %dma_start3A_63 = tpu.memref_slice %arg6[%rem3A_54, %dma_start3A_62] : memref<4x128xi32, #tpu.memory_space<vmem>> -> memref<1x128xi32, #tpu.memory_space<vmem>>
    %dma_start3A_64 = tpu.memref_squeeze %dma_start3A_63 : memref<1x128xi32, #tpu.memory_space<vmem>> -> memref<128xi32, #tpu.memory_space<vmem>>
    %dma_start3A_65 = arith.constant 0 : i32
    %dma_start3A_66 = tpu.memref_slice %arg3[%add3A, %dma_start3A_55, %dma_start3A_65] : memref<32x80x128xi32, #tpu.memory_space<hbm>> -> memref<1x1x128xi32, #tpu.memory_space<hbm>>
    %dma_start3A_67 = tpu.memref_squeeze %dma_start3A_66 : memref<1x1x128xi32, #tpu.memory_space<hbm>> -> memref<128xi32, #tpu.memory_space<hbm>>
    tpu.enqueue_dma source(%dma_start3A_67 : memref<128xi32, #tpu.memory_space<hbm>>) target(%dma_start3A_64 : memref<128xi32, #tpu.memory_space<vmem>>) target_semaphore(%arg13 : memref<!tpu.dma_semaphore, #tpu.memory_space<semaphore_mem>>)
    %rem3A_68 = arith.constant 1 : i32
    %rem3A_69 = arith.constant 4 : i32
    %rem3A_70 = arith.remsi %rem3A_68, %rem3A_69 : i32
    %dma_start3A_71 = arith.constant 1 : i32
    %dma_start3A_72 = arith.constant 0 : i32
    %dma_start3A_73 = tpu.memref_slice %arg7[%rem3A_70, %dma_start3A_72] : memref<4x128xi32, #tpu.memory_space<vmem>> -> memref<1x128xi32, #tpu.memory_space<vmem>>
    %dma_start3A_74 = tpu.memref_squeeze %dma_start3A_73 : memref<1x128xi32, #tpu.memory_space<vmem>> -> memref<128xi32, #tpu.memory_space<vmem>>
    %dma_start3A_75 = arith.constant 0 : i32
    %dma_start3A_76 = tpu.memref_slice %arg4[%add3A, %dma_start3A_71, %dma_start3A_75] : memref<32x80x128xi32, #tpu.memory_space<hbm>> -> memref<1x1x128xi32, #tpu.memory_space<hbm>>
    %dma_start3A_77 = tpu.memref_squeeze %dma_start3A_76 : memref<1x1x128xi32, #tpu.memory_space<hbm>> -> memref<128xi32, #tpu.memory_space<hbm>>
    %dma_start3A_78 = arith.constant 0 : i32
    %dma_start3A_79 = tpu.memref_slice %arg7[%rem3A_70, %dma_start3A_78] : memref<4x128xi32, #tpu.memory_space<vmem>> -> memref<1x128xi32, #tpu.memory_space<vmem>>
    %dma_start3A_80 = tpu.memref_squeeze %dma_start3A_79 : memref<1x128xi32, #tpu.memory_space<vmem>> -> memref<128xi32, #tpu.memory_space<vmem>>
    %dma_start3A_81 = arith.constant 0 : i32
    %dma_start3A_82 = tpu.memref_slice %arg4[%add3A, %dma_start3A_71, %dma_start3A_81] : memref<32x80x128xi32, #tpu.memory_space<hbm>> -> memref<1x1x128xi32, #tpu.memory_space<hbm>>
    %dma_start3A_83 = tpu.memref_squeeze %dma_start3A_82 : memref<1x1x128xi32, #tpu.memory_space<hbm>> -> memref<128xi32, #tpu.memory_space<hbm>>
    tpu.enqueue_dma source(%dma_start3A_83 : memref<128xi32, #tpu.memory_space<hbm>>) target(%dma_start3A_80 : memref<128xi32, #tpu.memory_space<vmem>>) target_semaphore(%arg13 : memref<!tpu.dma_semaphore, #tpu.memory_space<semaphore_mem>>)
    %dma_wait3A = arith.constant 0 : i32
    %dma_wait3A_84 = arith.constant 0 : i32
    %dma_wait3A_85 = arith.constant 0 : i32
    %dma_wait3A_86 = arith.constant 0 : i32
    %dma_wait3A_87 = tpu.memref_slice %arg6[%dma_wait3A_85, %dma_wait3A_86] : memref<4x128xi32, #tpu.memory_space<vmem>> -> memref<1x128xi32, #tpu.memory_space<vmem>>
    %dma_wait3A_88 = tpu.memref_squeeze %dma_wait3A_87 : memref<1x128xi32, #tpu.memory_space<vmem>> -> memref<128xi32, #tpu.memory_space<vmem>>
    %dma_wait3A_89 = arith.constant 0 : i32
    %dma_wait3A_90 = tpu.memref_slice %arg3[%dma_wait3A, %dma_wait3A_84, %dma_wait3A_89] : memref<32x80x128xi32, #tpu.memory_space<hbm>> -> memref<1x1x128xi32, #tpu.memory_space<hbm>>
    %dma_wait3A_91 = tpu.memref_squeeze %dma_wait3A_90 : memref<1x1x128xi32, #tpu.memory_space<hbm>> -> memref<128xi32, #tpu.memory_space<hbm>>
    %dma_wait3A_92 = arith.constant 0 : i32
    %dma_wait3A_93 = tpu.memref_slice %arg6[%dma_wait3A_85, %dma_wait3A_92] : memref<4x128xi32, #tpu.memory_space<vmem>> -> memref<1x128xi32, #tpu.memory_space<vmem>>
    %dma_wait3A_94 = tpu.memref_squeeze %dma_wait3A_93 : memref<1x128xi32, #tpu.memory_space<vmem>> -> memref<128xi32, #tpu.memory_space<vmem>>
    %dma_wait3A_95 = arith.constant 0 : i32
    %dma_wait3A_96 = tpu.memref_slice %arg3[%dma_wait3A, %dma_wait3A_84, %dma_wait3A_95] : memref<32x80x128xi32, #tpu.memory_space<hbm>> -> memref<1x1x128xi32, #tpu.memory_space<hbm>>
    %dma_wait3A_97 = tpu.memref_squeeze %dma_wait3A_96 : memref<1x1x128xi32, #tpu.memory_space<hbm>> -> memref<128xi32, #tpu.memory_space<hbm>>
    tpu.wait_dma2 semaphore(%arg12 : memref<!tpu.dma_semaphore, #tpu.memory_space<semaphore_mem>>) src(%dma_wait3A_97 : memref<128xi32, #tpu.memory_space<hbm>>) dst(%dma_wait3A_94 : memref<128xi32, #tpu.memory_space<vmem>>)
    %dma_wait3A_98 = arith.constant 0 : i32
    %dma_wait3A_99 = arith.constant 0 : i32
    %dma_wait3A_100 = arith.constant 0 : i32
    %dma_wait3A_101 = arith.constant 0 : i32
    %dma_wait3A_102 = tpu.memref_slice %arg6[%dma_wait3A_100, %dma_wait3A_101] : memref<4x128xi32, #tpu.memory_space<vmem>> -> memref<1x128xi32, #tpu.memory_space<vmem>>
    %dma_wait3A_103 = tpu.memref_squeeze %dma_wait3A_102 : memref<1x128xi32, #tpu.memory_space<vmem>> -> memref<128xi32, #tpu.memory_space<vmem>>
    %dma_wait3A_104 = arith.constant 0 : i32
    %dma_wait3A_105 = tpu.memref_slice %arg3[%dma_wait3A_98, %dma_wait3A_99, %dma_wait3A_104] : memref<32x80x128xi32, #tpu.memory_space<hbm>> -> memref<1x1x128xi32, #tpu.memory_space<hbm>>
    %dma_wait3A_106 = tpu.memref_squeeze %dma_wait3A_105 : memref<1x1x128xi32, #tpu.memory_space<hbm>> -> memref<128xi32, #tpu.memory_space<hbm>>
    %dma_wait3A_107 = arith.constant 0 : i32
    %dma_wait3A_108 = tpu.memref_slice %arg6[%dma_wait3A_100, %dma_wait3A_107] : memref<4x128xi32, #tpu.memory_space<vmem>> -> memref<1x128xi32, #tpu.memory_space<vmem>>
    %dma_wait3A_109 = tpu.memref_squeeze %dma_wait3A_108 : memref<1x128xi32, #tpu.memory_space<vmem>> -> memref<128xi32, #tpu.memory_space<vmem>>
    %dma_wait3A_110 = arith.constant 0 : i32
    %dma_wait3A_111 = tpu.memref_slice %arg3[%dma_wait3A_98, %dma_wait3A_99, %dma_wait3A_110] : memref<32x80x128xi32, #tpu.memory_space<hbm>> -> memref<1x1x128xi32, #tpu.memory_space<hbm>>
    %dma_wait3A_112 = tpu.memref_squeeze %dma_wait3A_111 : memref<1x1x128xi32, #tpu.memory_space<hbm>> -> memref<128xi32, #tpu.memory_space<hbm>>
    tpu.wait_dma2 semaphore(%arg12 : memref<!tpu.dma_semaphore, #tpu.memory_space<semaphore_mem>>) src(%dma_wait3A_112 : memref<128xi32, #tpu.memory_space<hbm>>) dst(%dma_wait3A_109 : memref<128xi32, #tpu.memory_space<vmem>>)
    %rem3A_113 = arith.constant 0 : i32
    %rem3A_114 = arith.constant 4 : i32
    %rem3A_115 = arith.remsi %rem3A_113, %rem3A_114 : i32
    %dma_start3A_116 = arith.constant 0 : i32
    %dma_start3A_117 = arith.constant 0 : i32
    %dma_start3A_118 = arith.constant 0 : i32
    %dma_start3A_119 = tpu.memref_slice %arg8[%dma_start3A_116, %dma_start3A_117, %dma_start3A_118] : memref<2x128x128xf32, #tpu.memory_space<vmem>> -> memref<1x128x128xf32, #tpu.memory_space<vmem>>
    %dma_start3A_120 = tpu.memref_squeeze %dma_start3A_119 : memref<1x128x128xf32, #tpu.memory_space<vmem>> -> memref<128x128xf32, #tpu.memory_space<vmem>>
    %dma_start3A_121 = arith.constant 0 : i32
    %dma_start3A_122 = tpu.memref_slice %arg6[%rem3A_115, %dma_start3A_121] : memref<4x128xi32, #tpu.memory_space<vmem>> -> memref<1x128xi32, #tpu.memory_space<vmem>>
    %dma_start3A_123 = tpu.memref_squeeze %dma_start3A_122 : memref<1x128xi32, #tpu.memory_space<vmem>> -> memref<128xi32, #tpu.memory_space<vmem>>
    %dma_start3A_124 = arith.constant 0 : i32
    %dma_start3A_125 = arith.constant 0 : i32
    %dma_start3A_126 = tpu.memref_slice %arg2[%dma_start3A_124, %dma_start3A_125] : memref<10000x128xf32, #tpu.memory_space<hbm>> -> memref<10000x128xf32, #tpu.memory_space<hbm>>
    tpu.enqueue_indirect_dma source(%dma_start3A_126 : memref<10000x128xf32, #tpu.memory_space<hbm>>) target(%dma_start3A_120 : memref<128x128xf32, #tpu.memory_space<vmem>>) offsets(%dma_start3A_123 : memref<128xi32, #tpu.memory_space<vmem>>) semaphore(%arg10 : memref<!tpu.dma_semaphore, #tpu.memory_space<semaphore_mem>>)
    %rem3A_127 = arith.constant 2 : i32
    %rem3A_128 = arith.constant 4 : i32
    %rem3A_129 = arith.remsi %rem3A_127, %rem3A_128 : i32
    %dma_start3A_130 = arith.constant 2 : i32
    %dma_start3A_131 = arith.constant 0 : i32
    %dma_start3A_132 = tpu.memref_slice %arg6[%rem3A_129, %dma_start3A_131] : memref<4x128xi32, #tpu.memory_space<vmem>> -> memref<1x128xi32, #tpu.memory_space<vmem>>
    %dma_start3A_133 = tpu.memref_squeeze %dma_start3A_132 : memref<1x128xi32, #tpu.memory_space<vmem>> -> memref<128xi32, #tpu.memory_space<vmem>>
    %dma_start3A_134 = arith.constant 0 : i32
    %dma_start3A_135 = tpu.memref_slice %arg3[%add3A, %dma_start3A_130, %dma_start3A_134] : memref<32x80x128xi32, #tpu.memory_space<hbm>> -> memref<1x1x128xi32, #tpu.memory_space<hbm>>
    %dma_start3A_136 = tpu.memref_squeeze %dma_start3A_135 : memref<1x1x128xi32, #tpu.memory_space<hbm>> -> memref<128xi32, #tpu.memory_space<hbm>>
    %dma_start3A_137 = arith.constant 0 : i32
    %dma_start3A_138 = tpu.memref_slice %arg6[%rem3A_129, %dma_start3A_137] : memref<4x128xi32, #tpu.memory_space<vmem>> -> memref<1x128xi32, #tpu.memory_space<vmem>>
    %dma_start3A_139 = tpu.memref_squeeze %dma_start3A_138 : memref<1x128xi32, #tpu.memory_space<vmem>> -> memref<128xi32, #tpu.memory_space<vmem>>
    %dma_start3A_140 = arith.constant 0 : i32
    %dma_start3A_141 = tpu.memref_slice %arg3[%add3A, %dma_start3A_130, %dma_start3A_140] : memref<32x80x128xi32, #tpu.memory_space<hbm>> -> memref<1x1x128xi32, #tpu.memory_space<hbm>>
    %dma_start3A_142 = tpu.memref_squeeze %dma_start3A_141 : memref<1x1x128xi32, #tpu.memory_space<hbm>> -> memref<128xi32, #tpu.memory_space<hbm>>
    tpu.enqueue_dma source(%dma_start3A_142 : memref<128xi32, #tpu.memory_space<hbm>>) target(%dma_start3A_139 : memref<128xi32, #tpu.memory_space<vmem>>) target_semaphore(%arg12 : memref<!tpu.dma_semaphore, #tpu.memory_space<semaphore_mem>>)
    %rem3A_143 = arith.constant 2 : i32
    %rem3A_144 = arith.constant 4 : i32
    %rem3A_145 = arith.remsi %rem3A_143, %rem3A_144 : i32
    %dma_start3A_146 = arith.constant 2 : i32
    %dma_start3A_147 = arith.constant 0 : i32
    %dma_start3A_148 = tpu.memref_slice %arg7[%rem3A_145, %dma_start3A_147] : memref<4x128xi32, #tpu.memory_space<vmem>> -> memref<1x128xi32, #tpu.memory_space<vmem>>
    %dma_start3A_149 = tpu.memref_squeeze %dma_start3A_148 : memref<1x128xi32, #tpu.memory_space<vmem>> -> memref<128xi32, #tpu.memory_space<vmem>>
    %dma_start3A_150 = arith.constant 0 : i32
    %dma_start3A_151 = tpu.memref_slice %arg4[%add3A, %dma_start3A_146, %dma_start3A_150] : memref<32x80x128xi32, #tpu.memory_space<hbm>> -> memref<1x1x128xi32, #tpu.memory_space<hbm>>
    %dma_start3A_152 = tpu.memref_squeeze %dma_start3A_151 : memref<1x1x128xi32, #tpu.memory_space<hbm>> -> memref<128xi32, #tpu.memory_space<hbm>>
    %dma_start3A_153 = arith.constant 0 : i32
    %dma_start3A_154 = tpu.memref_slice %arg7[%rem3A_145, %dma_start3A_153] : memref<4x128xi32, #tpu.memory_space<vmem>> -> memref<1x128xi32, #tpu.memory_space<vmem>>
    %dma_start3A_155 = tpu.memref_squeeze %dma_start3A_154 : memref<1x128xi32, #tpu.memory_space<vmem>> -> memref<128xi32, #tpu.memory_space<vmem>>
    %dma_start3A_156 = arith.constant 0 : i32
    %dma_start3A_157 = tpu.memref_slice %arg4[%add3A, %dma_start3A_146, %dma_start3A_156] : memref<32x80x128xi32, #tpu.memory_space<hbm>> -> memref<1x1x128xi32, #tpu.memory_space<hbm>>
    %dma_start3A_158 = tpu.memref_squeeze %dma_start3A_157 : memref<1x1x128xi32, #tpu.memory_space<hbm>> -> memref<128xi32, #tpu.memory_space<hbm>>
    tpu.enqueue_dma source(%dma_start3A_158 : memref<128xi32, #tpu.memory_space<hbm>>) target(%dma_start3A_155 : memref<128xi32, #tpu.memory_space<vmem>>) target_semaphore(%arg12 : memref<!tpu.dma_semaphore, #tpu.memory_space<semaphore_mem>>)
    %scan3A_159 = arith.constant 0 : i32
    %scan3A_160 = arith.constant 0 : i32
    %scan3A_161 = arith.constant 80 : i32
    %scan3A_162 = arith.addi %scan3A_160, %scan3A_161 : i32
    %scan3A_163 = arith.constant 1 : i32
    scf.for %scan3A_190 = %scan3A_160 to %scan3A_162 step %scan3A_163  : i32 {
      %rem3A_191 = arith.constant 2 : i32
      %rem3A_192 = arith.remsi %scan3A_190, %rem3A_191 : i32
      %eq3A = arith.constant 0 : i32
      %eq3A_193 = arith.cmpi eq, %rem3A_192, %eq3A : i32
      %convert_element_type3A = arith.extui %eq3A_193 : i1 to i32
      %cond3A = arith.constant 0 : i32
      %cond3A_194 = arith.cmpi ne, %convert_element_type3A, %cond3A : i32
      scf.if %cond3A_194 {
        %add3A_199 = arith.constant 1 : i32
        %add3A_200 = arith.addi %scan3A_190, %add3A_199 : i32
        %lt3A = arith.constant 80 : i32
        %lt3A_201 = arith.cmpi slt, %add3A_200, %lt3A : i32
        %convert_element_type3A_202 = arith.extui %lt3A_201 : i1 to i32
        %cond3A_203 = arith.constant 0 : i32
        %cond3A_204 = arith.cmpi ne, %convert_element_type3A_202, %cond3A_203 : i32
        scf.if %cond3A_204 {
          %dma_wait3A_237 = arith.constant 0 : i32
          %dma_wait3A_238 = arith.constant 0 : i32
          %dma_wait3A_239 = arith.constant 0 : i32
          %dma_wait3A_240 = arith.constant 0 : i32
          %dma_wait3A_241 = tpu.memref_slice %arg6[%dma_wait3A_239, %dma_wait3A_240] : memref<4x128xi32, #tpu.memory_space<vmem>> -> memref<1x128xi32, #tpu.memory_space<vmem>>
          %dma_wait3A_242 = tpu.memref_squeeze %dma_wait3A_241 : memref<1x128xi32, #tpu.memory_space<vmem>> -> memref<128xi32, #tpu.memory_space<vmem>>
          %dma_wait3A_243 = arith.constant 0 : i32
          %dma_wait3A_244 = tpu.memref_slice %arg3[%dma_wait3A_237, %dma_wait3A_238, %dma_wait3A_243] : memref<32x80x128xi32, #tpu.memory_space<hbm>> -> memref<1x1x128xi32, #tpu.memory_space<hbm>>
          %dma_wait3A_245 = tpu.memref_squeeze %dma_wait3A_244 : memref<1x1x128xi32, #tpu.memory_space<hbm>> -> memref<128xi32, #tpu.memory_space<hbm>>
          %dma_wait3A_246 = arith.constant 0 : i32
          %dma_wait3A_247 = tpu.memref_slice %arg6[%dma_wait3A_239, %dma_wait3A_246] : memref<4x128xi32, #tpu.memory_space<vmem>> -> memref<1x128xi32, #tpu.memory_space<vmem>>
          %dma_wait3A_248 = tpu.memref_squeeze %dma_wait3A_247 : memref<1x128xi32, #tpu.memory_space<vmem>> -> memref<128xi32, #tpu.memory_space<vmem>>
          %dma_wait3A_249 = arith.constant 0 : i32
          %dma_wait3A_250 = tpu.memref_slice %arg3[%dma_wait3A_237, %dma_wait3A_238, %dma_wait3A_249] : memref<32x80x128xi32, #tpu.memory_space<hbm>> -> memref<1x1x128xi32, #tpu.memory_space<hbm>>
          %dma_wait3A_251 = tpu.memref_squeeze %dma_wait3A_250 : memref<1x1x128xi32, #tpu.memory_space<hbm>> -> memref<128xi32, #tpu.memory_space<hbm>>
          tpu.wait_dma2 semaphore(%arg13 : memref<!tpu.dma_semaphore, #tpu.memory_space<semaphore_mem>>) src(%dma_wait3A_251 : memref<128xi32, #tpu.memory_space<hbm>>) dst(%dma_wait3A_248 : memref<128xi32, #tpu.memory_space<vmem>>)
          %dma_wait3A_252 = arith.constant 0 : i32
          %dma_wait3A_253 = arith.constant 0 : i32
          %dma_wait3A_254 = arith.constant 0 : i32
          %dma_wait3A_255 = arith.constant 0 : i32
          %dma_wait3A_256 = tpu.memref_slice %arg6[%dma_wait3A_254, %dma_wait3A_255] : memref<4x128xi32, #tpu.memory_space<vmem>> -> memref<1x128xi32, #tpu.memory_space<vmem>>
          %dma_wait3A_257 = tpu.memref_squeeze %dma_wait3A_256 : memref<1x128xi32, #tpu.memory_space<vmem>> -> memref<128xi32, #tpu.memory_space<vmem>>
          %dma_wait3A_258 = arith.constant 0 : i32
          %dma_wait3A_259 = tpu.memref_slice %arg3[%dma_wait3A_252, %dma_wait3A_253, %dma_wait3A_258] : memref<32x80x128xi32, #tpu.memory_space<hbm>> -> memref<1x1x128xi32, #tpu.memory_space<hbm>>
          %dma_wait3A_260 = tpu.memref_squeeze %dma_wait3A_259 : memref<1x1x128xi32, #tpu.memory_space<hbm>> -> memref<128xi32, #tpu.memory_space<hbm>>
          %dma_wait3A_261 = arith.constant 0 : i32
          %dma_wait3A_262 = tpu.memref_slice %arg6[%dma_wait3A_254, %dma_wait3A_261] : memref<4x128xi32, #tpu.memory_space<vmem>> -> memref<1x128xi32, #tpu.memory_space<vmem>>
          %dma_wait3A_263 = tpu.memref_squeeze %dma_wait3A_262 : memref<1x128xi32, #tpu.memory_space<vmem>> -> memref<128xi32, #tpu.memory_space<vmem>>
          %dma_wait3A_264 = arith.constant 0 : i32
          %dma_wait3A_265 = tpu.memref_slice %arg3[%dma_wait3A_252, %dma_wait3A_253, %dma_wait3A_264] : memref<32x80x128xi32, #tpu.memory_space<hbm>> -> memref<1x1x128xi32, #tpu.memory_space<hbm>>
          %dma_wait3A_266 = tpu.memref_squeeze %dma_wait3A_265 : memref<1x1x128xi32, #tpu.memory_space<hbm>> -> memref<128xi32, #tpu.memory_space<hbm>>
          tpu.wait_dma2 semaphore(%arg13 : memref<!tpu.dma_semaphore, #tpu.memory_space<semaphore_mem>>) src(%dma_wait3A_266 : memref<128xi32, #tpu.memory_space<hbm>>) dst(%dma_wait3A_263 : memref<128xi32, #tpu.memory_space<vmem>>)
          %ge3A = arith.constant 1 : i32
          %ge3A_267 = arith.cmpi sge, %scan3A_190, %ge3A : i32
          %convert_element_type3A_268 = arith.extui %ge3A_267 : i1 to i32
          %cond3A_269 = arith.constant 0 : i32
          %cond3A_270 = arith.cmpi ne, %convert_element_type3A_268, %cond3A_269 : i32
          scf.if %cond3A_270 {
            %dma_wait3A_286 = arith.constant 0 : i32
            %dma_wait3A_287 = arith.constant 1 : i32
            %dma_wait3A_288 = arith.constant 0 : i32
            %dma_wait3A_289 = arith.constant 0 : i32
            %dma_wait3A_290 = tpu.memref_slice %arg8[%dma_wait3A_287, %dma_wait3A_288, %dma_wait3A_289] : memref<2x128x128xf32, #tpu.memory_space<vmem>> -> memref<1x128x128xf32, #tpu.memory_space<vmem>>
            %dma_wait3A_291 = tpu.memref_squeeze %dma_wait3A_290 : memref<1x128x128xf32, #tpu.memory_space<vmem>> -> memref<128x128xf32, #tpu.memory_space<vmem>>
            %dma_wait3A_292 = arith.constant 0 : i32
            %dma_wait3A_293 = tpu.memref_slice %arg6[%dma_wait3A_286, %dma_wait3A_292] : memref<4x128xi32, #tpu.memory_space<vmem>> -> memref<1x128xi32, #tpu.memory_space<vmem>>
            %dma_wait3A_294 = tpu.memref_squeeze %dma_wait3A_293 : memref<1x128xi32, #tpu.memory_space<vmem>> -> memref<128xi32, #tpu.memory_space<vmem>>
            %dma_wait3A_295 = arith.constant 0 : i32
            %dma_wait3A_296 = arith.constant 0 : i32
            %dma_wait3A_297 = tpu.memref_slice %arg2[%dma_wait3A_295, %dma_wait3A_296] : memref<10000x128xf32, #tpu.memory_space<hbm>> -> memref<10000x128xf32, #tpu.memory_space<hbm>>
            tpu.wait_indirect_dma semaphore(%arg15 : memref<!tpu.dma_semaphore, #tpu.memory_space<semaphore_mem>>) src(%dma_wait3A_297 : memref<10000x128xf32, #tpu.memory_space<hbm>>) dst(%dma_wait3A_291 : memref<128x128xf32, #tpu.memory_space<vmem>>)
          } else {
          }
          %add3A_271 = arith.constant 1 : i32
          %add3A_272 = arith.addi %scan3A_190, %add3A_271 : i32
          %rem3A_273 = arith.constant 4 : i32
          %rem3A_274 = arith.remsi %add3A_272, %rem3A_273 : i32
          %dma_start3A_275 = arith.constant 1 : i32
          %dma_start3A_276 = arith.constant 0 : i32
          %dma_start3A_277 = arith.constant 0 : i32
          %dma_start3A_278 = tpu.memref_slice %arg8[%dma_start3A_275, %dma_start3A_276, %dma_start3A_277] : memref<2x128x128xf32, #tpu.memory_space<vmem>> -> memref<1x128x128xf32, #tpu.memory_space<vmem>>
          %dma_start3A_279 = tpu.memref_squeeze %dma_start3A_278 : memref<1x128x128xf32, #tpu.memory_space<vmem>> -> memref<128x128xf32, #tpu.memory_space<vmem>>
          %dma_start3A_280 = arith.constant 0 : i32
          %dma_start3A_281 = tpu.memref_slice %arg6[%rem3A_274, %dma_start3A_280] : memref<4x128xi32, #tpu.memory_space<vmem>> -> memref<1x128xi32, #tpu.memory_space<vmem>>
          %dma_start3A_282 = tpu.memref_squeeze %dma_start3A_281 : memref<1x128xi32, #tpu.memory_space<vmem>> -> memref<128xi32, #tpu.memory_space<vmem>>
          %dma_start3A_283 = arith.constant 0 : i32
          %dma_start3A_284 = arith.constant 0 : i32
          %dma_start3A_285 = tpu.memref_slice %arg2[%dma_start3A_283, %dma_start3A_284] : memref<10000x128xf32, #tpu.memory_space<hbm>> -> memref<10000x128xf32, #tpu.memory_space<hbm>>
          tpu.enqueue_indirect_dma source(%dma_start3A_285 : memref<10000x128xf32, #tpu.memory_space<hbm>>) target(%dma_start3A_279 : memref<128x128xf32, #tpu.memory_space<vmem>>) offsets(%dma_start3A_282 : memref<128xi32, #tpu.memory_space<vmem>>) semaphore(%arg11 : memref<!tpu.dma_semaphore, #tpu.memory_space<semaphore_mem>>)
        } else {
        }
        %add3A_205 = arith.constant 3 : i32
        %add3A_206 = arith.addi %scan3A_190, %add3A_205 : i32
        %lt3A_207 = arith.constant 80 : i32
        %lt3A_208 = arith.cmpi slt, %add3A_206, %lt3A_207 : i32
        %convert_element_type3A_209 = arith.extui %lt3A_208 : i1 to i32
        %cond3A_210 = arith.constant 0 : i32
        %cond3A_211 = arith.cmpi ne, %convert_element_type3A_209, %cond3A_210 : i32
        scf.if %cond3A_211 {
          %add3A_237 = arith.constant 3 : i32
          %add3A_238 = arith.addi %scan3A_190, %add3A_237 : i32
          %rem3A_239 = arith.constant 4 : i32
          %rem3A_240 = arith.remsi %add3A_238, %rem3A_239 : i32
          %dma_start3A_241 = arith.constant 0 : i32
          %dma_start3A_242 = tpu.memref_slice %arg6[%rem3A_240, %dma_start3A_241] : memref<4x128xi32, #tpu.memory_space<vmem>> -> memref<1x128xi32, #tpu.memory_space<vmem>>
          %dma_start3A_243 = tpu.memref_squeeze %dma_start3A_242 : memref<1x128xi32, #tpu.memory_space<vmem>> -> memref<128xi32, #tpu.memory_space<vmem>>
          %dma_start3A_244 = arith.constant 0 : i32
          %dma_start3A_245 = tpu.memref_slice %arg3[%add3A, %add3A_238, %dma_start3A_244] : memref<32x80x128xi32, #tpu.memory_space<hbm>> -> memref<1x1x128xi32, #tpu.memory_space<hbm>>
          %dma_start3A_246 = tpu.memref_squeeze %dma_start3A_245 : memref<1x1x128xi32, #tpu.memory_space<hbm>> -> memref<128xi32, #tpu.memory_space<hbm>>
          %dma_start3A_247 = arith.constant 0 : i32
          %dma_start3A_248 = tpu.memref_slice %arg6[%rem3A_240, %dma_start3A_247] : memref<4x128xi32, #tpu.memory_space<vmem>> -> memref<1x128xi32, #tpu.memory_space<vmem>>
          %dma_start3A_249 = tpu.memref_squeeze %dma_start3A_248 : memref<1x128xi32, #tpu.memory_space<vmem>> -> memref<128xi32, #tpu.memory_space<vmem>>
          %dma_start3A_250 = arith.constant 0 : i32
          %dma_start3A_251 = tpu.memref_slice %arg3[%add3A, %add3A_238, %dma_start3A_250] : memref<32x80x128xi32, #tpu.memory_space<hbm>> -> memref<1x1x128xi32, #tpu.memory_space<hbm>>
          %dma_start3A_252 = tpu.memref_squeeze %dma_start3A_251 : memref<1x1x128xi32, #tpu.memory_space<hbm>> -> memref<128xi32, #tpu.memory_space<hbm>>
          tpu.enqueue_dma source(%dma_start3A_252 : memref<128xi32, #tpu.memory_space<hbm>>) target(%dma_start3A_249 : memref<128xi32, #tpu.memory_space<vmem>>) target_semaphore(%arg13 : memref<!tpu.dma_semaphore, #tpu.memory_space<semaphore_mem>>)
          %rem3A_253 = arith.constant 4 : i32
          %rem3A_254 = arith.remsi %add3A_238, %rem3A_253 : i32
          %dma_start3A_255 = arith.constant 0 : i32
          %dma_start3A_256 = tpu.memref_slice %arg7[%rem3A_254, %dma_start3A_255] : memref<4x128xi32, #tpu.memory_space<vmem>> -> memref<1x128xi32, #tpu.memory_space<vmem>>
          %dma_start3A_257 = tpu.memref_squeeze %dma_start3A_256 : memref<1x128xi32, #tpu.memory_space<vmem>> -> memref<128xi32, #tpu.memory_space<vmem>>
          %dma_start3A_258 = arith.constant 0 : i32
          %dma_start3A_259 = tpu.memref_slice %arg4[%add3A, %add3A_238, %dma_start3A_258] : memref<32x80x128xi32, #tpu.memory_space<hbm>> -> memref<1x1x128xi32, #tpu.memory_space<hbm>>
          %dma_start3A_260 = tpu.memref_squeeze %dma_start3A_259 : memref<1x1x128xi32, #tpu.memory_space<hbm>> -> memref<128xi32, #tpu.memory_space<hbm>>
          %dma_start3A_261 = arith.constant 0 : i32
          %dma_start3A_262 = tpu.memref_slice %arg7[%rem3A_254, %dma_start3A_261] : memref<4x128xi32, #tpu.memory_space<vmem>> -> memref<1x128xi32, #tpu.memory_space<vmem>>
          %dma_start3A_263 = tpu.memref_squeeze %dma_start3A_262 : memref<1x128xi32, #tpu.memory_space<vmem>> -> memref<128xi32, #tpu.memory_space<vmem>>
          %dma_start3A_264 = arith.constant 0 : i32
          %dma_start3A_265 = tpu.memref_slice %arg4[%add3A, %add3A_238, %dma_start3A_264] : memref<32x80x128xi32, #tpu.memory_space<hbm>> -> memref<1x1x128xi32, #tpu.memory_space<hbm>>
          %dma_start3A_266 = tpu.memref_squeeze %dma_start3A_265 : memref<1x1x128xi32, #tpu.memory_space<hbm>> -> memref<128xi32, #tpu.memory_space<hbm>>
          tpu.enqueue_dma source(%dma_start3A_266 : memref<128xi32, #tpu.memory_space<hbm>>) target(%dma_start3A_263 : memref<128xi32, #tpu.memory_space<vmem>>) target_semaphore(%arg13 : memref<!tpu.dma_semaphore, #tpu.memory_space<semaphore_mem>>)
        } else {
        }
        %dma_wait3A_212 = arith.constant 0 : i32
        %dma_wait3A_213 = arith.constant 0 : i32
        %dma_wait3A_214 = arith.constant 0 : i32
        %dma_wait3A_215 = arith.constant 0 : i32
        %dma_wait3A_216 = tpu.memref_slice %arg8[%dma_wait3A_213, %dma_wait3A_214, %dma_wait3A_215] : memref<2x128x128xf32, #tpu.memory_space<vmem>> -> memref<1x128x128xf32, #tpu.memory_space<vmem>>
        %dma_wait3A_217 = tpu.memref_squeeze %dma_wait3A_216 : memref<1x128x128xf32, #tpu.memory_space<vmem>> -> memref<128x128xf32, #tpu.memory_space<vmem>>
        %dma_wait3A_218 = arith.constant 0 : i32
        %dma_wait3A_219 = tpu.memref_slice %arg6[%dma_wait3A_212, %dma_wait3A_218] : memref<4x128xi32, #tpu.memory_space<vmem>> -> memref<1x128xi32, #tpu.memory_space<vmem>>
        %dma_wait3A_220 = tpu.memref_squeeze %dma_wait3A_219 : memref<1x128xi32, #tpu.memory_space<vmem>> -> memref<128xi32, #tpu.memory_space<vmem>>
        %dma_wait3A_221 = arith.constant 0 : i32
        %dma_wait3A_222 = arith.constant 0 : i32
        %dma_wait3A_223 = tpu.memref_slice %arg2[%dma_wait3A_221, %dma_wait3A_222] : memref<10000x128xf32, #tpu.memory_space<hbm>> -> memref<10000x128xf32, #tpu.memory_space<hbm>>
        tpu.wait_indirect_dma semaphore(%arg10 : memref<!tpu.dma_semaphore, #tpu.memory_space<semaphore_mem>>) src(%dma_wait3A_223 : memref<10000x128xf32, #tpu.memory_space<hbm>>) dst(%dma_wait3A_217 : memref<128x128xf32, #tpu.memory_space<vmem>>)
        %rem3A_224 = arith.constant 4 : i32
        %rem3A_225 = arith.remsi %scan3A_190, %rem3A_224 : i32
        %dma_start3A_226 = arith.constant 0 : i32
        %dma_start3A_227 = arith.constant 0 : i32
        %dma_start3A_228 = arith.constant 0 : i32
        %dma_start3A_229 = tpu.memref_slice %arg8[%dma_start3A_226, %dma_start3A_227, %dma_start3A_228] : memref<2x128x128xf32, #tpu.memory_space<vmem>> -> memref<1x128x128xf32, #tpu.memory_space<vmem>>
        %dma_start3A_230 = tpu.memref_squeeze %dma_start3A_229 : memref<1x128x128xf32, #tpu.memory_space<vmem>> -> memref<128x128xf32, #tpu.memory_space<vmem>>
        %dma_start3A_231 = arith.constant 0 : i32
        %dma_start3A_232 = tpu.memref_slice %arg7[%rem3A_225, %dma_start3A_231] : memref<4x128xi32, #tpu.memory_space<vmem>> -> memref<1x128xi32, #tpu.memory_space<vmem>>
        %dma_start3A_233 = tpu.memref_squeeze %dma_start3A_232 : memref<1x128xi32, #tpu.memory_space<vmem>> -> memref<128xi32, #tpu.memory_space<vmem>>
        %dma_start3A_234 = arith.constant 0 : i32
        %dma_start3A_235 = arith.constant 0 : i32
        %dma_start3A_236 = tpu.memref_slice %arg9[%dma_start3A_234, %dma_start3A_235] : memref<10240x128xf32, #tpu.memory_space<vmem_shared>> -> memref<10240x128xf32, #tpu.memory_space<vmem_shared>>
        tpu.enqueue_indirect_dma source(%dma_start3A_230 : memref<128x128xf32, #tpu.memory_space<vmem>>) target(%dma_start3A_236 : memref<10240x128xf32, #tpu.memory_space<vmem_shared>>) offsets(%dma_start3A_233 : memref<128xi32, #tpu.memory_space<vmem>>) semaphore(%arg14 : memref<!tpu.dma_semaphore, #tpu.memory_space<semaphore_mem>>) {add = true}
      } else {
      }
      %not3A = arith.constant true
      %not3A_195 = arith.xori %eq3A_193, %not3A : i1
      %convert_element_type3A_196 = arith.extui %not3A_195 : i1 to i32
      %cond3A_197 = arith.constant 0 : i32
      %cond3A_198 = arith.cmpi ne, %convert_element_type3A_196, %cond3A_197 : i32
      scf.if %cond3A_198 {
        %add3A_199 = arith.constant 1 : i32
        %add3A_200 = arith.addi %scan3A_190, %add3A_199 : i32
        %lt3A = arith.constant 80 : i32
        %lt3A_201 = arith.cmpi slt, %add3A_200, %lt3A : i32
        %convert_element_type3A_202 = arith.extui %lt3A_201 : i1 to i32
        %cond3A_203 = arith.constant 0 : i32
        %cond3A_204 = arith.cmpi ne, %convert_element_type3A_202, %cond3A_203 : i32
        scf.if %cond3A_204 {
          %dma_wait3A_237 = arith.constant 0 : i32
          %dma_wait3A_238 = arith.constant 0 : i32
          %dma_wait3A_239 = arith.constant 0 : i32
          %dma_wait3A_240 = arith.constant 0 : i32
          %dma_wait3A_241 = tpu.memref_slice %arg6[%dma_wait3A_239, %dma_wait3A_240] : memref<4x128xi32, #tpu.memory_space<vmem>> -> memref<1x128xi32, #tpu.memory_space<vmem>>
          %dma_wait3A_242 = tpu.memref_squeeze %dma_wait3A_241 : memref<1x128xi32, #tpu.memory_space<vmem>> -> memref<128xi32, #tpu.memory_space<vmem>>
          %dma_wait3A_243 = arith.constant 0 : i32
          %dma_wait3A_244 = tpu.memref_slice %arg3[%dma_wait3A_237, %dma_wait3A_238, %dma_wait3A_243] : memref<32x80x128xi32, #tpu.memory_space<hbm>> -> memref<1x1x128xi32, #tpu.memory_space<hbm>>
          %dma_wait3A_245 = tpu.memref_squeeze %dma_wait3A_244 : memref<1x1x128xi32, #tpu.memory_space<hbm>> -> memref<128xi32, #tpu.memory_space<hbm>>
          %dma_wait3A_246 = arith.constant 0 : i32
          %dma_wait3A_247 = tpu.memref_slice %arg6[%dma_wait3A_239, %dma_wait3A_246] : memref<4x128xi32, #tpu.memory_space<vmem>> -> memref<1x128xi32, #tpu.memory_space<vmem>>
          %dma_wait3A_248 = tpu.memref_squeeze %dma_wait3A_247 : memref<1x128xi32, #tpu.memory_space<vmem>> -> memref<128xi32, #tpu.memory_space<vmem>>
          %dma_wait3A_249 = arith.constant 0 : i32
          %dma_wait3A_250 = tpu.memref_slice %arg3[%dma_wait3A_237, %dma_wait3A_238, %dma_wait3A_249] : memref<32x80x128xi32, #tpu.memory_space<hbm>> -> memref<1x1x128xi32, #tpu.memory_space<hbm>>
          %dma_wait3A_251 = tpu.memref_squeeze %dma_wait3A_250 : memref<1x1x128xi32, #tpu.memory_space<hbm>> -> memref<128xi32, #tpu.memory_space<hbm>>
          tpu.wait_dma2 semaphore(%arg12 : memref<!tpu.dma_semaphore, #tpu.memory_space<semaphore_mem>>) src(%dma_wait3A_251 : memref<128xi32, #tpu.memory_space<hbm>>) dst(%dma_wait3A_248 : memref<128xi32, #tpu.memory_space<vmem>>)
          %dma_wait3A_252 = arith.constant 0 : i32
          %dma_wait3A_253 = arith.constant 0 : i32
          %dma_wait3A_254 = arith.constant 0 : i32
          %dma_wait3A_255 = arith.constant 0 : i32
          %dma_wait3A_256 = tpu.memref_slice %arg6[%dma_wait3A_254, %dma_wait3A_255] : memref<4x128xi32, #tpu.memory_space<vmem>> -> memref<1x128xi32, #tpu.memory_space<vmem>>
          %dma_wait3A_257 = tpu.memref_squeeze %dma_wait3A_256 : memref<1x128xi32, #tpu.memory_space<vmem>> -> memref<128xi32, #tpu.memory_space<vmem>>
          %dma_wait3A_258 = arith.constant 0 : i32
          %dma_wait3A_259 = tpu.memref_slice %arg3[%dma_wait3A_252, %dma_wait3A_253, %dma_wait3A_258] : memref<32x80x128xi32, #tpu.memory_space<hbm>> -> memref<1x1x128xi32, #tpu.memory_space<hbm>>
          %dma_wait3A_260 = tpu.memref_squeeze %dma_wait3A_259 : memref<1x1x128xi32, #tpu.memory_space<hbm>> -> memref<128xi32, #tpu.memory_space<hbm>>
          %dma_wait3A_261 = arith.constant 0 : i32
          %dma_wait3A_262 = tpu.memref_slice %arg6[%dma_wait3A_254, %dma_wait3A_261] : memref<4x128xi32, #tpu.memory_space<vmem>> -> memref<1x128xi32, #tpu.memory_space<vmem>>
          %dma_wait3A_263 = tpu.memref_squeeze %dma_wait3A_262 : memref<1x128xi32, #tpu.memory_space<vmem>> -> memref<128xi32, #tpu.memory_space<vmem>>
          %dma_wait3A_264 = arith.constant 0 : i32
          %dma_wait3A_265 = tpu.memref_slice %arg3[%dma_wait3A_252, %dma_wait3A_253, %dma_wait3A_264] : memref<32x80x128xi32, #tpu.memory_space<hbm>> -> memref<1x1x128xi32, #tpu.memory_space<hbm>>
          %dma_wait3A_266 = tpu.memref_squeeze %dma_wait3A_265 : memref<1x1x128xi32, #tpu.memory_space<hbm>> -> memref<128xi32, #tpu.memory_space<hbm>>
          tpu.wait_dma2 semaphore(%arg12 : memref<!tpu.dma_semaphore, #tpu.memory_space<semaphore_mem>>) src(%dma_wait3A_266 : memref<128xi32, #tpu.memory_space<hbm>>) dst(%dma_wait3A_263 : memref<128xi32, #tpu.memory_space<vmem>>)
          %ge3A = arith.constant 1 : i32
          %ge3A_267 = arith.cmpi sge, %scan3A_190, %ge3A : i32
          %convert_element_type3A_268 = arith.extui %ge3A_267 : i1 to i32
          %cond3A_269 = arith.constant 0 : i32
          %cond3A_270 = arith.cmpi ne, %convert_element_type3A_268, %cond3A_269 : i32
          scf.if %cond3A_270 {
            %dma_wait3A_286 = arith.constant 0 : i32
            %dma_wait3A_287 = arith.constant 0 : i32
            %dma_wait3A_288 = arith.constant 0 : i32
            %dma_wait3A_289 = arith.constant 0 : i32
            %dma_wait3A_290 = tpu.memref_slice %arg8[%dma_wait3A_287, %dma_wait3A_288, %dma_wait3A_289] : memref<2x128x128xf32, #tpu.memory_space<vmem>> -> memref<1x128x128xf32, #tpu.memory_space<vmem>>
            %dma_wait3A_291 = tpu.memref_squeeze %dma_wait3A_290 : memref<1x128x128xf32, #tpu.memory_space<vmem>> -> memref<128x128xf32, #tpu.memory_space<vmem>>
            %dma_wait3A_292 = arith.constant 0 : i32
            %dma_wait3A_293 = tpu.memref_slice %arg6[%dma_wait3A_286, %dma_wait3A_292] : memref<4x128xi32, #tpu.memory_space<vmem>> -> memref<1x128xi32, #tpu.memory_space<vmem>>
            %dma_wait3A_294 = tpu.memref_squeeze %dma_wait3A_293 : memref<1x128xi32, #tpu.memory_space<vmem>> -> memref<128xi32, #tpu.memory_space<vmem>>
            %dma_wait3A_295 = arith.constant 0 : i32
            %dma_wait3A_296 = arith.constant 0 : i32
            %dma_wait3A_297 = tpu.memref_slice %arg2[%dma_wait3A_295, %dma_wait3A_296] : memref<10000x128xf32, #tpu.memory_space<hbm>> -> memref<10000x128xf32, #tpu.memory_space<hbm>>
            tpu.wait_indirect_dma semaphore(%arg14 : memref<!tpu.dma_semaphore, #tpu.memory_space<semaphore_mem>>) src(%dma_wait3A_297 : memref<10000x128xf32, #tpu.memory_space<hbm>>) dst(%dma_wait3A_291 : memref<128x128xf32, #tpu.memory_space<vmem>>)
          } else {
          }
          %add3A_271 = arith.constant 1 : i32
          %add3A_272 = arith.addi %scan3A_190, %add3A_271 : i32
          %rem3A_273 = arith.constant 4 : i32
          %rem3A_274 = arith.remsi %add3A_272, %rem3A_273 : i32
          %dma_start3A_275 = arith.constant 0 : i32
          %dma_start3A_276 = arith.constant 0 : i32
          %dma_start3A_277 = arith.constant 0 : i32
          %dma_start3A_278 = tpu.memref_slice %arg8[%dma_start3A_275, %dma_start3A_276, %dma_start3A_277] : memref<2x128x128xf32, #tpu.memory_space<vmem>> -> memref<1x128x128xf32, #tpu.memory_space<vmem>>
          %dma_start3A_279 = tpu.memref_squeeze %dma_start3A_278 : memref<1x128x128xf32, #tpu.memory_space<vmem>> -> memref<128x128xf32, #tpu.memory_space<vmem>>
          %dma_start3A_280 = arith.constant 0 : i32
          %dma_start3A_281 = tpu.memref_slice %arg6[%rem3A_274, %dma_start3A_280] : memref<4x128xi32, #tpu.memory_space<vmem>> -> memref<1x128xi32, #tpu.memory_space<vmem>>
          %dma_start3A_282 = tpu.memref_squeeze %dma_start3A_281 : memref<1x128xi32, #tpu.memory_space<vmem>> -> memref<128xi32, #tpu.memory_space<vmem>>
          %dma_start3A_283 = arith.constant 0 : i32
          %dma_start3A_284 = arith.constant 0 : i32
          %dma_start3A_285 = tpu.memref_slice %arg2[%dma_start3A_283, %dma_start3A_284] : memref<10000x128xf32, #tpu.memory_space<hbm>> -> memref<10000x128xf32, #tpu.memory_space<hbm>>
          tpu.enqueue_indirect_dma source(%dma_start3A_285 : memref<10000x128xf32, #tpu.memory_space<hbm>>) target(%dma_start3A_279 : memref<128x128xf32, #tpu.memory_space<vmem>>) offsets(%dma_start3A_282 : memref<128xi32, #tpu.memory_space<vmem>>) semaphore(%arg10 : memref<!tpu.dma_semaphore, #tpu.memory_space<semaphore_mem>>)
        } else {
        }
        %add3A_205 = arith.constant 3 : i32
        %add3A_206 = arith.addi %scan3A_190, %add3A_205 : i32
        %lt3A_207 = arith.constant 80 : i32
        %lt3A_208 = arith.cmpi slt, %add3A_206, %lt3A_207 : i32
        %convert_element_type3A_209 = arith.extui %lt3A_208 : i1 to i32
        %cond3A_210 = arith.constant 0 : i32
        %cond3A_211 = arith.cmpi ne, %convert_element_type3A_209, %cond3A_210 : i32
        scf.if %cond3A_211 {
          %add3A_237 = arith.constant 3 : i32
          %add3A_238 = arith.addi %scan3A_190, %add3A_237 : i32
          %rem3A_239 = arith.constant 4 : i32
          %rem3A_240 = arith.remsi %add3A_238, %rem3A_239 : i32
          %dma_start3A_241 = arith.constant 0 : i32
          %dma_start3A_242 = tpu.memref_slice %arg6[%rem3A_240, %dma_start3A_241] : memref<4x128xi32, #tpu.memory_space<vmem>> -> memref<1x128xi32, #tpu.memory_space<vmem>>
          %dma_start3A_243 = tpu.memref_squeeze %dma_start3A_242 : memref<1x128xi32, #tpu.memory_space<vmem>> -> memref<128xi32, #tpu.memory_space<vmem>>
          %dma_start3A_244 = arith.constant 0 : i32
          %dma_start3A_245 = tpu.memref_slice %arg3[%add3A, %add3A_238, %dma_start3A_244] : memref<32x80x128xi32, #tpu.memory_space<hbm>> -> memref<1x1x128xi32, #tpu.memory_space<hbm>>
          %dma_start3A_246 = tpu.memref_squeeze %dma_start3A_245 : memref<1x1x128xi32, #tpu.memory_space<hbm>> -> memref<128xi32, #tpu.memory_space<hbm>>
          %dma_start3A_247 = arith.constant 0 : i32
          %dma_start3A_248 = tpu.memref_slice %arg6[%rem3A_240, %dma_start3A_247] : memref<4x128xi32, #tpu.memory_space<vmem>> -> memref<1x128xi32, #tpu.memory_space<vmem>>
          %dma_start3A_249 = tpu.memref_squeeze %dma_start3A_248 : memref<1x128xi32, #tpu.memory_space<vmem>> -> memref<128xi32, #tpu.memory_space<vmem>>
          %dma_start3A_250 = arith.constant 0 : i32
          %dma_start3A_251 = tpu.memref_slice %arg3[%add3A, %add3A_238, %dma_start3A_250] : memref<32x80x128xi32, #tpu.memory_space<hbm>> -> memref<1x1x128xi32, #tpu.memory_space<hbm>>
          %dma_start3A_252 = tpu.memref_squeeze %dma_start3A_251 : memref<1x1x128xi32, #tpu.memory_space<hbm>> -> memref<128xi32, #tpu.memory_space<hbm>>
          tpu.enqueue_dma source(%dma_start3A_252 : memref<128xi32, #tpu.memory_space<hbm>>) target(%dma_start3A_249 : memref<128xi32, #tpu.memory_space<vmem>>) target_semaphore(%arg12 : memref<!tpu.dma_semaphore, #tpu.memory_space<semaphore_mem>>)
          %rem3A_253 = arith.constant 4 : i32
          %rem3A_254 = arith.remsi %add3A_238, %rem3A_253 : i32
          %dma_start3A_255 = arith.constant 0 : i32
          %dma_start3A_256 = tpu.memref_slice %arg7[%rem3A_254, %dma_start3A_255] : memref<4x128xi32, #tpu.memory_space<vmem>> -> memref<1x128xi32, #tpu.memory_space<vmem>>
          %dma_start3A_257 = tpu.memref_squeeze %dma_start3A_256 : memref<1x128xi32, #tpu.memory_space<vmem>> -> memref<128xi32, #tpu.memory_space<vmem>>
          %dma_start3A_258 = arith.constant 0 : i32
          %dma_start3A_259 = tpu.memref_slice %arg4[%add3A, %add3A_238, %dma_start3A_258] : memref<32x80x128xi32, #tpu.memory_space<hbm>> -> memref<1x1x128xi32, #tpu.memory_space<hbm>>
          %dma_start3A_260 = tpu.memref_squeeze %dma_start3A_259 : memref<1x1x128xi32, #tpu.memory_space<hbm>> -> memref<128xi32, #tpu.memory_space<hbm>>
          %dma_start3A_261 = arith.constant 0 : i32
          %dma_start3A_262 = tpu.memref_slice %arg7[%rem3A_254, %dma_start3A_261] : memref<4x128xi32, #tpu.memory_space<vmem>> -> memref<1x128xi32, #tpu.memory_space<vmem>>
          %dma_start3A_263 = tpu.memref_squeeze %dma_start3A_262 : memref<1x128xi32, #tpu.memory_space<vmem>> -> memref<128xi32, #tpu.memory_space<vmem>>
          %dma_start3A_264 = arith.constant 0 : i32
          %dma_start3A_265 = tpu.memref_slice %arg4[%add3A, %add3A_238, %dma_start3A_264] : memref<32x80x128xi32, #tpu.memory_space<hbm>> -> memref<1x1x128xi32, #tpu.memory_space<hbm>>
          %dma_start3A_266 = tpu.memref_squeeze %dma_start3A_265 : memref<1x1x128xi32, #tpu.memory_space<hbm>> -> memref<128xi32, #tpu.memory_space<hbm>>
          tpu.enqueue_dma source(%dma_start3A_266 : memref<128xi32, #tpu.memory_space<hbm>>) target(%dma_start3A_263 : memref<128xi32, #tpu.memory_space<vmem>>) target_semaphore(%arg12 : memref<!tpu.dma_semaphore, #tpu.memory_space<semaphore_mem>>)
        } else {
        }
        %dma_wait3A_212 = arith.constant 0 : i32
        %dma_wait3A_213 = arith.constant 1 : i32
        %dma_wait3A_214 = arith.constant 0 : i32
        %dma_wait3A_215 = arith.constant 0 : i32
        %dma_wait3A_216 = tpu.memref_slice %arg8[%dma_wait3A_213, %dma_wait3A_214, %dma_wait3A_215] : memref<2x128x128xf32, #tpu.memory_space<vmem>> -> memref<1x128x128xf32, #tpu.memory_space<vmem>>
        %dma_wait3A_217 = tpu.memref_squeeze %dma_wait3A_216 : memref<1x128x128xf32, #tpu.memory_space<vmem>> -> memref<128x128xf32, #tpu.memory_space<vmem>>
        %dma_wait3A_218 = arith.constant 0 : i32
        %dma_wait3A_219 = tpu.memref_slice %arg6[%dma_wait3A_212, %dma_wait3A_218] : memref<4x128xi32, #tpu.memory_space<vmem>> -> memref<1x128xi32, #tpu.memory_space<vmem>>
        %dma_wait3A_220 = tpu.memref_squeeze %dma_wait3A_219 : memref<1x128xi32, #tpu.memory_space<vmem>> -> memref<128xi32, #tpu.memory_space<vmem>>
        %dma_wait3A_221 = arith.constant 0 : i32
        %dma_wait3A_222 = arith.constant 0 : i32
        %dma_wait3A_223 = tpu.memref_slice %arg2[%dma_wait3A_221, %dma_wait3A_222] : memref<10000x128xf32, #tpu.memory_space<hbm>> -> memref<10000x128xf32, #tpu.memory_space<hbm>>
        tpu.wait_indirect_dma semaphore(%arg11 : memref<!tpu.dma_semaphore, #tpu.memory_space<semaphore_mem>>) src(%dma_wait3A_223 : memref<10000x128xf32, #tpu.memory_space<hbm>>) dst(%dma_wait3A_217 : memref<128x128xf32, #tpu.memory_space<vmem>>)
        %rem3A_224 = arith.constant 4 : i32
        %rem3A_225 = arith.remsi %scan3A_190, %rem3A_224 : i32
        %dma_start3A_226 = arith.constant 1 : i32
        %dma_start3A_227 = arith.constant 0 : i32
        %dma_start3A_228 = arith.constant 0 : i32
        %dma_start3A_229 = tpu.memref_slice %arg8[%dma_start3A_226, %dma_start3A_227, %dma_start3A_228] : memref<2x128x128xf32, #tpu.memory_space<vmem>> -> memref<1x128x128xf32, #tpu.memory_space<vmem>>
        %dma_start3A_230 = tpu.memref_squeeze %dma_start3A_229 : memref<1x128x128xf32, #tpu.memory_space<vmem>> -> memref<128x128xf32, #tpu.memory_space<vmem>>
        %dma_start3A_231 = arith.constant 0 : i32
        %dma_start3A_232 = tpu.memref_slice %arg7[%rem3A_225, %dma_start3A_231] : memref<4x128xi32, #tpu.memory_space<vmem>> -> memref<1x128xi32, #tpu.memory_space<vmem>>
        %dma_start3A_233 = tpu.memref_squeeze %dma_start3A_232 : memref<1x128xi32, #tpu.memory_space<vmem>> -> memref<128xi32, #tpu.memory_space<vmem>>
        %dma_start3A_234 = arith.constant 0 : i32
        %dma_start3A_235 = arith.constant 0 : i32
        %dma_start3A_236 = tpu.memref_slice %arg9[%dma_start3A_234, %dma_start3A_235] : memref<10240x128xf32, #tpu.memory_space<vmem_shared>> -> memref<10240x128xf32, #tpu.memory_space<vmem_shared>>
        tpu.enqueue_indirect_dma source(%dma_start3A_230 : memref<128x128xf32, #tpu.memory_space<vmem>>) target(%dma_start3A_236 : memref<10240x128xf32, #tpu.memory_space<vmem_shared>>) offsets(%dma_start3A_233 : memref<128xi32, #tpu.memory_space<vmem>>) semaphore(%arg15 : memref<!tpu.dma_semaphore, #tpu.memory_space<semaphore_mem>>) {add = true}
      } else {
      }
    }
    %scan3A_164 = arith.constant 80 : i32
    %dma_wait3A_165 = arith.constant 0 : i32
    %dma_wait3A_166 = arith.constant 0 : i32
    %dma_wait3A_167 = arith.constant 0 : i32
    %dma_wait3A_168 = arith.constant 0 : i32
    %dma_wait3A_169 = tpu.memref_slice %arg8[%dma_wait3A_166, %dma_wait3A_167, %dma_wait3A_168] : memref<2x128x128xf32, #tpu.memory_space<vmem>> -> memref<1x128x128xf32, #tpu.memory_space<vmem>>
    %dma_wait3A_170 = tpu.memref_squeeze %dma_wait3A_169 : memref<1x128x128xf32, #tpu.memory_space<vmem>> -> memref<128x128xf32, #tpu.memory_space<vmem>>
    %dma_wait3A_171 = arith.constant 0 : i32
    %dma_wait3A_172 = tpu.memref_slice %arg6[%dma_wait3A_165, %dma_wait3A_171] : memref<4x128xi32, #tpu.memory_space<vmem>> -> memref<1x128xi32, #tpu.memory_space<vmem>>
    %dma_wait3A_173 = tpu.memref_squeeze %dma_wait3A_172 : memref<1x128xi32, #tpu.memory_space<vmem>> -> memref<128xi32, #tpu.memory_space<vmem>>
    %dma_wait3A_174 = arith.constant 0 : i32
    %dma_wait3A_175 = arith.constant 0 : i32
    %dma_wait3A_176 = tpu.memref_slice %arg2[%dma_wait3A_174, %dma_wait3A_175] : memref<10000x128xf32, #tpu.memory_space<hbm>> -> memref<10000x128xf32, #tpu.memory_space<hbm>>
    tpu.wait_indirect_dma semaphore(%arg14 : memref<!tpu.dma_semaphore, #tpu.memory_space<semaphore_mem>>) src(%dma_wait3A_176 : memref<10000x128xf32, #tpu.memory_space<hbm>>) dst(%dma_wait3A_170 : memref<128x128xf32, #tpu.memory_space<vmem>>)
    %dma_wait3A_177 = arith.constant 0 : i32
    %dma_wait3A_178 = arith.constant 1 : i32
    %dma_wait3A_179 = arith.constant 0 : i32
    %dma_wait3A_180 = arith.constant 0 : i32
    %dma_wait3A_181 = tpu.memref_slice %arg8[%dma_wait3A_178, %dma_wait3A_179, %dma_wait3A_180] : memref<2x128x128xf32, #tpu.memory_space<vmem>> -> memref<1x128x128xf32, #tpu.memory_space<vmem>>
    %dma_wait3A_182 = tpu.memref_squeeze %dma_wait3A_181 : memref<1x128x128xf32, #tpu.memory_space<vmem>> -> memref<128x128xf32, #tpu.memory_space<vmem>>
    %dma_wait3A_183 = arith.constant 0 : i32
    %dma_wait3A_184 = tpu.memref_slice %arg6[%dma_wait3A_177, %dma_wait3A_183] : memref<4x128xi32, #tpu.memory_space<vmem>> -> memref<1x128xi32, #tpu.memory_space<vmem>>
    %dma_wait3A_185 = tpu.memref_squeeze %dma_wait3A_184 : memref<1x128xi32, #tpu.memory_space<vmem>> -> memref<128xi32, #tpu.memory_space<vmem>>
    %dma_wait3A_186 = arith.constant 0 : i32
    %dma_wait3A_187 = arith.constant 0 : i32
    %dma_wait3A_188 = tpu.memref_slice %arg2[%dma_wait3A_186, %dma_wait3A_187] : memref<10000x128xf32, #tpu.memory_space<hbm>> -> memref<10000x128xf32, #tpu.memory_space<hbm>>
    tpu.wait_indirect_dma semaphore(%arg15 : memref<!tpu.dma_semaphore, #tpu.memory_space<semaphore_mem>>) src(%dma_wait3A_188 : memref<10000x128xf32, #tpu.memory_space<hbm>>) dst(%dma_wait3A_182 : memref<128x128xf32, #tpu.memory_space<vmem>>)
    %barrier3A_189 = arith.constant 0 : index
    tpu.barrier barrier_id(%barrier3A_189)
    "tpu.region"() ({
      %run_scoped3A_190 = tpu.sem_alloc : memref<!tpu.dma_semaphore, #tpu.memory_space<semaphore_mem>>
      %dma_start3A_191 = arith.constant 0 : i32
      %dma_start3A_192 = tpu.memref_slice %arg5[%arg0, %mul3A_7, %dma_start3A_191] : memref<2x10240x128xf32, #tpu.memory_space<hbm>> -> memref<1x640x128xf32, #tpu.memory_space<hbm>>
      %dma_start3A_193 = tpu.memref_squeeze %dma_start3A_192 : memref<1x640x128xf32, #tpu.memory_space<hbm>> -> memref<640x128xf32, #tpu.memory_space<hbm>>
      %dma_start3A_194 = arith.constant 0 : i32
      %dma_start3A_195 = tpu.memref_slice %arg9[%mul3A_7, %dma_start3A_194] : memref<10240x128xf32, #tpu.memory_space<vmem_shared>> -> memref<640x128xf32, #tpu.memory_space<vmem_shared>>
      tpu.enqueue_dma source(%dma_start3A_195 : memref<640x128xf32, #tpu.memory_space<vmem_shared>>) target(%dma_start3A_193 : memref<640x128xf32, #tpu.memory_space<hbm>>) target_semaphore(%run_scoped3A_190 : memref<!tpu.dma_semaphore, #tpu.memory_space<semaphore_mem>>)
      %dma_wait3A_196 = arith.constant 0 : i32
      %dma_wait3A_197 = tpu.memref_slice %arg5[%arg0, %mul3A_7, %dma_wait3A_196] : memref<2x10240x128xf32, #tpu.memory_space<hbm>> -> memref<1x640x128xf32, #tpu.memory_space<hbm>>
      %dma_wait3A_198 = tpu.memref_squeeze %dma_wait3A_197 : memref<1x640x128xf32, #tpu.memory_space<hbm>> -> memref<640x128xf32, #tpu.memory_space<hbm>>
      %dma_wait3A_199 = arith.constant 0 : i32
      %dma_wait3A_200 = tpu.memref_slice %arg9[%mul3A_7, %dma_wait3A_199] : memref<10240x128xf32, #tpu.memory_space<vmem_shared>> -> memref<640x128xf32, #tpu.memory_space<vmem_shared>>
      tpu.wait_dma2 semaphore(%run_scoped3A_190 : memref<!tpu.dma_semaphore, #tpu.memory_space<semaphore_mem>>) src(%dma_wait3A_200 : memref<640x128xf32, #tpu.memory_space<vmem_shared>>) dst(%dma_wait3A_198 : memref<640x128xf32, #tpu.memory_space<hbm>>)
      tpu.yield
    }) : () -> ()
    return
  }
}

#map = affine_map<(d0, d1) -> (0, 0, 0)>
module attributes {stable_mosaic.version = 14 : i64} {
  func.func @_deg_call(%arg0: i32, %arg1: i32, %arg2: memref<32x80x128xi32, #tpu.memory_space<hbm>>, %arg3: memref<2x10240x128xf32, #tpu.memory_space<hbm>>, %arg4: memref<4x128xi32, #tpu.memory_space<vmem>>, %arg5: memref<128x128xf32, #tpu.memory_space<vmem>>, %arg6: memref<10240x128xf32, #tpu.memory_space<vmem_shared>>, %arg7: memref<!tpu.dma_semaphore, #tpu.memory_space<semaphore_mem>>, %arg8: memref<!tpu.dma_semaphore, #tpu.memory_space<semaphore_mem>>, %arg9: memref<!tpu.dma_semaphore, #tpu.memory_space<semaphore_mem>>, %arg10: memref<!tpu.dma_semaphore, #tpu.memory_space<semaphore_mem>>) attributes {dimension_semantics = [#tpu.dimension_semantics<core_parallel>, #tpu.dimension_semantics<subcore_parallel>], iteration_bounds = array<i64: 2, 16>, scalar_prefetch = 0 : i64, scratch_operands = 7 : i64, tpu.core_type = #tpu.core_type<sc_vector_subcore>, window_params = [{transform_indices = #map}, {transform_indices = #map}]} {
    %mul3A = arith.constant 16 : i32
    %mul3A_0 = arith.muli %arg0, %mul3A : i32
    %add3A = arith.addi %mul3A_0, %arg1 : i32
    %scan3A = arith.constant 0 : i32
    %scan3A_1 = arith.constant 0 : i32
    %scan3A_2 = arith.constant 128 : i32
    %scan3A_3 = arith.addi %scan3A_1, %scan3A_2 : i32
    %scan3A_4 = arith.constant 1 : i32
    scf.for %scan3A_162 = %scan3A_1 to %scan3A_3 step %scan3A_4  : i32 {
      %broadcast_in_dim3A = arith.constant 0.000000e+00 : f32
      %broadcast_in_dim3A_163 = vector.broadcast %broadcast_in_dim3A : f32 to vector<16xf32>
      %swap3A = arith.index_cast %scan3A_162 : i32 to index
      %swap3A_164 = arith.constant 0 : index
      %swap3A_165 = tpu.vector_load %arg5[%swap3A, %swap3A_164] {strides = array<i32>} : memref<128x128xf32, #tpu.memory_space<vmem>>, vector<1x16xf32>,
      %swap3A_166 = vector.shape_cast %swap3A_165 : vector<1x16xf32> to vector<16xf32>
      %swap3A_167 = vector.shape_cast %broadcast_in_dim3A_163 : vector<16xf32> to vector<1x16xf32>
      tpu.vector_store %arg5[%swap3A, %swap3A_164], %swap3A_167 {strides = array<i32>} : memref<128x128xf32, #tpu.memory_space<vmem>>, vector<1x16xf32>,
    }
    %scan3A_5 = arith.constant 128 : i32
    %scan3A_6 = arith.constant 0 : i32
    %scan3A_7 = arith.constant 0 : i32
    %scan3A_8 = arith.constant 128 : i32
    %scan3A_9 = arith.addi %scan3A_7, %scan3A_8 : i32
    %scan3A_10 = arith.constant 1 : i32
    scf.for %scan3A_162 = %scan3A_7 to %scan3A_9 step %scan3A_10  : i32 {
      %broadcast_in_dim3A = arith.constant 0.000000e+00 : f32
      %broadcast_in_dim3A_163 = vector.broadcast %broadcast_in_dim3A : f32 to vector<16xf32>
      %swap3A = arith.index_cast %scan3A_162 : i32 to index
      %swap3A_164 = arith.constant 16 : index
      %swap3A_165 = tpu.vector_load %arg5[%swap3A, %swap3A_164] {strides = array<i32>} : memref<128x128xf32, #tpu.memory_space<vmem>>, vector<1x16xf32>,
      %swap3A_166 = vector.shape_cast %swap3A_165 : vector<1x16xf32> to vector<16xf32>
      %swap3A_167 = vector.shape_cast %broadcast_in_dim3A_163 : vector<16xf32> to vector<1x16xf32>
      tpu.vector_store %arg5[%swap3A, %swap3A_164], %swap3A_167 {strides = array<i32>} : memref<128x128xf32, #tpu.memory_space<vmem>>, vector<1x16xf32>,
    }
    %scan3A_11 = arith.constant 128 : i32
    %scan3A_12 = arith.constant 0 : i32
    %scan3A_13 = arith.constant 0 : i32
    %scan3A_14 = arith.constant 128 : i32
    %scan3A_15 = arith.addi %scan3A_13, %scan3A_14 : i32
    %scan3A_16 = arith.constant 1 : i32
    scf.for %scan3A_162 = %scan3A_13 to %scan3A_15 step %scan3A_16  : i32 {
      %broadcast_in_dim3A = arith.constant 0.000000e+00 : f32
      %broadcast_in_dim3A_163 = vector.broadcast %broadcast_in_dim3A : f32 to vector<16xf32>
      %swap3A = arith.index_cast %scan3A_162 : i32 to index
      %swap3A_164 = arith.constant 32 : index
      %swap3A_165 = tpu.vector_load %arg5[%swap3A, %swap3A_164] {strides = array<i32>} : memref<128x128xf32, #tpu.memory_space<vmem>>, vector<1x16xf32>,
      %swap3A_166 = vector.shape_cast %swap3A_165 : vector<1x16xf32> to vector<16xf32>
      %swap3A_167 = vector.shape_cast %broadcast_in_dim3A_163 : vector<16xf32> to vector<1x16xf32>
      tpu.vector_store %arg5[%swap3A, %swap3A_164], %swap3A_167 {strides = array<i32>} : memref<128x128xf32, #tpu.memory_space<vmem>>, vector<1x16xf32>,
    }
    %scan3A_17 = arith.constant 128 : i32
    %scan3A_18 = arith.constant 0 : i32
    %scan3A_19 = arith.constant 0 : i32
    %scan3A_20 = arith.constant 128 : i32
    %scan3A_21 = arith.addi %scan3A_19, %scan3A_20 : i32
    %scan3A_22 = arith.constant 1 : i32
    scf.for %scan3A_162 = %scan3A_19 to %scan3A_21 step %scan3A_22  : i32 {
      %broadcast_in_dim3A = arith.constant 0.000000e+00 : f32
      %broadcast_in_dim3A_163 = vector.broadcast %broadcast_in_dim3A : f32 to vector<16xf32>
      %swap3A = arith.index_cast %scan3A_162 : i32 to index
      %swap3A_164 = arith.constant 48 : index
      %swap3A_165 = tpu.vector_load %arg5[%swap3A, %swap3A_164] {strides = array<i32>} : memref<128x128xf32, #tpu.memory_space<vmem>>, vector<1x16xf32>,
      %swap3A_166 = vector.shape_cast %swap3A_165 : vector<1x16xf32> to vector<16xf32>
      %swap3A_167 = vector.shape_cast %broadcast_in_dim3A_163 : vector<16xf32> to vector<1x16xf32>
      tpu.vector_store %arg5[%swap3A, %swap3A_164], %swap3A_167 {strides = array<i32>} : memref<128x128xf32, #tpu.memory_space<vmem>>, vector<1x16xf32>,
    }
    %scan3A_23 = arith.constant 128 : i32
    %scan3A_24 = arith.constant 0 : i32
    %scan3A_25 = arith.constant 0 : i32
    %scan3A_26 = arith.constant 128 : i32
    %scan3A_27 = arith.addi %scan3A_25, %scan3A_26 : i32
    %scan3A_28 = arith.constant 1 : i32
    scf.for %scan3A_162 = %scan3A_25 to %scan3A_27 step %scan3A_28  : i32 {
      %broadcast_in_dim3A = arith.constant 0.000000e+00 : f32
      %broadcast_in_dim3A_163 = vector.broadcast %broadcast_in_dim3A : f32 to vector<16xf32>
      %swap3A = arith.index_cast %scan3A_162 : i32 to index
      %swap3A_164 = arith.constant 64 : index
      %swap3A_165 = tpu.vector_load %arg5[%swap3A, %swap3A_164] {strides = array<i32>} : memref<128x128xf32, #tpu.memory_space<vmem>>, vector<1x16xf32>,
      %swap3A_166 = vector.shape_cast %swap3A_165 : vector<1x16xf32> to vector<16xf32>
      %swap3A_167 = vector.shape_cast %broadcast_in_dim3A_163 : vector<16xf32> to vector<1x16xf32>
      tpu.vector_store %arg5[%swap3A, %swap3A_164], %swap3A_167 {strides = array<i32>} : memref<128x128xf32, #tpu.memory_space<vmem>>, vector<1x16xf32>,
    }
    %scan3A_29 = arith.constant 128 : i32
    %scan3A_30 = arith.constant 0 : i32
    %scan3A_31 = arith.constant 0 : i32
    %scan3A_32 = arith.constant 128 : i32
    %scan3A_33 = arith.addi %scan3A_31, %scan3A_32 : i32
    %scan3A_34 = arith.constant 1 : i32
    scf.for %scan3A_162 = %scan3A_31 to %scan3A_33 step %scan3A_34  : i32 {
      %broadcast_in_dim3A = arith.constant 0.000000e+00 : f32
      %broadcast_in_dim3A_163 = vector.broadcast %broadcast_in_dim3A : f32 to vector<16xf32>
      %swap3A = arith.index_cast %scan3A_162 : i32 to index
      %swap3A_164 = arith.constant 80 : index
      %swap3A_165 = tpu.vector_load %arg5[%swap3A, %swap3A_164] {strides = array<i32>} : memref<128x128xf32, #tpu.memory_space<vmem>>, vector<1x16xf32>,
      %swap3A_166 = vector.shape_cast %swap3A_165 : vector<1x16xf32> to vector<16xf32>
      %swap3A_167 = vector.shape_cast %broadcast_in_dim3A_163 : vector<16xf32> to vector<1x16xf32>
      tpu.vector_store %arg5[%swap3A, %swap3A_164], %swap3A_167 {strides = array<i32>} : memref<128x128xf32, #tpu.memory_space<vmem>>, vector<1x16xf32>,
    }
    %scan3A_35 = arith.constant 128 : i32
    %scan3A_36 = arith.constant 0 : i32
    %scan3A_37 = arith.constant 0 : i32
    %scan3A_38 = arith.constant 128 : i32
    %scan3A_39 = arith.addi %scan3A_37, %scan3A_38 : i32
    %scan3A_40 = arith.constant 1 : i32
    scf.for %scan3A_162 = %scan3A_37 to %scan3A_39 step %scan3A_40  : i32 {
      %broadcast_in_dim3A = arith.constant 0.000000e+00 : f32
      %broadcast_in_dim3A_163 = vector.broadcast %broadcast_in_dim3A : f32 to vector<16xf32>
      %swap3A = arith.index_cast %scan3A_162 : i32 to index
      %swap3A_164 = arith.constant 96 : index
      %swap3A_165 = tpu.vector_load %arg5[%swap3A, %swap3A_164] {strides = array<i32>} : memref<128x128xf32, #tpu.memory_space<vmem>>, vector<1x16xf32>,
      %swap3A_166 = vector.shape_cast %swap3A_165 : vector<1x16xf32> to vector<16xf32>
      %swap3A_167 = vector.shape_cast %broadcast_in_dim3A_163 : vector<16xf32> to vector<1x16xf32>
      tpu.vector_store %arg5[%swap3A, %swap3A_164], %swap3A_167 {strides = array<i32>} : memref<128x128xf32, #tpu.memory_space<vmem>>, vector<1x16xf32>,
    }
    %scan3A_41 = arith.constant 128 : i32
    %scan3A_42 = arith.constant 0 : i32
    %scan3A_43 = arith.constant 0 : i32
    %scan3A_44 = arith.constant 128 : i32
    %scan3A_45 = arith.addi %scan3A_43, %scan3A_44 : i32
    %scan3A_46 = arith.constant 1 : i32
    scf.for %scan3A_162 = %scan3A_43 to %scan3A_45 step %scan3A_46  : i32 {
      %broadcast_in_dim3A = arith.constant 0.000000e+00 : f32
      %broadcast_in_dim3A_163 = vector.broadcast %broadcast_in_dim3A : f32 to vector<16xf32>
      %swap3A = arith.index_cast %scan3A_162 : i32 to index
      %swap3A_164 = arith.constant 112 : index
      %swap3A_165 = tpu.vector_load %arg5[%swap3A, %swap3A_164] {strides = array<i32>} : memref<128x128xf32, #tpu.memory_space<vmem>>, vector<1x16xf32>,
      %swap3A_166 = vector.shape_cast %swap3A_165 : vector<1x16xf32> to vector<16xf32>
      %swap3A_167 = vector.shape_cast %broadcast_in_dim3A_163 : vector<16xf32> to vector<1x16xf32>
      tpu.vector_store %arg5[%swap3A, %swap3A_164], %swap3A_167 {strides = array<i32>} : memref<128x128xf32, #tpu.memory_space<vmem>>, vector<1x16xf32>,
    }
    %scan3A_47 = arith.constant 128 : i32
    %mul3A_48 = arith.constant 640 : i32
    %mul3A_49 = arith.muli %arg1, %mul3A_48 : i32
    %add3A_50 = arith.constant 0 : i32
    %add3A_51 = arith.addi %mul3A_49, %add3A_50 : i32
    "tpu.region"() ({
      %run_scoped3A = tpu.sem_alloc : memref<!tpu.dma_semaphore, #tpu.memory_space<semaphore_mem>>
      %dma_start3A_162 = arith.constant 0 : i32
      %dma_start3A_163 = tpu.memref_slice %arg6[%add3A_51, %dma_start3A_162] : memref<10240x128xf32, #tpu.memory_space<vmem_shared>> -> memref<128x128xf32, #tpu.memory_space<vmem_shared>>
      %dma_start3A_164 = arith.constant 0 : i32
      %dma_start3A_165 = tpu.memref_slice %arg6[%add3A_51, %dma_start3A_164] : memref<10240x128xf32, #tpu.memory_space<vmem_shared>> -> memref<128x128xf32, #tpu.memory_space<vmem_shared>>
      tpu.enqueue_dma source(%arg5 : memref<128x128xf32, #tpu.memory_space<vmem>>) target(%dma_start3A_165 : memref<128x128xf32, #tpu.memory_space<vmem_shared>>) target_semaphore(%run_scoped3A : memref<!tpu.dma_semaphore, #tpu.memory_space<semaphore_mem>>)
      %dma_wait3A_166 = arith.constant 0 : i32
      %dma_wait3A_167 = tpu.memref_slice %arg6[%add3A_51, %dma_wait3A_166] : memref<10240x128xf32, #tpu.memory_space<vmem_shared>> -> memref<128x128xf32, #tpu.memory_space<vmem_shared>>
      %dma_wait3A_168 = arith.constant 0 : i32
      %dma_wait3A_169 = tpu.memref_slice %arg6[%add3A_51, %dma_wait3A_168] : memref<10240x128xf32, #tpu.memory_space<vmem_shared>> -> memref<128x128xf32, #tpu.memory_space<vmem_shared>>
      tpu.wait_dma2 semaphore(%run_scoped3A : memref<!tpu.dma_semaphore, #tpu.memory_space<semaphore_mem>>) src(%arg5 : memref<128x128xf32, #tpu.memory_space<vmem>>) dst(%dma_wait3A_169 : memref<128x128xf32, #tpu.memory_space<vmem_shared>>)
      tpu.yield
    }) : () -> ()
    %add3A_52 = arith.constant 128 : i32
    %add3A_53 = arith.addi %mul3A_49, %add3A_52 : i32
    "tpu.region"() ({
      %run_scoped3A = tpu.sem_alloc : memref<!tpu.dma_semaphore, #tpu.memory_space<semaphore_mem>>
      %dma_start3A_162 = arith.constant 0 : i32
      %dma_start3A_163 = tpu.memref_slice %arg6[%add3A_53, %dma_start3A_162] : memref<10240x128xf32, #tpu.memory_space<vmem_shared>> -> memref<128x128xf32, #tpu.memory_space<vmem_shared>>
      %dma_start3A_164 = arith.constant 0 : i32
      %dma_start3A_165 = tpu.memref_slice %arg6[%add3A_53, %dma_start3A_164] : memref<10240x128xf32, #tpu.memory_space<vmem_shared>> -> memref<128x128xf32, #tpu.memory_space<vmem_shared>>
      tpu.enqueue_dma source(%arg5 : memref<128x128xf32, #tpu.memory_space<vmem>>) target(%dma_start3A_165 : memref<128x128xf32, #tpu.memory_space<vmem_shared>>) target_semaphore(%run_scoped3A : memref<!tpu.dma_semaphore, #tpu.memory_space<semaphore_mem>>)
      %dma_wait3A_166 = arith.constant 0 : i32
      %dma_wait3A_167 = tpu.memref_slice %arg6[%add3A_53, %dma_wait3A_166] : memref<10240x128xf32, #tpu.memory_space<vmem_shared>> -> memref<128x128xf32, #tpu.memory_space<vmem_shared>>
      %dma_wait3A_168 = arith.constant 0 : i32
      %dma_wait3A_169 = tpu.memref_slice %arg6[%add3A_53, %dma_wait3A_168] : memref<10240x128xf32, #tpu.memory_space<vmem_shared>> -> memref<128x128xf32, #tpu.memory_space<vmem_shared>>
      tpu.wait_dma2 semaphore(%run_scoped3A : memref<!tpu.dma_semaphore, #tpu.memory_space<semaphore_mem>>) src(%arg5 : memref<128x128xf32, #tpu.memory_space<vmem>>) dst(%dma_wait3A_169 : memref<128x128xf32, #tpu.memory_space<vmem_shared>>)
      tpu.yield
    }) : () -> ()
    %add3A_54 = arith.constant 256 : i32
    %add3A_55 = arith.addi %mul3A_49, %add3A_54 : i32
    "tpu.region"() ({
      %run_scoped3A = tpu.sem_alloc : memref<!tpu.dma_semaphore, #tpu.memory_space<semaphore_mem>>
      %dma_start3A_162 = arith.constant 0 : i32
      %dma_start3A_163 = tpu.memref_slice %arg6[%add3A_55, %dma_start3A_162] : memref<10240x128xf32, #tpu.memory_space<vmem_shared>> -> memref<128x128xf32, #tpu.memory_space<vmem_shared>>
      %dma_start3A_164 = arith.constant 0 : i32
      %dma_start3A_165 = tpu.memref_slice %arg6[%add3A_55, %dma_start3A_164] : memref<10240x128xf32, #tpu.memory_space<vmem_shared>> -> memref<128x128xf32, #tpu.memory_space<vmem_shared>>
      tpu.enqueue_dma source(%arg5 : memref<128x128xf32, #tpu.memory_space<vmem>>) target(%dma_start3A_165 : memref<128x128xf32, #tpu.memory_space<vmem_shared>>) target_semaphore(%run_scoped3A : memref<!tpu.dma_semaphore, #tpu.memory_space<semaphore_mem>>)
      %dma_wait3A_166 = arith.constant 0 : i32
      %dma_wait3A_167 = tpu.memref_slice %arg6[%add3A_55, %dma_wait3A_166] : memref<10240x128xf32, #tpu.memory_space<vmem_shared>> -> memref<128x128xf32, #tpu.memory_space<vmem_shared>>
      %dma_wait3A_168 = arith.constant 0 : i32
      %dma_wait3A_169 = tpu.memref_slice %arg6[%add3A_55, %dma_wait3A_168] : memref<10240x128xf32, #tpu.memory_space<vmem_shared>> -> memref<128x128xf32, #tpu.memory_space<vmem_shared>>
      tpu.wait_dma2 semaphore(%run_scoped3A : memref<!tpu.dma_semaphore, #tpu.memory_space<semaphore_mem>>) src(%arg5 : memref<128x128xf32, #tpu.memory_space<vmem>>) dst(%dma_wait3A_169 : memref<128x128xf32, #tpu.memory_space<vmem_shared>>)
      tpu.yield
    }) : () -> ()
    %add3A_56 = arith.constant 384 : i32
    %add3A_57 = arith.addi %mul3A_49, %add3A_56 : i32
    "tpu.region"() ({
      %run_scoped3A = tpu.sem_alloc : memref<!tpu.dma_semaphore, #tpu.memory_space<semaphore_mem>>
      %dma_start3A_162 = arith.constant 0 : i32
      %dma_start3A_163 = tpu.memref_slice %arg6[%add3A_57, %dma_start3A_162] : memref<10240x128xf32, #tpu.memory_space<vmem_shared>> -> memref<128x128xf32, #tpu.memory_space<vmem_shared>>
      %dma_start3A_164 = arith.constant 0 : i32
      %dma_start3A_165 = tpu.memref_slice %arg6[%add3A_57, %dma_start3A_164] : memref<10240x128xf32, #tpu.memory_space<vmem_shared>> -> memref<128x128xf32, #tpu.memory_space<vmem_shared>>
      tpu.enqueue_dma source(%arg5 : memref<128x128xf32, #tpu.memory_space<vmem>>) target(%dma_start3A_165 : memref<128x128xf32, #tpu.memory_space<vmem_shared>>) target_semaphore(%run_scoped3A : memref<!tpu.dma_semaphore, #tpu.memory_space<semaphore_mem>>)
      %dma_wait3A_166 = arith.constant 0 : i32
      %dma_wait3A_167 = tpu.memref_slice %arg6[%add3A_57, %dma_wait3A_166] : memref<10240x128xf32, #tpu.memory_space<vmem_shared>> -> memref<128x128xf32, #tpu.memory_space<vmem_shared>>
      %dma_wait3A_168 = arith.constant 0 : i32
      %dma_wait3A_169 = tpu.memref_slice %arg6[%add3A_57, %dma_wait3A_168] : memref<10240x128xf32, #tpu.memory_space<vmem_shared>> -> memref<128x128xf32, #tpu.memory_space<vmem_shared>>
      tpu.wait_dma2 semaphore(%run_scoped3A : memref<!tpu.dma_semaphore, #tpu.memory_space<semaphore_mem>>) src(%arg5 : memref<128x128xf32, #tpu.memory_space<vmem>>) dst(%dma_wait3A_169 : memref<128x128xf32, #tpu.memory_space<vmem_shared>>)
      tpu.yield
    }) : () -> ()
    %add3A_58 = arith.constant 512 : i32
    %add3A_59 = arith.addi %mul3A_49, %add3A_58 : i32
    "tpu.region"() ({
      %run_scoped3A = tpu.sem_alloc : memref<!tpu.dma_semaphore, #tpu.memory_space<semaphore_mem>>
      %dma_start3A_162 = arith.constant 0 : i32
      %dma_start3A_163 = tpu.memref_slice %arg6[%add3A_59, %dma_start3A_162] : memref<10240x128xf32, #tpu.memory_space<vmem_shared>> -> memref<128x128xf32, #tpu.memory_space<vmem_shared>>
      %dma_start3A_164 = arith.constant 0 : i32
      %dma_start3A_165 = tpu.memref_slice %arg6[%add3A_59, %dma_start3A_164] : memref<10240x128xf32, #tpu.memory_space<vmem_shared>> -> memref<128x128xf32, #tpu.memory_space<vmem_shared>>
      tpu.enqueue_dma source(%arg5 : memref<128x128xf32, #tpu.memory_space<vmem>>) target(%dma_start3A_165 : memref<128x128xf32, #tpu.memory_space<vmem_shared>>) target_semaphore(%run_scoped3A : memref<!tpu.dma_semaphore, #tpu.memory_space<semaphore_mem>>)
      %dma_wait3A_166 = arith.constant 0 : i32
      %dma_wait3A_167 = tpu.memref_slice %arg6[%add3A_59, %dma_wait3A_166] : memref<10240x128xf32, #tpu.memory_space<vmem_shared>> -> memref<128x128xf32, #tpu.memory_space<vmem_shared>>
      %dma_wait3A_168 = arith.constant 0 : i32
      %dma_wait3A_169 = tpu.memref_slice %arg6[%add3A_59, %dma_wait3A_168] : memref<10240x128xf32, #tpu.memory_space<vmem_shared>> -> memref<128x128xf32, #tpu.memory_space<vmem_shared>>
      tpu.wait_dma2 semaphore(%run_scoped3A : memref<!tpu.dma_semaphore, #tpu.memory_space<semaphore_mem>>) src(%arg5 : memref<128x128xf32, #tpu.memory_space<vmem>>) dst(%dma_wait3A_169 : memref<128x128xf32, #tpu.memory_space<vmem_shared>>)
      tpu.yield
    }) : () -> ()
    %scan3A_60 = arith.constant 0 : i32
    %scan3A_61 = arith.constant 0 : i32
    %scan3A_62 = arith.constant 128 : i32
    %scan3A_63 = arith.addi %scan3A_61, %scan3A_62 : i32
    %scan3A_64 = arith.constant 1 : i32
    scf.for %scan3A_162 = %scan3A_61 to %scan3A_63 step %scan3A_64  : i32 {
      %broadcast_in_dim3A = arith.constant 1.000000e+00 : f32
      %broadcast_in_dim3A_163 = vector.broadcast %broadcast_in_dim3A : f32 to vector<16xf32>
      %swap3A = arith.index_cast %scan3A_162 : i32 to index
      %swap3A_164 = arith.constant 0 : index
      %swap3A_165 = tpu.vector_load %arg5[%swap3A, %swap3A_164] {strides = array<i32>} : memref<128x128xf32, #tpu.memory_space<vmem>>, vector<1x16xf32>,
      %swap3A_166 = vector.shape_cast %swap3A_165 : vector<1x16xf32> to vector<16xf32>
      %swap3A_167 = vector.shape_cast %broadcast_in_dim3A_163 : vector<16xf32> to vector<1x16xf32>
      tpu.vector_store %arg5[%swap3A, %swap3A_164], %swap3A_167 {strides = array<i32>} : memref<128x128xf32, #tpu.memory_space<vmem>>, vector<1x16xf32>,
    }
    %scan3A_65 = arith.constant 128 : i32
    %scan3A_66 = arith.constant 0 : i32
    %scan3A_67 = arith.constant 0 : i32
    %scan3A_68 = arith.constant 128 : i32
    %scan3A_69 = arith.addi %scan3A_67, %scan3A_68 : i32
    %scan3A_70 = arith.constant 1 : i32
    scf.for %scan3A_162 = %scan3A_67 to %scan3A_69 step %scan3A_70  : i32 {
      %broadcast_in_dim3A = arith.constant 1.000000e+00 : f32
      %broadcast_in_dim3A_163 = vector.broadcast %broadcast_in_dim3A : f32 to vector<16xf32>
      %swap3A = arith.index_cast %scan3A_162 : i32 to index
      %swap3A_164 = arith.constant 16 : index
      %swap3A_165 = tpu.vector_load %arg5[%swap3A, %swap3A_164] {strides = array<i32>} : memref<128x128xf32, #tpu.memory_space<vmem>>, vector<1x16xf32>,
      %swap3A_166 = vector.shape_cast %swap3A_165 : vector<1x16xf32> to vector<16xf32>
      %swap3A_167 = vector.shape_cast %broadcast_in_dim3A_163 : vector<16xf32> to vector<1x16xf32>
      tpu.vector_store %arg5[%swap3A, %swap3A_164], %swap3A_167 {strides = array<i32>} : memref<128x128xf32, #tpu.memory_space<vmem>>, vector<1x16xf32>,
    }
    %scan3A_71 = arith.constant 128 : i32
    %scan3A_72 = arith.constant 0 : i32
    %scan3A_73 = arith.constant 0 : i32
    %scan3A_74 = arith.constant 128 : i32
    %scan3A_75 = arith.addi %scan3A_73, %scan3A_74 : i32
    %scan3A_76 = arith.constant 1 : i32
    scf.for %scan3A_162 = %scan3A_73 to %scan3A_75 step %scan3A_76  : i32 {
      %broadcast_in_dim3A = arith.constant 1.000000e+00 : f32
      %broadcast_in_dim3A_163 = vector.broadcast %broadcast_in_dim3A : f32 to vector<16xf32>
      %swap3A = arith.index_cast %scan3A_162 : i32 to index
      %swap3A_164 = arith.constant 32 : index
      %swap3A_165 = tpu.vector_load %arg5[%swap3A, %swap3A_164] {strides = array<i32>} : memref<128x128xf32, #tpu.memory_space<vmem>>, vector<1x16xf32>,
      %swap3A_166 = vector.shape_cast %swap3A_165 : vector<1x16xf32> to vector<16xf32>
      %swap3A_167 = vector.shape_cast %broadcast_in_dim3A_163 : vector<16xf32> to vector<1x16xf32>
      tpu.vector_store %arg5[%swap3A, %swap3A_164], %swap3A_167 {strides = array<i32>} : memref<128x128xf32, #tpu.memory_space<vmem>>, vector<1x16xf32>,
    }
    %scan3A_77 = arith.constant 128 : i32
    %scan3A_78 = arith.constant 0 : i32
    %scan3A_79 = arith.constant 0 : i32
    %scan3A_80 = arith.constant 128 : i32
    %scan3A_81 = arith.addi %scan3A_79, %scan3A_80 : i32
    %scan3A_82 = arith.constant 1 : i32
    scf.for %scan3A_162 = %scan3A_79 to %scan3A_81 step %scan3A_82  : i32 {
      %broadcast_in_dim3A = arith.constant 1.000000e+00 : f32
      %broadcast_in_dim3A_163 = vector.broadcast %broadcast_in_dim3A : f32 to vector<16xf32>
      %swap3A = arith.index_cast %scan3A_162 : i32 to index
      %swap3A_164 = arith.constant 48 : index
      %swap3A_165 = tpu.vector_load %arg5[%swap3A, %swap3A_164] {strides = array<i32>} : memref<128x128xf32, #tpu.memory_space<vmem>>, vector<1x16xf32>,
      %swap3A_166 = vector.shape_cast %swap3A_165 : vector<1x16xf32> to vector<16xf32>
      %swap3A_167 = vector.shape_cast %broadcast_in_dim3A_163 : vector<16xf32> to vector<1x16xf32>
      tpu.vector_store %arg5[%swap3A, %swap3A_164], %swap3A_167 {strides = array<i32>} : memref<128x128xf32, #tpu.memory_space<vmem>>, vector<1x16xf32>,
    }
    %scan3A_83 = arith.constant 128 : i32
    %scan3A_84 = arith.constant 0 : i32
    %scan3A_85 = arith.constant 0 : i32
    %scan3A_86 = arith.constant 128 : i32
    %scan3A_87 = arith.addi %scan3A_85, %scan3A_86 : i32
    %scan3A_88 = arith.constant 1 : i32
    scf.for %scan3A_162 = %scan3A_85 to %scan3A_87 step %scan3A_88  : i32 {
      %broadcast_in_dim3A = arith.constant 1.000000e+00 : f32
      %broadcast_in_dim3A_163 = vector.broadcast %broadcast_in_dim3A : f32 to vector<16xf32>
      %swap3A = arith.index_cast %scan3A_162 : i32 to index
      %swap3A_164 = arith.constant 64 : index
      %swap3A_165 = tpu.vector_load %arg5[%swap3A, %swap3A_164] {strides = array<i32>} : memref<128x128xf32, #tpu.memory_space<vmem>>, vector<1x16xf32>,
      %swap3A_166 = vector.shape_cast %swap3A_165 : vector<1x16xf32> to vector<16xf32>
      %swap3A_167 = vector.shape_cast %broadcast_in_dim3A_163 : vector<16xf32> to vector<1x16xf32>
      tpu.vector_store %arg5[%swap3A, %swap3A_164], %swap3A_167 {strides = array<i32>} : memref<128x128xf32, #tpu.memory_space<vmem>>, vector<1x16xf32>,
    }
    %scan3A_89 = arith.constant 128 : i32
    %scan3A_90 = arith.constant 0 : i32
    %scan3A_91 = arith.constant 0 : i32
    %scan3A_92 = arith.constant 128 : i32
    %scan3A_93 = arith.addi %scan3A_91, %scan3A_92 : i32
    %scan3A_94 = arith.constant 1 : i32
    scf.for %scan3A_162 = %scan3A_91 to %scan3A_93 step %scan3A_94  : i32 {
      %broadcast_in_dim3A = arith.constant 1.000000e+00 : f32
      %broadcast_in_dim3A_163 = vector.broadcast %broadcast_in_dim3A : f32 to vector<16xf32>
      %swap3A = arith.index_cast %scan3A_162 : i32 to index
      %swap3A_164 = arith.constant 80 : index
      %swap3A_165 = tpu.vector_load %arg5[%swap3A, %swap3A_164] {strides = array<i32>} : memref<128x128xf32, #tpu.memory_space<vmem>>, vector<1x16xf32>,
      %swap3A_166 = vector.shape_cast %swap3A_165 : vector<1x16xf32> to vector<16xf32>
      %swap3A_167 = vector.shape_cast %broadcast_in_dim3A_163 : vector<16xf32> to vector<1x16xf32>
      tpu.vector_store %arg5[%swap3A, %swap3A_164], %swap3A_167 {strides = array<i32>} : memref<128x128xf32, #tpu.memory_space<vmem>>, vector<1x16xf32>,
    }
    %scan3A_95 = arith.constant 128 : i32
    %scan3A_96 = arith.constant 0 : i32
    %scan3A_97 = arith.constant 0 : i32
    %scan3A_98 = arith.constant 128 : i32
    %scan3A_99 = arith.addi %scan3A_97, %scan3A_98 : i32
    %scan3A_100 = arith.constant 1 : i32
    scf.for %scan3A_162 = %scan3A_97 to %scan3A_99 step %scan3A_100  : i32 {
      %broadcast_in_dim3A = arith.constant 1.000000e+00 : f32
      %broadcast_in_dim3A_163 = vector.broadcast %broadcast_in_dim3A : f32 to vector<16xf32>
      %swap3A = arith.index_cast %scan3A_162 : i32 to index
      %swap3A_164 = arith.constant 96 : index
      %swap3A_165 = tpu.vector_load %arg5[%swap3A, %swap3A_164] {strides = array<i32>} : memref<128x128xf32, #tpu.memory_space<vmem>>, vector<1x16xf32>,
      %swap3A_166 = vector.shape_cast %swap3A_165 : vector<1x16xf32> to vector<16xf32>
      %swap3A_167 = vector.shape_cast %broadcast_in_dim3A_163 : vector<16xf32> to vector<1x16xf32>
      tpu.vector_store %arg5[%swap3A, %swap3A_164], %swap3A_167 {strides = array<i32>} : memref<128x128xf32, #tpu.memory_space<vmem>>, vector<1x16xf32>,
    }
    %scan3A_101 = arith.constant 128 : i32
    %scan3A_102 = arith.constant 0 : i32
    %scan3A_103 = arith.constant 0 : i32
    %scan3A_104 = arith.constant 128 : i32
    %scan3A_105 = arith.addi %scan3A_103, %scan3A_104 : i32
    %scan3A_106 = arith.constant 1 : i32
    scf.for %scan3A_162 = %scan3A_103 to %scan3A_105 step %scan3A_106  : i32 {
      %broadcast_in_dim3A = arith.constant 1.000000e+00 : f32
      %broadcast_in_dim3A_163 = vector.broadcast %broadcast_in_dim3A : f32 to vector<16xf32>
      %swap3A = arith.index_cast %scan3A_162 : i32 to index
      %swap3A_164 = arith.constant 112 : index
      %swap3A_165 = tpu.vector_load %arg5[%swap3A, %swap3A_164] {strides = array<i32>} : memref<128x128xf32, #tpu.memory_space<vmem>>, vector<1x16xf32>,
      %swap3A_166 = vector.shape_cast %swap3A_165 : vector<1x16xf32> to vector<16xf32>
      %swap3A_167 = vector.shape_cast %broadcast_in_dim3A_163 : vector<16xf32> to vector<1x16xf32>
      tpu.vector_store %arg5[%swap3A, %swap3A_164], %swap3A_167 {strides = array<i32>} : memref<128x128xf32, #tpu.memory_space<vmem>>, vector<1x16xf32>,
    }
    %scan3A_107 = arith.constant 128 : i32
    %barrier3A = arith.constant 0 : index
    tpu.barrier barrier_id(%barrier3A)
    %rem3A = arith.constant 0 : i32
    %rem3A_108 = arith.constant 4 : i32
    %rem3A_109 = arith.remsi %rem3A, %rem3A_108 : i32
    %dma_start3A = arith.constant 0 : i32
    %dma_start3A_110 = arith.constant 0 : i32
    %dma_start3A_111 = tpu.memref_slice %arg4[%rem3A_109, %dma_start3A_110] : memref<4x128xi32, #tpu.memory_space<vmem>> -> memref<1x128xi32, #tpu.memory_space<vmem>>
    %dma_start3A_112 = tpu.memref_squeeze %dma_start3A_111 : memref<1x128xi32, #tpu.memory_space<vmem>> -> memref<128xi32, #tpu.memory_space<vmem>>
    %dma_start3A_113 = arith.constant 0 : i32
    %dma_start3A_114 = tpu.memref_slice %arg2[%add3A, %dma_start3A, %dma_start3A_113] : memref<32x80x128xi32, #tpu.memory_space<hbm>> -> memref<1x1x128xi32, #tpu.memory_space<hbm>>
    %dma_start3A_115 = tpu.memref_squeeze %dma_start3A_114 : memref<1x1x128xi32, #tpu.memory_space<hbm>> -> memref<128xi32, #tpu.memory_space<hbm>>
    %dma_start3A_116 = arith.constant 0 : i32
    %dma_start3A_117 = tpu.memref_slice %arg4[%rem3A_109, %dma_start3A_116] : memref<4x128xi32, #tpu.memory_space<vmem>> -> memref<1x128xi32, #tpu.memory_space<vmem>>
    %dma_start3A_118 = tpu.memref_squeeze %dma_start3A_117 : memref<1x128xi32, #tpu.memory_space<vmem>> -> memref<128xi32, #tpu.memory_space<vmem>>
    %dma_start3A_119 = arith.constant 0 : i32
    %dma_start3A_120 = tpu.memref_slice %arg2[%add3A, %dma_start3A, %dma_start3A_119] : memref<32x80x128xi32, #tpu.memory_space<hbm>> -> memref<1x1x128xi32, #tpu.memory_space<hbm>>
    %dma_start3A_121 = tpu.memref_squeeze %dma_start3A_120 : memref<1x1x128xi32, #tpu.memory_space<hbm>> -> memref<128xi32, #tpu.memory_space<hbm>>
    tpu.enqueue_dma source(%dma_start3A_121 : memref<128xi32, #tpu.memory_space<hbm>>) target(%dma_start3A_118 : memref<128xi32, #tpu.memory_space<vmem>>) target_semaphore(%arg7 : memref<!tpu.dma_semaphore, #tpu.memory_space<semaphore_mem>>)
    %rem3A_122 = arith.constant 1 : i32
    %rem3A_123 = arith.constant 4 : i32
    %rem3A_124 = arith.remsi %rem3A_122, %rem3A_123 : i32
    %dma_start3A_125 = arith.constant 1 : i32
    %dma_start3A_126 = arith.constant 0 : i32
    %dma_start3A_127 = tpu.memref_slice %arg4[%rem3A_124, %dma_start3A_126] : memref<4x128xi32, #tpu.memory_space<vmem>> -> memref<1x128xi32, #tpu.memory_space<vmem>>
    %dma_start3A_128 = tpu.memref_squeeze %dma_start3A_127 : memref<1x128xi32, #tpu.memory_space<vmem>> -> memref<128xi32, #tpu.memory_space<vmem>>
    %dma_start3A_129 = arith.constant 0 : i32
    %dma_start3A_130 = tpu.memref_slice %arg2[%add3A, %dma_start3A_125, %dma_start3A_129] : memref<32x80x128xi32, #tpu.memory_space<hbm>> -> memref<1x1x128xi32, #tpu.memory_space<hbm>>
    %dma_start3A_131 = tpu.memref_squeeze %dma_start3A_130 : memref<1x1x128xi32, #tpu.memory_space<hbm>> -> memref<128xi32, #tpu.memory_space<hbm>>
    %dma_start3A_132 = arith.constant 0 : i32
    %dma_start3A_133 = tpu.memref_slice %arg4[%rem3A_124, %dma_start3A_132] : memref<4x128xi32, #tpu.memory_space<vmem>> -> memref<1x128xi32, #tpu.memory_space<vmem>>
    %dma_start3A_134 = tpu.memref_squeeze %dma_start3A_133 : memref<1x128xi32, #tpu.memory_space<vmem>> -> memref<128xi32, #tpu.memory_space<vmem>>
    %dma_start3A_135 = arith.constant 0 : i32
    %dma_start3A_136 = tpu.memref_slice %arg2[%add3A, %dma_start3A_125, %dma_start3A_135] : memref<32x80x128xi32, #tpu.memory_space<hbm>> -> memref<1x1x128xi32, #tpu.memory_space<hbm>>
    %dma_start3A_137 = tpu.memref_squeeze %dma_start3A_136 : memref<1x1x128xi32, #tpu.memory_space<hbm>> -> memref<128xi32, #tpu.memory_space<hbm>>
    tpu.enqueue_dma source(%dma_start3A_137 : memref<128xi32, #tpu.memory_space<hbm>>) target(%dma_start3A_134 : memref<128xi32, #tpu.memory_space<vmem>>) target_semaphore(%arg8 : memref<!tpu.dma_semaphore, #tpu.memory_space<semaphore_mem>>)
    %scan3A_138 = arith.constant 0 : i32
    %scan3A_139 = arith.constant 0 : i32
    %scan3A_140 = arith.constant 80 : i32
    %scan3A_141 = arith.addi %scan3A_139, %scan3A_140 : i32
    %scan3A_142 = arith.constant 1 : i32
    scf.for %scan3A_162 = %scan3A_139 to %scan3A_141 step %scan3A_142  : i32 {
      %rem3A_163 = arith.constant 2 : i32
      %rem3A_164 = arith.remsi %scan3A_162, %rem3A_163 : i32
      %eq3A = arith.constant 0 : i32
      %eq3A_165 = arith.cmpi eq, %rem3A_164, %eq3A : i32
      %convert_element_type3A = arith.extui %eq3A_165 : i1 to i32
      %cond3A = arith.constant 0 : i32
      %cond3A_166 = arith.cmpi ne, %convert_element_type3A, %cond3A : i32
      scf.if %cond3A_166 {
        %add3A_171 = arith.constant 2 : i32
        %add3A_172 = arith.addi %scan3A_162, %add3A_171 : i32
        %lt3A = arith.constant 80 : i32
        %lt3A_173 = arith.cmpi slt, %add3A_172, %lt3A : i32
        %convert_element_type3A_174 = arith.extui %lt3A_173 : i1 to i32
        %cond3A_175 = arith.constant 0 : i32
        %cond3A_176 = arith.cmpi ne, %convert_element_type3A_174, %cond3A_175 : i32
        scf.if %cond3A_176 {
          %add3A_204 = arith.constant 2 : i32
          %add3A_205 = arith.addi %scan3A_162, %add3A_204 : i32
          %rem3A_206 = arith.constant 4 : i32
          %rem3A_207 = arith.remsi %add3A_205, %rem3A_206 : i32
          %dma_start3A_208 = arith.constant 0 : i32
          %dma_start3A_209 = tpu.memref_slice %arg4[%rem3A_207, %dma_start3A_208] : memref<4x128xi32, #tpu.memory_space<vmem>> -> memref<1x128xi32, #tpu.memory_space<vmem>>
          %dma_start3A_210 = tpu.memref_squeeze %dma_start3A_209 : memref<1x128xi32, #tpu.memory_space<vmem>> -> memref<128xi32, #tpu.memory_space<vmem>>
          %dma_start3A_211 = arith.constant 0 : i32
          %dma_start3A_212 = tpu.memref_slice %arg2[%add3A, %add3A_205, %dma_start3A_211] : memref<32x80x128xi32, #tpu.memory_space<hbm>> -> memref<1x1x128xi32, #tpu.memory_space<hbm>>
          %dma_start3A_213 = tpu.memref_squeeze %dma_start3A_212 : memref<1x1x128xi32, #tpu.memory_space<hbm>> -> memref<128xi32, #tpu.memory_space<hbm>>
          %dma_start3A_214 = arith.constant 0 : i32
          %dma_start3A_215 = tpu.memref_slice %arg4[%rem3A_207, %dma_start3A_214] : memref<4x128xi32, #tpu.memory_space<vmem>> -> memref<1x128xi32, #tpu.memory_space<vmem>>
          %dma_start3A_216 = tpu.memref_squeeze %dma_start3A_215 : memref<1x128xi32, #tpu.memory_space<vmem>> -> memref<128xi32, #tpu.memory_space<vmem>>
          %dma_start3A_217 = arith.constant 0 : i32
          %dma_start3A_218 = tpu.memref_slice %arg2[%add3A, %add3A_205, %dma_start3A_217] : memref<32x80x128xi32, #tpu.memory_space<hbm>> -> memref<1x1x128xi32, #tpu.memory_space<hbm>>
          %dma_start3A_219 = tpu.memref_squeeze %dma_start3A_218 : memref<1x1x128xi32, #tpu.memory_space<hbm>> -> memref<128xi32, #tpu.memory_space<hbm>>
          tpu.enqueue_dma source(%dma_start3A_219 : memref<128xi32, #tpu.memory_space<hbm>>) target(%dma_start3A_216 : memref<128xi32, #tpu.memory_space<vmem>>) target_semaphore(%arg7 : memref<!tpu.dma_semaphore, #tpu.memory_space<semaphore_mem>>)
        } else {
        }
        %dma_wait3A_177 = arith.constant 0 : i32
        %dma_wait3A_178 = arith.constant 0 : i32
        %dma_wait3A_179 = arith.constant 0 : i32
        %dma_wait3A_180 = arith.constant 0 : i32
        %dma_wait3A_181 = tpu.memref_slice %arg4[%dma_wait3A_179, %dma_wait3A_180] : memref<4x128xi32, #tpu.memory_space<vmem>> -> memref<1x128xi32, #tpu.memory_space<vmem>>
        %dma_wait3A_182 = tpu.memref_squeeze %dma_wait3A_181 : memref<1x128xi32, #tpu.memory_space<vmem>> -> memref<128xi32, #tpu.memory_space<vmem>>
        %dma_wait3A_183 = arith.constant 0 : i32
        %dma_wait3A_184 = tpu.memref_slice %arg2[%dma_wait3A_177, %dma_wait3A_178, %dma_wait3A_183] : memref<32x80x128xi32, #tpu.memory_space<hbm>> -> memref<1x1x128xi32, #tpu.memory_space<hbm>>
        %dma_wait3A_185 = tpu.memref_squeeze %dma_wait3A_184 : memref<1x1x128xi32, #tpu.memory_space<hbm>> -> memref<128xi32, #tpu.memory_space<hbm>>
        %dma_wait3A_186 = arith.constant 0 : i32
        %dma_wait3A_187 = tpu.memref_slice %arg4[%dma_wait3A_179, %dma_wait3A_186] : memref<4x128xi32, #tpu.memory_space<vmem>> -> memref<1x128xi32, #tpu.memory_space<vmem>>
        %dma_wait3A_188 = tpu.memref_squeeze %dma_wait3A_187 : memref<1x128xi32, #tpu.memory_space<vmem>> -> memref<128xi32, #tpu.memory_space<vmem>>
        %dma_wait3A_189 = arith.constant 0 : i32
        %dma_wait3A_190 = tpu.memref_slice %arg2[%dma_wait3A_177, %dma_wait3A_178, %dma_wait3A_189] : memref<32x80x128xi32, #tpu.memory_space<hbm>> -> memref<1x1x128xi32, #tpu.memory_space<hbm>>
        %dma_wait3A_191 = tpu.memref_squeeze %dma_wait3A_190 : memref<1x1x128xi32, #tpu.memory_space<hbm>> -> memref<128xi32, #tpu.memory_space<hbm>>
        tpu.wait_dma2 semaphore(%arg7 : memref<!tpu.dma_semaphore, #tpu.memory_space<semaphore_mem>>) src(%dma_wait3A_191 : memref<128xi32, #tpu.memory_space<hbm>>) dst(%dma_wait3A_188 : memref<128xi32, #tpu.memory_space<vmem>>)
        %ge3A = arith.constant 2 : i32
        %ge3A_192 = arith.cmpi sge, %scan3A_162, %ge3A : i32
        %convert_element_type3A_193 = arith.extui %ge3A_192 : i1 to i32
        %cond3A_194 = arith.constant 0 : i32
        %cond3A_195 = arith.cmpi ne, %convert_element_type3A_193, %cond3A_194 : i32
        scf.if %cond3A_195 {
          %dma_wait3A_204 = arith.constant 0 : i32
          %dma_wait3A_205 = arith.constant 0 : i32
          %dma_wait3A_206 = arith.constant 0 : i32
          %dma_wait3A_207 = tpu.memref_slice %arg2[%dma_wait3A_204, %dma_wait3A_205, %dma_wait3A_206] : memref<32x80x128xi32, #tpu.memory_space<hbm>> -> memref<1x80x128xi32, #tpu.memory_space<hbm>>
          %dma_wait3A_208 = tpu.memref_squeeze %dma_wait3A_207 : memref<1x80x128xi32, #tpu.memory_space<hbm>> -> memref<80x128xi32, #tpu.memory_space<hbm>>
          %dma_wait3A_209 = arith.constant 0 : i32
          %dma_wait3A_210 = arith.constant 0 : i32
          %dma_wait3A_211 = tpu.memref_slice %arg2[%dma_wait3A_204, %dma_wait3A_209, %dma_wait3A_210] : memref<32x80x128xi32, #tpu.memory_space<hbm>> -> memref<1x80x128xi32, #tpu.memory_space<hbm>>
          %dma_wait3A_212 = tpu.memref_squeeze %dma_wait3A_211 : memref<1x80x128xi32, #tpu.memory_space<hbm>> -> memref<80x128xi32, #tpu.memory_space<hbm>>
          tpu.wait_dma2 semaphore(%arg9 : memref<!tpu.dma_semaphore, #tpu.memory_space<semaphore_mem>>) src(%dma_wait3A_212 : memref<80x128xi32, #tpu.memory_space<hbm>>) dst(%arg5 : memref<128x128xf32, #tpu.memory_space<vmem>>)
        } else {
        }
        %rem3A_196 = arith.constant 4 : i32
        %rem3A_197 = arith.remsi %scan3A_162, %rem3A_196 : i32
        %dma_start3A_198 = arith.constant 0 : i32
        %dma_start3A_199 = tpu.memref_slice %arg4[%rem3A_197, %dma_start3A_198] : memref<4x128xi32, #tpu.memory_space<vmem>> -> memref<1x128xi32, #tpu.memory_space<vmem>>
        %dma_start3A_200 = tpu.memref_squeeze %dma_start3A_199 : memref<1x128xi32, #tpu.memory_space<vmem>> -> memref<128xi32, #tpu.memory_space<vmem>>
        %dma_start3A_201 = arith.constant 0 : i32
        %dma_start3A_202 = arith.constant 0 : i32
        %dma_start3A_203 = tpu.memref_slice %arg6[%dma_start3A_201, %dma_start3A_202] : memref<10240x128xf32, #tpu.memory_space<vmem_shared>> -> memref<10240x128xf32, #tpu.memory_space<vmem_shared>>
        tpu.enqueue_indirect_dma source(%arg5 : memref<128x128xf32, #tpu.memory_space<vmem>>) target(%dma_start3A_203 : memref<10240x128xf32, #tpu.memory_space<vmem_shared>>) offsets(%dma_start3A_200 : memref<128xi32, #tpu.memory_space<vmem>>) semaphore(%arg9 : memref<!tpu.dma_semaphore, #tpu.memory_space<semaphore_mem>>) {add = true}
      } else {
      }
      %not3A = arith.constant true
      %not3A_167 = arith.xori %eq3A_165, %not3A : i1
      %convert_element_type3A_168 = arith.extui %not3A_167 : i1 to i32
      %cond3A_169 = arith.constant 0 : i32
      %cond3A_170 = arith.cmpi ne, %convert_element_type3A_168, %cond3A_169 : i32
      scf.if %cond3A_170 {
        %add3A_171 = arith.constant 2 : i32
        %add3A_172 = arith.addi %scan3A_162, %add3A_171 : i32
        %lt3A = arith.constant 80 : i32
        %lt3A_173 = arith.cmpi slt, %add3A_172, %lt3A : i32
        %convert_element_type3A_174 = arith.extui %lt3A_173 : i1 to i32
        %cond3A_175 = arith.constant 0 : i32
        %cond3A_176 = arith.cmpi ne, %convert_element_type3A_174, %cond3A_175 : i32
        scf.if %cond3A_176 {
          %add3A_204 = arith.constant 2 : i32
          %add3A_205 = arith.addi %scan3A_162, %add3A_204 : i32
          %rem3A_206 = arith.constant 4 : i32
          %rem3A_207 = arith.remsi %add3A_205, %rem3A_206 : i32
          %dma_start3A_208 = arith.constant 0 : i32
          %dma_start3A_209 = tpu.memref_slice %arg4[%rem3A_207, %dma_start3A_208] : memref<4x128xi32, #tpu.memory_space<vmem>> -> memref<1x128xi32, #tpu.memory_space<vmem>>
          %dma_start3A_210 = tpu.memref_squeeze %dma_start3A_209 : memref<1x128xi32, #tpu.memory_space<vmem>> -> memref<128xi32, #tpu.memory_space<vmem>>
          %dma_start3A_211 = arith.constant 0 : i32
          %dma_start3A_212 = tpu.memref_slice %arg2[%add3A, %add3A_205, %dma_start3A_211] : memref<32x80x128xi32, #tpu.memory_space<hbm>> -> memref<1x1x128xi32, #tpu.memory_space<hbm>>
          %dma_start3A_213 = tpu.memref_squeeze %dma_start3A_212 : memref<1x1x128xi32, #tpu.memory_space<hbm>> -> memref<128xi32, #tpu.memory_space<hbm>>
          %dma_start3A_214 = arith.constant 0 : i32
          %dma_start3A_215 = tpu.memref_slice %arg4[%rem3A_207, %dma_start3A_214] : memref<4x128xi32, #tpu.memory_space<vmem>> -> memref<1x128xi32, #tpu.memory_space<vmem>>
          %dma_start3A_216 = tpu.memref_squeeze %dma_start3A_215 : memref<1x128xi32, #tpu.memory_space<vmem>> -> memref<128xi32, #tpu.memory_space<vmem>>
          %dma_start3A_217 = arith.constant 0 : i32
          %dma_start3A_218 = tpu.memref_slice %arg2[%add3A, %add3A_205, %dma_start3A_217] : memref<32x80x128xi32, #tpu.memory_space<hbm>> -> memref<1x1x128xi32, #tpu.memory_space<hbm>>
          %dma_start3A_219 = tpu.memref_squeeze %dma_start3A_218 : memref<1x1x128xi32, #tpu.memory_space<hbm>> -> memref<128xi32, #tpu.memory_space<hbm>>
          tpu.enqueue_dma source(%dma_start3A_219 : memref<128xi32, #tpu.memory_space<hbm>>) target(%dma_start3A_216 : memref<128xi32, #tpu.memory_space<vmem>>) target_semaphore(%arg8 : memref<!tpu.dma_semaphore, #tpu.memory_space<semaphore_mem>>)
        } else {
        }
        %dma_wait3A_177 = arith.constant 0 : i32
        %dma_wait3A_178 = arith.constant 0 : i32
        %dma_wait3A_179 = arith.constant 0 : i32
        %dma_wait3A_180 = arith.constant 0 : i32
        %dma_wait3A_181 = tpu.memref_slice %arg4[%dma_wait3A_179, %dma_wait3A_180] : memref<4x128xi32, #tpu.memory_space<vmem>> -> memref<1x128xi32, #tpu.memory_space<vmem>>
        %dma_wait3A_182 = tpu.memref_squeeze %dma_wait3A_181 : memref<1x128xi32, #tpu.memory_space<vmem>> -> memref<128xi32, #tpu.memory_space<vmem>>
        %dma_wait3A_183 = arith.constant 0 : i32
        %dma_wait3A_184 = tpu.memref_slice %arg2[%dma_wait3A_177, %dma_wait3A_178, %dma_wait3A_183] : memref<32x80x128xi32, #tpu.memory_space<hbm>> -> memref<1x1x128xi32, #tpu.memory_space<hbm>>
        %dma_wait3A_185 = tpu.memref_squeeze %dma_wait3A_184 : memref<1x1x128xi32, #tpu.memory_space<hbm>> -> memref<128xi32, #tpu.memory_space<hbm>>
        %dma_wait3A_186 = arith.constant 0 : i32
        %dma_wait3A_187 = tpu.memref_slice %arg4[%dma_wait3A_179, %dma_wait3A_186] : memref<4x128xi32, #tpu.memory_space<vmem>> -> memref<1x128xi32, #tpu.memory_space<vmem>>
        %dma_wait3A_188 = tpu.memref_squeeze %dma_wait3A_187 : memref<1x128xi32, #tpu.memory_space<vmem>> -> memref<128xi32, #tpu.memory_space<vmem>>
        %dma_wait3A_189 = arith.constant 0 : i32
        %dma_wait3A_190 = tpu.memref_slice %arg2[%dma_wait3A_177, %dma_wait3A_178, %dma_wait3A_189] : memref<32x80x128xi32, #tpu.memory_space<hbm>> -> memref<1x1x128xi32, #tpu.memory_space<hbm>>
        %dma_wait3A_191 = tpu.memref_squeeze %dma_wait3A_190 : memref<1x1x128xi32, #tpu.memory_space<hbm>> -> memref<128xi32, #tpu.memory_space<hbm>>
        tpu.wait_dma2 semaphore(%arg8 : memref<!tpu.dma_semaphore, #tpu.memory_space<semaphore_mem>>) src(%dma_wait3A_191 : memref<128xi32, #tpu.memory_space<hbm>>) dst(%dma_wait3A_188 : memref<128xi32, #tpu.memory_space<vmem>>)
        %ge3A = arith.constant 2 : i32
        %ge3A_192 = arith.cmpi sge, %scan3A_162, %ge3A : i32
        %convert_element_type3A_193 = arith.extui %ge3A_192 : i1 to i32
        %cond3A_194 = arith.constant 0 : i32
        %cond3A_195 = arith.cmpi ne, %convert_element_type3A_193, %cond3A_194 : i32
        scf.if %cond3A_195 {
          %dma_wait3A_204 = arith.constant 0 : i32
          %dma_wait3A_205 = arith.constant 0 : i32
          %dma_wait3A_206 = arith.constant 0 : i32
          %dma_wait3A_207 = tpu.memref_slice %arg2[%dma_wait3A_204, %dma_wait3A_205, %dma_wait3A_206] : memref<32x80x128xi32, #tpu.memory_space<hbm>> -> memref<1x80x128xi32, #tpu.memory_space<hbm>>
          %dma_wait3A_208 = tpu.memref_squeeze %dma_wait3A_207 : memref<1x80x128xi32, #tpu.memory_space<hbm>> -> memref<80x128xi32, #tpu.memory_space<hbm>>
          %dma_wait3A_209 = arith.constant 0 : i32
          %dma_wait3A_210 = arith.constant 0 : i32
          %dma_wait3A_211 = tpu.memref_slice %arg2[%dma_wait3A_204, %dma_wait3A_209, %dma_wait3A_210] : memref<32x80x128xi32, #tpu.memory_space<hbm>> -> memref<1x80x128xi32, #tpu.memory_space<hbm>>
          %dma_wait3A_212 = tpu.memref_squeeze %dma_wait3A_211 : memref<1x80x128xi32, #tpu.memory_space<hbm>> -> memref<80x128xi32, #tpu.memory_space<hbm>>
          tpu.wait_dma2 semaphore(%arg10 : memref<!tpu.dma_semaphore, #tpu.memory_space<semaphore_mem>>) src(%dma_wait3A_212 : memref<80x128xi32, #tpu.memory_space<hbm>>) dst(%arg5 : memref<128x128xf32, #tpu.memory_space<vmem>>)
        } else {
        }
        %rem3A_196 = arith.constant 4 : i32
        %rem3A_197 = arith.remsi %scan3A_162, %rem3A_196 : i32
        %dma_start3A_198 = arith.constant 0 : i32
        %dma_start3A_199 = tpu.memref_slice %arg4[%rem3A_197, %dma_start3A_198] : memref<4x128xi32, #tpu.memory_space<vmem>> -> memref<1x128xi32, #tpu.memory_space<vmem>>
        %dma_start3A_200 = tpu.memref_squeeze %dma_start3A_199 : memref<1x128xi32, #tpu.memory_space<vmem>> -> memref<128xi32, #tpu.memory_space<vmem>>
        %dma_start3A_201 = arith.constant 0 : i32
        %dma_start3A_202 = arith.constant 0 : i32
        %dma_start3A_203 = tpu.memref_slice %arg6[%dma_start3A_201, %dma_start3A_202] : memref<10240x128xf32, #tpu.memory_space<vmem_shared>> -> memref<10240x128xf32, #tpu.memory_space<vmem_shared>>
        tpu.enqueue_indirect_dma source(%arg5 : memref<128x128xf32, #tpu.memory_space<vmem>>) target(%dma_start3A_203 : memref<10240x128xf32, #tpu.memory_space<vmem_shared>>) offsets(%dma_start3A_200 : memref<128xi32, #tpu.memory_space<vmem>>) semaphore(%arg10 : memref<!tpu.dma_semaphore, #tpu.memory_space<semaphore_mem>>) {add = true}
      } else {
      }
    }
    %scan3A_143 = arith.constant 80 : i32
    %dma_wait3A = arith.constant 0 : i32
    %dma_wait3A_144 = arith.constant 0 : i32
    %dma_wait3A_145 = arith.constant 0 : i32
    %dma_wait3A_146 = tpu.memref_slice %arg2[%dma_wait3A, %dma_wait3A_144, %dma_wait3A_145] : memref<32x80x128xi32, #tpu.memory_space<hbm>> -> memref<1x80x128xi32, #tpu.memory_space<hbm>>
    %dma_wait3A_147 = tpu.memref_squeeze %dma_wait3A_146 : memref<1x80x128xi32, #tpu.memory_space<hbm>> -> memref<80x128xi32, #tpu.memory_space<hbm>>
    %dma_wait3A_148 = arith.constant 0 : i32
    %dma_wait3A_149 = arith.constant 0 : i32
    %dma_wait3A_150 = tpu.memref_slice %arg2[%dma_wait3A, %dma_wait3A_148, %dma_wait3A_149] : memref<32x80x128xi32, #tpu.memory_space<hbm>> -> memref<1x80x128xi32, #tpu.memory_space<hbm>>
    %dma_wait3A_151 = tpu.memref_squeeze %dma_wait3A_150 : memref<1x80x128xi32, #tpu.memory_space<hbm>> -> memref<80x128xi32, #tpu.memory_space<hbm>>
    tpu.wait_dma2 semaphore(%arg9 : memref<!tpu.dma_semaphore, #tpu.memory_space<semaphore_mem>>) src(%dma_wait3A_151 : memref<80x128xi32, #tpu.memory_space<hbm>>) dst(%arg5 : memref<128x128xf32, #tpu.memory_space<vmem>>)
    %dma_wait3A_152 = arith.constant 0 : i32
    %dma_wait3A_153 = arith.constant 0 : i32
    %dma_wait3A_154 = arith.constant 0 : i32
    %dma_wait3A_155 = tpu.memref_slice %arg2[%dma_wait3A_152, %dma_wait3A_153, %dma_wait3A_154] : memref<32x80x128xi32, #tpu.memory_space<hbm>> -> memref<1x80x128xi32, #tpu.memory_space<hbm>>
    %dma_wait3A_156 = tpu.memref_squeeze %dma_wait3A_155 : memref<1x80x128xi32, #tpu.memory_space<hbm>> -> memref<80x128xi32, #tpu.memory_space<hbm>>
    %dma_wait3A_157 = arith.constant 0 : i32
    %dma_wait3A_158 = arith.constant 0 : i32
    %dma_wait3A_159 = tpu.memref_slice %arg2[%dma_wait3A_152, %dma_wait3A_157, %dma_wait3A_158] : memref<32x80x128xi32, #tpu.memory_space<hbm>> -> memref<1x80x128xi32, #tpu.memory_space<hbm>>
    %dma_wait3A_160 = tpu.memref_squeeze %dma_wait3A_159 : memref<1x80x128xi32, #tpu.memory_space<hbm>> -> memref<80x128xi32, #tpu.memory_space<hbm>>
    tpu.wait_dma2 semaphore(%arg10 : memref<!tpu.dma_semaphore, #tpu.memory_space<semaphore_mem>>) src(%dma_wait3A_160 : memref<80x128xi32, #tpu.memory_space<hbm>>) dst(%arg5 : memref<128x128xf32, #tpu.memory_space<vmem>>)
    %barrier3A_161 = arith.constant 0 : index
    tpu.barrier barrier_id(%barrier3A_161)
    "tpu.region"() ({
      %run_scoped3A = tpu.sem_alloc : memref<!tpu.dma_semaphore, #tpu.memory_space<semaphore_mem>>
      %dma_start3A_162 = arith.constant 0 : i32
      %dma_start3A_163 = tpu.memref_slice %arg3[%arg0, %mul3A_49, %dma_start3A_162] : memref<2x10240x128xf32, #tpu.memory_space<hbm>> -> memref<1x640x128xf32, #tpu.memory_space<hbm>>
      %dma_start3A_164 = tpu.memref_squeeze %dma_start3A_163 : memref<1x640x128xf32, #tpu.memory_space<hbm>> -> memref<640x128xf32, #tpu.memory_space<hbm>>
      %dma_start3A_165 = arith.constant 0 : i32
      %dma_start3A_166 = tpu.memref_slice %arg6[%mul3A_49, %dma_start3A_165] : memref<10240x128xf32, #tpu.memory_space<vmem_shared>> -> memref<640x128xf32, #tpu.memory_space<vmem_shared>>
      tpu.enqueue_dma source(%dma_start3A_166 : memref<640x128xf32, #tpu.memory_space<vmem_shared>>) target(%dma_start3A_164 : memref<640x128xf32, #tpu.memory_space<hbm>>) target_semaphore(%run_scoped3A : memref<!tpu.dma_semaphore, #tpu.memory_space<semaphore_mem>>)
      %dma_wait3A_167 = arith.constant 0 : i32
      %dma_wait3A_168 = tpu.memref_slice %arg3[%arg0, %mul3A_49, %dma_wait3A_167] : memref<2x10240x128xf32, #tpu.memory_space<hbm>> -> memref<1x640x128xf32, #tpu.memory_space<hbm>>
      %dma_wait3A_169 = tpu.memref_squeeze %dma_wait3A_168 : memref<1x640x128xf32, #tpu.memory_space<hbm>> -> memref<640x128xf32, #tpu.memory_space<hbm>>
      %dma_wait3A_170 = arith.constant 0 : i32
      %dma_wait3A_171 = tpu.memref_slice %arg6[%mul3A_49, %dma_wait3A_170] : memref<10240x128xf32, #tpu.memory_space<vmem_shared>> -> memref<640x128xf32, #tpu.memory_space<vmem_shared>>
      tpu.wait_dma2 semaphore(%run_scoped3A : memref<!tpu.dma_semaphore, #tpu.memory_space<semaphore_mem>>) src(%dma_wait3A_171 : memref<640x128xf32, #tpu.memory_space<vmem_shared>>) dst(%dma_wait3A_169 : memref<640x128xf32, #tpu.memory_space<hbm>>)
      tpu.yield
    }) : () -> ()
    return
  }
}

module attributes {stable_mosaic.version = 14 : i64} {
  func.func @_enc_body(%arg0: i32, %arg1: memref<400x768xf32, #tpu.memory_space<vmem>>, %arg2: memref<400x768xf32, #tpu.memory_space<vmem>>, %arg3: memref<400x5xf32, #tpu.memory_space<vmem>>, %arg4: memref<400x3xf32, #tpu.memory_space<vmem>>, %arg5: memref<768x32xf32, #tpu.memory_space<vmem>>, %arg6: memref<768x32xf32, #tpu.memory_space<vmem>>, %arg7: memref<5x32xf32, #tpu.memory_space<vmem>>, %arg8: memref<3x32xf32, #tpu.memory_space<vmem>>, %arg9: memref<1x32xf32, #tpu.memory_space<vmem>>, %arg10: memref<1x32xf32, #tpu.memory_space<vmem>>, %arg11: memref<1x32xf32, #tpu.memory_space<vmem>>, %arg12: memref<1x32xf32, #tpu.memory_space<vmem>>, %arg13: memref<32x128xf32, #tpu.memory_space<vmem>>, %arg14: memref<32x128xf32, #tpu.memory_space<vmem>>, %arg15: memref<32x128xf32, #tpu.memory_space<vmem>>, %arg16: memref<32x128xf32, #tpu.memory_space<vmem>>, %arg17: memref<1x128xf32, #tpu.memory_space<vmem>>, %arg18: memref<400x128xf32, #tpu.memory_space<vmem>>) attributes {dimension_semantics = [#tpu.dimension_semantics<arbitrary>], iteration_bounds = array<i64: 25>, scalar_prefetch = 0 : i64, scratch_operands = 0 : i64, tpu.core_type = #tpu.core_type<tc>, window_params = [{transform_indices = @transform_0, window_bounds = array<i64: 400, 768>}, {transform_indices = @transform_1, window_bounds = array<i64: 400, 768>}, {transform_indices = @transform_2, window_bounds = array<i64: 400, 5>}, {transform_indices = @transform_3, window_bounds = array<i64: 400, 3>}, {pipeline_mode = #tpu.pipeline_mode<synchronous>, transform_indices = @transform_4, window_bounds = array<i64: 768, 32>}, {pipeline_mode = #tpu.pipeline_mode<synchronous>, transform_indices = @transform_5, window_bounds = array<i64: 768, 32>}, {pipeline_mode = #tpu.pipeline_mode<synchronous>, transform_indices = @transform_6, window_bounds = array<i64: 5, 32>}, {pipeline_mode = #tpu.pipeline_mode<synchronous>, transform_indices = @transform_7, window_bounds = array<i64: 3, 32>}, {pipeline_mode = #tpu.pipeline_mode<synchronous>, transform_indices = @transform_8, window_bounds = array<i64: 1, 32>}, {pipeline_mode = #tpu.pipeline_mode<synchronous>, transform_indices = @transform_9, window_bounds = array<i64: 1, 32>}, {pipeline_mode = #tpu.pipeline_mode<synchronous>, transform_indices = @transform_10, window_bounds = array<i64: 1, 32>}, {pipeline_mode = #tpu.pipeline_mode<synchronous>, transform_indices = @transform_11, window_bounds = array<i64: 1, 32>}, {pipeline_mode = #tpu.pipeline_mode<synchronous>, transform_indices = @transform_12, window_bounds = array<i64: 32, 128>}, {pipeline_mode = #tpu.pipeline_mode<synchronous>, transform_indices = @transform_13, window_bounds = array<i64: 32, 128>}, {pipeline_mode = #tpu.pipeline_mode<synchronous>, transform_indices = @transform_14, window_bounds = array<i64: 32, 128>}, {pipeline_mode = #tpu.pipeline_mode<synchronous>, transform_indices = @transform_15, window_bounds = array<i64: 32, 128>}, {pipeline_mode = #tpu.pipeline_mode<synchronous>, transform_indices = @transform_16, window_bounds = array<i64: 1, 128>}, {transform_indices = @transform_17, window_bounds = array<i64: 400, 128>}]} {
    %get3A = arith.constant 0 : index
    %get3A_0 = arith.constant 0 : index
    %get3A_1 = vector.load %arg1[%get3A, %get3A_0] : memref<400x768xf32, #tpu.memory_space<vmem>>, vector<400x768xf32>
    %get3A_2 = arith.constant 0 : index
    %get3A_3 = arith.constant 0 : index
    %get3A_4 = vector.load %arg5[%get3A_2, %get3A_3] : memref<768x32xf32, #tpu.memory_space<vmem>>, vector<768x32xf32>
    %dot_general3A = arith.constant dense<0.000000e+00> : vector<400x32xf32>
    %dot_general3A_5 = tpu.matmul %get3A_1, %get3A_4, %dot_general3A {dimension_numbers = #tpu.dot_dimension_numbers<[1], [0], [0], [1], [0, 0, 1, 1], [], []>, transpose_lhs_hint = false} : vector<400x768xf32>, vector<768x32xf32>, vector<400x32xf32> -> vector<400x32xf32>
    %get3A_6 = arith.constant 0 : index
    %get3A_7 = arith.constant 0 : index
    %get3A_8 = vector.load %arg9[%get3A_6, %get3A_7] : memref<1x32xf32, #tpu.memory_space<vmem>>, vector<1x32xf32>
    %add3A = vector.broadcast %get3A_8 : vector<1x32xf32> to vector<400x32xf32>
    %add3A_9 = arith.addf %dot_general3A_5, %add3A : vector<400x32xf32>
    %ge3A = arith.constant 0.000000e+00 : f32
    %ge3A_10 = vector.broadcast %ge3A : f32 to vector<400x32xf32>
    %ge3A_11 = arith.cmpf oge, %add3A_9, %ge3A_10 : vector<400x32xf32>
    %mul3A = arith.constant 0.00999999977 : f32
    %mul3A_12 = vector.broadcast %mul3A : f32 to vector<400x32xf32>
    %mul3A_13 = arith.mulf %mul3A_12, %add3A_9 : vector<400x32xf32>
    %select_n3A = arith.select %ge3A_11, %add3A_9, %mul3A_13 : vector<400x32xi1>, vector<400x32xf32>
    %get3A_14 = arith.constant 0 : index
    %get3A_15 = arith.constant 0 : index
    %get3A_16 = vector.load %arg2[%get3A_14, %get3A_15] : memref<400x768xf32, #tpu.memory_space<vmem>>, vector<400x768xf32>
    %get3A_17 = arith.constant 0 : index
    %get3A_18 = arith.constant 0 : index
    %get3A_19 = vector.load %arg6[%get3A_17, %get3A_18] : memref<768x32xf32, #tpu.memory_space<vmem>>, vector<768x32xf32>
    %dot_general3A_20 = arith.constant dense<0.000000e+00> : vector<400x32xf32>
    %dot_general3A_21 = tpu.matmul %get3A_16, %get3A_19, %dot_general3A_20 {dimension_numbers = #tpu.dot_dimension_numbers<[1], [0], [0], [1], [0, 0, 1, 1], [], []>, transpose_lhs_hint = false} : vector<400x768xf32>, vector<768x32xf32>, vector<400x32xf32> -> vector<400x32xf32>
    %get3A_22 = arith.constant 0 : index
    %get3A_23 = arith.constant 0 : index
    %get3A_24 = vector.load %arg10[%get3A_22, %get3A_23] : memref<1x32xf32, #tpu.memory_space<vmem>>, vector<1x32xf32>
    %add3A_25 = vector.broadcast %get3A_24 : vector<1x32xf32> to vector<400x32xf32>
    %add3A_26 = arith.addf %dot_general3A_21, %add3A_25 : vector<400x32xf32>
    %ge3A_27 = arith.constant 0.000000e+00 : f32
    %ge3A_28 = vector.broadcast %ge3A_27 : f32 to vector<400x32xf32>
    %ge3A_29 = arith.cmpf oge, %add3A_26, %ge3A_28 : vector<400x32xf32>
    %mul3A_30 = arith.constant 0.00999999977 : f32
    %mul3A_31 = vector.broadcast %mul3A_30 : f32 to vector<400x32xf32>
    %mul3A_32 = arith.mulf %mul3A_31, %add3A_26 : vector<400x32xf32>
    %select_n3A_33 = arith.select %ge3A_29, %add3A_26, %mul3A_32 : vector<400x32xi1>, vector<400x32xf32>
    %get3A_34 = arith.constant 0 : index
    %get3A_35 = arith.constant 0 : index
    %get3A_36 = vector.load %arg3[%get3A_34, %get3A_35] : memref<400x5xf32, #tpu.memory_space<vmem>>, vector<400x5xf32>
    %get3A_37 = arith.constant 0 : index
    %get3A_38 = arith.constant 0 : index
    %get3A_39 = vector.load %arg7[%get3A_37, %get3A_38] : memref<5x32xf32, #tpu.memory_space<vmem>>, vector<5x32xf32>
    %dot_general3A_40 = arith.constant dense<0.000000e+00> : vector<400x32xf32>
    %dot_general3A_41 = tpu.matmul %get3A_36, %get3A_39, %dot_general3A_40 {dimension_numbers = #tpu.dot_dimension_numbers<[1], [0], [0], [1], [0, 0, 1, 1], [], []>, transpose_lhs_hint = false} : vector<400x5xf32>, vector<5x32xf32>, vector<400x32xf32> -> vector<400x32xf32>
    %get3A_42 = arith.constant 0 : index
    %get3A_43 = arith.constant 0 : index
    %get3A_44 = vector.load %arg11[%get3A_42, %get3A_43] : memref<1x32xf32, #tpu.memory_space<vmem>>, vector<1x32xf32>
    %add3A_45 = vector.broadcast %get3A_44 : vector<1x32xf32> to vector<400x32xf32>
    %add3A_46 = arith.addf %dot_general3A_41, %add3A_45 : vector<400x32xf32>
    %ge3A_47 = arith.constant 0.000000e+00 : f32
    %ge3A_48 = vector.broadcast %ge3A_47 : f32 to vector<400x32xf32>
    %ge3A_49 = arith.cmpf oge, %add3A_46, %ge3A_48 : vector<400x32xf32>
    %mul3A_50 = arith.constant 0.00999999977 : f32
    %mul3A_51 = vector.broadcast %mul3A_50 : f32 to vector<400x32xf32>
    %mul3A_52 = arith.mulf %mul3A_51, %add3A_46 : vector<400x32xf32>
    %select_n3A_53 = arith.select %ge3A_49, %add3A_46, %mul3A_52 : vector<400x32xi1>, vector<400x32xf32>
    %get3A_54 = arith.constant 0 : index
    %get3A_55 = arith.constant 0 : index
    %get3A_56 = vector.load %arg4[%get3A_54, %get3A_55] : memref<400x3xf32, #tpu.memory_space<vmem>>, vector<400x3xf32>
    %get3A_57 = arith.constant 0 : index
    %get3A_58 = arith.constant 0 : index
    %get3A_59 = vector.load %arg8[%get3A_57, %get3A_58] : memref<3x32xf32, #tpu.memory_space<vmem>>, vector<3x32xf32>
    %dot_general3A_60 = arith.constant dense<0.000000e+00> : vector<400x32xf32>
    %dot_general3A_61 = tpu.matmul %get3A_56, %get3A_59, %dot_general3A_60 {dimension_numbers = #tpu.dot_dimension_numbers<[1], [0], [0], [1], [0, 0, 1, 1], [], []>, transpose_lhs_hint = false} : vector<400x3xf32>, vector<3x32xf32>, vector<400x32xf32> -> vector<400x32xf32>
    %get3A_62 = arith.constant 0 : index
    %get3A_63 = arith.constant 0 : index
    %get3A_64 = vector.load %arg12[%get3A_62, %get3A_63] : memref<1x32xf32, #tpu.memory_space<vmem>>, vector<1x32xf32>
    %add3A_65 = vector.broadcast %get3A_64 : vector<1x32xf32> to vector<400x32xf32>
    %add3A_66 = arith.addf %dot_general3A_61, %add3A_65 : vector<400x32xf32>
    %ge3A_67 = arith.constant 0.000000e+00 : f32
    %ge3A_68 = vector.broadcast %ge3A_67 : f32 to vector<400x32xf32>
    %ge3A_69 = arith.cmpf oge, %add3A_66, %ge3A_68 : vector<400x32xf32>
    %mul3A_70 = arith.constant 0.00999999977 : f32
    %mul3A_71 = vector.broadcast %mul3A_70 : f32 to vector<400x32xf32>
    %mul3A_72 = arith.mulf %mul3A_71, %add3A_66 : vector<400x32xf32>
    %select_n3A_73 = arith.select %ge3A_69, %add3A_66, %mul3A_72 : vector<400x32xi1>, vector<400x32xf32>
    %get3A_74 = arith.constant 0 : index
    %get3A_75 = arith.constant 0 : index
    %get3A_76 = vector.load %arg13[%get3A_74, %get3A_75] : memref<32x128xf32, #tpu.memory_space<vmem>>, vector<32x128xf32>
    %dot_general3A_77 = arith.constant dense<0.000000e+00> : vector<400x128xf32>
    %dot_general3A_78 = tpu.matmul %select_n3A, %get3A_76, %dot_general3A_77 {dimension_numbers = #tpu.dot_dimension_numbers<[1], [0], [0], [1], [0, 0, 1, 1], [], []>, transpose_lhs_hint = false} : vector<400x32xf32>, vector<32x128xf32>, vector<400x128xf32> -> vector<400x128xf32>
    %get3A_79 = arith.constant 0 : index
    %get3A_80 = arith.constant 0 : index
    %get3A_81 = vector.load %arg14[%get3A_79, %get3A_80] : memref<32x128xf32, #tpu.memory_space<vmem>>, vector<32x128xf32>
    %dot_general3A_82 = arith.constant dense<0.000000e+00> : vector<400x128xf32>
    %dot_general3A_83 = tpu.matmul %select_n3A_33, %get3A_81, %dot_general3A_82 {dimension_numbers = #tpu.dot_dimension_numbers<[1], [0], [0], [1], [0, 0, 1, 1], [], []>, transpose_lhs_hint = false} : vector<400x32xf32>, vector<32x128xf32>, vector<400x128xf32> -> vector<400x128xf32>
    %add3A_84 = arith.addf %dot_general3A_78, %dot_general3A_83 : vector<400x128xf32>
    %get3A_85 = arith.constant 0 : index
    %get3A_86 = arith.constant 0 : index
    %get3A_87 = vector.load %arg15[%get3A_85, %get3A_86] : memref<32x128xf32, #tpu.memory_space<vmem>>, vector<32x128xf32>
    %dot_general3A_88 = arith.constant dense<0.000000e+00> : vector<400x128xf32>
    %dot_general3A_89 = tpu.matmul %select_n3A_53, %get3A_87, %dot_general3A_88 {dimension_numbers = #tpu.dot_dimension_numbers<[1], [0], [0], [1], [0, 0, 1, 1], [], []>, transpose_lhs_hint = false} : vector<400x32xf32>, vector<32x128xf32>, vector<400x128xf32> -> vector<400x128xf32>
    %add3A_90 = arith.addf %add3A_84, %dot_general3A_89 : vector<400x128xf32>
    %get3A_91 = arith.constant 0 : index
    %get3A_92 = arith.constant 0 : index
    %get3A_93 = vector.load %arg16[%get3A_91, %get3A_92] : memref<32x128xf32, #tpu.memory_space<vmem>>, vector<32x128xf32>
    %dot_general3A_94 = arith.constant dense<0.000000e+00> : vector<400x128xf32>
    %dot_general3A_95 = tpu.matmul %select_n3A_73, %get3A_93, %dot_general3A_94 {dimension_numbers = #tpu.dot_dimension_numbers<[1], [0], [0], [1], [0, 0, 1, 1], [], []>, transpose_lhs_hint = false} : vector<400x32xf32>, vector<32x128xf32>, vector<400x128xf32> -> vector<400x128xf32>
    %add3A_96 = arith.addf %add3A_90, %dot_general3A_95 : vector<400x128xf32>
    %get3A_97 = arith.constant 0 : index
    %get3A_98 = arith.constant 0 : index
    %get3A_99 = vector.load %arg17[%get3A_97, %get3A_98] : memref<1x128xf32, #tpu.memory_space<vmem>>, vector<1x128xf32>
    %add3A_100 = vector.broadcast %get3A_99 : vector<1x128xf32> to vector<400x128xf32>
    %add3A_101 = arith.addf %add3A_96, %add3A_100 : vector<400x128xf32>
    %ge3A_102 = arith.constant 0.000000e+00 : f32
    %ge3A_103 = vector.broadcast %ge3A_102 : f32 to vector<400x128xf32>
    %ge3A_104 = arith.cmpf oge, %add3A_101, %ge3A_103 : vector<400x128xf32>
    %mul3A_105 = arith.constant 0.00999999977 : f32
    %mul3A_106 = vector.broadcast %mul3A_105 : f32 to vector<400x128xf32>
    %mul3A_107 = arith.mulf %mul3A_106, %add3A_101 : vector<400x128xf32>
    %select_n3A_108 = arith.select %ge3A_104, %add3A_101, %mul3A_107 : vector<400x128xi1>, vector<400x128xf32>
    %swap3A = arith.constant 0 : index
    %swap3A_109 = arith.constant 0 : index
    %swap3A_110 = vector.load %arg18[%swap3A, %swap3A_109] : memref<400x128xf32, #tpu.memory_space<vmem>>, vector<400x128xf32>
    tpu.vector_store %arg18[%swap3A, %swap3A_109], %select_n3A_108 {strides = array<i32>} : memref<400x128xf32, #tpu.memory_space<vmem>>, vector<400x128xf32>,
    return
  }
  func.func @transform_0(%arg0: i32) -> (i32, i32) {
    %c0_i32 = arith.constant 0 : i32
    %c0_i32_0 = arith.constant 0 : i32
    return %arg0, %c0_i32 : i32, i32
  }
  func.func @transform_1(%arg0: i32) -> (i32, i32) {
    %c0_i32 = arith.constant 0 : i32
    %c0_i32_0 = arith.constant 0 : i32
    return %arg0, %c0_i32 : i32, i32
  }
  func.func @transform_2(%arg0: i32) -> (i32, i32) {
    %c0_i32 = arith.constant 0 : i32
    %c0_i32_0 = arith.constant 0 : i32
    return %arg0, %c0_i32 : i32, i32
  }
  func.func @transform_3(%arg0: i32) -> (i32, i32) {
    %c0_i32 = arith.constant 0 : i32
    %c0_i32_0 = arith.constant 0 : i32
    return %arg0, %c0_i32 : i32, i32
  }
  func.func @transform_4(%arg0: i32) -> (i32, i32) {
    %c0_i32 = arith.constant 0 : i32
    %c0_i32_0 = arith.constant 0 : i32
    %c0_i32_1 = arith.constant 0 : i32
    return %c0_i32, %c0_i32_0 : i32, i32
  }
  func.func @transform_5(%arg0: i32) -> (i32, i32) {
    %c0_i32 = arith.constant 0 : i32
    %c0_i32_0 = arith.constant 0 : i32
    %c0_i32_1 = arith.constant 0 : i32
    return %c0_i32, %c0_i32_0 : i32, i32
  }
  func.func @transform_6(%arg0: i32) -> (i32, i32) {
    %c0_i32 = arith.constant 0 : i32
    %c0_i32_0 = arith.constant 0 : i32
    %c0_i32_1 = arith.constant 0 : i32
    return %c0_i32, %c0_i32_0 : i32, i32
  }
  func.func @transform_7(%arg0: i32) -> (i32, i32) {
    %c0_i32 = arith.constant 0 : i32
    %c0_i32_0 = arith.constant 0 : i32
    %c0_i32_1 = arith.constant 0 : i32
    return %c0_i32, %c0_i32_0 : i32, i32
  }
  func.func @transform_8(%arg0: i32) -> (i32, i32) {
    %c0_i32 = arith.constant 0 : i32
    %c0_i32_0 = arith.constant 0 : i32
    %c0_i32_1 = arith.constant 0 : i32
    return %c0_i32, %c0_i32_0 : i32, i32
  }
  func.func @transform_9(%arg0: i32) -> (i32, i32) {
    %c0_i32 = arith.constant 0 : i32
    %c0_i32_0 = arith.constant 0 : i32
    %c0_i32_1 = arith.constant 0 : i32
    return %c0_i32, %c0_i32_0 : i32, i32
  }
  func.func @transform_10(%arg0: i32) -> (i32, i32) {
    %c0_i32 = arith.constant 0 : i32
    %c0_i32_0 = arith.constant 0 : i32
    %c0_i32_1 = arith.constant 0 : i32
    return %c0_i32, %c0_i32_0 : i32, i32
  }
  func.func @transform_11(%arg0: i32) -> (i32, i32) {
    %c0_i32 = arith.constant 0 : i32
    %c0_i32_0 = arith.constant 0 : i32
    %c0_i32_1 = arith.constant 0 : i32
    return %c0_i32, %c0_i32_0 : i32, i32
  }
  func.func @transform_12(%arg0: i32) -> (i32, i32) {
    %c0_i32 = arith.constant 0 : i32
    %c0_i32_0 = arith.constant 0 : i32
    %c0_i32_1 = arith.constant 0 : i32
    return %c0_i32, %c0_i32_0 : i32, i32
  }
  func.func @transform_13(%arg0: i32) -> (i32, i32) {
    %c0_i32 = arith.constant 0 : i32
    %c0_i32_0 = arith.constant 0 : i32
    %c0_i32_1 = arith.constant 0 : i32
    return %c0_i32, %c0_i32_0 : i32, i32
  }
  func.func @transform_14(%arg0: i32) -> (i32, i32) {
    %c0_i32 = arith.constant 0 : i32
    %c0_i32_0 = arith.constant 0 : i32
    %c0_i32_1 = arith.constant 0 : i32
    return %c0_i32, %c0_i32_0 : i32, i32
  }
  func.func @transform_15(%arg0: i32) -> (i32, i32) {
    %c0_i32 = arith.constant 0 : i32
    %c0_i32_0 = arith.constant 0 : i32
    %c0_i32_1 = arith.constant 0 : i32
    return %c0_i32, %c0_i32_0 : i32, i32
  }
  func.func @transform_16(%arg0: i32) -> (i32, i32) {
    %c0_i32 = arith.constant 0 : i32
    %c0_i32_0 = arith.constant 0 : i32
    %c0_i32_1 = arith.constant 0 : i32
    return %c0_i32, %c0_i32_0 : i32, i32
  }
  func.func @transform_17(%arg0: i32) -> (i32, i32) {
    %c0_i32 = arith.constant 0 : i32
    %c0_i32_0 = arith.constant 0 : i32
    return %arg0, %c0_i32 : i32, i32
  }
}

module attributes {stable_mosaic.version = 14 : i64} {
  func.func @_h1_body(%arg0: i32, %arg1: memref<400x128xf32, #tpu.memory_space<vmem>>, %arg2: memref<400x16xf32, #tpu.memory_space<vmem>>, %arg3: memref<400x16xf32, #tpu.memory_space<vmem>>, %arg4: memref<128x128xf32, #tpu.memory_space<vmem>>, %arg5: memref<400x128xf32, #tpu.memory_space<vmem>>) attributes {dimension_semantics = [#tpu.dimension_semantics<arbitrary>], iteration_bounds = array<i64: 25>, scalar_prefetch = 0 : i64, scratch_operands = 0 : i64, tpu.core_type = #tpu.core_type<tc>, window_params = [{transform_indices = @transform_0, window_bounds = array<i64: 400, 128>}, {transform_indices = @transform_1, window_bounds = array<i64: 400, 16>}, {transform_indices = @transform_2, window_bounds = array<i64: 400, 16>}, {pipeline_mode = #tpu.pipeline_mode<synchronous>, transform_indices = @transform_3, window_bounds = array<i64: 128, 128>}, {transform_indices = @transform_4, window_bounds = array<i64: 400, 128>}]} {
    %get3A = arith.constant 0 : index
    %get3A_0 = arith.constant 0 : index
    %get3A_1 = vector.load %arg2[%get3A, %get3A_0] : memref<400x16xf32, #tpu.memory_space<vmem>>, vector<400x16xf32>
    %get3A_2 = arith.constant 0 : index
    %get3A_3 = arith.constant 0 : index
    %get3A_4 = vector.load %arg3[%get3A_2, %get3A_3] : memref<400x16xf32, #tpu.memory_space<vmem>>, vector<400x16xf32>
    %slice3A = vector.extract_strided_slice %get3A_1 {offsets = [0, 0], sizes = [400, 1], strides = [1, 1]} : vector<400x16xf32> to vector<400x1xf32>
    %add3A = arith.constant 1.000000e+00 : f32
    %add3A_5 = vector.broadcast %add3A : f32 to vector<400x1xf32>
    %add3A_6 = arith.addf %add3A_5, %slice3A : vector<400x1xf32>
    %slice3A_7 = vector.extract_strided_slice %get3A_4 {offsets = [0, 0], sizes = [400, 1], strides = [1, 1]} : vector<400x16xf32> to vector<400x1xf32>
    %add3A_8 = arith.addf %add3A_6, %slice3A_7 : vector<400x1xf32>
    %rsqrt3A = math.rsqrt %add3A_8 : vector<400x1xf32>
    %get3A_9 = arith.constant 0 : index
    %get3A_10 = arith.constant 0 : index
    %get3A_11 = vector.load %arg1[%get3A_9, %get3A_10] : memref<400x128xf32, #tpu.memory_space<vmem>>, vector<400x128xf32>
    %get3A_12 = arith.constant 0 : index
    %get3A_13 = arith.constant 0 : index
    %get3A_14 = vector.load %arg4[%get3A_12, %get3A_13] : memref<128x128xf32, #tpu.memory_space<vmem>>, vector<128x128xf32>
    %dot_general3A = arith.constant dense<0.000000e+00> : vector<400x128xf32>
    %dot_general3A_15 = tpu.matmul %get3A_11, %get3A_14, %dot_general3A {dimension_numbers = #tpu.dot_dimension_numbers<[1], [0], [0], [1], [0, 0, 1, 1], [], []>, transpose_lhs_hint = false} : vector<400x128xf32>, vector<128x128xf32>, vector<400x128xf32> -> vector<400x128xf32>
    %mul3A = vector.broadcast %rsqrt3A : vector<400x1xf32> to vector<400x128xf32>
    %mul3A_16 = arith.mulf %dot_general3A_15, %mul3A : vector<400x128xf32>
    %swap3A = arith.constant 0 : index
    %swap3A_17 = arith.constant 0 : index
    %swap3A_18 = vector.load %arg5[%swap3A, %swap3A_17] : memref<400x128xf32, #tpu.memory_space<vmem>>, vector<400x128xf32>
    tpu.vector_store %arg5[%swap3A, %swap3A_17], %mul3A_16 {strides = array<i32>} : memref<400x128xf32, #tpu.memory_space<vmem>>, vector<400x128xf32>,
    return
  }
  func.func @transform_0(%arg0: i32) -> (i32, i32) {
    %c0_i32 = arith.constant 0 : i32
    %c0_i32_0 = arith.constant 0 : i32
    return %arg0, %c0_i32 : i32, i32
  }
  func.func @transform_1(%arg0: i32) -> (i32, i32) {
    %c0_i32 = arith.constant 0 : i32
    %c0_i32_0 = arith.constant 0 : i32
    return %arg0, %c0_i32 : i32, i32
  }
  func.func @transform_2(%arg0: i32) -> (i32, i32) {
    %c0_i32 = arith.constant 0 : i32
    %c0_i32_0 = arith.constant 0 : i32
    return %arg0, %c0_i32 : i32, i32
  }
  func.func @transform_3(%arg0: i32) -> (i32, i32) {
    %c0_i32 = arith.constant 0 : i32
    %c0_i32_0 = arith.constant 0 : i32
    %c0_i32_1 = arith.constant 0 : i32
    return %c0_i32, %c0_i32_0 : i32, i32
  }
  func.func @transform_4(%arg0: i32) -> (i32, i32) {
    %c0_i32 = arith.constant 0 : i32
    %c0_i32_0 = arith.constant 0 : i32
    return %arg0, %c0_i32 : i32, i32
  }
}

module attributes {stable_mosaic.version = 14 : i64} {
  func.func @_mid_body(%arg0: i32, %arg1: memref<400x128xf32, #tpu.memory_space<vmem>>, %arg2: memref<400x128xf32, #tpu.memory_space<vmem>>, %arg3: memref<400x128xf32, #tpu.memory_space<vmem>>, %arg4: memref<400x16xf32, #tpu.memory_space<vmem>>, %arg5: memref<400x16xf32, #tpu.memory_space<vmem>>, %arg6: memref<1x128xf32, #tpu.memory_space<vmem>>, %arg7: memref<128x128xf32, #tpu.memory_space<vmem>>, %arg8: memref<400x128xf32, #tpu.memory_space<vmem>>) attributes {dimension_semantics = [#tpu.dimension_semantics<arbitrary>], iteration_bounds = array<i64: 25>, scalar_prefetch = 0 : i64, scratch_operands = 0 : i64, tpu.core_type = #tpu.core_type<tc>, window_params = [{transform_indices = @transform_0, window_bounds = array<i64: 400, 128>}, {transform_indices = @transform_1, window_bounds = array<i64: 400, 128>}, {transform_indices = @transform_2, window_bounds = array<i64: 400, 128>}, {transform_indices = @transform_3, window_bounds = array<i64: 400, 16>}, {transform_indices = @transform_4, window_bounds = array<i64: 400, 16>}, {pipeline_mode = #tpu.pipeline_mode<synchronous>, transform_indices = @transform_5, window_bounds = array<i64: 1, 128>}, {pipeline_mode = #tpu.pipeline_mode<synchronous>, transform_indices = @transform_6, window_bounds = array<i64: 128, 128>}, {transform_indices = @transform_7, window_bounds = array<i64: 400, 128>}]} {
    %get3A = arith.constant 0 : index
    %get3A_0 = arith.constant 0 : index
    %get3A_1 = vector.load %arg4[%get3A, %get3A_0] : memref<400x16xf32, #tpu.memory_space<vmem>>, vector<400x16xf32>
    %get3A_2 = arith.constant 0 : index
    %get3A_3 = arith.constant 0 : index
    %get3A_4 = vector.load %arg5[%get3A_2, %get3A_3] : memref<400x16xf32, #tpu.memory_space<vmem>>, vector<400x16xf32>
    %slice3A = vector.extract_strided_slice %get3A_1 {offsets = [0, 0], sizes = [400, 1], strides = [1, 1]} : vector<400x16xf32> to vector<400x1xf32>
    %add3A = arith.constant 1.000000e+00 : f32
    %add3A_5 = vector.broadcast %add3A : f32 to vector<400x1xf32>
    %add3A_6 = arith.addf %add3A_5, %slice3A : vector<400x1xf32>
    %slice3A_7 = vector.extract_strided_slice %get3A_4 {offsets = [0, 0], sizes = [400, 1], strides = [1, 1]} : vector<400x16xf32> to vector<400x1xf32>
    %add3A_8 = arith.addf %add3A_6, %slice3A_7 : vector<400x1xf32>
    %rsqrt3A = math.rsqrt %add3A_8 : vector<400x1xf32>
    %get3A_9 = arith.constant 0 : index
    %get3A_10 = arith.constant 0 : index
    %get3A_11 = vector.load %arg1[%get3A_9, %get3A_10] : memref<400x128xf32, #tpu.memory_space<vmem>>, vector<400x128xf32>
    %get3A_12 = arith.constant 0 : index
    %get3A_13 = arith.constant 0 : index
    %get3A_14 = vector.load %arg2[%get3A_12, %get3A_13] : memref<400x128xf32, #tpu.memory_space<vmem>>, vector<400x128xf32>
    %add3A_15 = arith.addf %get3A_11, %get3A_14 : vector<400x128xf32>
    %get3A_16 = arith.constant 0 : index
    %get3A_17 = arith.constant 0 : index
    %get3A_18 = vector.load %arg3[%get3A_16, %get3A_17] : memref<400x128xf32, #tpu.memory_space<vmem>>, vector<400x128xf32>
    %add3A_19 = arith.addf %add3A_15, %get3A_18 : vector<400x128xf32>
    %mul3A = vector.broadcast %rsqrt3A : vector<400x1xf32> to vector<400x128xf32>
    %mul3A_20 = arith.mulf %mul3A, %add3A_19 : vector<400x128xf32>
    %get3A_21 = arith.constant 0 : index
    %get3A_22 = arith.constant 0 : index
    %get3A_23 = vector.load %arg6[%get3A_21, %get3A_22] : memref<1x128xf32, #tpu.memory_space<vmem>>, vector<1x128xf32>
    %add3A_24 = vector.broadcast %get3A_23 : vector<1x128xf32> to vector<400x128xf32>
    %add3A_25 = arith.addf %mul3A_20, %add3A_24 : vector<400x128xf32>
    %get3A_26 = arith.constant 0 : index
    %get3A_27 = arith.constant 0 : index
    %get3A_28 = vector.load %arg7[%get3A_26, %get3A_27] : memref<128x128xf32, #tpu.memory_space<vmem>>, vector<128x128xf32>
    %dot_general3A = arith.constant dense<0.000000e+00> : vector<400x128xf32>
    %dot_general3A_29 = tpu.matmul %add3A_25, %get3A_28, %dot_general3A {dimension_numbers = #tpu.dot_dimension_numbers<[1], [0], [0], [1], [0, 0, 1, 1], [], []>, transpose_lhs_hint = false} : vector<400x128xf32>, vector<128x128xf32>, vector<400x128xf32> -> vector<400x128xf32>
    %mul3A_30 = vector.broadcast %rsqrt3A : vector<400x1xf32> to vector<400x128xf32>
    %mul3A_31 = arith.mulf %dot_general3A_29, %mul3A_30 : vector<400x128xf32>
    %swap3A = arith.constant 0 : index
    %swap3A_32 = arith.constant 0 : index
    %swap3A_33 = vector.load %arg8[%swap3A, %swap3A_32] : memref<400x128xf32, #tpu.memory_space<vmem>>, vector<400x128xf32>
    tpu.vector_store %arg8[%swap3A, %swap3A_32], %mul3A_31 {strides = array<i32>} : memref<400x128xf32, #tpu.memory_space<vmem>>, vector<400x128xf32>,
    return
  }
  func.func @transform_0(%arg0: i32) -> (i32, i32) {
    %c0_i32 = arith.constant 0 : i32
    %c0_i32_0 = arith.constant 0 : i32
    return %arg0, %c0_i32 : i32, i32
  }
  func.func @transform_1(%arg0: i32) -> (i32, i32) {
    %c0_i32 = arith.constant 0 : i32
    %c0_i32_0 = arith.constant 0 : i32
    return %arg0, %c0_i32 : i32, i32
  }
  func.func @transform_2(%arg0: i32) -> (i32, i32) {
    %c0_i32 = arith.constant 0 : i32
    %c0_i32_0 = arith.constant 0 : i32
    return %arg0, %c0_i32 : i32, i32
  }
  func.func @transform_3(%arg0: i32) -> (i32, i32) {
    %c0_i32 = arith.constant 0 : i32
    %c0_i32_0 = arith.constant 0 : i32
    return %arg0, %c0_i32 : i32, i32
  }
  func.func @transform_4(%arg0: i32) -> (i32, i32) {
    %c0_i32 = arith.constant 0 : i32
    %c0_i32_0 = arith.constant 0 : i32
    return %arg0, %c0_i32 : i32, i32
  }
  func.func @transform_5(%arg0: i32) -> (i32, i32) {
    %c0_i32 = arith.constant 0 : i32
    %c0_i32_0 = arith.constant 0 : i32
    %c0_i32_1 = arith.constant 0 : i32
    return %c0_i32, %c0_i32_0 : i32, i32
  }
  func.func @transform_6(%arg0: i32) -> (i32, i32) {
    %c0_i32 = arith.constant 0 : i32
    %c0_i32_0 = arith.constant 0 : i32
    %c0_i32_1 = arith.constant 0 : i32
    return %c0_i32, %c0_i32_0 : i32, i32
  }
  func.func @transform_7(%arg0: i32) -> (i32, i32) {
    %c0_i32 = arith.constant 0 : i32
    %c0_i32_0 = arith.constant 0 : i32
    return %arg0, %c0_i32 : i32, i32
  }
}

module attributes {stable_mosaic.version = 14 : i64} {
  func.func @_tail_body(%arg0: i32, %arg1: memref<400x128xf32, #tpu.memory_space<vmem>>, %arg2: memref<400x128xf32, #tpu.memory_space<vmem>>, %arg3: memref<400x128xf32, #tpu.memory_space<vmem>>, %arg4: memref<400x16xf32, #tpu.memory_space<vmem>>, %arg5: memref<400x16xf32, #tpu.memory_space<vmem>>, %arg6: memref<1x128xf32, #tpu.memory_space<vmem>>, %arg7: memref<128x128xf32, #tpu.memory_space<vmem>>, %arg8: memref<1x128xf32, #tpu.memory_space<vmem>>, %arg9: memref<128x2xf32, #tpu.memory_space<vmem>>, %arg10: memref<1x2xf32, #tpu.memory_space<vmem>>, %arg11: memref<400x2xf32, #tpu.memory_space<vmem>>) attributes {dimension_semantics = [#tpu.dimension_semantics<arbitrary>], iteration_bounds = array<i64: 25>, scalar_prefetch = 0 : i64, scratch_operands = 0 : i64, tpu.core_type = #tpu.core_type<tc>, window_params = [{transform_indices = @transform_0, window_bounds = array<i64: 400, 128>}, {transform_indices = @transform_1, window_bounds = array<i64: 400, 128>}, {transform_indices = @transform_2, window_bounds = array<i64: 400, 128>}, {transform_indices = @transform_3, window_bounds = array<i64: 400, 16>}, {transform_indices = @transform_4, window_bounds = array<i64: 400, 16>}, {pipeline_mode = #tpu.pipeline_mode<synchronous>, transform_indices = @transform_5, window_bounds = array<i64: 1, 128>}, {pipeline_mode = #tpu.pipeline_mode<synchronous>, transform_indices = @transform_6, window_bounds = array<i64: 128, 128>}, {pipeline_mode = #tpu.pipeline_mode<synchronous>, transform_indices = @transform_7, window_bounds = array<i64: 1, 128>}, {pipeline_mode = #tpu.pipeline_mode<synchronous>, transform_indices = @transform_8, window_bounds = array<i64: 128, 2>}, {pipeline_mode = #tpu.pipeline_mode<synchronous>, transform_indices = @transform_9, window_bounds = array<i64: 1, 2>}, {transform_indices = @transform_10, window_bounds = array<i64: 400, 2>}]} {
    %get3A = arith.constant 0 : index
    %get3A_0 = arith.constant 0 : index
    %get3A_1 = vector.load %arg4[%get3A, %get3A_0] : memref<400x16xf32, #tpu.memory_space<vmem>>, vector<400x16xf32>
    %get3A_2 = arith.constant 0 : index
    %get3A_3 = arith.constant 0 : index
    %get3A_4 = vector.load %arg5[%get3A_2, %get3A_3] : memref<400x16xf32, #tpu.memory_space<vmem>>, vector<400x16xf32>
    %slice3A = vector.extract_strided_slice %get3A_1 {offsets = [0, 0], sizes = [400, 1], strides = [1, 1]} : vector<400x16xf32> to vector<400x1xf32>
    %add3A = arith.constant 1.000000e+00 : f32
    %add3A_5 = vector.broadcast %add3A : f32 to vector<400x1xf32>
    %add3A_6 = arith.addf %add3A_5, %slice3A : vector<400x1xf32>
    %slice3A_7 = vector.extract_strided_slice %get3A_4 {offsets = [0, 0], sizes = [400, 1], strides = [1, 1]} : vector<400x16xf32> to vector<400x1xf32>
    %add3A_8 = arith.addf %add3A_6, %slice3A_7 : vector<400x1xf32>
    %rsqrt3A = math.rsqrt %add3A_8 : vector<400x1xf32>
    %get3A_9 = arith.constant 0 : index
    %get3A_10 = arith.constant 0 : index
    %get3A_11 = vector.load %arg1[%get3A_9, %get3A_10] : memref<400x128xf32, #tpu.memory_space<vmem>>, vector<400x128xf32>
    %get3A_12 = arith.constant 0 : index
    %get3A_13 = arith.constant 0 : index
    %get3A_14 = vector.load %arg2[%get3A_12, %get3A_13] : memref<400x128xf32, #tpu.memory_space<vmem>>, vector<400x128xf32>
    %add3A_15 = arith.addf %get3A_11, %get3A_14 : vector<400x128xf32>
    %get3A_16 = arith.constant 0 : index
    %get3A_17 = arith.constant 0 : index
    %get3A_18 = vector.load %arg3[%get3A_16, %get3A_17] : memref<400x128xf32, #tpu.memory_space<vmem>>, vector<400x128xf32>
    %add3A_19 = arith.addf %add3A_15, %get3A_18 : vector<400x128xf32>
    %mul3A = vector.broadcast %rsqrt3A : vector<400x1xf32> to vector<400x128xf32>
    %mul3A_20 = arith.mulf %mul3A, %add3A_19 : vector<400x128xf32>
    %get3A_21 = arith.constant 0 : index
    %get3A_22 = arith.constant 0 : index
    %get3A_23 = vector.load %arg6[%get3A_21, %get3A_22] : memref<1x128xf32, #tpu.memory_space<vmem>>, vector<1x128xf32>
    %add3A_24 = vector.broadcast %get3A_23 : vector<1x128xf32> to vector<400x128xf32>
    %add3A_25 = arith.addf %mul3A_20, %add3A_24 : vector<400x128xf32>
    %get3A_26 = arith.constant 0 : index
    %get3A_27 = arith.constant 0 : index
    %get3A_28 = vector.load %arg7[%get3A_26, %get3A_27] : memref<128x128xf32, #tpu.memory_space<vmem>>, vector<128x128xf32>
    %dot_general3A = arith.constant dense<0.000000e+00> : vector<400x128xf32>
    %dot_general3A_29 = tpu.matmul %add3A_25, %get3A_28, %dot_general3A {dimension_numbers = #tpu.dot_dimension_numbers<[1], [0], [0], [1], [0, 0, 1, 1], [], []>, transpose_lhs_hint = false} : vector<400x128xf32>, vector<128x128xf32>, vector<400x128xf32> -> vector<400x128xf32>
    %get3A_30 = arith.constant 0 : index
    %get3A_31 = arith.constant 0 : index
    %get3A_32 = vector.load %arg8[%get3A_30, %get3A_31] : memref<1x128xf32, #tpu.memory_space<vmem>>, vector<1x128xf32>
    %add3A_33 = vector.broadcast %get3A_32 : vector<1x128xf32> to vector<400x128xf32>
    %add3A_34 = arith.addf %dot_general3A_29, %add3A_33 : vector<400x128xf32>
    %ge3A = arith.constant 0.000000e+00 : f32
    %ge3A_35 = vector.broadcast %ge3A : f32 to vector<400x128xf32>
    %ge3A_36 = arith.cmpf oge, %add3A_34, %ge3A_35 : vector<400x128xf32>
    %mul3A_37 = arith.constant 0.00999999977 : f32
    %mul3A_38 = vector.broadcast %mul3A_37 : f32 to vector<400x128xf32>
    %mul3A_39 = arith.mulf %mul3A_38, %add3A_34 : vector<400x128xf32>
    %select_n3A = arith.select %ge3A_36, %add3A_34, %mul3A_39 : vector<400x128xi1>, vector<400x128xf32>
    %get3A_40 = arith.constant 0 : index
    %get3A_41 = arith.constant 0 : index
    %get3A_42 = vector.load %arg9[%get3A_40, %get3A_41] : memref<128x2xf32, #tpu.memory_space<vmem>>, vector<128x2xf32>
    %dot_general3A_43 = arith.constant dense<0.000000e+00> : vector<400x2xf32>
    %dot_general3A_44 = tpu.matmul %select_n3A, %get3A_42, %dot_general3A_43 {dimension_numbers = #tpu.dot_dimension_numbers<[1], [0], [0], [1], [0, 0, 1, 1], [], []>, transpose_lhs_hint = false} : vector<400x128xf32>, vector<128x2xf32>, vector<400x2xf32> -> vector<400x2xf32>
    %get3A_45 = arith.constant 0 : index
    %get3A_46 = arith.constant 0 : index
    %get3A_47 = vector.load %arg10[%get3A_45, %get3A_46] : memref<1x2xf32, #tpu.memory_space<vmem>>, vector<1x2xf32>
    %add3A_48 = vector.broadcast %get3A_47 : vector<1x2xf32> to vector<400x2xf32>
    %add3A_49 = arith.addf %dot_general3A_44, %add3A_48 : vector<400x2xf32>
    %swap3A = arith.constant 0 : index
    %swap3A_50 = arith.constant 0 : index
    %swap3A_51 = vector.load %arg11[%swap3A, %swap3A_50] : memref<400x2xf32, #tpu.memory_space<vmem>>, vector<400x2xf32>
    tpu.vector_store %arg11[%swap3A, %swap3A_50], %add3A_49 {strides = array<i32>} : memref<400x2xf32, #tpu.memory_space<vmem>>, vector<400x2xf32>,
    return
  }
  func.func @transform_0(%arg0: i32) -> (i32, i32) {
    %c0_i32 = arith.constant 0 : i32
    %c0_i32_0 = arith.constant 0 : i32
    return %arg0, %c0_i32 : i32, i32
  }
  func.func @transform_1(%arg0: i32) -> (i32, i32) {
    %c0_i32 = arith.constant 0 : i32
    %c0_i32_0 = arith.constant 0 : i32
    return %arg0, %c0_i32 : i32, i32
  }
  func.func @transform_2(%arg0: i32) -> (i32, i32) {
    %c0_i32 = arith.constant 0 : i32
    %c0_i32_0 = arith.constant 0 : i32
    return %arg0, %c0_i32 : i32, i32
  }
  func.func @transform_3(%arg0: i32) -> (i32, i32) {
    %c0_i32 = arith.constant 0 : i32
    %c0_i32_0 = arith.constant 0 : i32
    return %arg0, %c0_i32 : i32, i32
  }
  func.func @transform_4(%arg0: i32) -> (i32, i32) {
    %c0_i32 = arith.constant 0 : i32
    %c0_i32_0 = arith.constant 0 : i32
    return %arg0, %c0_i32 : i32, i32
  }
  func.func @transform_5(%arg0: i32) -> (i32, i32) {
    %c0_i32 = arith.constant 0 : i32
    %c0_i32_0 = arith.constant 0 : i32
    %c0_i32_1 = arith.constant 0 : i32
    return %c0_i32, %c0_i32_0 : i32, i32
  }
  func.func @transform_6(%arg0: i32) -> (i32, i32) {
    %c0_i32 = arith.constant 0 : i32
    %c0_i32_0 = arith.constant 0 : i32
    %c0_i32_1 = arith.constant 0 : i32
    return %c0_i32, %c0_i32_0 : i32, i32
  }
  func.func @transform_7(%arg0: i32) -> (i32, i32) {
    %c0_i32 = arith.constant 0 : i32
    %c0_i32_0 = arith.constant 0 : i32
    %c0_i32_1 = arith.constant 0 : i32
    return %c0_i32, %c0_i32_0 : i32, i32
  }
  func.func @transform_8(%arg0: i32) -> (i32, i32) {
    %c0_i32 = arith.constant 0 : i32
    %c0_i32_0 = arith.constant 0 : i32
    %c0_i32_1 = arith.constant 0 : i32
    return %c0_i32, %c0_i32_0 : i32, i32
  }
  func.func @transform_9(%arg0: i32) -> (i32, i32) {
    %c0_i32 = arith.constant 0 : i32
    %c0_i32_0 = arith.constant 0 : i32
    %c0_i32_1 = arith.constant 0 : i32
    return %c0_i32, %c0_i32_0 : i32, i32
  }
  func.func @transform_10(%arg0: i32) -> (i32, i32) {
    %c0_i32 = arith.constant 0 : i32
    %c0_i32_0 = arith.constant 0 : i32
    return %arg0, %c0_i32 : i32, i32
  }
}

</mosaic_0001>

<sc_bundles>
// kernel: kernel.12.cloned.1.call-start
scs
__scs_entry_jumppad:
0x0: {  	(pc) =	sbr.rel $0x88, $3  }
0x1: {  	(tag) =	ssettag $0x0;
	lr =	simm.s32 $0x1  }
0x2: {  	[smem:$0x3F8A] =	sst lr;
	_ =	strace $0xD0000000  }
0x3: {  	_ = 	snop  }
0x4: {  	_ = 	snop  }
0x5: {  	_ = 	snop  }
0x6: {  	_ = 	snop  }
0x7: {  	_ = 	snop  }
__scs_overlays_trampoline_lowered:
0x8: {  	[smem:$0x3F99] =	sst s0  }
0x9: {  	[smem:$0x3F9A] =	sst s1  }
0xa: {  	[smem:$0x3F9B] =	sst s2  }
0xb: {  	[smem:$0x3F9C] =	sst s3  }
0xc: {  	[smem:$0x3F9D] =	sst s4  }
0xd: {  	[smem:$0x3F9E] =	sst s5  }
0xe: {  	[smem:$0x3F9F] =	sst s6  }
0xf: {  	[smem:$0x3FA0] =	sst s7  }
0x10: {  	[smem:$0x3FA1] =	sst s8  }
0x11: {  	[smem:$0x3FA2] =	sst s9;
	s0 =	simm.s32 @!p0 $0x0  }
0x12: {  	s1 =	sld [smem:$0x3F88];
	s0 =	simm.s32 @p0 $0x1  }
0x13: {  	[smem:$0x3FA3] =	sst s0;
	s0 =	simm.s32 @!p1 $0x0  }
0x14: {  	s2 =	sld [smem:$0x3F87];
	s0 =	simm.s32 @p1 $0x1  }
0x15: {  	[smem:$0x3FA4] =	sst s0;
	s0 =	simm.s32 @!p2 $0x0  }
0x16: {  	s3 =	sld [smem:$0x3FDB];
	s0 =	simm.s32 @p2 $0x1  }
0x17: {  	s4 =	simm.s32 $0x1BF5;
	[smem:$0x3FA6] =	sst s0  }
0x18: {  	s0 =	sld [smem:$0x3F89];
	_ =	swait.ge [sflag:s4], $0x0  }
0x19: {  	s7 =	sld [smem:$0x3F8A]  }
0x1a: {  	s8 =	sadd.s32 $0xFFFFE003, lr  }
0x1b: {  	s9 =	sadd.s32 $0xFFFFFEF7, lr;
	s5 =	simm.s32 $0xFFFFFFFF;
	p2 =	slt.u32 s8, $0xFFFFF086  }
0x1c: {  	p1 =	slt.u32 s9, $0xF7A;
	s5 =	simm.s32 @!p2 $0x0  }
0x1d: {  	s5 =	simm.s32 @p1 $0x1;
	p0 =	seq.s32 s7, s2  }
0x1e: {  	s7 =	smul.u32 @!p0 $0xF7A, s2;
	p2 =	seq.s32 @!p0 s5, $0x0  }
0x1f: {  	s9 =	smul.u32 $0xF7A, s1;
	s8 =	simm.s32 @!p0 $0x1BF5;
	p2 =	por !p2, p0  }
0x20: {  	[sflag:s8] =	ssyncset.s32 @!p0 $0xFFFFF086;
	s6 =	sadd.s32 @!p0 s3, s7;
	s7 =	simm.s32 @!p0 $0x108  }
0x21: {  	s3 =	sadd.s32 s3, s9;
	s6 =	sadd.s32 @!p0 $0x88, s6;
	s7 =	simm.s32 @p2 $0x1082  }
0x22: {  	[simem:s7], [sflag:s8] =	dma.local @!p0 [hbm:s6], $0xF7A  }
0x23: {  	s9 =	sor.u32 $0xD0000000, s2;
	s6 =	simm.s32 $0x108;
	_ =	swait.ge @!p0 [sflag:s8], $0x0  }
0x24: {  	s3 =	sadd.s32 $0x88, s3;
	s6 =	simm.s32 @!p1 $0x1082;
	[sflag:s4] =	ssyncset.s32 $0xFFFFF086  }
0x25: {  	[simem:s6], [sflag:s4] =	dma.local [hbm:s3], $0xF7A  }
0x26: {  	[smem:$0x3F8A] =	sst s1;
	(tag) =	ssettag s2;
	_ =	strace s9  }
0x27: {  	s1 =	sld [smem:$0x3F9A]  }
0x28: {  	s2 =	sld [smem:$0x3F9B]  }
0x29: {  	s4 =	sld [smem:$0x3F9D]  }
0x2a: {  	p0 =	seq.s32 s5, $0x0;
	s5 =	sld [smem:$0x3F9E]  }
0x2b: {  	s6 =	sld [smem:$0x3F9F]  }
0x2c: {  	s7 =	sld [smem:$0x3FA0]  }
0x2d: {  	s3 =	simm.s32 $0x108;
	s8 =	sld [smem:$0x3FA1]  }
0x2e: {  	s3 =	simm.s32 @!p0 $0x1082;
	s9 =	sld [smem:$0x3FA2]  }
0x2f: {  	lr =	sadd.s32 s0, s3;
	s0 =	sld [smem:$0x3F99]  }
0x30: {  	s3 =	sld [smem:$0x3F9C]  }
0x31: {  	[smem:$0x3FA5] =	sst s10  }
0x32: {  	s10 =	sld [smem:$0x3FA3];
	_ =	sdelay $0x3  }
0x33: {  	p0 =	seq.s32 s10, $0x1;
	s10 =	sld [smem:$0x3FA5];
	_ =	sdelay $0x3  }
0x34: {  	[smem:$0x3FA5] =	sst s10  }
0x35: {  	s10 =	sld [smem:$0x3FA4];
	_ =	sdelay $0x3  }
0x36: {  	p1 =	seq.s32 s10, $0x1;
	s10 =	sld [smem:$0x3FA5];
	_ =	sdelay $0x3  }
0x37: {  	[smem:$0x3FA5] =	sst s10  }
0x38: {  	s10 =	sld [smem:$0x3FA6]  }
0x39: {  	_ = 	snop;
	(pc) =	sbr.ind lr, $3  }
0x3a: {  	_ = 	snop  }
0x3b: {  	_ = 	snop  }
0x3c: {  	p2 =	seq.s32 s10, $0x1;
	s10 =	sld [smem:$0x3FA5]  }
0x3d: {  	_ =	shalt  }
0x3e: {  	_ =	shalt  }
0x3f: {  	_ =	shalt  }
0x40: {  	_ =	shalt  }
0x41: {  	_ =	shalt  }
0x42: {  	_ =	shalt  }
0x43: {  	_ =	shalt  }
0x44: {  	_ =	shalt  }
0x45: {  	_ =	shalt  }
0x46: {  	_ =	shalt  }
0x47: {  	_ =	shalt  }
0x48: {  	_ =	shalt  }
0x49: {  	_ =	shalt  }
0x4a: {  	_ =	shalt  }
0x4b: {  	_ =	shalt  }
0x4c: {  	_ =	shalt  }
0x4d: {  	_ =	shalt  }
0x4e: {  	_ =	shalt  }
0x4f: {  	_ =	shalt  }
0x50: {  	_ =	shalt  }
0x51: {  	_ =	shalt  }
0x52: {  	_ =	shalt  }
0x53: {  	_ =	shalt  }
0x54: {  	_ =	shalt  }
0x55: {  	_ =	shalt  }
0x56: {  	_ =	shalt  }
0x57: {  	_ =	shalt  }
0x58: {  	_ =	shalt  }
0x59: {  	_ =	shalt  }
0x5a: {  	_ =	shalt  }
0x5b: {  	_ =	shalt  }
0x5c: {  	_ =	shalt  }
0x5d: {  	_ =	shalt  }
0x5e: {  	_ =	shalt  }
0x5f: {  	_ =	shalt  }
0x60: {  	_ =	shalt  }
0x61: {  	_ =	shalt  }
0x62: {  	_ =	shalt  }
0x63: {  	_ =	shalt  }
0x64: {  	_ =	shalt  }
0x65: {  	_ =	shalt  }
0x66: {  	_ =	shalt  }
0x67: {  	_ =	shalt  }
0x68: {  	_ =	shalt  }
0x69: {  	_ =	shalt  }
0x6a: {  	_ =	shalt  }
0x6b: {  	_ =	shalt  }
0x6c: {  	_ =	shalt  }
0x6d: {  	_ =	shalt  }
0x6e: {  	_ =	shalt  }
0x6f: {  	_ =	shalt  }
0x70: {  	_ =	shalt  }
0x71: {  	_ =	shalt  }
0x72: {  	_ =	shalt  }
0x73: {  	_ =	shalt  }
0x74: {  	_ =	shalt  }
0x75: {  	_ =	shalt  }
0x76: {  	_ =	shalt  }
0x77: {  	_ =	shalt  }
0x78: {  	_ =	shalt  }
0x79: {  	_ =	shalt  }
0x7a: {  	_ =	shalt  }
0x7b: {  	_ =	shalt  }
0x7c: {  	_ =	shalt  }
0x7d: {  	_ =	shalt  }
0x7e: {  	_ =	shalt  }
0x7f: {  	_ =	shalt  }
0x80: {  	_ =	shalt  }
0x81: {  	_ =	shalt  }
0x82: {  	_ =	shalt  }
0x83: {  	_ =	shalt  }
0x84: {  	_ =	shalt  }
0x85: {  	_ =	shalt  }
0x86: {  	_ =	shalt  }
0x87: {  	_ =	shalt  }
.Lfunc_end0:
.L_simem_size_0:
called_computation.1_lowered:
.L_overlay_start_0:
0x88: {  	s2 =	sld [smem:$0x3FD9]  }
0x89: {  	s3 =	sld [smem:$0x3FFE];
	_ =	sdelay $0x1  }
0x8a: {  	s1 =	srdreg.scid  }
0x8b: {  	s0 =	sand.u32 $0x1, s1  }
0x8c: {  	s16 =	sshll.u32 s0, $0xA;
	s2 =	sadd.s32 s3, s2  }
0x8d: {  	s2 =	sadd.s32 s2, s16  }
0x8e: {  	[smem:$0x3FB1] =	sst s2  }
0x8f: {  	_ = 	snop  }
0x90: {  	(tm) =	ssettm $0x1  }
0x91: {  	s17 =	sld [smem:$0x3FFB];
	_ =	sdelay $0x3  }
0x92: {  	_ =	strace s17  }
0x93: {  	s2 =	sld [smem:$0x3FFC];
	_ =	sdelay $0x3  }
0x94: {  	_ =	strace s2  }
0x95: {  	s2 =	sld [smem:$0x3FFD];
	_ =	sdelay $0x3  }
0x96: {  	_ =	strace s2  }
0x97: {  	_ =	strace $0x8FFFFFFF  }
0x98: {  	s18 =	sld [smem:$0x3FDB];
	_ =	sdelay $0x1  }
0x99: {  	s19 =	simm.s32 $_scs_section_size  }
0x9a: {  	s4 =	simm.s32 $_size__tile_overlayer_lowered;
	s5 =	simm.s32 $_tile_overlayer_lowered  }
0x9b: {  	s22 =	simm.s32 $0x1BFF;
	s21 =	sshll.u32 s5, $0x1;
	s2 =	sadd.s32 s19, s18  }
0x9c: {  	s6 =	simm.s32 $0x0;
	s20 =	sshll.u32 s4, $0x1;
	s4 =	sadd.s32 s21, s2  }
0x9d: {  	[timem:s6], [sflag:s22] =	dma.local [hbm:s4], s20  }
0x9e: {  	_ =	swait.ge [sflag:s22], s20  }
0x9f: {  	s3 =	ssub.s32 $0x0, s20;
	[sflag:s22] =	ssyncset.done $0x0  }
0xa0: {  	[sflag:s22] =	ssyncadd.s32 s3;
	_ =	sdelay $0x1  }
0xa1: {  	s23 =	simm.s32 $0x1B8B  }
0xa2: {  	_ =	swait.ge [sflag:s23], $0x1  }
0xa3: {  	[sflag:s23] =	ssyncset.done $0x0  }
0xa4: {  	s25 =	simm.s32 $0x1B8E;
	s24 =	sld [smem:$0x3FFE];
	[sflag:s23] =	ssyncadd.s32 $0xFFFFFFFF  }
0xa5: {  	s26 =	simm.s32 $execute0_lowered;
	[smem:$0x3FD2] =	sst s25  }
0xa6: {  	s4 =	sshll.u32 s26, $0x1;
	_ =	strace $0x80000049;
	[dreg:$0x1] =	wrdreg $0xFFFFFFFF  }
0xa7: {  	s28 =	simm.s32 $_size_execute0_lowered;
	s2 =	sadd.s32 s2, s4;
	[dreg:$0x0] =	wrdreg $0x0  }
0xa8: {  	s4 =	sshll.u32 s28, $0x1;
	[dreg:$0x2] =	wrdreg s2  }
0xa9: {  	[dreg:$0x3] =	wrdreg s4  }
0xaa: {  	[dreg:$0x4] =	wrdreg $0xC0  }
0xab: {  	_ =	task [dreg:s6], $0x5FFFF  }
0xac: {  	[dreg:$0x1] =	wrdreg $0xFFFFFFFF  }
0xad: {  	[dreg:$0x0] =	wrdreg $0x60  }
0xae: {  	[dreg:$0x2] =	wrdreg s24  }
0xaf: {  	[dreg:$0x3] =	wrdreg $0x84000  }
0xb0: {  	[dreg:$0x4] =	wrdreg $0x9  }
0xb1: {  	_ =	task.clear_ibuf [dreg:s6], $0x5FFFF;
	_ =	strace $0x90000049  }
0xb2: {  	s29 =	simm.s32 $0x9;
	_ =	strace $0x8000004B  }
0xb3: {  	_ =	swait.ge [sflag:s29], $0x1  }
0xb4: {  	[sflag:s29] =	ssyncadd.s32 $0xFFFFFFFF  }
0xb5: {  	_ =	strace $0x9000004B  }
0xb6: {  	_ =	sfence  }
0xb7: {  	s30 =	sld [smem:$0x0];
	_ =	sdelay $0x2  }
0xb8: {  	s31 =	sshll.u32 s1, $0xD;
	s1 =	sshrl.u32 s1, $0x2  }
0xb9: {  	s3 =	sand.u32 $0x4000, s31;
	s1 =	sadd.s32 s1, s30  }
0xba: {  	s0 =	sor.u32 s3, s0;
	s1 =	sshll.u32 s1, $0x11  }
0xbb: {  	s0 =	sor.u32 s1, s0  }
0xbc: {  	s0 =	sadd.s32 $0x8F2B, s0  }
0xbd: {  	[sflag:s0] =	ssyncadd.remote.s32 $0x1  }
0xbe: {  	_ =	sfence.sel $0xFFFF  }
0xbf: {  	[dreg:$0x0] =	wrdreg $0xFFFFFFFF;
	(pc) =	sbr.abs _section_cstart, $3  }
0xc0: {  	[dreg:$0x1] =	wrdreg $0xFFFFFFFF  }
0xc1: {  	_ =	task.clear_ibuf [dreg:s6], $0x2FFFF;
	_ =	strace $0x9FFFFFFF  }
0xc2: {  	(tm) =	ssettm $0x7FFFFFFF  }
0xc3: {  	_ =	shalt  }
tec
execute0_lowered:
.L_overlay_start_1:
0x0: {  	(tag) =	ssettag $0x1  }
0x1: {  	s0 =	rddreg [dreg:$0x0]  }
0x2: {  	s1 =	rddreg [dreg:$0x1];
	s3 =	simm.s32 $0x0;
	s2 =	srdreg.scid  }
0x3: {  	s11 =	stileid.u32;
	s30 =	simm.s32 $0x4;
	s31 =	simm.s32 $0x4400  }
0x4: {  	s28 =	simm.s32 $0x0;
	[smem:$0x7FF] =	sst s3;
	s8 =	smul.u32 $0x14000, s11  }
0x5: {  	s2 =	sand.u32 $0x1, s2;
	s4 =	sadd.s32 $0x67200, s0;
	s9 =	smul.u32 $0x50000, s11  }
0x6: {  	s5 =	sadd.s32 $0xEE00, s0;
	s6 =	sadd.s32 $0x4E00, s0;
	s7 =	smul.u32 $0x140000, s2  }
0x7: {  	_ =	strace $0x8000004A;
	s18 =	sshll.u32 s2, $0x4;
	s2 =	ssub.s32 $0x2, s2  }
0x8: {  	s19 =	sor.u32 s11, s18;
	s20 =	sshrl.u32 s2, $0x1;
	s9 =	sshrl.u32 s9, $0x2  }
0x9: {  	s7 =	sadd.s32 s8, s7;
	s2 =	ssub.s32 s2, s20;
	s8 =	sadd.s32 s9, s1  }
0xa: {  	s10 =	sshrl.u32 s7, $0x3;
	s7 =	smul.u32 $0x2800, s19;
	s9 =	sadd.s32 $0x4000, s8  }
0xb: {  	s21 =	sadd.s32 $0x8000, s8;
	s23 =	sadd.s32 $0xC000, s8;
	[dreg:$0x3] =	wrdreg s9  }
0xc: {  	s24 =	sadd.s32 $0x10000, s8;
	s20 =	smax.u32 s2, $0x1;
	[dreg:$0x4] =	wrdreg s21  }
0xd: {  	s2 =	simm.s32 $0x6;
	s0 =	sadd.s32 s10, s0;
	[dreg:$0x5] =	wrdreg s23  }
0xe: {  	[dreg:$0x6] =	wrdreg s24;
	s21 =	simm.s32 $0x400;
	s24 =	simm.s32 $0x80  }
0xf: {  	s23 =	simm.s32 $0x5;
	s22 =	sshrl.u32 s7, $0x3;
	s19 =	sadd.s32 $0x8E400, s0  }
.Ltmp0:
0x10: {  	s0 =	simm.s32 $0x1;
	s25 =	sadd.s32 s5, s22;
	(pc) =	sbr.rel .LBB2_1-.Ltmp0, $4  }
0x11: {  	s26 =	sadd.s32 s6, s22;
	s29 =	sor.u32 $0x10, s22;
	[dreg:$0x7] =	wrdreg s25  }
0x12: {  	s9 =	sor.u32 $0x20, s22;
	s22 =	simm.s32 $0x7;
	[dreg:$0x8] =	wrdreg s26  }
0x13: {  	s15 =	sadd.s32 s5, s29;
	s16 =	sadd.s32 s6, s29;
	s17 =	sadd.s32 s5, s9  }
0x14: {  	v0 =	vimm.f32 $0.0e+00;
	s18 =	sadd.s32 s6, s9;
	s26 =	simm.s32 $0x3;
	s25 =	simm.s32 $0x2  }
.LBB2_12:
0x15: {  	_ =	swait.ge [sflag:s23], $0x4000  }
0x16: {  	[sflag:s23] =	ssyncset.done $0x0  }
0x17: {  	[sflag:s23] =	ssyncadd.s32 $0xFFFFC000  }
0x18: {  	s9 =	stileid.u32;
	_ =	swait.ge [sflag:s2], $0x4000  }
0x19: {  	s10 =	sshrl.u32 s8, $0x3;
	s28 =	sadd.s32 $0x1, s28;
	[sflag:s2] =	ssyncset.done $0x0  }
0x1a: {  	s9 =	sshll.u32 s9, $0x6;
	p0 =	sne.s32 s28, s20;
	[sflag:s2] =	ssyncadd.s32 $0xFFFFC000  }
.Ltmp1:
0x1b: {  	s9 =	sor.u32 $0x1C07, s9;
	[bflag:$0x0] =	sbarrier.arrive $0xFFFF;
	(pc) =	sbr.rel @!p0 .LBB2_13-.Ltmp1, $4  }
0x1c: {  	[hbm:s19], [sflag:s9] =	dma.local [spmem:s10], $0x2800  }
0x1d: {  	_ =	swait.ge [sflag:s22], $0x2800  }
0x1e: {  	[sflag:s22] =	ssyncset.done $0x0  }
0x1f: {  	[sflag:s22] =	ssyncadd.s32 $0xFFFFD800  }
.LBB2_1:
0x20: {  	s9 =	simm.s32 $0x0;
	s10 =	simm.s32 $0x200  }
.LBB2_2:
0x21: {  	p0 =	sne.s32 s10, $0xFE00;
	[tilespmem:s9+$0x470] =	vst v0  }
0x22: {  	[tilespmem:s9+$0x400] =	vst v0  }
0x23: {  	[tilespmem:s9+$0x410] =	vst v0  }
.Ltmp2:
0x24: {  	[tilespmem:s9+$0x420] =	vst v0;
	(pc) =	sbr.rel @p0 .LBB2_2-.Ltmp2, $4  }
0x25: {  	[tilespmem:s9+$0x430] =	vst v0  }
0x26: {  	[tilespmem:s9+$0x440] =	vst v0  }
0x27: {  	[tilespmem:s9+$0x450] =	vst v0  }
0x28: {  	[tilespmem:s9+$0x460] =	vst v0;
	s9 =	sshra.s32 s10, $0x2;
	s10 =	sadd.s32 $0x200, s10  }
0x29: {  	[tilespmem:s9+$0x470] =	vst v0  }
0x2a: {  	[tilespmem:s9+$0x400] =	vst v0  }
0x2b: {  	[tilespmem:s9+$0x410] =	vst v0  }
0x2c: {  	[tilespmem:s9+$0x420] =	vst v0  }
0x2d: {  	[tilespmem:s9+$0x430] =	vst v0  }
0x2e: {  	[tilespmem:s9+$0x440] =	vst v0  }
0x2f: {  	[tilespmem:s9+$0x450] =	vst v0  }
0x30: {  	[tilespmem:s9+$0x460] =	vst v0  }
0x31: {  	[spmem:s8] =	stream.linear.scatter [tilespmem:s21], [sflag:$0x7], $0x4000, $0x38;
	[tilespmem:$0x1C400] =	vst v63  }
0x32: {  	_ =	swait.ge [sflag:s22], $0x4000  }
0x33: {  	[sflag:s22] =	ssyncset.done $0x0  }
0x34: {  	s11 =	rddreg [dreg:$0x3];
	[sflag:s22] =	ssyncadd.s32 $0xFFFFC000  }
0x35: {  	[spmem:s11] =	stream.linear.scatter [tilespmem:s21], [sflag:$0x7], $0x4000, $0x38;
	[tilespmem:$0x1C400] =	vst v63  }
0x36: {  	_ =	swait.ge [sflag:s22], $0x4000  }
0x37: {  	[sflag:s22] =	ssyncset.done $0x0  }
0x38: {  	s12 =	rddreg [dreg:$0x4];
	[sflag:s22] =	ssyncadd.s32 $0xFFFFC000  }
0x39: {  	[spmem:s12] =	stream.linear.scatter [tilespmem:s21], [sflag:$0x7], $0x4000, $0x38;
	[tilespmem:$0x1C400] =	vst v63  }
0x3a: {  	_ =	swait.ge [sflag:s22], $0x4000  }
0x3b: {  	[sflag:s22] =	ssyncset.done $0x0  }
0x3c: {  	s13 =	rddreg [dreg:$0x5];
	[sflag:s22] =	ssyncadd.s32 $0xFFFFC000  }
0x3d: {  	[spmem:s13] =	stream.linear.scatter [tilespmem:s21], [sflag:$0x7], $0x4000, $0x38;
	[tilespmem:$0x1C400] =	vst v63  }
0x3e: {  	_ =	swait.ge [sflag:s22], $0x4000  }
0x3f: {  	[sflag:s22] =	ssyncset.done $0x0  }
0x40: {  	s14 =	rddreg [dreg:$0x6];
	[sflag:s22] =	ssyncadd.s32 $0xFFFFC000  }
0x41: {  	[spmem:s14] =	stream.linear.scatter [tilespmem:s21], [sflag:$0x7], $0x4000, $0x38;
	[tilespmem:$0x1C400] =	vst v63  }
0x42: {  	_ =	swait.ge [sflag:s22], $0x4000  }
0x43: {  	[sflag:s22] =	ssyncset.done $0x0  }
0x44: {  	[sflag:s22] =	ssyncadd.s32 $0xFFFFC000  }
0x45: {  	[bflag:$0x0] =	sbarrier.arrive $0xFFFF  }
0x46: {  	s29 =	simm.s32 $0x0;
	s10 =	rddreg [dreg:$0x7]  }
0x47: {  	[tilespmem:s29], [sflag:$0x3] =	stream.linear.gather [hbm4b:s10+s29], $0x80, $0x38;
	[tilespmem:$0x1C400] =	vst v63  }
0x48: {  	s11 =	rddreg [dreg:$0x8];
	s10 =	simm.s32 $0x200  }
0x49: {  	[tilespmem:s10], [sflag:$0x3] =	stream.linear.gather [hbm4b:s11+s29], $0x80, $0x38;
	[tilespmem:$0x1C400] =	vst v63  }
0x4a: {  	_ = 	snop  }
0x4b: {  	[tilespmem:s24], [sflag:$0x4] =	stream.linear.gather [hbm4b:s15+s29], $0x80, $0x38;
	[tilespmem:$0x1C400] =	vst v63  }
0x4c: {  	s12 =	simm.s32 $0x280  }
0x4d: {  	[tilespmem:s12], [sflag:$0x4] =	stream.linear.gather [hbm4b:s16+s29], $0x80, $0x38;
	[tilespmem:$0x1C400] =	vst v63  }
0x4e: {  	_ =	swait.ge [sflag:s26], $0x80  }
0x4f: {  	[sflag:s26] =	ssyncset.done $0x0  }
0x50: {  	[sflag:s26] =	ssyncadd.s32 $0xFFFFFF80  }
0x51: {  	_ =	swait.ge [sflag:s26], $0x80  }
0x52: {  	[sflag:s26] =	ssyncset.done $0x0  }
0x53: {  	[sflag:s26] =	ssyncadd.s32 $0xFFFFFF80  }
0x54: {  	[tilespmem:s21], [sflag:$0x1] =	stream.indirect.gather [hbm4b:s4+s24], $0x80, s29, s24, $0xb8;
	[tilespmem:$0x1C400] =	vst v63  }
.Ltmp3:
0x55: {  	_ = 	snop;
	(pc) =	sbr.rel .LBB2_4-.Ltmp3, $4  }
0x56: {  	s13 =	simm.s32 $0x100  }
0x57: {  	[tilespmem:s13], [sflag:$0x3] =	stream.linear.gather [hbm4b:s17+s29], $0x80, $0x38;
	[tilespmem:$0x1C400] =	vst v63  }
0x58: {  	s9 =	simm.s32 $0x180;
	s14 =	simm.s32 $0x300;
	s10 =	simm.s32 $0x0  }
0x59: {  	[tilespmem:s14], [sflag:$0x3] =	stream.linear.gather [hbm4b:s18+s29], $0x80, $0x38;
	[tilespmem:$0x1C400] =	vst v63  }
.LBB2_10:
0x5a: {  	p0 =	seq.s32 s29, $0x9E00  }
0x5b: {  	s11 =	simm.s32 @!p0 $0x3  }
0x5c: {  	_ =	swait.ge @!p0 [sflag:s11], $0x80  }
0x5d: {  	[sflag:s11] =	ssyncset.done @!p0 $0x0  }
0x5e: {  	[sflag:s11] =	ssyncadd.s32 @!p0 $0xFFFFFF80  }
0x5f: {  	_ =	swait.ge @!p0 [sflag:s11], $0x80  }
0x60: {  	[sflag:s11] =	ssyncset.done @!p0 $0x0  }
0x61: {  	[sflag:s11] =	ssyncadd.s32 @!p0 $0xFFFFFF80;
	s11 =	simm.s32 @!p0 $0x5  }
0x62: {  	_ =	swait.ge @!p0 [sflag:s11], $0x4000  }
0x63: {  	s12 =	sadd.s32 @!p0 $0x200, s29;
	s13 =	simm.s32 @!p0 $0x400;
	[sflag:s11] =	ssyncset.done @!p0 $0x0  }
0x64: {  	p1 =	sgt.u32 @!p0 s10, $0x4C;
	[sflag:s11] =	ssyncadd.s32 @!p0 $0xFFFFC000;
	s11 =	sand.u32 @!p0 $0x400, s12  }
0x65: {  	p1 =	por p1, p0;
	s12 =	simm.s32 @!p0 $0x80;
	s11 =	sshrl.u32 @!p0 s11, $0x2  }
0x66: {  	[tilespmem:s13], [sflag:$0x1] =	stream.indirect.gather @!p0 [hbm4b:s4+s12], $0x80, s11, s12, $0xb8;
	[tilespmem:$0x1C400] =	vst v63  }
0x67: {  	s11 =	sand.u32 @!p1 $0x7C00, s9  }
0x68: {  	s12 =	sand.u32 @!p1 $0x300, s9;
	s11 =	sadd.s32 @!p1 s7, s11  }
0x69: {  	s11 =	sor.u32 @!p1 s12, s11  }
0x6a: {  	s11 =	sshrl.u32 @!p1 s11, $0x3  }
0x6b: {  	s14 =	simm.s32 @!p1 $0x0;
	s12 =	sand.u32 @!p1 $0x100, s9;
	s13 =	sadd.s32 @!p1 s5, s11  }
0x6c: {  	[tilespmem:s12], [sflag:$0x3] =	stream.linear.gather @!p1 [hbm4b:s13+s14], $0x80, $0x38;
	[tilespmem:$0x1C400] =	vst v63  }
0x6d: {  	s11 =	sadd.s32 @!p1 s6, s11;
	s12 =	sor.u32 @!p1 $0x200, s12  }
0x6e: {  	[tilespmem:s12], [sflag:$0x3] =	stream.linear.gather @!p1 [hbm4b:s11+s14], $0x80, $0x38;
	[tilespmem:$0x1C400] =	vst v63  }
0x6f: {  	s11 =	smov.u32 s29  }
0x70: {  	s11 =	simm.s32 @p0 $0x9E00  }
0x71: {  	_ =	swait.ge [sflag:s25], $0x4000;
	s11 =	sand.u32 $0x600, s11  }
0x72: {  	[sflag:s25] =	ssyncset.done $0x0;
	s11 =	sshrl.u32 s11, $0x2  }
0x73: {  	[sflag:s25] =	ssyncadd.s32 $0xFFFFC000;
	s11 =	sor.u32 $0x200, s11  }
0x74: {  	[spmem:s1] =	stream.indirect.scatter.add.f32 [tilespmem:s31], [sflag:$0x6], $0x80, s11, s24, $0xb8;
	[tilespmem:$0x1C400] =	vst v63  }
.LBB2_11:
0x75: {  	s29 =	sadd.s32 $0x200, s29  }
0x76: {  	p0 =	sne.s32 s29, $0xA000  }
.Ltmp4:
0x77: {  	_ = 	snop;
	(pc) =	sbr.rel @!p0 .LBB2_12-.Ltmp4, $2  }
0x78: {  	_ =	sdelay $0x2  }
0x79: {  	s10 =	sadd.s32 $0x1, s10;
	s9 =	sadd.s32 $0x80, s9  }
.LBB2_4:
0x7a: {  	s11 =	sand.u32 $0x1, s10  }
0x7b: {  	p0 =	seq.s32 s11, $0x1  }
.Ltmp5:
0x7c: {  	_ = 	snop;
	(pc) =	sbr.rel @p0 .LBB2_10-.Ltmp5, $1  }
0x7d: {  	_ =	sdelay $0x3  }
0x7e: {  	_ =	swait.ge [sflag:s30], $0x80;
	p0 =	sne.s32 s29, $0x0  }
.Ltmp6:
0x7f: {  	[sflag:s30] =	ssyncset.done $0x0;
	(pc) =	sbr.rel @!p0 .LBB2_6-.Ltmp6, $4  }
0x80: {  	[sflag:s30] =	ssyncadd.s32 $0xFFFFFF80  }
0x81: {  	_ =	swait.ge [sflag:s30], $0x80  }
0x82: {  	[sflag:s30] =	ssyncset.done $0x0  }
0x83: {  	[sflag:s30] =	ssyncadd.s32 $0xFFFFFF80  }
0x84: {  	p0 =	sgt.u32 s10, $0x4C  }
.Ltmp7:
0x85: {  	_ = 	snop;
	(pc) =	sbr.rel @p0 .LBB2_9-.Ltmp7, $4  }
.Ltmp8:
0x86: {  	_ =	swait.ge [sflag:s2], $0x4000;
	s11 =	sand.u32 $0x400, s29;
	(pc) =	sbr.rel @!p0 .LBB2_8-.Ltmp8, $4  }
0x87: {  	[sflag:s2] =	ssyncset.done $0x0;
	s12 =	sshrl.u32 s11, $0x2  }
0x88: {  	[sflag:s2] =	ssyncadd.s32 $0xFFFFC000;
	s12 =	sor.u32 $0x80, s12  }
0x89: {  	[tilespmem:s31], [sflag:$0x2] =	stream.indirect.gather [hbm4b:s4+s24], $0x80, s12, s24, $0xb8;
	[tilespmem:$0x1C400] =	vst v63  }
0x8a: {  	_ = 	snop  }
.LBB2_6:
0x8b: {  	[tilespmem:s31], [sflag:$0x2] =	stream.indirect.gather [hbm4b:s4+s24], $0x80, s24, s24, $0xb8;
	[tilespmem:$0x1C400] =	vst v63  }
0x8c: {  	s11 =	simm.s32 $0x0  }
.LBB2_8:
0x8d: {  	s12 =	sand.u32 $0x7C00, s9  }
0x8e: {  	s13 =	sand.u32 $0x380, s9;
	s12 =	sadd.s32 s7, s12  }
0x8f: {  	s12 =	sor.u32 s13, s12  }
0x90: {  	s12 =	sshrl.u32 s12, $0x3  }
0x91: {  	s13 =	sand.u32 $0x180, s9;
	s14 =	sadd.s32 s5, s12  }
0x92: {  	[tilespmem:s13], [sflag:$0x4] =	stream.linear.gather [hbm4b:s14+s3], $0x80, $0x38;
	[tilespmem:$0x1C400] =	vst v63  }
0x93: {  	s12 =	sadd.s32 s6, s12;
	s13 =	sor.u32 $0x200, s13  }
0x94: {  	[tilespmem:s13], [sflag:$0x4] =	stream.linear.gather [hbm4b:s12+s3], $0x80, $0x38;
	[tilespmem:$0x1C400] =	vst v63  }
.LBB2_9:
.Ltmp9:
0x95: {  	(pc) =	sbr.rel .LBB2_11-.Ltmp9, $4  }
0x96: {  	_ =	swait.ge [sflag:s0], $0x4000  }
0x97: {  	s11 =	sshrl.u32 s11, $0x2;
	[sflag:s0] =	ssyncset.done $0x0  }
0x98: {  	s11 =	sor.u32 $0x200, s11;
	[sflag:s0] =	ssyncadd.s32 $0xFFFFC000  }
0x99: {  	[spmem:s1] =	stream.indirect.scatter.add.f32 [tilespmem:s21], [sflag:$0x5], $0x80, s11, s24, $0xb8;
	[tilespmem:$0x1C400] =	vst v63  }
.LBB2_13:
0x9a: {  	_ =	sfence.sel $0x180000  }
0x9b: {  	[bflag:$0x0] =	sbarrier.arrive $0xFFFF  }
0x9c: {  	_ =	strace $0x9000004A  }
0x9d: {  	s0 =	stileid.u32;
	[bflag:$0x2] =	sbarrier.arrive $0xFFFF  }
0x9e: {  	p0 =	sne.s32 s0, $0x0;
	s0 =	rddreg [dreg:$0x2]  }
0x9f: {  	s0 =	sadd.s32 @!p0 $0x100000, s0  }
0xa0: {  	[sflag:s0] =	ssyncadd.tile.s32 @!p0 $0x1;
	_ =	shalt  }
.Lfunc_end2:
_tile_overlayer_lowered:
.L_overlay_start_2:
0xa1: {  	(tag) =	ssettag $0x2  }
0xa2: {  	s0 =	rddreg [dreg:$0x0];
	s2 =	stileid.u32  }
0xa3: {  	s1 =	rddreg [dreg:$0x1];
	p0 =	sne.s32 s2, $0x0  }
0xa4: {  	s3 =	rddreg [dreg:$0x2];
	[bflag:$0x3] =	sbarrier.arrive $0xFFFF;
	s2 =	simm.s32 @!p0 $0x1C07  }
0xa5: {  	[timem:s3], [sflag:s2] =	dma.local @!p0 [hbm:s0], s1  }
0xa6: {  	s0 =	simm.s32 @!p0 $0x7  }
0xa7: {  	_ =	swait.ge @!p0 [sflag:s0], s1  }
0xa8: {  	s1 =	ssub.s32 @!p0 $0x0, s1;
	[sflag:s0] =	ssyncset.done @!p0 $0x0  }
0xa9: {  	[sflag:s0] =	ssyncadd.s32 @!p0 s1  }
0xaa: {  	[bflag:$0x3] =	sbarrier.arrive $0xFFFF  }
0xab: {  	_ =	shalt  }

// kernel: kernel.15.cloned.1.call-start
scs
__scs_entry_jumppad:
0x0: {  	(pc) =	sbr.rel $0x88, $3  }
0x1: {  	(tag) =	ssettag $0x0;
	lr =	simm.s32 $0x1  }
0x2: {  	[smem:$0x3F8A] =	sst lr;
	_ =	strace $0xD0000000  }
0x3: {  	_ = 	snop  }
0x4: {  	_ = 	snop  }
0x5: {  	_ = 	snop  }
0x6: {  	_ = 	snop  }
0x7: {  	_ = 	snop  }
__scs_overlays_trampoline_lowered:
0x8: {  	[smem:$0x3F99] =	sst s0  }
0x9: {  	[smem:$0x3F9A] =	sst s1  }
0xa: {  	[smem:$0x3F9B] =	sst s2  }
0xb: {  	[smem:$0x3F9C] =	sst s3  }
0xc: {  	[smem:$0x3F9D] =	sst s4  }
0xd: {  	[smem:$0x3F9E] =	sst s5  }
0xe: {  	[smem:$0x3F9F] =	sst s6  }
0xf: {  	[smem:$0x3FA0] =	sst s7  }
0x10: {  	[smem:$0x3FA1] =	sst s8  }
0x11: {  	[smem:$0x3FA2] =	sst s9;
	s0 =	simm.s32 @!p0 $0x0  }
0x12: {  	s1 =	sld [smem:$0x3F88];
	s0 =	simm.s32 @p0 $0x1  }
0x13: {  	[smem:$0x3FA3] =	sst s0;
	s0 =	simm.s32 @!p1 $0x0  }
0x14: {  	s2 =	sld [smem:$0x3F87];
	s0 =	simm.s32 @p1 $0x1  }
0x15: {  	[smem:$0x3FA4] =	sst s0;
	s0 =	simm.s32 @!p2 $0x0  }
0x16: {  	s3 =	sld [smem:$0x3FDB];
	s0 =	simm.s32 @p2 $0x1  }
0x17: {  	s4 =	simm.s32 $0x1BF5;
	[smem:$0x3FA6] =	sst s0  }
0x18: {  	s0 =	sld [smem:$0x3F89];
	_ =	swait.ge [sflag:s4], $0x0  }
0x19: {  	s7 =	sld [smem:$0x3F8A]  }
0x1a: {  	s8 =	sadd.s32 $0xFFFFE003, lr  }
0x1b: {  	s9 =	sadd.s32 $0xFFFFFEF7, lr;
	s5 =	simm.s32 $0xFFFFFFFF;
	p2 =	slt.u32 s8, $0xFFFFF086  }
0x1c: {  	p1 =	slt.u32 s9, $0xF7A;
	s5 =	simm.s32 @!p2 $0x0  }
0x1d: {  	s5 =	simm.s32 @p1 $0x1;
	p0 =	seq.s32 s7, s2  }
0x1e: {  	s7 =	smul.u32 @!p0 $0xF7A, s2;
	p2 =	seq.s32 @!p0 s5, $0x0  }
0x1f: {  	s9 =	smul.u32 $0xF7A, s1;
	s8 =	simm.s32 @!p0 $0x1BF5;
	p2 =	por !p2, p0  }
0x20: {  	[sflag:s8] =	ssyncset.s32 @!p0 $0xFFFFF086;
	s6 =	sadd.s32 @!p0 s3, s7;
	s7 =	simm.s32 @!p0 $0x108  }
0x21: {  	s3 =	sadd.s32 s3, s9;
	s6 =	sadd.s32 @!p0 $0x88, s6;
	s7 =	simm.s32 @p2 $0x1082  }
0x22: {  	[simem:s7], [sflag:s8] =	dma.local @!p0 [hbm:s6], $0xF7A  }
0x23: {  	s9 =	sor.u32 $0xD0000000, s2;
	s6 =	simm.s32 $0x108;
	_ =	swait.ge @!p0 [sflag:s8], $0x0  }
0x24: {  	s3 =	sadd.s32 $0x88, s3;
	s6 =	simm.s32 @!p1 $0x1082;
	[sflag:s4] =	ssyncset.s32 $0xFFFFF086  }
0x25: {  	[simem:s6], [sflag:s4] =	dma.local [hbm:s3], $0xF7A  }
0x26: {  	[smem:$0x3F8A] =	sst s1;
	(tag) =	ssettag s2;
	_ =	strace s9  }
0x27: {  	s1 =	sld [smem:$0x3F9A]  }
0x28: {  	s2 =	sld [smem:$0x3F9B]  }
0x29: {  	s4 =	sld [smem:$0x3F9D]  }
0x2a: {  	p0 =	seq.s32 s5, $0x0;
	s5 =	sld [smem:$0x3F9E]  }
0x2b: {  	s6 =	sld [smem:$0x3F9F]  }
0x2c: {  	s7 =	sld [smem:$0x3FA0]  }
0x2d: {  	s3 =	simm.s32 $0x108;
	s8 =	sld [smem:$0x3FA1]  }
0x2e: {  	s3 =	simm.s32 @!p0 $0x1082;
	s9 =	sld [smem:$0x3FA2]  }
0x2f: {  	lr =	sadd.s32 s0, s3;
	s0 =	sld [smem:$0x3F99]  }
0x30: {  	s3 =	sld [smem:$0x3F9C]  }
0x31: {  	[smem:$0x3FA5] =	sst s10  }
0x32: {  	s10 =	sld [smem:$0x3FA3];
	_ =	sdelay $0x3  }
0x33: {  	p0 =	seq.s32 s10, $0x1;
	s10 =	sld [smem:$0x3FA5];
	_ =	sdelay $0x3  }
0x34: {  	[smem:$0x3FA5] =	sst s10  }
0x35: {  	s10 =	sld [smem:$0x3FA4];
	_ =	sdelay $0x3  }
0x36: {  	p1 =	seq.s32 s10, $0x1;
	s10 =	sld [smem:$0x3FA5];
	_ =	sdelay $0x3  }
0x37: {  	[smem:$0x3FA5] =	sst s10  }
0x38: {  	s10 =	sld [smem:$0x3FA6]  }
0x39: {  	_ = 	snop;
	(pc) =	sbr.ind lr, $3  }
0x3a: {  	_ = 	snop  }
0x3b: {  	_ = 	snop  }
0x3c: {  	p2 =	seq.s32 s10, $0x1;
	s10 =	sld [smem:$0x3FA5]  }
0x3d: {  	_ =	shalt  }
0x3e: {  	_ =	shalt  }
0x3f: {  	_ =	shalt  }
0x40: {  	_ =	shalt  }
0x41: {  	_ =	shalt  }
0x42: {  	_ =	shalt  }
0x43: {  	_ =	shalt  }
0x44: {  	_ =	shalt  }
0x45: {  	_ =	shalt  }
0x46: {  	_ =	shalt  }
0x47: {  	_ =	shalt  }
0x48: {  	_ =	shalt  }
0x49: {  	_ =	shalt  }
0x4a: {  	_ =	shalt  }
0x4b: {  	_ =	shalt  }
0x4c: {  	_ =	shalt  }
0x4d: {  	_ =	shalt  }
0x4e: {  	_ =	shalt  }
0x4f: {  	_ =	shalt  }
0x50: {  	_ =	shalt  }
0x51: {  	_ =	shalt  }
0x52: {  	_ =	shalt  }
0x53: {  	_ =	shalt  }
0x54: {  	_ =	shalt  }
0x55: {  	_ =	shalt  }
0x56: {  	_ =	shalt  }
0x57: {  	_ =	shalt  }
0x58: {  	_ =	shalt  }
0x59: {  	_ =	shalt  }
0x5a: {  	_ =	shalt  }
0x5b: {  	_ =	shalt  }
0x5c: {  	_ =	shalt  }
0x5d: {  	_ =	shalt  }
0x5e: {  	_ =	shalt  }
0x5f: {  	_ =	shalt  }
0x60: {  	_ =	shalt  }
0x61: {  	_ =	shalt  }
0x62: {  	_ =	shalt  }
0x63: {  	_ =	shalt  }
0x64: {  	_ =	shalt  }
0x65: {  	_ =	shalt  }
0x66: {  	_ =	shalt  }
0x67: {  	_ =	shalt  }
0x68: {  	_ =	shalt  }
0x69: {  	_ =	shalt  }
0x6a: {  	_ =	shalt  }
0x6b: {  	_ =	shalt  }
0x6c: {  	_ =	shalt  }
0x6d: {  	_ =	shalt  }
0x6e: {  	_ =	shalt  }
0x6f: {  	_ =	shalt  }
0x70: {  	_ =	shalt  }
0x71: {  	_ =	shalt  }
0x72: {  	_ =	shalt  }
0x73: {  	_ =	shalt  }
0x74: {  	_ =	shalt  }
0x75: {  	_ =	shalt  }
0x76: {  	_ =	shalt  }
0x77: {  	_ =	shalt  }
0x78: {  	_ =	shalt  }
0x79: {  	_ =	shalt  }
0x7a: {  	_ =	shalt  }
0x7b: {  	_ =	shalt  }
0x7c: {  	_ =	shalt  }
0x7d: {  	_ =	shalt  }
0x7e: {  	_ =	shalt  }
0x7f: {  	_ =	shalt  }
0x80: {  	_ =	shalt  }
0x81: {  	_ =	shalt  }
0x82: {  	_ =	shalt  }
0x83: {  	_ =	shalt  }
0x84: {  	_ =	shalt  }
0x85: {  	_ =	shalt  }
0x86: {  	_ =	shalt  }
0x87: {  	_ =	shalt  }
.Lfunc_end0:
.L_simem_size_0:
called_computation.2_lowered:
.L_overlay_start_0:
0x88: {  	s2 =	sld [smem:$0x3FD9]  }
0x89: {  	s3 =	sld [smem:$0x3FFE];
	_ =	sdelay $0x1  }
0x8a: {  	s1 =	srdreg.scid  }
0x8b: {  	s0 =	sand.u32 $0x1, s1  }
0x8c: {  	s16 =	sshll.u32 s0, $0xA;
	s2 =	sadd.s32 s3, s2  }
0x8d: {  	s2 =	sadd.s32 s2, s16  }
0x8e: {  	[smem:$0x3FB1] =	sst s2  }
0x8f: {  	_ = 	snop  }
0x90: {  	(tm) =	ssettm $0x1  }
0x91: {  	s17 =	sld [smem:$0x3FFB];
	_ =	sdelay $0x3  }
0x92: {  	_ =	strace s17  }
0x93: {  	s2 =	sld [smem:$0x3FFC];
	_ =	sdelay $0x3  }
0x94: {  	_ =	strace s2  }
0x95: {  	s2 =	sld [smem:$0x3FFD];
	_ =	sdelay $0x3  }
0x96: {  	_ =	strace s2  }
0x97: {  	_ =	strace $0x8FFFFFFF  }
0x98: {  	s18 =	sld [smem:$0x3FDB];
	_ =	sdelay $0x1  }
0x99: {  	s19 =	simm.s32 $_scs_section_size  }
0x9a: {  	s4 =	simm.s32 $_size__tile_overlayer_lowered;
	s5 =	simm.s32 $_tile_overlayer_lowered  }
0x9b: {  	s22 =	simm.s32 $0x1BFF;
	s21 =	sshll.u32 s5, $0x1;
	s2 =	sadd.s32 s19, s18  }
0x9c: {  	s6 =	simm.s32 $0x0;
	s20 =	sshll.u32 s4, $0x1;
	s4 =	sadd.s32 s21, s2  }
0x9d: {  	[timem:s6], [sflag:s22] =	dma.local [hbm:s4], s20  }
0x9e: {  	_ =	swait.ge [sflag:s22], s20  }
0x9f: {  	s3 =	ssub.s32 $0x0, s20;
	[sflag:s22] =	ssyncset.done $0x0  }
0xa0: {  	[sflag:s22] =	ssyncadd.s32 s3;
	_ =	sdelay $0x1  }
0xa1: {  	s23 =	simm.s32 $0x1B8B  }
0xa2: {  	_ =	swait.ge [sflag:s23], $0x1  }
0xa3: {  	[sflag:s23] =	ssyncset.done $0x0  }
0xa4: {  	s25 =	simm.s32 $0x1B8E;
	s24 =	sld [smem:$0x3FFE];
	[sflag:s23] =	ssyncadd.s32 $0xFFFFFFFF  }
0xa5: {  	s26 =	simm.s32 $execute0_lowered;
	[smem:$0x3FD2] =	sst s25  }
0xa6: {  	s4 =	sshll.u32 s26, $0x1;
	_ =	strace $0x8000004C;
	[dreg:$0x1] =	wrdreg $0xFFFFFFFF  }
0xa7: {  	s28 =	simm.s32 $_size_execute0_lowered;
	s2 =	sadd.s32 s2, s4;
	[dreg:$0x0] =	wrdreg $0x0  }
0xa8: {  	s4 =	sshll.u32 s28, $0x1;
	[dreg:$0x2] =	wrdreg s2  }
0xa9: {  	[dreg:$0x3] =	wrdreg s4  }
0xaa: {  	[dreg:$0x4] =	wrdreg $0xC0  }
0xab: {  	_ =	task [dreg:s6], $0x5FFFF  }
0xac: {  	[dreg:$0x1] =	wrdreg $0xFFFFFFFF  }
0xad: {  	[dreg:$0x0] =	wrdreg $0x60  }
0xae: {  	[dreg:$0x2] =	wrdreg s24  }
0xaf: {  	[dreg:$0x3] =	wrdreg $0x84000  }
0xb0: {  	[dreg:$0x4] =	wrdreg $0x9  }
0xb1: {  	_ =	task.clear_ibuf [dreg:s6], $0x5FFFF;
	_ =	strace $0x9000004C  }
0xb2: {  	s29 =	simm.s32 $0x9;
	_ =	strace $0x8000004E  }
0xb3: {  	_ =	swait.ge [sflag:s29], $0x1  }
0xb4: {  	[sflag:s29] =	ssyncadd.s32 $0xFFFFFFFF  }
0xb5: {  	_ =	strace $0x9000004E  }
0xb6: {  	_ =	sfence  }
0xb7: {  	s30 =	sld [smem:$0x0];
	_ =	sdelay $0x2  }
0xb8: {  	s31 =	sshll.u32 s1, $0xD;
	s1 =	sshrl.u32 s1, $0x2  }
0xb9: {  	s3 =	sand.u32 $0x4000, s31;
	s1 =	sadd.s32 s1, s30  }
0xba: {  	s0 =	sor.u32 s3, s0;
	s1 =	sshll.u32 s1, $0x11  }
0xbb: {  	s0 =	sor.u32 s1, s0  }
0xbc: {  	s0 =	sadd.s32 $0x8F2B, s0  }
0xbd: {  	[sflag:s0] =	ssyncadd.remote.s32 $0x1  }
0xbe: {  	_ =	sfence.sel $0xFFFF  }
0xbf: {  	[dreg:$0x0] =	wrdreg $0xFFFFFFFF;
	(pc) =	sbr.abs _section_cstart, $3  }
0xc0: {  	[dreg:$0x1] =	wrdreg $0xFFFFFFFF  }
0xc1: {  	_ =	task.clear_ibuf [dreg:s6], $0x2FFFF;
	_ =	strace $0x9FFFFFFF  }
0xc2: {  	(tm) =	ssettm $0x7FFFFFFF  }
0xc3: {  	_ =	shalt  }
tec
execute0_lowered:
.L_overlay_start_1:
0x0: {  	(tag) =	ssettag $0x1  }
0x1: {  	s0 =	rddreg [dreg:$0x0]  }
0x2: {  	s1 =	rddreg [dreg:$0x1];
	s3 =	simm.s32 $0x0;
	s2 =	srdreg.scid  }
0x3: {  	s11 =	stileid.u32;
	s30 =	simm.s32 $0x4;
	s31 =	simm.s32 $0x4400  }
0x4: {  	s28 =	simm.s32 $0x0;
	[smem:$0x7FF] =	sst s3;
	s8 =	smul.u32 $0x14000, s11  }
0x5: {  	s2 =	sand.u32 $0x1, s2;
	s4 =	sadd.s32 $0x67200, s0;
	s9 =	smul.u32 $0x50000, s11  }
0x6: {  	s5 =	sadd.s32 $0xEE00, s0;
	s6 =	sadd.s32 $0x4E00, s0;
	s7 =	smul.u32 $0x140000, s2  }
0x7: {  	_ =	strace $0x8000004D;
	s18 =	sshll.u32 s2, $0x4;
	s2 =	ssub.s32 $0x2, s2  }
0x8: {  	s19 =	sor.u32 s11, s18;
	s20 =	sshrl.u32 s2, $0x1;
	s9 =	sshrl.u32 s9, $0x2  }
0x9: {  	s7 =	sadd.s32 s8, s7;
	s2 =	ssub.s32 s2, s20;
	s8 =	sadd.s32 s9, s1  }
0xa: {  	s10 =	sshrl.u32 s7, $0x3;
	s7 =	smul.u32 $0x2800, s19;
	s9 =	sadd.s32 $0x4000, s8  }
0xb: {  	s21 =	sadd.s32 $0x8000, s8;
	s23 =	sadd.s32 $0xC000, s8;
	[dreg:$0x3] =	wrdreg s9  }
0xc: {  	s24 =	sadd.s32 $0x10000, s8;
	s20 =	smax.u32 s2, $0x1;
	[dreg:$0x4] =	wrdreg s21  }
0xd: {  	s2 =	simm.s32 $0x6;
	s0 =	sadd.s32 s10, s0;
	[dreg:$0x5] =	wrdreg s23  }
0xe: {  	[dreg:$0x6] =	wrdreg s24;
	s21 =	simm.s32 $0x400;
	s24 =	simm.s32 $0x80  }
0xf: {  	s23 =	simm.s32 $0x5;
	s22 =	sshrl.u32 s7, $0x3;
	s19 =	sadd.s32 $0x8E400, s0  }
.Ltmp0:
0x10: {  	s0 =	simm.s32 $0x1;
	s25 =	sadd.s32 s5, s22;
	(pc) =	sbr.rel .LBB2_1-.Ltmp0, $4  }
0x11: {  	s26 =	sadd.s32 s6, s22;
	s29 =	sor.u32 $0x10, s22;
	[dreg:$0x7] =	wrdreg s25  }
0x12: {  	s9 =	sor.u32 $0x20, s22;
	s22 =	simm.s32 $0x7;
	[dreg:$0x8] =	wrdreg s26  }
0x13: {  	s15 =	sadd.s32 s5, s29;
	s16 =	sadd.s32 s6, s29;
	s17 =	sadd.s32 s5, s9  }
0x14: {  	v0 =	vimm.f32 $0.0e+00;
	s18 =	sadd.s32 s6, s9;
	s26 =	simm.s32 $0x3;
	s25 =	simm.s32 $0x2  }
.LBB2_12:
0x15: {  	_ =	swait.ge [sflag:s23], $0x4000  }
0x16: {  	[sflag:s23] =	ssyncset.done $0x0  }
0x17: {  	[sflag:s23] =	ssyncadd.s32 $0xFFFFC000  }
0x18: {  	s9 =	stileid.u32;
	_ =	swait.ge [sflag:s2], $0x4000  }
0x19: {  	s10 =	sshrl.u32 s8, $0x3;
	s28 =	sadd.s32 $0x1, s28;
	[sflag:s2] =	ssyncset.done $0x0  }
0x1a: {  	s9 =	sshll.u32 s9, $0x6;
	p0 =	sne.s32 s28, s20;
	[sflag:s2] =	ssyncadd.s32 $0xFFFFC000  }
.Ltmp1:
0x1b: {  	s9 =	sor.u32 $0x1C07, s9;
	[bflag:$0x0] =	sbarrier.arrive $0xFFFF;
	(pc) =	sbr.rel @!p0 .LBB2_13-.Ltmp1, $4  }
0x1c: {  	[hbm:s19], [sflag:s9] =	dma.local [spmem:s10], $0x2800  }
0x1d: {  	_ =	swait.ge [sflag:s22], $0x2800  }
0x1e: {  	[sflag:s22] =	ssyncset.done $0x0  }
0x1f: {  	[sflag:s22] =	ssyncadd.s32 $0xFFFFD800  }
.LBB2_1:
0x20: {  	s9 =	simm.s32 $0x0;
	s10 =	simm.s32 $0x200  }
.LBB2_2:
0x21: {  	p0 =	sne.s32 s10, $0xFE00;
	[tilespmem:s9+$0x470] =	vst v0  }
0x22: {  	[tilespmem:s9+$0x400] =	vst v0  }
0x23: {  	[tilespmem:s9+$0x410] =	vst v0  }
.Ltmp2:
0x24: {  	[tilespmem:s9+$0x420] =	vst v0;
	(pc) =	sbr.rel @p0 .LBB2_2-.Ltmp2, $4  }
0x25: {  	[tilespmem:s9+$0x430] =	vst v0  }
0x26: {  	[tilespmem:s9+$0x440] =	vst v0  }
0x27: {  	[tilespmem:s9+$0x450] =	vst v0  }
0x28: {  	[tilespmem:s9+$0x460] =	vst v0;
	s9 =	sshra.s32 s10, $0x2;
	s10 =	sadd.s32 $0x200, s10  }
0x29: {  	[tilespmem:s9+$0x470] =	vst v0  }
0x2a: {  	[tilespmem:s9+$0x400] =	vst v0  }
0x2b: {  	[tilespmem:s9+$0x410] =	vst v0  }
0x2c: {  	[tilespmem:s9+$0x420] =	vst v0  }
0x2d: {  	[tilespmem:s9+$0x430] =	vst v0  }
0x2e: {  	[tilespmem:s9+$0x440] =	vst v0  }
0x2f: {  	[tilespmem:s9+$0x450] =	vst v0  }
0x30: {  	[tilespmem:s9+$0x460] =	vst v0  }
0x31: {  	[spmem:s8] =	stream.linear.scatter [tilespmem:s21], [sflag:$0x7], $0x4000, $0x38;
	[tilespmem:$0x1C400] =	vst v63  }
0x32: {  	_ =	swait.ge [sflag:s22], $0x4000  }
0x33: {  	[sflag:s22] =	ssyncset.done $0x0  }
0x34: {  	s11 =	rddreg [dreg:$0x3];
	[sflag:s22] =	ssyncadd.s32 $0xFFFFC000  }
0x35: {  	[spmem:s11] =	stream.linear.scatter [tilespmem:s21], [sflag:$0x7], $0x4000, $0x38;
	[tilespmem:$0x1C400] =	vst v63  }
0x36: {  	_ =	swait.ge [sflag:s22], $0x4000  }
0x37: {  	[sflag:s22] =	ssyncset.done $0x0  }
0x38: {  	s12 =	rddreg [dreg:$0x4];
	[sflag:s22] =	ssyncadd.s32 $0xFFFFC000  }
0x39: {  	[spmem:s12] =	stream.linear.scatter [tilespmem:s21], [sflag:$0x7], $0x4000, $0x38;
	[tilespmem:$0x1C400] =	vst v63  }
0x3a: {  	_ =	swait.ge [sflag:s22], $0x4000  }
0x3b: {  	[sflag:s22] =	ssyncset.done $0x0  }
0x3c: {  	s13 =	rddreg [dreg:$0x5];
	[sflag:s22] =	ssyncadd.s32 $0xFFFFC000  }
0x3d: {  	[spmem:s13] =	stream.linear.scatter [tilespmem:s21], [sflag:$0x7], $0x4000, $0x38;
	[tilespmem:$0x1C400] =	vst v63  }
0x3e: {  	_ =	swait.ge [sflag:s22], $0x4000  }
0x3f: {  	[sflag:s22] =	ssyncset.done $0x0  }
0x40: {  	s14 =	rddreg [dreg:$0x6];
	[sflag:s22] =	ssyncadd.s32 $0xFFFFC000  }
0x41: {  	[spmem:s14] =	stream.linear.scatter [tilespmem:s21], [sflag:$0x7], $0x4000, $0x38;
	[tilespmem:$0x1C400] =	vst v63  }
0x42: {  	_ =	swait.ge [sflag:s22], $0x4000  }
0x43: {  	[sflag:s22] =	ssyncset.done $0x0  }
0x44: {  	[sflag:s22] =	ssyncadd.s32 $0xFFFFC000  }
0x45: {  	[bflag:$0x0] =	sbarrier.arrive $0xFFFF  }
0x46: {  	s29 =	simm.s32 $0x0;
	s10 =	rddreg [dreg:$0x7]  }
0x47: {  	[tilespmem:s29], [sflag:$0x3] =	stream.linear.gather [hbm4b:s10+s29], $0x80, $0x38;
	[tilespmem:$0x1C400] =	vst v63  }
0x48: {  	s11 =	rddreg [dreg:$0x8];
	s10 =	simm.s32 $0x200  }
0x49: {  	[tilespmem:s10], [sflag:$0x3] =	stream.linear.gather [hbm4b:s11+s29], $0x80, $0x38;
	[tilespmem:$0x1C400] =	vst v63  }
0x4a: {  	_ = 	snop  }
0x4b: {  	[tilespmem:s24], [sflag:$0x4] =	stream.linear.gather [hbm4b:s15+s29], $0x80, $0x38;
	[tilespmem:$0x1C400] =	vst v63  }
0x4c: {  	s12 =	simm.s32 $0x280  }
0x4d: {  	[tilespmem:s12], [sflag:$0x4] =	stream.linear.gather [hbm4b:s16+s29], $0x80, $0x38;
	[tilespmem:$0x1C400] =	vst v63  }
0x4e: {  	_ =	swait.ge [sflag:s26], $0x80  }
0x4f: {  	[sflag:s26] =	ssyncset.done $0x0  }
0x50: {  	[sflag:s26] =	ssyncadd.s32 $0xFFFFFF80  }
0x51: {  	_ =	swait.ge [sflag:s26], $0x80  }
0x52: {  	[sflag:s26] =	ssyncset.done $0x0  }
0x53: {  	[sflag:s26] =	ssyncadd.s32 $0xFFFFFF80  }
0x54: {  	[tilespmem:s21], [sflag:$0x1] =	stream.indirect.gather [hbm4b:s4+s24], $0x80, s29, s24, $0xb8;
	[tilespmem:$0x1C400] =	vst v63  }
.Ltmp3:
0x55: {  	_ = 	snop;
	(pc) =	sbr.rel .LBB2_4-.Ltmp3, $4  }
0x56: {  	s13 =	simm.s32 $0x100  }
0x57: {  	[tilespmem:s13], [sflag:$0x3] =	stream.linear.gather [hbm4b:s17+s29], $0x80, $0x38;
	[tilespmem:$0x1C400] =	vst v63  }
0x58: {  	s9 =	simm.s32 $0x180;
	s14 =	simm.s32 $0x300;
	s10 =	simm.s32 $0x0  }
0x59: {  	[tilespmem:s14], [sflag:$0x3] =	stream.linear.gather [hbm4b:s18+s29], $0x80, $0x38;
	[tilespmem:$0x1C400] =	vst v63  }
.LBB2_10:
0x5a: {  	p0 =	seq.s32 s29, $0x9E00  }
0x5b: {  	s11 =	simm.s32 @!p0 $0x3  }
0x5c: {  	_ =	swait.ge @!p0 [sflag:s11], $0x80  }
0x5d: {  	[sflag:s11] =	ssyncset.done @!p0 $0x0  }
0x5e: {  	[sflag:s11] =	ssyncadd.s32 @!p0 $0xFFFFFF80  }
0x5f: {  	_ =	swait.ge @!p0 [sflag:s11], $0x80  }
0x60: {  	[sflag:s11] =	ssyncset.done @!p0 $0x0  }
0x61: {  	[sflag:s11] =	ssyncadd.s32 @!p0 $0xFFFFFF80;
	s11 =	simm.s32 @!p0 $0x5  }
0x62: {  	_ =	swait.ge @!p0 [sflag:s11], $0x4000  }
0x63: {  	s12 =	sadd.s32 @!p0 $0x200, s29;
	s13 =	simm.s32 @!p0 $0x400;
	[sflag:s11] =	ssyncset.done @!p0 $0x0  }
0x64: {  	p1 =	sgt.u32 @!p0 s10, $0x4C;
	[sflag:s11] =	ssyncadd.s32 @!p0 $0xFFFFC000;
	s11 =	sand.u32 @!p0 $0x400, s12  }
0x65: {  	p1 =	por p1, p0;
	s12 =	simm.s32 @!p0 $0x80;
	s11 =	sshrl.u32 @!p0 s11, $0x2  }
0x66: {  	[tilespmem:s13], [sflag:$0x1] =	stream.indirect.gather @!p0 [hbm4b:s4+s12], $0x80, s11, s12, $0xb8;
	[tilespmem:$0x1C400] =	vst v63  }
0x67: {  	s11 =	sand.u32 @!p1 $0x7C00, s9  }
0x68: {  	s12 =	sand.u32 @!p1 $0x300, s9;
	s11 =	sadd.s32 @!p1 s7, s11  }
0x69: {  	s11 =	sor.u32 @!p1 s12, s11  }
0x6a: {  	s11 =	sshrl.u32 @!p1 s11, $0x3  }
0x6b: {  	s14 =	simm.s32 @!p1 $0x0;
	s12 =	sand.u32 @!p1 $0x100, s9;
	s13 =	sadd.s32 @!p1 s5, s11  }
0x6c: {  	[tilespmem:s12], [sflag:$0x3] =	stream.linear.gather @!p1 [hbm4b:s13+s14], $0x80, $0x38;
	[tilespmem:$0x1C400] =	vst v63  }
0x6d: {  	s11 =	sadd.s32 @!p1 s6, s11;
	s12 =	sor.u32 @!p1 $0x200, s12  }
0x6e: {  	[tilespmem:s12], [sflag:$0x3] =	stream.linear.gather @!p1 [hbm4b:s11+s14], $0x80, $0x38;
	[tilespmem:$0x1C400] =	vst v63  }
0x6f: {  	s11 =	smov.u32 s29  }
0x70: {  	s11 =	simm.s32 @p0 $0x9E00  }
0x71: {  	_ =	swait.ge [sflag:s25], $0x4000;
	s11 =	sand.u32 $0x600, s11  }
0x72: {  	[sflag:s25] =	ssyncset.done $0x0;
	s11 =	sshrl.u32 s11, $0x2  }
0x73: {  	[sflag:s25] =	ssyncadd.s32 $0xFFFFC000;
	s11 =	sor.u32 $0x200, s11  }
0x74: {  	[spmem:s1] =	stream.indirect.scatter.add.f32 [tilespmem:s31], [sflag:$0x6], $0x80, s11, s24, $0xb8;
	[tilespmem:$0x1C400] =	vst v63  }
.LBB2_11:
0x75: {  	s29 =	sadd.s32 $0x200, s29  }
0x76: {  	p0 =	sne.s32 s29, $0xA000  }
.Ltmp4:
0x77: {  	_ = 	snop;
	(pc) =	sbr.rel @!p0 .LBB2_12-.Ltmp4, $2  }
0x78: {  	_ =	sdelay $0x2  }
0x79: {  	s10 =	sadd.s32 $0x1, s10;
	s9 =	sadd.s32 $0x80, s9  }
.LBB2_4:
0x7a: {  	s11 =	sand.u32 $0x1, s10  }
0x7b: {  	p0 =	seq.s32 s11, $0x1  }
.Ltmp5:
0x7c: {  	_ = 	snop;
	(pc) =	sbr.rel @p0 .LBB2_10-.Ltmp5, $1  }
0x7d: {  	_ =	sdelay $0x3  }
0x7e: {  	_ =	swait.ge [sflag:s30], $0x80;
	p0 =	sne.s32 s29, $0x0  }
.Ltmp6:
0x7f: {  	[sflag:s30] =	ssyncset.done $0x0;
	(pc) =	sbr.rel @!p0 .LBB2_6-.Ltmp6, $4  }
0x80: {  	[sflag:s30] =	ssyncadd.s32 $0xFFFFFF80  }
0x81: {  	_ =	swait.ge [sflag:s30], $0x80  }
0x82: {  	[sflag:s30] =	ssyncset.done $0x0  }
0x83: {  	[sflag:s30] =	ssyncadd.s32 $0xFFFFFF80  }
0x84: {  	p0 =	sgt.u32 s10, $0x4C  }
.Ltmp7:
0x85: {  	_ = 	snop;
	(pc) =	sbr.rel @p0 .LBB2_9-.Ltmp7, $4  }
.Ltmp8:
0x86: {  	_ =	swait.ge [sflag:s2], $0x4000;
	s11 =	sand.u32 $0x400, s29;
	(pc) =	sbr.rel @!p0 .LBB2_8-.Ltmp8, $4  }
0x87: {  	[sflag:s2] =	ssyncset.done $0x0;
	s12 =	sshrl.u32 s11, $0x2  }
0x88: {  	[sflag:s2] =	ssyncadd.s32 $0xFFFFC000;
	s12 =	sor.u32 $0x80, s12  }
0x89: {  	[tilespmem:s31], [sflag:$0x2] =	stream.indirect.gather [hbm4b:s4+s24], $0x80, s12, s24, $0xb8;
	[tilespmem:$0x1C400] =	vst v63  }
0x8a: {  	_ = 	snop  }
.LBB2_6:
0x8b: {  	[tilespmem:s31], [sflag:$0x2] =	stream.indirect.gather [hbm4b:s4+s24], $0x80, s24, s24, $0xb8;
	[tilespmem:$0x1C400] =	vst v63  }
0x8c: {  	s11 =	simm.s32 $0x0  }
.LBB2_8:
0x8d: {  	s12 =	sand.u32 $0x7C00, s9  }
0x8e: {  	s13 =	sand.u32 $0x380, s9;
	s12 =	sadd.s32 s7, s12  }
0x8f: {  	s12 =	sor.u32 s13, s12  }
0x90: {  	s12 =	sshrl.u32 s12, $0x3  }
0x91: {  	s13 =	sand.u32 $0x180, s9;
	s14 =	sadd.s32 s5, s12  }
0x92: {  	[tilespmem:s13], [sflag:$0x4] =	stream.linear.gather [hbm4b:s14+s3], $0x80, $0x38;
	[tilespmem:$0x1C400] =	vst v63  }
0x93: {  	s12 =	sadd.s32 s6, s12;
	s13 =	sor.u32 $0x200, s13  }
0x94: {  	[tilespmem:s13], [sflag:$0x4] =	stream.linear.gather [hbm4b:s12+s3], $0x80, $0x38;
	[tilespmem:$0x1C400] =	vst v63  }
.LBB2_9:
.Ltmp9:
0x95: {  	(pc) =	sbr.rel .LBB2_11-.Ltmp9, $4  }
0x96: {  	_ =	swait.ge [sflag:s0], $0x4000  }
0x97: {  	s11 =	sshrl.u32 s11, $0x2;
	[sflag:s0] =	ssyncset.done $0x0  }
0x98: {  	s11 =	sor.u32 $0x200, s11;
	[sflag:s0] =	ssyncadd.s32 $0xFFFFC000  }
0x99: {  	[spmem:s1] =	stream.indirect.scatter.add.f32 [tilespmem:s21], [sflag:$0x5], $0x80, s11, s24, $0xb8;
	[tilespmem:$0x1C400] =	vst v63  }
.LBB2_13:
0x9a: {  	_ =	sfence.sel $0x180000  }
0x9b: {  	[bflag:$0x0] =	sbarrier.arrive $0xFFFF  }
0x9c: {  	_ =	strace $0x9000004D  }
0x9d: {  	s0 =	stileid.u32;
	[bflag:$0x2] =	sbarrier.arrive $0xFFFF  }
0x9e: {  	p0 =	sne.s32 s0, $0x0;
	s0 =	rddreg [dreg:$0x2]  }
0x9f: {  	s0 =	sadd.s32 @!p0 $0x100000, s0  }
0xa0: {  	[sflag:s0] =	ssyncadd.tile.s32 @!p0 $0x1;
	_ =	shalt  }
.Lfunc_end2:
_tile_overlayer_lowered:
.L_overlay_start_2:
0xa1: {  	(tag) =	ssettag $0x2  }
0xa2: {  	s0 =	rddreg [dreg:$0x0];
	s2 =	stileid.u32  }
0xa3: {  	s1 =	rddreg [dreg:$0x1];
	p0 =	sne.s32 s2, $0x0  }
0xa4: {  	s3 =	rddreg [dreg:$0x2];
	[bflag:$0x3] =	sbarrier.arrive $0xFFFF;
	s2 =	simm.s32 @!p0 $0x1C07  }
0xa5: {  	[timem:s3], [sflag:s2] =	dma.local @!p0 [hbm:s0], s1  }
0xa6: {  	s0 =	simm.s32 @!p0 $0x7  }
0xa7: {  	_ =	swait.ge @!p0 [sflag:s0], s1  }
0xa8: {  	s1 =	ssub.s32 @!p0 $0x0, s1;
	[sflag:s0] =	ssyncset.done @!p0 $0x0  }
0xa9: {  	[sflag:s0] =	ssyncadd.s32 @!p0 s1  }
0xaa: {  	[bflag:$0x3] =	sbarrier.arrive $0xFFFF  }
0xab: {  	_ =	shalt  }

// kernel: kernel.9.cloned.1.call-start
scs
__scs_entry_jumppad:
0x0: {  	(pc) =	sbr.rel $0x88, $3  }
0x1: {  	(tag) =	ssettag $0x0;
	lr =	simm.s32 $0x1  }
0x2: {  	[smem:$0x3F8A] =	sst lr;
	_ =	strace $0xD0000000  }
0x3: {  	_ = 	snop  }
0x4: {  	_ = 	snop  }
0x5: {  	_ = 	snop  }
0x6: {  	_ = 	snop  }
0x7: {  	_ = 	snop  }
__scs_overlays_trampoline_lowered:
0x8: {  	[smem:$0x3F99] =	sst s0  }
0x9: {  	[smem:$0x3F9A] =	sst s1  }
0xa: {  	[smem:$0x3F9B] =	sst s2  }
0xb: {  	[smem:$0x3F9C] =	sst s3  }
0xc: {  	[smem:$0x3F9D] =	sst s4  }
0xd: {  	[smem:$0x3F9E] =	sst s5  }
0xe: {  	[smem:$0x3F9F] =	sst s6  }
0xf: {  	[smem:$0x3FA0] =	sst s7  }
0x10: {  	[smem:$0x3FA1] =	sst s8  }
0x11: {  	[smem:$0x3FA2] =	sst s9;
	s0 =	simm.s32 @!p0 $0x0  }
0x12: {  	s1 =	sld [smem:$0x3F88];
	s0 =	simm.s32 @p0 $0x1  }
0x13: {  	[smem:$0x3FA3] =	sst s0;
	s0 =	simm.s32 @!p1 $0x0  }
0x14: {  	s2 =	sld [smem:$0x3F87];
	s0 =	simm.s32 @p1 $0x1  }
0x15: {  	[smem:$0x3FA4] =	sst s0;
	s0 =	simm.s32 @!p2 $0x0  }
0x16: {  	s3 =	sld [smem:$0x3FDB];
	s0 =	simm.s32 @p2 $0x1  }
0x17: {  	s4 =	simm.s32 $0x1BF5;
	[smem:$0x3FA6] =	sst s0  }
0x18: {  	s0 =	sld [smem:$0x3F89];
	_ =	swait.ge [sflag:s4], $0x0  }
0x19: {  	s7 =	sld [smem:$0x3F8A]  }
0x1a: {  	s8 =	sadd.s32 $0xFFFFE003, lr  }
0x1b: {  	s9 =	sadd.s32 $0xFFFFFEF7, lr;
	s5 =	simm.s32 $0xFFFFFFFF;
	p2 =	slt.u32 s8, $0xFFFFF086  }
0x1c: {  	p1 =	slt.u32 s9, $0xF7A;
	s5 =	simm.s32 @!p2 $0x0  }
0x1d: {  	s5 =	simm.s32 @p1 $0x1;
	p0 =	seq.s32 s7, s2  }
0x1e: {  	s7 =	smul.u32 @!p0 $0xF7A, s2;
	p2 =	seq.s32 @!p0 s5, $0x0  }
0x1f: {  	s9 =	smul.u32 $0xF7A, s1;
	s8 =	simm.s32 @!p0 $0x1BF5;
	p2 =	por !p2, p0  }
0x20: {  	[sflag:s8] =	ssyncset.s32 @!p0 $0xFFFFF086;
	s6 =	sadd.s32 @!p0 s3, s7;
	s7 =	simm.s32 @!p0 $0x108  }
0x21: {  	s3 =	sadd.s32 s3, s9;
	s6 =	sadd.s32 @!p0 $0x88, s6;
	s7 =	simm.s32 @p2 $0x1082  }
0x22: {  	[simem:s7], [sflag:s8] =	dma.local @!p0 [hbm:s6], $0xF7A  }
0x23: {  	s9 =	sor.u32 $0xD0000000, s2;
	s6 =	simm.s32 $0x108;
	_ =	swait.ge @!p0 [sflag:s8], $0x0  }
0x24: {  	s3 =	sadd.s32 $0x88, s3;
	s6 =	simm.s32 @!p1 $0x1082;
	[sflag:s4] =	ssyncset.s32 $0xFFFFF086  }
0x25: {  	[simem:s6], [sflag:s4] =	dma.local [hbm:s3], $0xF7A  }
0x26: {  	[smem:$0x3F8A] =	sst s1;
	(tag) =	ssettag s2;
	_ =	strace s9  }
0x27: {  	s1 =	sld [smem:$0x3F9A]  }
0x28: {  	s2 =	sld [smem:$0x3F9B]  }
0x29: {  	s4 =	sld [smem:$0x3F9D]  }
0x2a: {  	p0 =	seq.s32 s5, $0x0;
	s5 =	sld [smem:$0x3F9E]  }
0x2b: {  	s6 =	sld [smem:$0x3F9F]  }
0x2c: {  	s7 =	sld [smem:$0x3FA0]  }
0x2d: {  	s3 =	simm.s32 $0x108;
	s8 =	sld [smem:$0x3FA1]  }
0x2e: {  	s3 =	simm.s32 @!p0 $0x1082;
	s9 =	sld [smem:$0x3FA2]  }
0x2f: {  	lr =	sadd.s32 s0, s3;
	s0 =	sld [smem:$0x3F99]  }
0x30: {  	s3 =	sld [smem:$0x3F9C]  }
0x31: {  	[smem:$0x3FA5] =	sst s10  }
0x32: {  	s10 =	sld [smem:$0x3FA3];
	_ =	sdelay $0x3  }
0x33: {  	p0 =	seq.s32 s10, $0x1;
	s10 =	sld [smem:$0x3FA5];
	_ =	sdelay $0x3  }
0x34: {  	[smem:$0x3FA5] =	sst s10  }
0x35: {  	s10 =	sld [smem:$0x3FA4];
	_ =	sdelay $0x3  }
0x36: {  	p1 =	seq.s32 s10, $0x1;
	s10 =	sld [smem:$0x3FA5];
	_ =	sdelay $0x3  }
0x37: {  	[smem:$0x3FA5] =	sst s10  }
0x38: {  	s10 =	sld [smem:$0x3FA6]  }
0x39: {  	_ = 	snop;
	(pc) =	sbr.ind lr, $3  }
0x3a: {  	_ = 	snop  }
0x3b: {  	_ = 	snop  }
0x3c: {  	p2 =	seq.s32 s10, $0x1;
	s10 =	sld [smem:$0x3FA5]  }
0x3d: {  	_ =	shalt  }
0x3e: {  	_ =	shalt  }
0x3f: {  	_ =	shalt  }
0x40: {  	_ =	shalt  }
0x41: {  	_ =	shalt  }
0x42: {  	_ =	shalt  }
0x43: {  	_ =	shalt  }
0x44: {  	_ =	shalt  }
0x45: {  	_ =	shalt  }
0x46: {  	_ =	shalt  }
0x47: {  	_ =	shalt  }
0x48: {  	_ =	shalt  }
0x49: {  	_ =	shalt  }
0x4a: {  	_ =	shalt  }
0x4b: {  	_ =	shalt  }
0x4c: {  	_ =	shalt  }
0x4d: {  	_ =	shalt  }
0x4e: {  	_ =	shalt  }
0x4f: {  	_ =	shalt  }
0x50: {  	_ =	shalt  }
0x51: {  	_ =	shalt  }
0x52: {  	_ =	shalt  }
0x53: {  	_ =	shalt  }
0x54: {  	_ =	shalt  }
0x55: {  	_ =	shalt  }
0x56: {  	_ =	shalt  }
0x57: {  	_ =	shalt  }
0x58: {  	_ =	shalt  }
0x59: {  	_ =	shalt  }
0x5a: {  	_ =	shalt  }
0x5b: {  	_ =	shalt  }
0x5c: {  	_ =	shalt  }
0x5d: {  	_ =	shalt  }
0x5e: {  	_ =	shalt  }
0x5f: {  	_ =	shalt  }
0x60: {  	_ =	shalt  }
0x61: {  	_ =	shalt  }
0x62: {  	_ =	shalt  }
0x63: {  	_ =	shalt  }
0x64: {  	_ =	shalt  }
0x65: {  	_ =	shalt  }
0x66: {  	_ =	shalt  }
0x67: {  	_ =	shalt  }
0x68: {  	_ =	shalt  }
0x69: {  	_ =	shalt  }
0x6a: {  	_ =	shalt  }
0x6b: {  	_ =	shalt  }
0x6c: {  	_ =	shalt  }
0x6d: {  	_ =	shalt  }
0x6e: {  	_ =	shalt  }
0x6f: {  	_ =	shalt  }
0x70: {  	_ =	shalt  }
0x71: {  	_ =	shalt  }
0x72: {  	_ =	shalt  }
0x73: {  	_ =	shalt  }
0x74: {  	_ =	shalt  }
0x75: {  	_ =	shalt  }
0x76: {  	_ =	shalt  }
0x77: {  	_ =	shalt  }
0x78: {  	_ =	shalt  }
0x79: {  	_ =	shalt  }
0x7a: {  	_ =	shalt  }
0x7b: {  	_ =	shalt  }
0x7c: {  	_ =	shalt  }
0x7d: {  	_ =	shalt  }
0x7e: {  	_ =	shalt  }
0x7f: {  	_ =	shalt  }
0x80: {  	_ =	shalt  }
0x81: {  	_ =	shalt  }
0x82: {  	_ =	shalt  }
0x83: {  	_ =	shalt  }
0x84: {  	_ =	shalt  }
0x85: {  	_ =	shalt  }
0x86: {  	_ =	shalt  }
0x87: {  	_ =	shalt  }
.Lfunc_end0:
.L_simem_size_0:
called_computation_lowered:
.L_overlay_start_0:
0x88: {  	s2 =	sld [smem:$0x3FD9]  }
0x89: {  	s3 =	sld [smem:$0x3FFE];
	_ =	sdelay $0x1  }
0x8a: {  	s1 =	srdreg.scid  }
0x8b: {  	s0 =	sand.u32 $0x1, s1  }
0x8c: {  	s16 =	sshll.u32 s0, $0xA;
	s2 =	sadd.s32 s3, s2  }
0x8d: {  	s2 =	sadd.s32 s2, s16  }
0x8e: {  	[smem:$0x3FB1] =	sst s2  }
0x8f: {  	_ = 	snop  }
0x90: {  	(tm) =	ssettm $0x1  }
0x91: {  	s17 =	sld [smem:$0x3FFB];
	_ =	sdelay $0x3  }
0x92: {  	_ =	strace s17  }
0x93: {  	s2 =	sld [smem:$0x3FFC];
	_ =	sdelay $0x3  }
0x94: {  	_ =	strace s2  }
0x95: {  	s2 =	sld [smem:$0x3FFD];
	_ =	sdelay $0x3  }
0x96: {  	_ =	strace s2  }
0x97: {  	_ =	strace $0x8FFFFFFF  }
0x98: {  	s18 =	sld [smem:$0x3FDB];
	_ =	sdelay $0x1  }
0x99: {  	s19 =	simm.s32 $_scs_section_size  }
0x9a: {  	s4 =	simm.s32 $_size__tile_overlayer_lowered;
	s5 =	simm.s32 $_tile_overlayer_lowered  }
0x9b: {  	s22 =	simm.s32 $0x1BFF;
	s21 =	sshll.u32 s5, $0x1;
	s2 =	sadd.s32 s19, s18  }
0x9c: {  	s6 =	simm.s32 $0x0;
	s20 =	sshll.u32 s4, $0x1;
	s4 =	sadd.s32 s21, s2  }
0x9d: {  	[timem:s6], [sflag:s22] =	dma.local [hbm:s4], s20  }
0x9e: {  	_ =	swait.ge [sflag:s22], s20  }
0x9f: {  	s3 =	ssub.s32 $0x0, s20;
	[sflag:s22] =	ssyncset.done $0x0  }
0xa0: {  	[sflag:s22] =	ssyncadd.s32 s3;
	_ =	sdelay $0x1  }
0xa1: {  	s23 =	simm.s32 $0x1B8B  }
0xa2: {  	_ =	swait.ge [sflag:s23], $0x1  }
0xa3: {  	[sflag:s23] =	ssyncset.done $0x0  }
0xa4: {  	s25 =	simm.s32 $0x1B8E;
	s24 =	sld [smem:$0x3FFE];
	[sflag:s23] =	ssyncadd.s32 $0xFFFFFFFF  }
0xa5: {  	s26 =	simm.s32 $execute0_lowered;
	[smem:$0x3FD2] =	sst s25  }
0xa6: {  	s4 =	sshll.u32 s26, $0x1;
	_ =	strace $0x80000046;
	[dreg:$0x1] =	wrdreg $0xFFFFFFFF  }
0xa7: {  	s28 =	simm.s32 $_size_execute0_lowered;
	s2 =	sadd.s32 s2, s4;
	[dreg:$0x0] =	wrdreg $0x0  }
0xa8: {  	s4 =	sshll.u32 s28, $0x1;
	[dreg:$0x2] =	wrdreg s2  }
0xa9: {  	[dreg:$0x3] =	wrdreg s4  }
0xaa: {  	[dreg:$0x4] =	wrdreg $0xC0  }
0xab: {  	_ =	task [dreg:s6], $0x5FFFF  }
0xac: {  	[dreg:$0x1] =	wrdreg $0xFFFFFFFF  }
0xad: {  	[dreg:$0x0] =	wrdreg $0x60  }
0xae: {  	[dreg:$0x2] =	wrdreg s24  }
0xaf: {  	[dreg:$0x3] =	wrdreg $0x42000  }
0xb0: {  	[dreg:$0x4] =	wrdreg $0x9  }
0xb1: {  	_ =	task.clear_ibuf [dreg:s6], $0x5FFFF;
	_ =	strace $0x90000046  }
0xb2: {  	s29 =	simm.s32 $0x9;
	_ =	strace $0x80000048  }
0xb3: {  	_ =	swait.ge [sflag:s29], $0x1  }
0xb4: {  	[sflag:s29] =	ssyncadd.s32 $0xFFFFFFFF  }
0xb5: {  	_ =	strace $0x90000048  }
0xb6: {  	_ =	sfence  }
0xb7: {  	s30 =	sld [smem:$0x0];
	_ =	sdelay $0x2  }
0xb8: {  	s31 =	sshll.u32 s1, $0xD;
	s1 =	sshrl.u32 s1, $0x2  }
0xb9: {  	s3 =	sand.u32 $0x4000, s31;
	s1 =	sadd.s32 s1, s30  }
0xba: {  	s0 =	sor.u32 s3, s0;
	s1 =	sshll.u32 s1, $0x11  }
0xbb: {  	s0 =	sor.u32 s1, s0  }
0xbc: {  	s0 =	sadd.s32 $0x8F2B, s0  }
0xbd: {  	[sflag:s0] =	ssyncadd.remote.s32 $0x1  }
0xbe: {  	_ =	sfence.sel $0xFFFF  }
0xbf: {  	[dreg:$0x0] =	wrdreg $0xFFFFFFFF;
	(pc) =	sbr.abs _section_cstart, $3  }
0xc0: {  	[dreg:$0x1] =	wrdreg $0xFFFFFFFF  }
0xc1: {  	_ =	task.clear_ibuf [dreg:s6], $0x2FFFF;
	_ =	strace $0x9FFFFFFF  }
0xc2: {  	(tm) =	ssettm $0x7FFFFFFF  }
0xc3: {  	_ =	shalt  }
tec
execute0_lowered:
.L_overlay_start_1:
0x0: {  	(tag) =	ssettag $0x1  }
0x1: {  	s6 =	rddreg [dreg:$0x0]  }
0x2: {  	s1 =	rddreg [dreg:$0x1]  }
0x3: {  	s2 =	srdreg.scid;
	s0 =	rddreg [dreg:$0x2];
	s3 =	simm.s32 $0x0  }
0x4: {  	s15 =	simm.s32 $0x200;
	s16 =	simm.s32 $0x5;
	s17 =	simm.s32 $0x80  }
0x5: {  	s18 =	simm.s32 $0x1;
	s19 =	simm.s32 $0x3;
	s20 =	simm.s32 $0x4  }
0x6: {  	s21 =	simm.s32 $0x2;
	s5 =	sand.u32 $0x1, s2;
	s2 =	stileid.u32  }
0x7: {  	[smem:$0x7FF] =	sst s3;
	s4 =	sadd.s32 $0x4E00, s6;
	s7 =	smul.u32 $0x140000, s5  }
0x8: {  	s8 =	smul.u32 $0x14000, s2;
	_ =	strace $0x80000047;
	s9 =	sshll.u32 s5, $0x4  }
0x9: {  	s28 =	smul.u32 $0x50000, s2;
	s10 =	ssub.s32 $0x2, s5;
	s26 =	sor.u32 s2, s9  }
0xa: {  	s29 =	sshrl.u32 s10, $0x1;
	s7 =	sadd.s32 s8, s7;
	s5 =	smul.u32 $0x2800, s26  }
.Ltmp0:
0xb: {  	s30 =	sshrl.u32 s28, $0x2;
	s7 =	sshrl.u32 s7, $0x3;
	(pc) =	sbr.rel .LBB2_1-.Ltmp0, $4  }
0xc: {  	s14 =	ssub.s32 s10, s29;
	s13 =	sadd.s32 s7, s6;
	s6 =	sadd.s32 s30, s1  }
0xd: {  	s14 =	smax.u32 s14, $0x1;
	s31 =	sshrl.u32 s5, $0x3;
	s7 =	sadd.s32 $0x4000, s6  }
0xe: {  	s8 =	sadd.s32 $0x8000, s6;
	s9 =	sadd.s32 s4, s31;
	s10 =	sadd.s32 $0xC000, s6  }
0xf: {  	v0 =	vimm.f32 $0.0e+00;
	v1 =	vimm.f32 $1.000000000e+00;
	s11 =	sadd.s32 $0x10000, s6;
	s13 =	sadd.s32 $0x18E00, s13;
	s12 =	sadd.s32 $0x10, s9  }
.LBB2_39:
0x10: {  	_ =	swait.ge [sflag:s19], $0x4000  }
0x11: {  	[sflag:s19] =	ssyncset.done $0x0  }
0x12: {  	[sflag:s19] =	ssyncadd.s32 $0xFFFFC000  }
0x13: {  	_ =	swait.ge [sflag:s20], $0x4000  }
0x14: {  	s22 =	sshll.u32 s2, $0x6;
	s3 =	sadd.s32 $0x1, s3;
	[sflag:s20] =	ssyncset.done $0x0  }
0x15: {  	s23 =	sshrl.u32 s6, $0x3;
	p0 =	sne.s32 s3, s14;
	[sflag:s20] =	ssyncadd.s32 $0xFFFFC000  }
.Ltmp1:
0x16: {  	s22 =	sor.u32 $0x1C05, s22;
	[bflag:$0x0] =	sbarrier.arrive $0xFFFF;
	(pc) =	sbr.rel @!p0 .LBB2_40-.Ltmp1, $4  }
0x17: {  	[hbm:s13], [sflag:s22] =	dma.local [spmem:s23], $0x2800  }
0x18: {  	_ =	swait.ge [sflag:s16], $0x2800  }
0x19: {  	[sflag:s16] =	ssyncset.done $0x0  }
0x1a: {  	[sflag:s16] =	ssyncadd.s32 $0xFFFFD800  }
.LBB2_1:
0x1b: {  	s22 =	simm.s32 $0x200;
	s23 =	simm.s32 $0x0  }
.LBB2_2:
0x1c: {  	p0 =	sne.s32 s22, $0xFE00;
	[tilespmem:s23+$0x200] =	vst v0;
	s23 =	smov.u32 s22;
	s22 =	sadd.s32 $0x200, s22  }
.Ltmp2:
0x1d: {  	(pc) =	sbr.rel @p0 .LBB2_2-.Ltmp2, $2  }
0x1e: {  	_ =	sdelay $0x2  }
0x1f: {  	s23 =	sshra.s32 s23, $0x2  }
0x20: {  	[tilespmem:s23+$0x200] =	vst v0;
	s22 =	simm.s32 $0x200;
	s23 =	simm.s32 $0x0  }
.LBB2_4:
0x21: {  	p0 =	sne.s32 s22, $0xFE00;
	[tilespmem:s23+$0x210] =	vst v0;
	s23 =	smov.u32 s22;
	s22 =	sadd.s32 $0x200, s22  }
.Ltmp3:
0x22: {  	(pc) =	sbr.rel @p0 .LBB2_4-.Ltmp3, $2  }
0x23: {  	_ =	sdelay $0x2  }
0x24: {  	s23 =	sshra.s32 s23, $0x2  }
0x25: {  	[tilespmem:s23+$0x210] =	vst v0;
	s22 =	simm.s32 $0x200;
	s23 =	simm.s32 $0x0  }
.LBB2_6:
0x26: {  	p0 =	sne.s32 s22, $0xFE00;
	[tilespmem:s23+$0x220] =	vst v0;
	s23 =	smov.u32 s22;
	s22 =	sadd.s32 $0x200, s22  }
.Ltmp4:
0x27: {  	(pc) =	sbr.rel @p0 .LBB2_6-.Ltmp4, $2  }
0x28: {  	_ =	sdelay $0x2  }
0x29: {  	s23 =	sshra.s32 s23, $0x2  }
0x2a: {  	[tilespmem:s23+$0x220] =	vst v0;
	s22 =	simm.s32 $0x200;
	s23 =	simm.s32 $0x0  }
.LBB2_8:
0x2b: {  	p0 =	sne.s32 s22, $0xFE00;
	[tilespmem:s23+$0x230] =	vst v0;
	s23 =	smov.u32 s22;
	s22 =	sadd.s32 $0x200, s22  }
.Ltmp5:
0x2c: {  	(pc) =	sbr.rel @p0 .LBB2_8-.Ltmp5, $2  }
0x2d: {  	_ =	sdelay $0x2  }
0x2e: {  	s23 =	sshra.s32 s23, $0x2  }
0x2f: {  	[tilespmem:s23+$0x230] =	vst v0;
	s22 =	simm.s32 $0x200;
	s23 =	simm.s32 $0x0  }
.LBB2_10:
0x30: {  	p0 =	sne.s32 s22, $0xFE00;
	[tilespmem:s23+$0x240] =	vst v0;
	s23 =	smov.u32 s22;
	s22 =	sadd.s32 $0x200, s22  }
.Ltmp6:
0x31: {  	(pc) =	sbr.rel @p0 .LBB2_10-.Ltmp6, $2  }
0x32: {  	_ =	sdelay $0x2  }
0x33: {  	s23 =	sshra.s32 s23, $0x2  }
0x34: {  	[tilespmem:s23+$0x240] =	vst v0;
	s22 =	simm.s32 $0x0;
	s23 =	simm.s32 $0x200;
	s24 =	simm.s32 $0x0  }
.LBB2_12:
0x35: {  	p0 =	sne.s32 s23, $0xFE00;
	[tilespmem:s24+$0x250] =	vst v0;
	s24 =	smov.u32 s23;
	s23 =	sadd.s32 $0x200, s23  }
.Ltmp7:
0x36: {  	(pc) =	sbr.rel @p0 .LBB2_12-.Ltmp7, $2  }
0x37: {  	_ =	sdelay $0x2  }
0x38: {  	s24 =	sshra.s32 s24, $0x2  }
0x39: {  	[tilespmem:s24+$0x250] =	vst v0  }
.LBB2_14:
0x3a: {  	p0 =	sne.s32 s22, $0xFE00  }
.Ltmp8:
0x3b: {  	_ = 	snop;
	(pc) =	sbr.rel @p0 .LBB2_14-.Ltmp8, $3  }
0x3c: {  	_ =	sdelay $0x1  }
0x3d: {  	s23 =	sshra.s32 s22, $0x2  }
0x3e: {  	s22 =	sadd.s32 $0x200, s22;
	[tilespmem:s23+$0x260] =	vst v0  }
0x3f: {  	s22 =	simm.s32 $0x200;
	s23 =	simm.s32 $0x0  }
.LBB2_16:
0x40: {  	p0 =	sne.s32 s22, $0xFE00;
	[tilespmem:s23+$0x270] =	vst v0;
	s23 =	smov.u32 s22;
	s22 =	sadd.s32 $0x200, s22  }
.Ltmp9:
0x41: {  	(pc) =	sbr.rel @p0 .LBB2_16-.Ltmp9, $2  }
0x42: {  	_ =	sdelay $0x2  }
0x43: {  	s23 =	sshra.s32 s23, $0x2  }
0x44: {  	[tilespmem:s23+$0x270] =	vst v0  }
0x45: {  	[spmem:s6] =	stream.linear.scatter [tilespmem:s15], [sflag:$0x5], $0x4000, $0x38;
	[tilespmem:$0x18200] =	vst v63  }
0x46: {  	_ =	swait.ge [sflag:s16], $0x4000  }
0x47: {  	[sflag:s16] =	ssyncset.done $0x0  }
0x48: {  	[sflag:s16] =	ssyncadd.s32 $0xFFFFC000  }
0x49: {  	[spmem:s7] =	stream.linear.scatter [tilespmem:s15], [sflag:$0x5], $0x4000, $0x38;
	[tilespmem:$0x18200] =	vst v63  }
0x4a: {  	_ =	swait.ge [sflag:s16], $0x4000  }
0x4b: {  	[sflag:s16] =	ssyncset.done $0x0  }
0x4c: {  	[sflag:s16] =	ssyncadd.s32 $0xFFFFC000  }
0x4d: {  	[spmem:s8] =	stream.linear.scatter [tilespmem:s15], [sflag:$0x5], $0x4000, $0x38;
	[tilespmem:$0x18200] =	vst v63  }
0x4e: {  	_ =	swait.ge [sflag:s16], $0x4000  }
0x4f: {  	[sflag:s16] =	ssyncset.done $0x0  }
0x50: {  	[sflag:s16] =	ssyncadd.s32 $0xFFFFC000  }
0x51: {  	[spmem:s10] =	stream.linear.scatter [tilespmem:s15], [sflag:$0x5], $0x4000, $0x38;
	[tilespmem:$0x18200] =	vst v63  }
0x52: {  	_ =	swait.ge [sflag:s16], $0x4000  }
0x53: {  	[sflag:s16] =	ssyncset.done $0x0  }
0x54: {  	[sflag:s16] =	ssyncadd.s32 $0xFFFFC000  }
0x55: {  	[spmem:s11] =	stream.linear.scatter [tilespmem:s15], [sflag:$0x5], $0x4000, $0x38;
	[tilespmem:$0x18200] =	vst v63  }
0x56: {  	_ =	swait.ge [sflag:s16], $0x4000  }
0x57: {  	[sflag:s16] =	ssyncset.done $0x0  }
0x58: {  	s22 =	simm.s32 $0x200;
	s23 =	simm.s32 $0x0;
	[sflag:s16] =	ssyncadd.s32 $0xFFFFC000  }
.LBB2_18:
0x59: {  	p0 =	sne.s32 s22, $0xFE00;
	[tilespmem:s23+$0x200] =	vst v1;
	s23 =	smov.u32 s22;
	s22 =	sadd.s32 $0x200, s22  }
.Ltmp10:
0x5a: {  	(pc) =	sbr.rel @p0 .LBB2_18-.Ltmp10, $2  }
0x5b: {  	_ =	sdelay $0x2  }
0x5c: {  	s23 =	sshra.s32 s23, $0x2  }
0x5d: {  	[tilespmem:s23+$0x200] =	vst v1;
	s22 =	simm.s32 $0x200;
	s23 =	simm.s32 $0x0  }
.LBB2_20:
0x5e: {  	p0 =	sne.s32 s22, $0xFE00;
	[tilespmem:s23+$0x210] =	vst v1;
	s23 =	smov.u32 s22;
	s22 =	sadd.s32 $0x200, s22  }
.Ltmp11:
0x5f: {  	(pc) =	sbr.rel @p0 .LBB2_20-.Ltmp11, $2  }
0x60: {  	_ =	sdelay $0x2  }
0x61: {  	s23 =	sshra.s32 s23, $0x2  }
0x62: {  	[tilespmem:s23+$0x210] =	vst v1;
	s22 =	simm.s32 $0x200;
	s23 =	simm.s32 $0x0  }
.LBB2_22:
0x63: {  	p0 =	sne.s32 s22, $0xFE00;
	[tilespmem:s23+$0x220] =	vst v1;
	s23 =	smov.u32 s22;
	s22 =	sadd.s32 $0x200, s22  }
.Ltmp12:
0x64: {  	(pc) =	sbr.rel @p0 .LBB2_22-.Ltmp12, $2  }
0x65: {  	_ =	sdelay $0x2  }
0x66: {  	s23 =	sshra.s32 s23, $0x2  }
0x67: {  	[tilespmem:s23+$0x220] =	vst v1;
	s22 =	simm.s32 $0x200;
	s23 =	simm.s32 $0x0  }
.LBB2_24:
0x68: {  	p0 =	sne.s32 s22, $0xFE00;
	[tilespmem:s23+$0x230] =	vst v1;
	s23 =	smov.u32 s22;
	s22 =	sadd.s32 $0x200, s22  }
.Ltmp13:
0x69: {  	(pc) =	sbr.rel @p0 .LBB2_24-.Ltmp13, $2  }
0x6a: {  	_ =	sdelay $0x2  }
0x6b: {  	s23 =	sshra.s32 s23, $0x2  }
0x6c: {  	[tilespmem:s23+$0x230] =	vst v1;
	s22 =	simm.s32 $0x200;
	s23 =	simm.s32 $0x0  }
.LBB2_26:
0x6d: {  	p0 =	sne.s32 s22, $0xFE00;
	[tilespmem:s23+$0x240] =	vst v1;
	s23 =	smov.u32 s22;
	s22 =	sadd.s32 $0x200, s22  }
.Ltmp14:
0x6e: {  	(pc) =	sbr.rel @p0 .LBB2_26-.Ltmp14, $2  }
0x6f: {  	_ =	sdelay $0x2  }
0x70: {  	s23 =	sshra.s32 s23, $0x2  }
0x71: {  	[tilespmem:s23+$0x240] =	vst v1;
	s22 =	simm.s32 $0x200;
	s23 =	simm.s32 $0x0  }
.LBB2_28:
0x72: {  	p0 =	sne.s32 s22, $0xFE00;
	[tilespmem:s23+$0x250] =	vst v1;
	s23 =	smov.u32 s22;
	s22 =	sadd.s32 $0x200, s22  }
.Ltmp15:
0x73: {  	(pc) =	sbr.rel @p0 .LBB2_28-.Ltmp15, $2  }
0x74: {  	_ =	sdelay $0x2  }
0x75: {  	s23 =	sshra.s32 s23, $0x2  }
0x76: {  	[tilespmem:s23+$0x250] =	vst v1;
	s22 =	simm.s32 $0x200;
	s23 =	simm.s32 $0x0  }
.LBB2_30:
0x77: {  	p0 =	sne.s32 s22, $0xFE00;
	[tilespmem:s23+$0x260] =	vst v1;
	s23 =	smov.u32 s22;
	s22 =	sadd.s32 $0x200, s22  }
.Ltmp16:
0x78: {  	(pc) =	sbr.rel @p0 .LBB2_30-.Ltmp16, $2  }
0x79: {  	_ =	sdelay $0x2  }
0x7a: {  	s23 =	sshra.s32 s23, $0x2  }
0x7b: {  	[tilespmem:s23+$0x260] =	vst v1;
	s22 =	simm.s32 $0x200;
	s23 =	simm.s32 $0x0  }
.LBB2_32:
0x7c: {  	p0 =	sne.s32 s22, $0xFE00;
	[tilespmem:s23+$0x270] =	vst v1;
	s23 =	smov.u32 s22;
	s22 =	sadd.s32 $0x200, s22  }
.Ltmp17:
0x7d: {  	(pc) =	sbr.rel @p0 .LBB2_32-.Ltmp17, $2  }
0x7e: {  	_ =	sdelay $0x2  }
0x7f: {  	s23 =	sshra.s32 s23, $0x2  }
.Ltmp18:
0x80: {  	[tilespmem:s23+$0x270] =	vst v1;
	(pc) =	sbr.rel .LBB2_34-.Ltmp18, $4  }
0x81: {  	s22 =	simm.s32 $0x0;
	[bflag:$0x0] =	sbarrier.arrive $0xFFFF  }
0x82: {  	[tilespmem:s22], [sflag:$0x1] =	stream.linear.gather [hbm4b:s9+s22], $0x80, $0x38;
	[tilespmem:$0x18200] =	vst v63  }
0x83: {  	s23 =	simm.s32 $0x100;
	s24 =	simm.s32 $0x0  }
0x84: {  	[tilespmem:s17], [sflag:$0x2] =	stream.linear.gather [hbm4b:s12+s22], $0x80, $0x38;
	[tilespmem:$0x18200] =	vst v63  }
.LBB2_37:
0x85: {  	_ =	swait.ge [sflag:s26], $0x4000  }
0x86: {  	[sflag:s26] =	ssyncset.done $0x0  }
0x87: {  	[sflag:s26] =	ssyncadd.s32 $0xFFFFC000  }
.LBB2_38:
0x88: {  	s24 =	sadd.s32 $0x1, s24  }
0x89: {  	p0 =	sne.s32 s24, $0x50  }
.Ltmp19:
0x8a: {  	_ = 	snop;
	(pc) =	sbr.rel @!p0 .LBB2_39-.Ltmp19, $4  }
0x8b: {  	_ = 	snop  }
0x8c: {  	s25 =	sand.u32 s25, s22  }
0x8d: {  	s22 =	sadd.s32 $0x200, s22;
	s23 =	sadd.s32 $0x80, s23;
	s25 =	sshrl.u32 s25, $0x2  }
0x8e: {  	[spmem:s1] =	stream.indirect.scatter.add.f32 [tilespmem:s15], [sflag:s26], $0x80, s25, s17, $0xb8;
	[tilespmem:$0x18200] =	vst v63  }
.LBB2_34:
0x8f: {  	s25 =	sand.u32 $0x1, s24  }
0x90: {  	p1 =	seq.s32 s25, $0x1  }
.Ltmp20:
0x91: {  	_ = 	snop;
	(pc) =	sbr.rel @p1 .LBB2_36-.Ltmp20, $3  }
0x92: {  	_ =	sdelay $0x1  }
0x93: {  	p0 =	sgt.u32 s24, $0x4D  }
0x94: {  	s25 =	sand.u32 @!p0 $0x7C00, s23  }
0x95: {  	s25 =	sadd.s32 @!p0 s5, s25;
	s26 =	sand.u32 @!p0 $0x300, s23  }
0x96: {  	s25 =	sor.u32 @!p0 s26, s25;
	s26 =	sxor.u32 @!p0 $0xFFFFFFFF, s22  }
0x97: {  	s26 =	sand.u32 @!p0 $0x400, s26;
	s25 =	sshrl.u32 @!p0 s25, $0x3  }
0x98: {  	s28 =	simm.s32 @!p0 $0x0;
	s26 =	sshrl.u32 @!p0 s26, $0x2;
	s25 =	sadd.s32 @!p0 s4, s25  }
0x99: {  	[tilespmem:s26], [sflag:$0x1] =	stream.linear.gather @!p0 [hbm4b:s25+s28], $0x80, $0x38;
	[tilespmem:$0x18200] =	vst v63  }
0x9a: {  	p0 =	sgt.u32 s24, $0x1  }
.Ltmp21:
0x9b: {  	_ = 	snop;
	(pc) =	sbr.rel @p0 .LBB2_37-.Ltmp21, $4  }
.Ltmp22:
0x9c: {  	_ = 	snop;
	(pc) =	sbr.rel @!p0 .LBB2_38-.Ltmp22, $4  }
0x9d: {  	_ =	swait.ge [sflag:s18], $0x80  }
0x9e: {  	[sflag:s18] =	ssyncset.done $0x0  }
0x9f: {  	s25 =	simm.s32 $0x400;
	s26 =	simm.s32 $0x3;
	[sflag:s18] =	ssyncadd.s32 $0xFFFFFF80  }
0xa0: {  	_ = 	snop  }
.LBB2_36:
0xa1: {  	s25 =	sadd.s32 @!p0 s5, s25;
	s26 =	sand.u32 @!p0 $0x380, s23  }
0xa2: {  	s25 =	sor.u32 @!p0 s26, s25;
	s26 =	sadd.s32 @!p0 $0x400, s22  }
0xa3: {  	s26 =	sand.u32 @!p0 $0x600, s26;
	s25 =	sshrl.u32 @!p0 s25, $0x3  }
0xa4: {  	s28 =	simm.s32 @!p0 $0x0;
	s26 =	sshrl.u32 @!p0 s26, $0x2;
	s25 =	sadd.s32 @!p0 s4, s25  }
0xa5: {  	[tilespmem:s26], [sflag:$0x2] =	stream.linear.gather @!p0 [hbm4b:s25+s28], $0x80, $0x38;
	[tilespmem:$0x18200] =	vst v63  }
0xa6: {  	p0 =	slt.u32 s24, $0x2  }
.Ltmp23:
0xa7: {  	_ = 	snop;
	(pc) =	sbr.rel @p0 .LBB2_38-.Ltmp23, $4  }
.Ltmp24:
0xa8: {  	_ = 	snop;
	(pc) =	sbr.rel @!p0 .LBB2_37-.Ltmp24, $4  }
0xa9: {  	_ =	swait.ge [sflag:s21], $0x80  }
0xaa: {  	[sflag:s21] =	ssyncset.done $0x0  }
0xab: {  	s25 =	simm.s32 $0x600;
	s26 =	simm.s32 $0x4;
	[sflag:s21] =	ssyncadd.s32 $0xFFFFFF80  }
0xac: {  	_ = 	snop  }
.LBB2_40:
0xad: {  	_ =	sfence.sel $0x180000  }
0xae: {  	[bflag:$0x0] =	sbarrier.arrive $0xFFFF  }
0xaf: {  	p0 =	sne.s32 s2, $0x0;
	_ =	strace $0x90000047  }
0xb0: {  	s0 =	sadd.s32 @!p0 $0x100000, s0;
	[bflag:$0x2] =	sbarrier.arrive $0xFFFF  }
0xb1: {  	[sflag:s0] =	ssyncadd.tile.s32 @!p0 $0x1;
	_ =	shalt  }
.Lfunc_end2:
_tile_overlayer_lowered:
.L_overlay_start_2:
0xb2: {  	(tag) =	ssettag $0x2  }
0xb3: {  	s0 =	rddreg [dreg:$0x0];
	s2 =	stileid.u32  }
0xb4: {  	s1 =	rddreg [dreg:$0x1];
	p0 =	sne.s32 s2, $0x0  }
0xb5: {  	s3 =	rddreg [dreg:$0x2];
	[bflag:$0x3] =	sbarrier.arrive $0xFFFF;
	s2 =	simm.s32 @!p0 $0x1C05  }
0xb6: {  	[timem:s3], [sflag:s2] =	dma.local @!p0 [hbm:s0], s1  }
0xb7: {  	s0 =	simm.s32 @!p0 $0x5  }
0xb8: {  	_ =	swait.ge @!p0 [sflag:s0], s1  }
0xb9: {  	s1 =	ssub.s32 @!p0 $0x0, s1;
	[sflag:s0] =	ssyncset.done @!p0 $0x0  }
0xba: {  	[sflag:s0] =	ssyncadd.s32 @!p0 s1  }
0xbb: {  	[bflag:$0x3] =	sbarrier.arrive $0xFFFF  }
0xbc: {  	_ =	shalt  }

</sc_bundles>
